<compile_context>
chip_gen: v7x
topology: tpu7x:2x2x1
jax: 0.10.2.dev20260603
libtpu: 0.0.44.dev20260713+nightly
codegen_flags: <defaults>
</compile_context>

<pallas_src>
import jax
import jax.numpy as jnp
from jax import lax
from jax.experimental import pallas as pl
from jax.experimental.pallas import tpu as pltpu
from jax.experimental.pallas import tpu_sc as plsc

N_NODES = 100000
N_EDGES = 6400000
NPAD = 100352
NC, NS, L = 2, 16, 16
NW = NC * NS
KI = 4
KP = 4
RW = 1568
EPAD = RW * NW * 128
F = 16


def _mesh():
    return plsc.VectorSubcoreMesh(
        core_axis_name="c", subcore_axis_name="s", num_cores=NC, num_subcores=NS
    )


def _sc_params():
    return pltpu.CompilerParams(use_tc_tiling_on_sc=False)


def _make_pass_body(feat, ki):
    has_gather = feat >= 1
    rank2 = feat > 1

    def body(*refs):
        if has_gather:
            (ridx_hbm, cidx_hbm, src_hbm, zeros_hbm, out_hbm,
             ridx_v, cidx_v, gbuf_v, ir0, ir1, ic0, ic1, gs0, gs1, ss0, ss1,
             acc_sh) = refs
        else:
            (cidx_hbm, zeros_hbm, out_hbm, cidx_v, ones_v, ic0, ic1,
             ss0, ss1, acc_sh) = refs
        cid = lax.axis_index("c")
        sid = lax.axis_index("s")
        w = sid * NC + cid
        rsems = (ir0, ir1) if has_gather else (None, None)
        csems = (ic0, ic1)
        gsems = (gs0, gs1) if has_gather else (None, None)
        ssems = (ss0, ss1)
        nsub = RW // (2 * ki)

        seg = NPAD // NS
        pltpu.sync_copy(zeros_hbm.at[pl.ds(sid * seg, seg)],
                        acc_sh.at[pl.ds(sid * seg, seg)])
        if not has_gather:
            for i in range(128 // L):
                ones_v[pl.ds(i * L, L)] = jnp.ones((L,), jnp.float32)
        plsc.subcore_barrier()

        def gbuf_at(b, j):
            return gbuf_v.at[b, j] if rank2 else gbuf_v.at[b * ki + j]

        def idx_fire(t, p):
            base = w * RW + t * 2 * ki
            if has_gather:
                pltpu.async_copy(ridx_hbm.at[pl.ds(base, 2 * ki)],
                                 ridx_v.at[p], rsems[p])
            pltpu.async_copy(cidx_hbm.at[pl.ds(base, 2 * ki)],
                             cidx_v.at[p], csems[p])

        def idx_drain(t, p):
            base = w * RW + t * 2 * ki
            if has_gather:
                pltpu.make_async_copy(ridx_hbm.at[pl.ds(base, 2 * ki)],
                                      ridx_v.at[p], rsems[p]).wait()
            pltpu.make_async_copy(cidx_hbm.at[pl.ds(base, 2 * ki)],
                                  cidx_v.at[p], csems[p]).wait()

        def scat_fire(p, b):
            return [pltpu.async_copy(gbuf_at(b, j) if has_gather else ones_v,
                                     acc_sh.at[cidx_v.at[p, b * ki + j]],
                                     ssems[b], add=True)
                    for j in range(ki)]

        def sub(t, p, last):
            idx_drain(t, p)
            if has_gather:
                cps0 = [pltpu.async_copy(src_hbm.at[ridx_v.at[p, j]],
                                         gbuf_at(0, j), gsems[0])
                        for j in range(ki)]
                cps1 = [pltpu.async_copy(src_hbm.at[ridx_v.at[p, ki + j]],
                                         gbuf_at(1, j), gsems[1])
                        for j in range(ki)]
                for cp in cps0:
                    cp.wait()
            s0 = scat_fire(p, 0)
            if has_gather:
                for cp in cps1:
                    cp.wait()
            s1 = scat_fire(p, 1)
            for cp in s0:
                cp.wait()
            for cp in s1:
                cp.wait()
            @pl.when(jnp.logical_not(last))
            def _():
                idx_fire(t + 2, p)

        idx_fire(0, 0)
        idx_fire(1, 1)

        def outer(o, carry):
            last = o >= nsub // 2 - 1
            sub(2 * o, 0, last)
            sub(2 * o + 1, 1, last)
            return carry

        lax.fori_loop(0, nsub // 2, outer, None)
        plsc.subcore_barrier()
        pltpu.sync_copy(acc_sh.at[pl.ds(sid * seg, seg)],
                        out_hbm.at[pl.ds(cid * NPAD + sid * seg, seg)])

    return body


def _deg_pass(cidx2, zeros1):
    k = pl.kernel(
        _make_pass_body(0, KI),
        out_type=jax.ShapeDtypeStruct((NC * NPAD,), jnp.float32),
        mesh=_mesh(),
        compiler_params=_sc_params(),
        scratch_types=[
            pltpu.VMEM((2, 2 * KI, 128), jnp.int32),
            pltpu.VMEM((128,), jnp.float32),
            pltpu.SemaphoreType.DMA,
            pltpu.SemaphoreType.DMA,
            pltpu.SemaphoreType.DMA,
            pltpu.SemaphoreType.DMA,
            pltpu.VMEM_SHARED((NPAD,), jnp.float32),
        ],
    )
    return k(cidx2, zeros1)


def _prop_pass(ridx2, cidx2, src, zeros2):
    k = pl.kernel(
        _make_pass_body(F, KP),
        out_type=jax.ShapeDtypeStruct((NC * NPAD, F), jnp.float32),
        mesh=_mesh(),
        compiler_params=_sc_params(),
        scratch_types=[
            pltpu.VMEM((2, 2 * KP, 128), jnp.int32),
            pltpu.VMEM((2, 2 * KP, 128), jnp.int32),
            pltpu.VMEM((2, KP, 128, F), jnp.float32),
            pltpu.SemaphoreType.DMA,
            pltpu.SemaphoreType.DMA,
            pltpu.SemaphoreType.DMA,
            pltpu.SemaphoreType.DMA,
            pltpu.SemaphoreType.DMA,
            pltpu.SemaphoreType.DMA,
            pltpu.SemaphoreType.DMA,
            pltpu.SemaphoreType.DMA,
            pltpu.VMEM_SHARED((NPAD, F), jnp.float32),
        ],
    )
    return k(ridx2, cidx2, src, zeros2)


def _prop1_pass(ridx2, cidx2, src1, zeros1):
    k = pl.kernel(
        _make_pass_body(1, KI),
        out_type=jax.ShapeDtypeStruct((NC * NPAD,), jnp.float32),
        mesh=_mesh(),
        compiler_params=_sc_params(),
        scratch_types=[
            pltpu.VMEM((2, 2 * KI, 128), jnp.int32),
            pltpu.VMEM((2, 2 * KI, 128), jnp.int32),
            pltpu.VMEM((2 * KI, 128), jnp.float32),
            pltpu.SemaphoreType.DMA,
            pltpu.SemaphoreType.DMA,
            pltpu.SemaphoreType.DMA,
            pltpu.SemaphoreType.DMA,
            pltpu.SemaphoreType.DMA,
            pltpu.SemaphoreType.DMA,
            pltpu.SemaphoreType.DMA,
            pltpu.SemaphoreType.DMA,
            pltpu.VMEM_SHARED((NPAD,), jnp.float32),
        ],
    )
    return k(ridx2, cidx2, src1, zeros1)


def _tc_dinv_body(deg_ref, dinv_ref):
    d = deg_ref[0, :] + deg_ref[1, :] + 1.0
    dinv_ref[0, :] = lax.rsqrt(d)


def _tc_dinv(deg2):
    return pl.pallas_call(
        _tc_dinv_body,
        out_shape=jax.ShapeDtypeStruct((1, NPAD), jnp.float32),
    )(deg2)


def _tc_xs_body(xT_ref, dinv_ref, xsT_ref):
    xsT_ref[...] = xT_ref[...] * dinv_ref[...]


def _tc_xs(xT, dinv1):
    return pl.pallas_call(
        _tc_xs_body,
        out_shape=jax.ShapeDtypeStruct((F, NPAD), jnp.float32),
    )(xT, dinv1)


def _tc_mid_body(p1aT_ref, p1bT_ref, xsT_ref, dinv_ref, W1T_ref, b1_ref,
                 WfcT_ref, W2T_ref, ssT_ref):
    hp = lax.Precision.HIGHEST
    pre = (p1aT_ref[...] + p1bT_ref[...] + xsT_ref[...]) * dinv_ref[...]
    h = jnp.maximum(
        jnp.dot(W1T_ref[...], pre, preferred_element_type=jnp.float32,
                precision=hp)
        + b1_ref[...], 0.0)
    w2fT = jnp.dot(WfcT_ref[...], W2T_ref[...],
                   preferred_element_type=jnp.float32, precision=hp)
    sT = jnp.dot(w2fT, h, preferred_element_type=jnp.float32,
                 precision=hp)
    ssT_ref[...] = sT * dinv_ref[...]


def _tc_mid(p1aT, p1bT, xsT, dinv1, W1T, b1c, WfcT, W2T):
    return pl.pallas_call(
        _tc_mid_body,
        out_shape=jax.ShapeDtypeStruct((1, NPAD), jnp.float32),
    )(p1aT, p1bT, xsT, dinv1, W1T, b1c, WfcT, W2T)


def _tc_out_body(p2_ref, ss_ref, dinv_ref, b2_ref, Wfc_ref, bfc_ref, out_ref):
    c0 = jnp.sum(b2_ref[0, :] * Wfc_ref[:, 0]) + bfc_ref[0]
    out_ref[0, :] = (p2_ref[0, :] + p2_ref[1, :] + ss_ref[0, :]) * dinv_ref[0, :] + c0


def _tc_out(p2v, ss1, dinv1, b2r, Wfc, bfc):
    return pl.pallas_call(
        _tc_out_body,
        out_shape=jax.ShapeDtypeStruct((1, NPAD), jnp.float32),
    )(p2v, ss1, dinv1, b2r, Wfc, bfc)


@jax.jit
def kernel(x, edge_index, W1, b1, W2, b2, Wfc, bfc):
    r = edge_index[0].astype(jnp.int32)
    c = edge_index[1].astype(jnp.int32)
    npadex = EPAD - N_EDGES
    rpad = (jnp.arange(npadex, dtype=jnp.int32) % N_NODES)
    cpad = N_NODES + (jnp.arange(npadex, dtype=jnp.int32) % (NPAD - N_NODES))
    ridx2 = jnp.concatenate([r, rpad]).reshape(EPAD // 128, 128)
    cidx2 = jnp.concatenate([c, cpad]).reshape(EPAD // 128, 128)

    zeros1 = jnp.zeros((NPAD,), jnp.float32)
    zeros2 = jnp.zeros((NPAD, F), jnp.float32)

    degp = _deg_pass(cidx2, zeros1).reshape(NC, NPAD)
    dinv1 = _tc_dinv(degp)

    xT = jnp.pad(x.T, ((0, F - x.shape[1]), (0, NPAD - N_NODES)))
    xsT = _tc_xs(xT, dinv1)
    xs = xsT.T
    p1p = _prop_pass(ridx2, cidx2, xs, zeros2)
    p1aT, p1bT = p1p[:NPAD].T, p1p[NPAD:].T

    W1T = jnp.pad(W1, ((0, F - W1.shape[0]), (0, 0))).T
    ss1 = _tc_mid(p1aT, p1bT, xsT, dinv1, W1T, b1[:, None], Wfc.T, W2.T)
    ss = ss1.reshape(NPAD)

    p2p = _prop1_pass(ridx2, cidx2, ss, zeros1).reshape(NC, NPAD)
    out1 = _tc_out(p2p, ss1, dinv1, b2[None, :], Wfc, bfc)
    return out1[0, :N_NODES, None]

# --- scband reference (transcript-rebuilt; emitter-appended) ---
"""Pipeline reference for scband-gcn-79843442032814 (READ-ONLY COPY).

The authoritative reference and input builder live on the scoring server;
editing this copy changes nothing except your own understanding.
"""

import jax, jax.numpy as jnp
import numpy as np

N_NODES = 100000
N_EDGES = 6400000


def gcn_conv(x, edge_index, W, b, num_nodes):
    # PyG GCNConv: linear transform, add self-loops, sym-normalized scatter-add, then bias
    x = x @ W
    row = edge_index[0]
    col = edge_index[1]
    loop = jnp.arange(num_nodes, dtype=edge_index.dtype)
    row = jnp.concatenate([row, loop])
    col = jnp.concatenate([col, loop])
    ones = jnp.ones(row.shape[0], dtype=x.dtype)
    deg = jnp.zeros((num_nodes,), dtype=x.dtype).at[col].add(ones)
    dinv = jnp.where(deg > 0, deg ** -0.5, 0.0)
    norm = dinv[row] * dinv[col]
    msg = x[row] * norm[:, None]
    out = jnp.zeros((num_nodes, x.shape[1]), dtype=x.dtype).at[col].add(msg)
    return out + b


def setup_inputs(seed: int = 0) -> dict:
    key = jax.random.key(seed)
    k = jax.random.split(key, 8)
    x = jax.random.normal(k[0], (N_NODES, 9), dtype=jnp.float32)
    edge_index = jax.random.randint(k[1], (2, N_EDGES), 0, N_NODES, dtype=jnp.int64)
    W1 = jax.random.normal(k[2], (9, 16), dtype=jnp.float32) * (1.0 / np.sqrt(9))
    b1 = jnp.zeros((16,), dtype=jnp.float32)
    W2 = jax.random.normal(k[3], (16, 10), dtype=jnp.float32) * (1.0 / np.sqrt(16))
    b2 = jnp.zeros((10,), dtype=jnp.float32)
    Wfc = jax.random.normal(k[4], (10, 1), dtype=jnp.float32) * (1.0 / np.sqrt(10))
    bfc = jnp.zeros((1,), dtype=jnp.float32)
    return {"x": x, "edge_index": edge_index, "W1": W1, "b1": b1, "W2": W2, "b2": b2, "Wfc": Wfc, "bfc": bfc}


def reference(x, edge_index, W1, b1, W2, b2, Wfc, bfc):
    num_nodes = x.shape[0]
    h = gcn_conv(x, edge_index, W1, b1, num_nodes)
    h = jax.nn.relu(h)
    # F.dropout(training=self.training): identity in eval mode (deterministic reference)
    h = gcn_conv(h, edge_index, W2, b2, num_nodes)
    out = h @ Wfc + bfc
    return out

if __name__ == "__main__":
    import jax
    _d = setup_inputs()
    print(jax.jit(kernel)(*tuple(_d.values())))

</pallas_src>

<mosaic_0001>
#map = affine_map<(d0, d1) -> (0, 0)>
module attributes {stable_mosaic.version = 14 : i64} {
  func.func @body(%arg0: i32, %arg1: i32, %arg2: memref<50176x128xi32, #tpu.memory_space<hbm>>, %arg3: memref<50176x128xi32, #tpu.memory_space<hbm>>, %arg4: memref<100352x16xf32, #tpu.memory_space<hbm>>, %arg5: memref<100352x16xf32, #tpu.memory_space<hbm>>, %arg6: memref<200704x16xf32, #tpu.memory_space<hbm>>, %arg7: memref<2x8x128xi32, #tpu.memory_space<vmem>>, %arg8: memref<2x8x128xi32, #tpu.memory_space<vmem>>, %arg9: memref<2x4x128x16xf32, #tpu.memory_space<vmem>>, %arg10: memref<!tpu.dma_semaphore, #tpu.memory_space<semaphore_mem>>, %arg11: memref<!tpu.dma_semaphore, #tpu.memory_space<semaphore_mem>>, %arg12: memref<!tpu.dma_semaphore, #tpu.memory_space<semaphore_mem>>, %arg13: memref<!tpu.dma_semaphore, #tpu.memory_space<semaphore_mem>>, %arg14: memref<!tpu.dma_semaphore, #tpu.memory_space<semaphore_mem>>, %arg15: memref<!tpu.dma_semaphore, #tpu.memory_space<semaphore_mem>>, %arg16: memref<!tpu.dma_semaphore, #tpu.memory_space<semaphore_mem>>, %arg17: memref<!tpu.dma_semaphore, #tpu.memory_space<semaphore_mem>>, %arg18: memref<100352x16xf32, #tpu.memory_space<vmem_shared>>) attributes {dimension_semantics = [#tpu.dimension_semantics<core_parallel>, #tpu.dimension_semantics<subcore_parallel>], iteration_bounds = array<i64: 2, 16>, scalar_prefetch = 0 : i64, scratch_operands = 12 : i64, tpu.core_type = #tpu.core_type<sc_vector_subcore>, window_params = [{transform_indices = #map}, {transform_indices = #map}, {transform_indices = #map}, {transform_indices = #map}, {transform_indices = #map}]} {
    %mul3A = arith.constant 2 : i32
    %mul3A_0 = arith.muli %arg1, %mul3A : i32
    %add3A = arith.addi %mul3A_0, %arg0 : i32
    %mul3A_1 = arith.constant 6272 : i32
    %mul3A_2 = arith.muli %arg1, %mul3A_1 : i32
    %mul3A_3 = arith.constant 6272 : i32
    %mul3A_4 = arith.muli %arg1, %mul3A_3 : i32
    "tpu.region"() ({
      %run_scoped3A = tpu.sem_alloc : memref<!tpu.dma_semaphore, #tpu.memory_space<semaphore_mem>>
      %dma_start3A_76 = arith.constant 0 : i32
      %dma_start3A_77 = tpu.memref_slice %arg18[%mul3A_4, %dma_start3A_76] : memref<100352x16xf32, #tpu.memory_space<vmem_shared>> -> memref<6272x16xf32, #tpu.memory_space<vmem_shared>>
      %dma_start3A_78 = arith.constant 0 : i32
      %dma_start3A_79 = tpu.memref_slice %arg5[%mul3A_2, %dma_start3A_78] : memref<100352x16xf32, #tpu.memory_space<hbm>> -> memref<6272x16xf32, #tpu.memory_space<hbm>>
      tpu.enqueue_dma source(%dma_start3A_79 : memref<6272x16xf32, #tpu.memory_space<hbm>>) target(%dma_start3A_77 : memref<6272x16xf32, #tpu.memory_space<vmem_shared>>) target_semaphore(%run_scoped3A : memref<!tpu.dma_semaphore, #tpu.memory_space<semaphore_mem>>)
      %dma_wait3A = arith.constant 0 : i32
      %dma_wait3A_80 = tpu.memref_slice %arg18[%mul3A_4, %dma_wait3A] : memref<100352x16xf32, #tpu.memory_space<vmem_shared>> -> memref<6272x16xf32, #tpu.memory_space<vmem_shared>>
      %dma_wait3A_81 = arith.constant 0 : i32
      %dma_wait3A_82 = tpu.memref_slice %arg5[%mul3A_2, %dma_wait3A_81] : memref<100352x16xf32, #tpu.memory_space<hbm>> -> memref<6272x16xf32, #tpu.memory_space<hbm>>
      tpu.wait_dma2 semaphore(%run_scoped3A : memref<!tpu.dma_semaphore, #tpu.memory_space<semaphore_mem>>) src(%dma_wait3A_82 : memref<6272x16xf32, #tpu.memory_space<hbm>>) dst(%dma_wait3A_80 : memref<6272x16xf32, #tpu.memory_space<vmem_shared>>)
      tpu.yield
    }) : () -> ()
    %barrier3A = arith.constant 0 : index
    tpu.barrier barrier_id(%barrier3A)
    %mul3A_5 = arith.constant 1568 : i32
    %mul3A_6 = arith.muli %add3A, %mul3A_5 : i32
    %add3A_7 = arith.constant 0 : i32
    %add3A_8 = arith.addi %mul3A_6, %add3A_7 : i32
    %dma_start3A = arith.constant 0 : i32
    %dma_start3A_9 = arith.constant 0 : i32
    %dma_start3A_10 = arith.constant 0 : i32
    %dma_start3A_11 = tpu.memref_slice %arg7[%dma_start3A, %dma_start3A_9, %dma_start3A_10] : memref<2x8x128xi32, #tpu.memory_space<vmem>> -> memref<1x8x128xi32, #tpu.memory_space<vmem>>
    %dma_start3A_12 = tpu.memref_squeeze %dma_start3A_11 : memref<1x8x128xi32, #tpu.memory_space<vmem>> -> memref<8x128xi32, #tpu.memory_space<vmem>>
    %dma_start3A_13 = arith.constant 0 : i32
    %dma_start3A_14 = tpu.memref_slice %arg2[%add3A_8, %dma_start3A_13] : memref<50176x128xi32, #tpu.memory_space<hbm>> -> memref<8x128xi32, #tpu.memory_space<hbm>>
    %dma_start3A_15 = arith.constant 0 : i32
    %dma_start3A_16 = arith.constant 0 : i32
    %dma_start3A_17 = tpu.memref_slice %arg7[%dma_start3A, %dma_start3A_15, %dma_start3A_16] : memref<2x8x128xi32, #tpu.memory_space<vmem>> -> memref<1x8x128xi32, #tpu.memory_space<vmem>>
    %dma_start3A_18 = tpu.memref_squeeze %dma_start3A_17 : memref<1x8x128xi32, #tpu.memory_space<vmem>> -> memref<8x128xi32, #tpu.memory_space<vmem>>
    %dma_start3A_19 = arith.constant 0 : i32
    %dma_start3A_20 = tpu.memref_slice %arg2[%add3A_8, %dma_start3A_19] : memref<50176x128xi32, #tpu.memory_space<hbm>> -> memref<8x128xi32, #tpu.memory_space<hbm>>
    tpu.enqueue_dma source(%dma_start3A_20 : memref<8x128xi32, #tpu.memory_space<hbm>>) target(%dma_start3A_18 : memref<8x128xi32, #tpu.memory_space<vmem>>) target_semaphore(%arg10 : memref<!tpu.dma_semaphore, #tpu.memory_space<semaphore_mem>>)
    %dma_start3A_21 = arith.constant 0 : i32
    %dma_start3A_22 = arith.constant 0 : i32
    %dma_start3A_23 = arith.constant 0 : i32
    %dma_start3A_24 = tpu.memref_slice %arg8[%dma_start3A_21, %dma_start3A_22, %dma_start3A_23] : memref<2x8x128xi32, #tpu.memory_space<vmem>> -> memref<1x8x128xi32, #tpu.memory_space<vmem>>
    %dma_start3A_25 = tpu.memref_squeeze %dma_start3A_24 : memref<1x8x128xi32, #tpu.memory_space<vmem>> -> memref<8x128xi32, #tpu.memory_space<vmem>>
    %dma_start3A_26 = arith.constant 0 : i32
    %dma_start3A_27 = tpu.memref_slice %arg3[%add3A_8, %dma_start3A_26] : memref<50176x128xi32, #tpu.memory_space<hbm>> -> memref<8x128xi32, #tpu.memory_space<hbm>>
    %dma_start3A_28 = arith.constant 0 : i32
    %dma_start3A_29 = arith.constant 0 : i32
    %dma_start3A_30 = tpu.memref_slice %arg8[%dma_start3A_21, %dma_start3A_28, %dma_start3A_29] : memref<2x8x128xi32, #tpu.memory_space<vmem>> -> memref<1x8x128xi32, #tpu.memory_space<vmem>>
    %dma_start3A_31 = tpu.memref_squeeze %dma_start3A_30 : memref<1x8x128xi32, #tpu.memory_space<vmem>> -> memref<8x128xi32, #tpu.memory_space<vmem>>
    %dma_start3A_32 = arith.constant 0 : i32
    %dma_start3A_33 = tpu.memref_slice %arg3[%add3A_8, %dma_start3A_32] : memref<50176x128xi32, #tpu.memory_space<hbm>> -> memref<8x128xi32, #tpu.memory_space<hbm>>
    tpu.enqueue_dma source(%dma_start3A_33 : memref<8x128xi32, #tpu.memory_space<hbm>>) target(%dma_start3A_31 : memref<8x128xi32, #tpu.memory_space<vmem>>) target_semaphore(%arg12 : memref<!tpu.dma_semaphore, #tpu.memory_space<semaphore_mem>>)
    %mul3A_34 = arith.constant 1568 : i32
    %mul3A_35 = arith.muli %add3A, %mul3A_34 : i32
    %add3A_36 = arith.constant 8 : i32
    %add3A_37 = arith.addi %mul3A_35, %add3A_36 : i32
    %dma_start3A_38 = arith.constant 1 : i32
    %dma_start3A_39 = arith.constant 0 : i32
    %dma_start3A_40 = arith.constant 0 : i32
    %dma_start3A_41 = tpu.memref_slice %arg7[%dma_start3A_38, %dma_start3A_39, %dma_start3A_40] : memref<2x8x128xi32, #tpu.memory_space<vmem>> -> memref<1x8x128xi32, #tpu.memory_space<vmem>>
    %dma_start3A_42 = tpu.memref_squeeze %dma_start3A_41 : memref<1x8x128xi32, #tpu.memory_space<vmem>> -> memref<8x128xi32, #tpu.memory_space<vmem>>
    %dma_start3A_43 = arith.constant 0 : i32
    %dma_start3A_44 = tpu.memref_slice %arg2[%add3A_37, %dma_start3A_43] : memref<50176x128xi32, #tpu.memory_space<hbm>> -> memref<8x128xi32, #tpu.memory_space<hbm>>
    %dma_start3A_45 = arith.constant 0 : i32
    %dma_start3A_46 = arith.constant 0 : i32
    %dma_start3A_47 = tpu.memref_slice %arg7[%dma_start3A_38, %dma_start3A_45, %dma_start3A_46] : memref<2x8x128xi32, #tpu.memory_space<vmem>> -> memref<1x8x128xi32, #tpu.memory_space<vmem>>
    %dma_start3A_48 = tpu.memref_squeeze %dma_start3A_47 : memref<1x8x128xi32, #tpu.memory_space<vmem>> -> memref<8x128xi32, #tpu.memory_space<vmem>>
    %dma_start3A_49 = arith.constant 0 : i32
    %dma_start3A_50 = tpu.memref_slice %arg2[%add3A_37, %dma_start3A_49] : memref<50176x128xi32, #tpu.memory_space<hbm>> -> memref<8x128xi32, #tpu.memory_space<hbm>>
    tpu.enqueue_dma source(%dma_start3A_50 : memref<8x128xi32, #tpu.memory_space<hbm>>) target(%dma_start3A_48 : memref<8x128xi32, #tpu.memory_space<vmem>>) target_semaphore(%arg11 : memref<!tpu.dma_semaphore, #tpu.memory_space<semaphore_mem>>)
    %dma_start3A_51 = arith.constant 1 : i32
    %dma_start3A_52 = arith.constant 0 : i32
    %dma_start3A_53 = arith.constant 0 : i32
    %dma_start3A_54 = tpu.memref_slice %arg8[%dma_start3A_51, %dma_start3A_52, %dma_start3A_53] : memref<2x8x128xi32, #tpu.memory_space<vmem>> -> memref<1x8x128xi32, #tpu.memory_space<vmem>>
    %dma_start3A_55 = tpu.memref_squeeze %dma_start3A_54 : memref<1x8x128xi32, #tpu.memory_space<vmem>> -> memref<8x128xi32, #tpu.memory_space<vmem>>
    %dma_start3A_56 = arith.constant 0 : i32
    %dma_start3A_57 = tpu.memref_slice %arg3[%add3A_37, %dma_start3A_56] : memref<50176x128xi32, #tpu.memory_space<hbm>> -> memref<8x128xi32, #tpu.memory_space<hbm>>
    %dma_start3A_58 = arith.constant 0 : i32
    %dma_start3A_59 = arith.constant 0 : i32
    %dma_start3A_60 = tpu.memref_slice %arg8[%dma_start3A_51, %dma_start3A_58, %dma_start3A_59] : memref<2x8x128xi32, #tpu.memory_space<vmem>> -> memref<1x8x128xi32, #tpu.memory_space<vmem>>
    %dma_start3A_61 = tpu.memref_squeeze %dma_start3A_60 : memref<1x8x128xi32, #tpu.memory_space<vmem>> -> memref<8x128xi32, #tpu.memory_space<vmem>>
    %dma_start3A_62 = arith.constant 0 : i32
    %dma_start3A_63 = tpu.memref_slice %arg3[%add3A_37, %dma_start3A_62] : memref<50176x128xi32, #tpu.memory_space<hbm>> -> memref<8x128xi32, #tpu.memory_space<hbm>>
    tpu.enqueue_dma source(%dma_start3A_63 : memref<8x128xi32, #tpu.memory_space<hbm>>) target(%dma_start3A_61 : memref<8x128xi32, #tpu.memory_space<vmem>>) target_semaphore(%arg13 : memref<!tpu.dma_semaphore, #tpu.memory_space<semaphore_mem>>)
    %scan3A = arith.constant 0 : i32
    %scan3A_64 = arith.constant 98 : i32
    %scan3A_65 = arith.addi %scan3A, %scan3A_64 : i32
    %scan3A_66 = arith.constant 1 : i32
    scf.for %scan3A_76 = %scan3A to %scan3A_65 step %scan3A_66  : i32 {
      %ge3A = arith.constant 97 : i32
      %ge3A_77 = arith.cmpi sge, %scan3A_76, %ge3A : i32
      %mul3A_78 = arith.constant 2 : i32
      %mul3A_79 = arith.muli %mul3A_78, %scan3A_76 : i32
      %mul3A_80 = arith.constant 1568 : i32
      %mul3A_81 = arith.muli %add3A, %mul3A_80 : i32
      %mul3A_82 = arith.constant 2 : i32
      %mul3A_83 = arith.muli %mul3A_79, %mul3A_82 : i32
      %mul3A_84 = arith.constant 4 : i32
      %mul3A_85 = arith.muli %mul3A_83, %mul3A_84 : i32
      %add3A_86 = arith.addi %mul3A_81, %mul3A_85 : i32
      %dma_wait3A = arith.constant 0 : i32
      %dma_wait3A_87 = arith.constant 0 : i32
      %dma_wait3A_88 = arith.constant 0 : i32
      %dma_wait3A_89 = tpu.memref_slice %arg7[%dma_wait3A, %dma_wait3A_87, %dma_wait3A_88] : memref<2x8x128xi32, #tpu.memory_space<vmem>> -> memref<1x8x128xi32, #tpu.memory_space<vmem>>
      %dma_wait3A_90 = tpu.memref_squeeze %dma_wait3A_89 : memref<1x8x128xi32, #tpu.memory_space<vmem>> -> memref<8x128xi32, #tpu.memory_space<vmem>>
      %dma_wait3A_91 = arith.constant 0 : i32
      %dma_wait3A_92 = tpu.memref_slice %arg2[%add3A_86, %dma_wait3A_91] : memref<50176x128xi32, #tpu.memory_space<hbm>> -> memref<8x128xi32, #tpu.memory_space<hbm>>
      %dma_wait3A_93 = arith.constant 0 : i32
      %dma_wait3A_94 = arith.constant 0 : i32
      %dma_wait3A_95 = tpu.memref_slice %arg7[%dma_wait3A, %dma_wait3A_93, %dma_wait3A_94] : memref<2x8x128xi32, #tpu.memory_space<vmem>> -> memref<1x8x128xi32, #tpu.memory_space<vmem>>
      %dma_wait3A_96 = tpu.memref_squeeze %dma_wait3A_95 : memref<1x8x128xi32, #tpu.memory_space<vmem>> -> memref<8x128xi32, #tpu.memory_space<vmem>>
      %dma_wait3A_97 = arith.constant 0 : i32
      %dma_wait3A_98 = tpu.memref_slice %arg2[%add3A_86, %dma_wait3A_97] : memref<50176x128xi32, #tpu.memory_space<hbm>> -> memref<8x128xi32, #tpu.memory_space<hbm>>
      tpu.wait_dma2 semaphore(%arg10 : memref<!tpu.dma_semaphore, #tpu.memory_space<semaphore_mem>>) src(%dma_wait3A_98 : memref<8x128xi32, #tpu.memory_space<hbm>>) dst(%dma_wait3A_96 : memref<8x128xi32, #tpu.memory_space<vmem>>)
      %dma_wait3A_99 = arith.constant 0 : i32
      %dma_wait3A_100 = arith.constant 0 : i32
      %dma_wait3A_101 = arith.constant 0 : i32
      %dma_wait3A_102 = tpu.memref_slice %arg8[%dma_wait3A_99, %dma_wait3A_100, %dma_wait3A_101] : memref<2x8x128xi32, #tpu.memory_space<vmem>> -> memref<1x8x128xi32, #tpu.memory_space<vmem>>
      %dma_wait3A_103 = tpu.memref_squeeze %dma_wait3A_102 : memref<1x8x128xi32, #tpu.memory_space<vmem>> -> memref<8x128xi32, #tpu.memory_space<vmem>>
      %dma_wait3A_104 = arith.constant 0 : i32
      %dma_wait3A_105 = tpu.memref_slice %arg3[%add3A_86, %dma_wait3A_104] : memref<50176x128xi32, #tpu.memory_space<hbm>> -> memref<8x128xi32, #tpu.memory_space<hbm>>
      %dma_wait3A_106 = arith.constant 0 : i32
      %dma_wait3A_107 = arith.constant 0 : i32
      %dma_wait3A_108 = tpu.memref_slice %arg8[%dma_wait3A_99, %dma_wait3A_106, %dma_wait3A_107] : memref<2x8x128xi32, #tpu.memory_space<vmem>> -> memref<1x8x128xi32, #tpu.memory_space<vmem>>
      %dma_wait3A_109 = tpu.memref_squeeze %dma_wait3A_108 : memref<1x8x128xi32, #tpu.memory_space<vmem>> -> memref<8x128xi32, #tpu.memory_space<vmem>>
      %dma_wait3A_110 = arith.constant 0 : i32
      %dma_wait3A_111 = tpu.memref_slice %arg3[%add3A_86, %dma_wait3A_110] : memref<50176x128xi32, #tpu.memory_space<hbm>> -> memref<8x128xi32, #tpu.memory_space<hbm>>
      tpu.wait_dma2 semaphore(%arg12 : memref<!tpu.dma_semaphore, #tpu.memory_space<semaphore_mem>>) src(%dma_wait3A_111 : memref<8x128xi32, #tpu.memory_space<hbm>>) dst(%dma_wait3A_109 : memref<8x128xi32, #tpu.memory_space<vmem>>)
      %dma_start3A_112 = arith.constant 0 : i32
      %dma_start3A_113 = arith.constant 0 : i32
      %dma_start3A_114 = arith.constant 0 : i32
      %dma_start3A_115 = arith.constant 0 : i32
      %dma_start3A_116 = arith.constant 0 : i32
      %dma_start3A_117 = arith.constant 0 : i32
      %dma_start3A_118 = tpu.memref_slice %arg9[%dma_start3A_114, %dma_start3A_115, %dma_start3A_116, %dma_start3A_117] : memref<2x4x128x16xf32, #tpu.memory_space<vmem>> -> memref<1x1x128x16xf32, #tpu.memory_space<vmem>>
      %dma_start3A_119 = tpu.memref_squeeze %dma_start3A_118 : memref<1x1x128x16xf32, #tpu.memory_space<vmem>> -> memref<128x16xf32, #tpu.memory_space<vmem>>
      %dma_start3A_120 = arith.constant 0 : i32
      %dma_start3A_121 = tpu.memref_slice %arg7[%dma_start3A_112, %dma_start3A_113, %dma_start3A_120] : memref<2x8x128xi32, #tpu.memory_space<vmem>> -> memref<1x1x128xi32, #tpu.memory_space<vmem>>
      %dma_start3A_122 = tpu.memref_squeeze %dma_start3A_121 : memref<1x1x128xi32, #tpu.memory_space<vmem>> -> memref<128xi32, #tpu.memory_space<vmem>>
      %dma_start3A_123 = arith.constant 0 : i32
      %dma_start3A_124 = arith.constant 0 : i32
      %dma_start3A_125 = tpu.memref_slice %arg4[%dma_start3A_123, %dma_start3A_124] : memref<100352x16xf32, #tpu.memory_space<hbm>> -> memref<100352x16xf32, #tpu.memory_space<hbm>>
      tpu.enqueue_indirect_dma source(%dma_start3A_125 : memref<100352x16xf32, #tpu.memory_space<hbm>>) target(%dma_start3A_119 : memref<128x16xf32, #tpu.memory_space<vmem>>) offsets(%dma_start3A_122 : memref<128xi32, #tpu.memory_space<vmem>>) semaphore(%arg14 : memref<!tpu.dma_semaphore, #tpu.memory_space<semaphore_mem>>)
      %dma_start3A_126 = arith.constant 0 : i32
      %dma_start3A_127 = arith.constant 1 : i32
      %dma_start3A_128 = arith.constant 0 : i32
      %dma_start3A_129 = arith.constant 1 : i32
      %dma_start3A_130 = arith.constant 0 : i32
      %dma_start3A_131 = arith.constant 0 : i32
      %dma_start3A_132 = tpu.memref_slice %arg9[%dma_start3A_128, %dma_start3A_129, %dma_start3A_130, %dma_start3A_131] : memref<2x4x128x16xf32, #tpu.memory_space<vmem>> -> memref<1x1x128x16xf32, #tpu.memory_space<vmem>>
      %dma_start3A_133 = tpu.memref_squeeze %dma_start3A_132 : memref<1x1x128x16xf32, #tpu.memory_space<vmem>> -> memref<128x16xf32, #tpu.memory_space<vmem>>
      %dma_start3A_134 = arith.constant 0 : i32
      %dma_start3A_135 = tpu.memref_slice %arg7[%dma_start3A_126, %dma_start3A_127, %dma_start3A_134] : memref<2x8x128xi32, #tpu.memory_space<vmem>> -> memref<1x1x128xi32, #tpu.memory_space<vmem>>
      %dma_start3A_136 = tpu.memref_squeeze %dma_start3A_135 : memref<1x1x128xi32, #tpu.memory_space<vmem>> -> memref<128xi32, #tpu.memory_space<vmem>>
      %dma_start3A_137 = arith.constant 0 : i32
      %dma_start3A_138 = arith.constant 0 : i32
      %dma_start3A_139 = tpu.memref_slice %arg4[%dma_start3A_137, %dma_start3A_138] : memref<100352x16xf32, #tpu.memory_space<hbm>> -> memref<100352x16xf32, #tpu.memory_space<hbm>>
      tpu.enqueue_indirect_dma source(%dma_start3A_139 : memref<100352x16xf32, #tpu.memory_space<hbm>>) target(%dma_start3A_133 : memref<128x16xf32, #tpu.memory_space<vmem>>) offsets(%dma_start3A_136 : memref<128xi32, #tpu.memory_space<vmem>>) semaphore(%arg14 : memref<!tpu.dma_semaphore, #tpu.memory_space<semaphore_mem>>)
      %dma_start3A_140 = arith.constant 0 : i32
      %dma_start3A_141 = arith.constant 2 : i32
      %dma_start3A_142 = arith.constant 0 : i32
      %dma_start3A_143 = arith.constant 2 : i32
      %dma_start3A_144 = arith.constant 0 : i32
      %dma_start3A_145 = arith.constant 0 : i32
      %dma_start3A_146 = tpu.memref_slice %arg9[%dma_start3A_142, %dma_start3A_143, %dma_start3A_144, %dma_start3A_145] : memref<2x4x128x16xf32, #tpu.memory_space<vmem>> -> memref<1x1x128x16xf32, #tpu.memory_space<vmem>>
      %dma_start3A_147 = tpu.memref_squeeze %dma_start3A_146 : memref<1x1x128x16xf32, #tpu.memory_space<vmem>> -> memref<128x16xf32, #tpu.memory_space<vmem>>
      %dma_start3A_148 = arith.constant 0 : i32
      %dma_start3A_149 = tpu.memref_slice %arg7[%dma_start3A_140, %dma_start3A_141, %dma_start3A_148] : memref<2x8x128xi32, #tpu.memory_space<vmem>> -> memref<1x1x128xi32, #tpu.memory_space<vmem>>
      %dma_start3A_150 = tpu.memref_squeeze %dma_start3A_149 : memref<1x1x128xi32, #tpu.memory_space<vmem>> -> memref<128xi32, #tpu.memory_space<vmem>>
      %dma_start3A_151 = arith.constant 0 : i32
      %dma_start3A_152 = arith.constant 0 : i32
      %dma_start3A_153 = tpu.memref_slice %arg4[%dma_start3A_151, %dma_start3A_152] : memref<100352x16xf32, #tpu.memory_space<hbm>> -> memref<100352x16xf32, #tpu.memory_space<hbm>>
      tpu.enqueue_indirect_dma source(%dma_start3A_153 : memref<100352x16xf32, #tpu.memory_space<hbm>>) target(%dma_start3A_147 : memref<128x16xf32, #tpu.memory_space<vmem>>) offsets(%dma_start3A_150 : memref<128xi32, #tpu.memory_space<vmem>>) semaphore(%arg14 : memref<!tpu.dma_semaphore, #tpu.memory_space<semaphore_mem>>)
      %dma_start3A_154 = arith.constant 0 : i32
      %dma_start3A_155 = arith.constant 3 : i32
      %dma_start3A_156 = arith.constant 0 : i32
      %dma_start3A_157 = arith.constant 3 : i32
      %dma_start3A_158 = arith.constant 0 : i32
      %dma_start3A_159 = arith.constant 0 : i32
      %dma_start3A_160 = tpu.memref_slice %arg9[%dma_start3A_156, %dma_start3A_157, %dma_start3A_158, %dma_start3A_159] : memref<2x4x128x16xf32, #tpu.memory_space<vmem>> -> memref<1x1x128x16xf32, #tpu.memory_space<vmem>>
      %dma_start3A_161 = tpu.memref_squeeze %dma_start3A_160 : memref<1x1x128x16xf32, #tpu.memory_space<vmem>> -> memref<128x16xf32, #tpu.memory_space<vmem>>
      %dma_start3A_162 = arith.constant 0 : i32
      %dma_start3A_163 = tpu.memref_slice %arg7[%dma_start3A_154, %dma_start3A_155, %dma_start3A_162] : memref<2x8x128xi32, #tpu.memory_space<vmem>> -> memref<1x1x128xi32, #tpu.memory_space<vmem>>
      %dma_start3A_164 = tpu.memref_squeeze %dma_start3A_163 : memref<1x1x128xi32, #tpu.memory_space<vmem>> -> memref<128xi32, #tpu.memory_space<vmem>>
      %dma_start3A_165 = arith.constant 0 : i32
      %dma_start3A_166 = arith.constant 0 : i32
      %dma_start3A_167 = tpu.memref_slice %arg4[%dma_start3A_165, %dma_start3A_166] : memref<100352x16xf32, #tpu.memory_space<hbm>> -> memref<100352x16xf32, #tpu.memory_space<hbm>>
      tpu.enqueue_indirect_dma source(%dma_start3A_167 : memref<100352x16xf32, #tpu.memory_space<hbm>>) target(%dma_start3A_161 : memref<128x16xf32, #tpu.memory_space<vmem>>) offsets(%dma_start3A_164 : memref<128xi32, #tpu.memory_space<vmem>>) semaphore(%arg14 : memref<!tpu.dma_semaphore, #tpu.memory_space<semaphore_mem>>)
      %dma_start3A_168 = arith.constant 0 : i32
      %dma_start3A_169 = arith.constant 4 : i32
      %dma_start3A_170 = arith.constant 1 : i32
      %dma_start3A_171 = arith.constant 0 : i32
      %dma_start3A_172 = arith.constant 0 : i32
      %dma_start3A_173 = arith.constant 0 : i32
      %dma_start3A_174 = tpu.memref_slice %arg9[%dma_start3A_170, %dma_start3A_171, %dma_start3A_172, %dma_start3A_173] : memref<2x4x128x16xf32, #tpu.memory_space<vmem>> -> memref<1x1x128x16xf32, #tpu.memory_space<vmem>>
      %dma_start3A_175 = tpu.memref_squeeze %dma_start3A_174 : memref<1x1x128x16xf32, #tpu.memory_space<vmem>> -> memref<128x16xf32, #tpu.memory_space<vmem>>
      %dma_start3A_176 = arith.constant 0 : i32
      %dma_start3A_177 = tpu.memref_slice %arg7[%dma_start3A_168, %dma_start3A_169, %dma_start3A_176] : memref<2x8x128xi32, #tpu.memory_space<vmem>> -> memref<1x1x128xi32, #tpu.memory_space<vmem>>
      %dma_start3A_178 = tpu.memref_squeeze %dma_start3A_177 : memref<1x1x128xi32, #tpu.memory_space<vmem>> -> memref<128xi32, #tpu.memory_space<vmem>>
      %dma_start3A_179 = arith.constant 0 : i32
      %dma_start3A_180 = arith.constant 0 : i32
      %dma_start3A_181 = tpu.memref_slice %arg4[%dma_start3A_179, %dma_start3A_180] : memref<100352x16xf32, #tpu.memory_space<hbm>> -> memref<100352x16xf32, #tpu.memory_space<hbm>>
      tpu.enqueue_indirect_dma source(%dma_start3A_181 : memref<100352x16xf32, #tpu.memory_space<hbm>>) target(%dma_start3A_175 : memref<128x16xf32, #tpu.memory_space<vmem>>) offsets(%dma_start3A_178 : memref<128xi32, #tpu.memory_space<vmem>>) semaphore(%arg15 : memref<!tpu.dma_semaphore, #tpu.memory_space<semaphore_mem>>)
      %dma_start3A_182 = arith.constant 0 : i32
      %dma_start3A_183 = arith.constant 5 : i32
      %dma_start3A_184 = arith.constant 1 : i32
      %dma_start3A_185 = arith.constant 1 : i32
      %dma_start3A_186 = arith.constant 0 : i32
      %dma_start3A_187 = arith.constant 0 : i32
      %dma_start3A_188 = tpu.memref_slice %arg9[%dma_start3A_184, %dma_start3A_185, %dma_start3A_186, %dma_start3A_187] : memref<2x4x128x16xf32, #tpu.memory_space<vmem>> -> memref<1x1x128x16xf32, #tpu.memory_space<vmem>>
      %dma_start3A_189 = tpu.memref_squeeze %dma_start3A_188 : memref<1x1x128x16xf32, #tpu.memory_space<vmem>> -> memref<128x16xf32, #tpu.memory_space<vmem>>
      %dma_start3A_190 = arith.constant 0 : i32
      %dma_start3A_191 = tpu.memref_slice %arg7[%dma_start3A_182, %dma_start3A_183, %dma_start3A_190] : memref<2x8x128xi32, #tpu.memory_space<vmem>> -> memref<1x1x128xi32, #tpu.memory_space<vmem>>
      %dma_start3A_192 = tpu.memref_squeeze %dma_start3A_191 : memref<1x1x128xi32, #tpu.memory_space<vmem>> -> memref<128xi32, #tpu.memory_space<vmem>>
      %dma_start3A_193 = arith.constant 0 : i32
      %dma_start3A_194 = arith.constant 0 : i32
      %dma_start3A_195 = tpu.memref_slice %arg4[%dma_start3A_193, %dma_start3A_194] : memref<100352x16xf32, #tpu.memory_space<hbm>> -> memref<100352x16xf32, #tpu.memory_space<hbm>>
      tpu.enqueue_indirect_dma source(%dma_start3A_195 : memref<100352x16xf32, #tpu.memory_space<hbm>>) target(%dma_start3A_189 : memref<128x16xf32, #tpu.memory_space<vmem>>) offsets(%dma_start3A_192 : memref<128xi32, #tpu.memory_space<vmem>>) semaphore(%arg15 : memref<!tpu.dma_semaphore, #tpu.memory_space<semaphore_mem>>)
      %dma_start3A_196 = arith.constant 0 : i32
      %dma_start3A_197 = arith.constant 6 : i32
      %dma_start3A_198 = arith.constant 1 : i32
      %dma_start3A_199 = arith.constant 2 : i32
      %dma_start3A_200 = arith.constant 0 : i32
      %dma_start3A_201 = arith.constant 0 : i32
      %dma_start3A_202 = tpu.memref_slice %arg9[%dma_start3A_198, %dma_start3A_199, %dma_start3A_200, %dma_start3A_201] : memref<2x4x128x16xf32, #tpu.memory_space<vmem>> -> memref<1x1x128x16xf32, #tpu.memory_space<vmem>>
      %dma_start3A_203 = tpu.memref_squeeze %dma_start3A_202 : memref<1x1x128x16xf32, #tpu.memory_space<vmem>> -> memref<128x16xf32, #tpu.memory_space<vmem>>
      %dma_start3A_204 = arith.constant 0 : i32
      %dma_start3A_205 = tpu.memref_slice %arg7[%dma_start3A_196, %dma_start3A_197, %dma_start3A_204] : memref<2x8x128xi32, #tpu.memory_space<vmem>> -> memref<1x1x128xi32, #tpu.memory_space<vmem>>
      %dma_start3A_206 = tpu.memref_squeeze %dma_start3A_205 : memref<1x1x128xi32, #tpu.memory_space<vmem>> -> memref<128xi32, #tpu.memory_space<vmem>>
      %dma_start3A_207 = arith.constant 0 : i32
      %dma_start3A_208 = arith.constant 0 : i32
      %dma_start3A_209 = tpu.memref_slice %arg4[%dma_start3A_207, %dma_start3A_208] : memref<100352x16xf32, #tpu.memory_space<hbm>> -> memref<100352x16xf32, #tpu.memory_space<hbm>>
      tpu.enqueue_indirect_dma source(%dma_start3A_209 : memref<100352x16xf32, #tpu.memory_space<hbm>>) target(%dma_start3A_203 : memref<128x16xf32, #tpu.memory_space<vmem>>) offsets(%dma_start3A_206 : memref<128xi32, #tpu.memory_space<vmem>>) semaphore(%arg15 : memref<!tpu.dma_semaphore, #tpu.memory_space<semaphore_mem>>)
      %dma_start3A_210 = arith.constant 0 : i32
      %dma_start3A_211 = arith.constant 7 : i32
      %dma_start3A_212 = arith.constant 1 : i32
      %dma_start3A_213 = arith.constant 3 : i32
      %dma_start3A_214 = arith.constant 0 : i32
      %dma_start3A_215 = arith.constant 0 : i32
      %dma_start3A_216 = tpu.memref_slice %arg9[%dma_start3A_212, %dma_start3A_213, %dma_start3A_214, %dma_start3A_215] : memref<2x4x128x16xf32, #tpu.memory_space<vmem>> -> memref<1x1x128x16xf32, #tpu.memory_space<vmem>>
      %dma_start3A_217 = tpu.memref_squeeze %dma_start3A_216 : memref<1x1x128x16xf32, #tpu.memory_space<vmem>> -> memref<128x16xf32, #tpu.memory_space<vmem>>
      %dma_start3A_218 = arith.constant 0 : i32
      %dma_start3A_219 = tpu.memref_slice %arg7[%dma_start3A_210, %dma_start3A_211, %dma_start3A_218] : memref<2x8x128xi32, #tpu.memory_space<vmem>> -> memref<1x1x128xi32, #tpu.memory_space<vmem>>
      %dma_start3A_220 = tpu.memref_squeeze %dma_start3A_219 : memref<1x1x128xi32, #tpu.memory_space<vmem>> -> memref<128xi32, #tpu.memory_space<vmem>>
      %dma_start3A_221 = arith.constant 0 : i32
      %dma_start3A_222 = arith.constant 0 : i32
      %dma_start3A_223 = tpu.memref_slice %arg4[%dma_start3A_221, %dma_start3A_222] : memref<100352x16xf32, #tpu.memory_space<hbm>> -> memref<100352x16xf32, #tpu.memory_space<hbm>>
      tpu.enqueue_indirect_dma source(%dma_start3A_223 : memref<100352x16xf32, #tpu.memory_space<hbm>>) target(%dma_start3A_217 : memref<128x16xf32, #tpu.memory_space<vmem>>) offsets(%dma_start3A_220 : memref<128xi32, #tpu.memory_space<vmem>>) semaphore(%arg15 : memref<!tpu.dma_semaphore, #tpu.memory_space<semaphore_mem>>)
      %dma_wait3A_224 = arith.constant 0 : i32
      %dma_wait3A_225 = arith.constant 0 : i32
      %dma_wait3A_226 = arith.constant 0 : i32
      %dma_wait3A_227 = arith.constant 0 : i32
      %dma_wait3A_228 = arith.constant 0 : i32
      %dma_wait3A_229 = arith.constant 0 : i32
      %dma_wait3A_230 = tpu.memref_slice %arg9[%dma_wait3A_226, %dma_wait3A_227, %dma_wait3A_228, %dma_wait3A_229] : memref<2x4x128x16xf32, #tpu.memory_space<vmem>> -> memref<1x1x128x16xf32, #tpu.memory_space<vmem>>
      %dma_wait3A_231 = tpu.memref_squeeze %dma_wait3A_230 : memref<1x1x128x16xf32, #tpu.memory_space<vmem>> -> memref<128x16xf32, #tpu.memory_space<vmem>>
      %dma_wait3A_232 = arith.constant 0 : i32
      %dma_wait3A_233 = tpu.memref_slice %arg7[%dma_wait3A_224, %dma_wait3A_225, %dma_wait3A_232] : memref<2x8x128xi32, #tpu.memory_space<vmem>> -> memref<1x1x128xi32, #tpu.memory_space<vmem>>
      %dma_wait3A_234 = tpu.memref_squeeze %dma_wait3A_233 : memref<1x1x128xi32, #tpu.memory_space<vmem>> -> memref<128xi32, #tpu.memory_space<vmem>>
      %dma_wait3A_235 = arith.constant 0 : i32
      %dma_wait3A_236 = arith.constant 0 : i32
      %dma_wait3A_237 = tpu.memref_slice %arg4[%dma_wait3A_235, %dma_wait3A_236] : memref<100352x16xf32, #tpu.memory_space<hbm>> -> memref<100352x16xf32, #tpu.memory_space<hbm>>
      tpu.wait_indirect_dma semaphore(%arg14 : memref<!tpu.dma_semaphore, #tpu.memory_space<semaphore_mem>>) src(%dma_wait3A_237 : memref<100352x16xf32, #tpu.memory_space<hbm>>) dst(%dma_wait3A_231 : memref<128x16xf32, #tpu.memory_space<vmem>>)
      %dma_wait3A_238 = arith.constant 0 : i32
      %dma_wait3A_239 = arith.constant 1 : i32
      %dma_wait3A_240 = arith.constant 0 : i32
      %dma_wait3A_241 = arith.constant 1 : i32
      %dma_wait3A_242 = arith.constant 0 : i32
      %dma_wait3A_243 = arith.constant 0 : i32
      %dma_wait3A_244 = tpu.memref_slice %arg9[%dma_wait3A_240, %dma_wait3A_241, %dma_wait3A_242, %dma_wait3A_243] : memref<2x4x128x16xf32, #tpu.memory_space<vmem>> -> memref<1x1x128x16xf32, #tpu.memory_space<vmem>>
      %dma_wait3A_245 = tpu.memref_squeeze %dma_wait3A_244 : memref<1x1x128x16xf32, #tpu.memory_space<vmem>> -> memref<128x16xf32, #tpu.memory_space<vmem>>
      %dma_wait3A_246 = arith.constant 0 : i32
      %dma_wait3A_247 = tpu.memref_slice %arg7[%dma_wait3A_238, %dma_wait3A_239, %dma_wait3A_246] : memref<2x8x128xi32, #tpu.memory_space<vmem>> -> memref<1x1x128xi32, #tpu.memory_space<vmem>>
      %dma_wait3A_248 = tpu.memref_squeeze %dma_wait3A_247 : memref<1x1x128xi32, #tpu.memory_space<vmem>> -> memref<128xi32, #tpu.memory_space<vmem>>
      %dma_wait3A_249 = arith.constant 0 : i32
      %dma_wait3A_250 = arith.constant 0 : i32
      %dma_wait3A_251 = tpu.memref_slice %arg4[%dma_wait3A_249, %dma_wait3A_250] : memref<100352x16xf32, #tpu.memory_space<hbm>> -> memref<100352x16xf32, #tpu.memory_space<hbm>>
      tpu.wait_indirect_dma semaphore(%arg14 : memref<!tpu.dma_semaphore, #tpu.memory_space<semaphore_mem>>) src(%dma_wait3A_251 : memref<100352x16xf32, #tpu.memory_space<hbm>>) dst(%dma_wait3A_245 : memref<128x16xf32, #tpu.memory_space<vmem>>)
      %dma_wait3A_252 = arith.constant 0 : i32
      %dma_wait3A_253 = arith.constant 2 : i32
      %dma_wait3A_254 = arith.constant 0 : i32
      %dma_wait3A_255 = arith.constant 2 : i32
      %dma_wait3A_256 = arith.constant 0 : i32
      %dma_wait3A_257 = arith.constant 0 : i32
      %dma_wait3A_258 = tpu.memref_slice %arg9[%dma_wait3A_254, %dma_wait3A_255, %dma_wait3A_256, %dma_wait3A_257] : memref<2x4x128x16xf32, #tpu.memory_space<vmem>> -> memref<1x1x128x16xf32, #tpu.memory_space<vmem>>
      %dma_wait3A_259 = tpu.memref_squeeze %dma_wait3A_258 : memref<1x1x128x16xf32, #tpu.memory_space<vmem>> -> memref<128x16xf32, #tpu.memory_space<vmem>>
      %dma_wait3A_260 = arith.constant 0 : i32
      %dma_wait3A_261 = tpu.memref_slice %arg7[%dma_wait3A_252, %dma_wait3A_253, %dma_wait3A_260] : memref<2x8x128xi32, #tpu.memory_space<vmem>> -> memref<1x1x128xi32, #tpu.memory_space<vmem>>
      %dma_wait3A_262 = tpu.memref_squeeze %dma_wait3A_261 : memref<1x1x128xi32, #tpu.memory_space<vmem>> -> memref<128xi32, #tpu.memory_space<vmem>>
      %dma_wait3A_263 = arith.constant 0 : i32
      %dma_wait3A_264 = arith.constant 0 : i32
      %dma_wait3A_265 = tpu.memref_slice %arg4[%dma_wait3A_263, %dma_wait3A_264] : memref<100352x16xf32, #tpu.memory_space<hbm>> -> memref<100352x16xf32, #tpu.memory_space<hbm>>
      tpu.wait_indirect_dma semaphore(%arg14 : memref<!tpu.dma_semaphore, #tpu.memory_space<semaphore_mem>>) src(%dma_wait3A_265 : memref<100352x16xf32, #tpu.memory_space<hbm>>) dst(%dma_wait3A_259 : memref<128x16xf32, #tpu.memory_space<vmem>>)
      %dma_wait3A_266 = arith.constant 0 : i32
      %dma_wait3A_267 = arith.constant 3 : i32
      %dma_wait3A_268 = arith.constant 0 : i32
      %dma_wait3A_269 = arith.constant 3 : i32
      %dma_wait3A_270 = arith.constant 0 : i32
      %dma_wait3A_271 = arith.constant 0 : i32
      %dma_wait3A_272 = tpu.memref_slice %arg9[%dma_wait3A_268, %dma_wait3A_269, %dma_wait3A_270, %dma_wait3A_271] : memref<2x4x128x16xf32, #tpu.memory_space<vmem>> -> memref<1x1x128x16xf32, #tpu.memory_space<vmem>>
      %dma_wait3A_273 = tpu.memref_squeeze %dma_wait3A_272 : memref<1x1x128x16xf32, #tpu.memory_space<vmem>> -> memref<128x16xf32, #tpu.memory_space<vmem>>
      %dma_wait3A_274 = arith.constant 0 : i32
      %dma_wait3A_275 = tpu.memref_slice %arg7[%dma_wait3A_266, %dma_wait3A_267, %dma_wait3A_274] : memref<2x8x128xi32, #tpu.memory_space<vmem>> -> memref<1x1x128xi32, #tpu.memory_space<vmem>>
      %dma_wait3A_276 = tpu.memref_squeeze %dma_wait3A_275 : memref<1x1x128xi32, #tpu.memory_space<vmem>> -> memref<128xi32, #tpu.memory_space<vmem>>
      %dma_wait3A_277 = arith.constant 0 : i32
      %dma_wait3A_278 = arith.constant 0 : i32
      %dma_wait3A_279 = tpu.memref_slice %arg4[%dma_wait3A_277, %dma_wait3A_278] : memref<100352x16xf32, #tpu.memory_space<hbm>> -> memref<100352x16xf32, #tpu.memory_space<hbm>>
      tpu.wait_indirect_dma semaphore(%arg14 : memref<!tpu.dma_semaphore, #tpu.memory_space<semaphore_mem>>) src(%dma_wait3A_279 : memref<100352x16xf32, #tpu.memory_space<hbm>>) dst(%dma_wait3A_273 : memref<128x16xf32, #tpu.memory_space<vmem>>)
      %dma_start3A_280 = arith.constant 0 : i32
      %dma_start3A_281 = arith.constant 0 : i32
      %dma_start3A_282 = arith.constant 0 : i32
      %dma_start3A_283 = arith.constant 0 : i32
      %dma_start3A_284 = arith.constant 0 : i32
      %dma_start3A_285 = arith.constant 0 : i32
      %dma_start3A_286 = tpu.memref_slice %arg9[%dma_start3A_280, %dma_start3A_281, %dma_start3A_284, %dma_start3A_285] : memref<2x4x128x16xf32, #tpu.memory_space<vmem>> -> memref<1x1x128x16xf32, #tpu.memory_space<vmem>>
      %dma_start3A_287 = tpu.memref_squeeze %dma_start3A_286 : memref<1x1x128x16xf32, #tpu.memory_space<vmem>> -> memref<128x16xf32, #tpu.memory_space<vmem>>
      %dma_start3A_288 = arith.constant 0 : i32
      %dma_start3A_289 = tpu.memref_slice %arg8[%dma_start3A_282, %dma_start3A_283, %dma_start3A_288] : memref<2x8x128xi32, #tpu.memory_space<vmem>> -> memref<1x1x128xi32, #tpu.memory_space<vmem>>
      %dma_start3A_290 = tpu.memref_squeeze %dma_start3A_289 : memref<1x1x128xi32, #tpu.memory_space<vmem>> -> memref<128xi32, #tpu.memory_space<vmem>>
      %dma_start3A_291 = arith.constant 0 : i32
      %dma_start3A_292 = arith.constant 0 : i32
      %dma_start3A_293 = tpu.memref_slice %arg18[%dma_start3A_291, %dma_start3A_292] : memref<100352x16xf32, #tpu.memory_space<vmem_shared>> -> memref<100352x16xf32, #tpu.memory_space<vmem_shared>>
      tpu.enqueue_indirect_dma source(%dma_start3A_287 : memref<128x16xf32, #tpu.memory_space<vmem>>) target(%dma_start3A_293 : memref<100352x16xf32, #tpu.memory_space<vmem_shared>>) offsets(%dma_start3A_290 : memref<128xi32, #tpu.memory_space<vmem>>) semaphore(%arg16 : memref<!tpu.dma_semaphore, #tpu.memory_space<semaphore_mem>>) {add = true}
      %dma_start3A_294 = arith.constant 0 : i32
      %dma_start3A_295 = arith.constant 1 : i32
      %dma_start3A_296 = arith.constant 0 : i32
      %dma_start3A_297 = arith.constant 1 : i32
      %dma_start3A_298 = arith.constant 0 : i32
      %dma_start3A_299 = arith.constant 0 : i32
      %dma_start3A_300 = tpu.memref_slice %arg9[%dma_start3A_294, %dma_start3A_295, %dma_start3A_298, %dma_start3A_299] : memref<2x4x128x16xf32, #tpu.memory_space<vmem>> -> memref<1x1x128x16xf32, #tpu.memory_space<vmem>>
      %dma_start3A_301 = tpu.memref_squeeze %dma_start3A_300 : memref<1x1x128x16xf32, #tpu.memory_space<vmem>> -> memref<128x16xf32, #tpu.memory_space<vmem>>
      %dma_start3A_302 = arith.constant 0 : i32
      %dma_start3A_303 = tpu.memref_slice %arg8[%dma_start3A_296, %dma_start3A_297, %dma_start3A_302] : memref<2x8x128xi32, #tpu.memory_space<vmem>> -> memref<1x1x128xi32, #tpu.memory_space<vmem>>
      %dma_start3A_304 = tpu.memref_squeeze %dma_start3A_303 : memref<1x1x128xi32, #tpu.memory_space<vmem>> -> memref<128xi32, #tpu.memory_space<vmem>>
      %dma_start3A_305 = arith.constant 0 : i32
      %dma_start3A_306 = arith.constant 0 : i32
      %dma_start3A_307 = tpu.memref_slice %arg18[%dma_start3A_305, %dma_start3A_306] : memref<100352x16xf32, #tpu.memory_space<vmem_shared>> -> memref<100352x16xf32, #tpu.memory_space<vmem_shared>>
      tpu.enqueue_indirect_dma source(%dma_start3A_301 : memref<128x16xf32, #tpu.memory_space<vmem>>) target(%dma_start3A_307 : memref<100352x16xf32, #tpu.memory_space<vmem_shared>>) offsets(%dma_start3A_304 : memref<128xi32, #tpu.memory_space<vmem>>) semaphore(%arg16 : memref<!tpu.dma_semaphore, #tpu.memory_space<semaphore_mem>>) {add = true}
      %dma_start3A_308 = arith.constant 0 : i32
      %dma_start3A_309 = arith.constant 2 : i32
      %dma_start3A_310 = arith.constant 0 : i32
      %dma_start3A_311 = arith.constant 2 : i32
      %dma_start3A_312 = arith.constant 0 : i32
      %dma_start3A_313 = arith.constant 0 : i32
      %dma_start3A_314 = tpu.memref_slice %arg9[%dma_start3A_308, %dma_start3A_309, %dma_start3A_312, %dma_start3A_313] : memref<2x4x128x16xf32, #tpu.memory_space<vmem>> -> memref<1x1x128x16xf32, #tpu.memory_space<vmem>>
      %dma_start3A_315 = tpu.memref_squeeze %dma_start3A_314 : memref<1x1x128x16xf32, #tpu.memory_space<vmem>> -> memref<128x16xf32, #tpu.memory_space<vmem>>
      %dma_start3A_316 = arith.constant 0 : i32
      %dma_start3A_317 = tpu.memref_slice %arg8[%dma_start3A_310, %dma_start3A_311, %dma_start3A_316] : memref<2x8x128xi32, #tpu.memory_space<vmem>> -> memref<1x1x128xi32, #tpu.memory_space<vmem>>
      %dma_start3A_318 = tpu.memref_squeeze %dma_start3A_317 : memref<1x1x128xi32, #tpu.memory_space<vmem>> -> memref<128xi32, #tpu.memory_space<vmem>>
      %dma_start3A_319 = arith.constant 0 : i32
      %dma_start3A_320 = arith.constant 0 : i32
      %dma_start3A_321 = tpu.memref_slice %arg18[%dma_start3A_319, %dma_start3A_320] : memref<100352x16xf32, #tpu.memory_space<vmem_shared>> -> memref<100352x16xf32, #tpu.memory_space<vmem_shared>>
      tpu.enqueue_indirect_dma source(%dma_start3A_315 : memref<128x16xf32, #tpu.memory_space<vmem>>) target(%dma_start3A_321 : memref<100352x16xf32, #tpu.memory_space<vmem_shared>>) offsets(%dma_start3A_318 : memref<128xi32, #tpu.memory_space<vmem>>) semaphore(%arg16 : memref<!tpu.dma_semaphore, #tpu.memory_space<semaphore_mem>>) {add = true}
      %dma_start3A_322 = arith.constant 0 : i32
      %dma_start3A_323 = arith.constant 3 : i32
      %dma_start3A_324 = arith.constant 0 : i32
      %dma_start3A_325 = arith.constant 3 : i32
      %dma_start3A_326 = arith.constant 0 : i32
      %dma_start3A_327 = arith.constant 0 : i32
      %dma_start3A_328 = tpu.memref_slice %arg9[%dma_start3A_322, %dma_start3A_323, %dma_start3A_326, %dma_start3A_327] : memref<2x4x128x16xf32, #tpu.memory_space<vmem>> -> memref<1x1x128x16xf32, #tpu.memory_space<vmem>>
      %dma_start3A_329 = tpu.memref_squeeze %dma_start3A_328 : memref<1x1x128x16xf32, #tpu.memory_space<vmem>> -> memref<128x16xf32, #tpu.memory_space<vmem>>
      %dma_start3A_330 = arith.constant 0 : i32
      %dma_start3A_331 = tpu.memref_slice %arg8[%dma_start3A_324, %dma_start3A_325, %dma_start3A_330] : memref<2x8x128xi32, #tpu.memory_space<vmem>> -> memref<1x1x128xi32, #tpu.memory_space<vmem>>
      %dma_start3A_332 = tpu.memref_squeeze %dma_start3A_331 : memref<1x1x128xi32, #tpu.memory_space<vmem>> -> memref<128xi32, #tpu.memory_space<vmem>>
      %dma_start3A_333 = arith.constant 0 : i32
      %dma_start3A_334 = arith.constant 0 : i32
      %dma_start3A_335 = tpu.memref_slice %arg18[%dma_start3A_333, %dma_start3A_334] : memref<100352x16xf32, #tpu.memory_space<vmem_shared>> -> memref<100352x16xf32, #tpu.memory_space<vmem_shared>>
      tpu.enqueue_indirect_dma source(%dma_start3A_329 : memref<128x16xf32, #tpu.memory_space<vmem>>) target(%dma_start3A_335 : memref<100352x16xf32, #tpu.memory_space<vmem_shared>>) offsets(%dma_start3A_332 : memref<128xi32, #tpu.memory_space<vmem>>) semaphore(%arg16 : memref<!tpu.dma_semaphore, #tpu.memory_space<semaphore_mem>>) {add = true}
      %dma_wait3A_336 = arith.constant 0 : i32
      %dma_wait3A_337 = arith.constant 4 : i32
      %dma_wait3A_338 = arith.constant 1 : i32
      %dma_wait3A_339 = arith.constant 0 : i32
      %dma_wait3A_340 = arith.constant 0 : i32
      %dma_wait3A_341 = arith.constant 0 : i32
      %dma_wait3A_342 = tpu.memref_slice %arg9[%dma_wait3A_338, %dma_wait3A_339, %dma_wait3A_340, %dma_wait3A_341] : memref<2x4x128x16xf32, #tpu.memory_space<vmem>> -> memref<1x1x128x16xf32, #tpu.memory_space<vmem>>
      %dma_wait3A_343 = tpu.memref_squeeze %dma_wait3A_342 : memref<1x1x128x16xf32, #tpu.memory_space<vmem>> -> memref<128x16xf32, #tpu.memory_space<vmem>>
      %dma_wait3A_344 = arith.constant 0 : i32
      %dma_wait3A_345 = tpu.memref_slice %arg7[%dma_wait3A_336, %dma_wait3A_337, %dma_wait3A_344] : memref<2x8x128xi32, #tpu.memory_space<vmem>> -> memref<1x1x128xi32, #tpu.memory_space<vmem>>
      %dma_wait3A_346 = tpu.memref_squeeze %dma_wait3A_345 : memref<1x1x128xi32, #tpu.memory_space<vmem>> -> memref<128xi32, #tpu.memory_space<vmem>>
      %dma_wait3A_347 = arith.constant 0 : i32
      %dma_wait3A_348 = arith.constant 0 : i32
      %dma_wait3A_349 = tpu.memref_slice %arg4[%dma_wait3A_347, %dma_wait3A_348] : memref<100352x16xf32, #tpu.memory_space<hbm>> -> memref<100352x16xf32, #tpu.memory_space<hbm>>
      tpu.wait_indirect_dma semaphore(%arg15 : memref<!tpu.dma_semaphore, #tpu.memory_space<semaphore_mem>>) src(%dma_wait3A_349 : memref<100352x16xf32, #tpu.memory_space<hbm>>) dst(%dma_wait3A_343 : memref<128x16xf32, #tpu.memory_space<vmem>>)
      %dma_wait3A_350 = arith.constant 0 : i32
      %dma_wait3A_351 = arith.constant 5 : i32
      %dma_wait3A_352 = arith.constant 1 : i32
      %dma_wait3A_353 = arith.constant 1 : i32
      %dma_wait3A_354 = arith.constant 0 : i32
      %dma_wait3A_355 = arith.constant 0 : i32
      %dma_wait3A_356 = tpu.memref_slice %arg9[%dma_wait3A_352, %dma_wait3A_353, %dma_wait3A_354, %dma_wait3A_355] : memref<2x4x128x16xf32, #tpu.memory_space<vmem>> -> memref<1x1x128x16xf32, #tpu.memory_space<vmem>>
      %dma_wait3A_357 = tpu.memref_squeeze %dma_wait3A_356 : memref<1x1x128x16xf32, #tpu.memory_space<vmem>> -> memref<128x16xf32, #tpu.memory_space<vmem>>
      %dma_wait3A_358 = arith.constant 0 : i32
      %dma_wait3A_359 = tpu.memref_slice %arg7[%dma_wait3A_350, %dma_wait3A_351, %dma_wait3A_358] : memref<2x8x128xi32, #tpu.memory_space<vmem>> -> memref<1x1x128xi32, #tpu.memory_space<vmem>>
      %dma_wait3A_360 = tpu.memref_squeeze %dma_wait3A_359 : memref<1x1x128xi32, #tpu.memory_space<vmem>> -> memref<128xi32, #tpu.memory_space<vmem>>
      %dma_wait3A_361 = arith.constant 0 : i32
      %dma_wait3A_362 = arith.constant 0 : i32
      %dma_wait3A_363 = tpu.memref_slice %arg4[%dma_wait3A_361, %dma_wait3A_362] : memref<100352x16xf32, #tpu.memory_space<hbm>> -> memref<100352x16xf32, #tpu.memory_space<hbm>>
      tpu.wait_indirect_dma semaphore(%arg15 : memref<!tpu.dma_semaphore, #tpu.memory_space<semaphore_mem>>) src(%dma_wait3A_363 : memref<100352x16xf32, #tpu.memory_space<hbm>>) dst(%dma_wait3A_357 : memref<128x16xf32, #tpu.memory_space<vmem>>)
      %dma_wait3A_364 = arith.constant 0 : i32
      %dma_wait3A_365 = arith.constant 6 : i32
      %dma_wait3A_366 = arith.constant 1 : i32
      %dma_wait3A_367 = arith.constant 2 : i32
      %dma_wait3A_368 = arith.constant 0 : i32
      %dma_wait3A_369 = arith.constant 0 : i32
      %dma_wait3A_370 = tpu.memref_slice %arg9[%dma_wait3A_366, %dma_wait3A_367, %dma_wait3A_368, %dma_wait3A_369] : memref<2x4x128x16xf32, #tpu.memory_space<vmem>> -> memref<1x1x128x16xf32, #tpu.memory_space<vmem>>
      %dma_wait3A_371 = tpu.memref_squeeze %dma_wait3A_370 : memref<1x1x128x16xf32, #tpu.memory_space<vmem>> -> memref<128x16xf32, #tpu.memory_space<vmem>>
      %dma_wait3A_372 = arith.constant 0 : i32
      %dma_wait3A_373 = tpu.memref_slice %arg7[%dma_wait3A_364, %dma_wait3A_365, %dma_wait3A_372] : memref<2x8x128xi32, #tpu.memory_space<vmem>> -> memref<1x1x128xi32, #tpu.memory_space<vmem>>
      %dma_wait3A_374 = tpu.memref_squeeze %dma_wait3A_373 : memref<1x1x128xi32, #tpu.memory_space<vmem>> -> memref<128xi32, #tpu.memory_space<vmem>>
      %dma_wait3A_375 = arith.constant 0 : i32
      %dma_wait3A_376 = arith.constant 0 : i32
      %dma_wait3A_377 = tpu.memref_slice %arg4[%dma_wait3A_375, %dma_wait3A_376] : memref<100352x16xf32, #tpu.memory_space<hbm>> -> memref<100352x16xf32, #tpu.memory_space<hbm>>
      tpu.wait_indirect_dma semaphore(%arg15 : memref<!tpu.dma_semaphore, #tpu.memory_space<semaphore_mem>>) src(%dma_wait3A_377 : memref<100352x16xf32, #tpu.memory_space<hbm>>) dst(%dma_wait3A_371 : memref<128x16xf32, #tpu.memory_space<vmem>>)
      %dma_wait3A_378 = arith.constant 0 : i32
      %dma_wait3A_379 = arith.constant 7 : i32
      %dma_wait3A_380 = arith.constant 1 : i32
      %dma_wait3A_381 = arith.constant 3 : i32
      %dma_wait3A_382 = arith.constant 0 : i32
      %dma_wait3A_383 = arith.constant 0 : i32
      %dma_wait3A_384 = tpu.memref_slice %arg9[%dma_wait3A_380, %dma_wait3A_381, %dma_wait3A_382, %dma_wait3A_383] : memref<2x4x128x16xf32, #tpu.memory_space<vmem>> -> memref<1x1x128x16xf32, #tpu.memory_space<vmem>>
      %dma_wait3A_385 = tpu.memref_squeeze %dma_wait3A_384 : memref<1x1x128x16xf32, #tpu.memory_space<vmem>> -> memref<128x16xf32, #tpu.memory_space<vmem>>
      %dma_wait3A_386 = arith.constant 0 : i32
      %dma_wait3A_387 = tpu.memref_slice %arg7[%dma_wait3A_378, %dma_wait3A_379, %dma_wait3A_386] : memref<2x8x128xi32, #tpu.memory_space<vmem>> -> memref<1x1x128xi32, #tpu.memory_space<vmem>>
      %dma_wait3A_388 = tpu.memref_squeeze %dma_wait3A_387 : memref<1x1x128xi32, #tpu.memory_space<vmem>> -> memref<128xi32, #tpu.memory_space<vmem>>
      %dma_wait3A_389 = arith.constant 0 : i32
      %dma_wait3A_390 = arith.constant 0 : i32
      %dma_wait3A_391 = tpu.memref_slice %arg4[%dma_wait3A_389, %dma_wait3A_390] : memref<100352x16xf32, #tpu.memory_space<hbm>> -> memref<100352x16xf32, #tpu.memory_space<hbm>>
      tpu.wait_indirect_dma semaphore(%arg15 : memref<!tpu.dma_semaphore, #tpu.memory_space<semaphore_mem>>) src(%dma_wait3A_391 : memref<100352x16xf32, #tpu.memory_space<hbm>>) dst(%dma_wait3A_385 : memref<128x16xf32, #tpu.memory_space<vmem>>)
      %dma_start3A_392 = arith.constant 1 : i32
      %dma_start3A_393 = arith.constant 0 : i32
      %dma_start3A_394 = arith.constant 0 : i32
      %dma_start3A_395 = arith.constant 4 : i32
      %dma_start3A_396 = arith.constant 0 : i32
      %dma_start3A_397 = arith.constant 0 : i32
      %dma_start3A_398 = tpu.memref_slice %arg9[%dma_start3A_392, %dma_start3A_393, %dma_start3A_396, %dma_start3A_397] : memref<2x4x128x16xf32, #tpu.memory_space<vmem>> -> memref<1x1x128x16xf32, #tpu.memory_space<vmem>>
      %dma_start3A_399 = tpu.memref_squeeze %dma_start3A_398 : memref<1x1x128x16xf32, #tpu.memory_space<vmem>> -> memref<128x16xf32, #tpu.memory_space<vmem>>
      %dma_start3A_400 = arith.constant 0 : i32
      %dma_start3A_401 = tpu.memref_slice %arg8[%dma_start3A_394, %dma_start3A_395, %dma_start3A_400] : memref<2x8x128xi32, #tpu.memory_space<vmem>> -> memref<1x1x128xi32, #tpu.memory_space<vmem>>
      %dma_start3A_402 = tpu.memref_squeeze %dma_start3A_401 : memref<1x1x128xi32, #tpu.memory_space<vmem>> -> memref<128xi32, #tpu.memory_space<vmem>>
      %dma_start3A_403 = arith.constant 0 : i32
      %dma_start3A_404 = arith.constant 0 : i32
      %dma_start3A_405 = tpu.memref_slice %arg18[%dma_start3A_403, %dma_start3A_404] : memref<100352x16xf32, #tpu.memory_space<vmem_shared>> -> memref<100352x16xf32, #tpu.memory_space<vmem_shared>>
      tpu.enqueue_indirect_dma source(%dma_start3A_399 : memref<128x16xf32, #tpu.memory_space<vmem>>) target(%dma_start3A_405 : memref<100352x16xf32, #tpu.memory_space<vmem_shared>>) offsets(%dma_start3A_402 : memref<128xi32, #tpu.memory_space<vmem>>) semaphore(%arg17 : memref<!tpu.dma_semaphore, #tpu.memory_space<semaphore_mem>>) {add = true}
      %dma_start3A_406 = arith.constant 1 : i32
      %dma_start3A_407 = arith.constant 1 : i32
      %dma_start3A_408 = arith.constant 0 : i32
      %dma_start3A_409 = arith.constant 5 : i32
      %dma_start3A_410 = arith.constant 0 : i32
      %dma_start3A_411 = arith.constant 0 : i32
      %dma_start3A_412 = tpu.memref_slice %arg9[%dma_start3A_406, %dma_start3A_407, %dma_start3A_410, %dma_start3A_411] : memref<2x4x128x16xf32, #tpu.memory_space<vmem>> -> memref<1x1x128x16xf32, #tpu.memory_space<vmem>>
      %dma_start3A_413 = tpu.memref_squeeze %dma_start3A_412 : memref<1x1x128x16xf32, #tpu.memory_space<vmem>> -> memref<128x16xf32, #tpu.memory_space<vmem>>
      %dma_start3A_414 = arith.constant 0 : i32
      %dma_start3A_415 = tpu.memref_slice %arg8[%dma_start3A_408, %dma_start3A_409, %dma_start3A_414] : memref<2x8x128xi32, #tpu.memory_space<vmem>> -> memref<1x1x128xi32, #tpu.memory_space<vmem>>
      %dma_start3A_416 = tpu.memref_squeeze %dma_start3A_415 : memref<1x1x128xi32, #tpu.memory_space<vmem>> -> memref<128xi32, #tpu.memory_space<vmem>>
      %dma_start3A_417 = arith.constant 0 : i32
      %dma_start3A_418 = arith.constant 0 : i32
      %dma_start3A_419 = tpu.memref_slice %arg18[%dma_start3A_417, %dma_start3A_418] : memref<100352x16xf32, #tpu.memory_space<vmem_shared>> -> memref<100352x16xf32, #tpu.memory_space<vmem_shared>>
      tpu.enqueue_indirect_dma source(%dma_start3A_413 : memref<128x16xf32, #tpu.memory_space<vmem>>) target(%dma_start3A_419 : memref<100352x16xf32, #tpu.memory_space<vmem_shared>>) offsets(%dma_start3A_416 : memref<128xi32, #tpu.memory_space<vmem>>) semaphore(%arg17 : memref<!tpu.dma_semaphore, #tpu.memory_space<semaphore_mem>>) {add = true}
      %dma_start3A_420 = arith.constant 1 : i32
      %dma_start3A_421 = arith.constant 2 : i32
      %dma_start3A_422 = arith.constant 0 : i32
      %dma_start3A_423 = arith.constant 6 : i32
      %dma_start3A_424 = arith.constant 0 : i32
      %dma_start3A_425 = arith.constant 0 : i32
      %dma_start3A_426 = tpu.memref_slice %arg9[%dma_start3A_420, %dma_start3A_421, %dma_start3A_424, %dma_start3A_425] : memref<2x4x128x16xf32, #tpu.memory_space<vmem>> -> memref<1x1x128x16xf32, #tpu.memory_space<vmem>>
      %dma_start3A_427 = tpu.memref_squeeze %dma_start3A_426 : memref<1x1x128x16xf32, #tpu.memory_space<vmem>> -> memref<128x16xf32, #tpu.memory_space<vmem>>
      %dma_start3A_428 = arith.constant 0 : i32
      %dma_start3A_429 = tpu.memref_slice %arg8[%dma_start3A_422, %dma_start3A_423, %dma_start3A_428] : memref<2x8x128xi32, #tpu.memory_space<vmem>> -> memref<1x1x128xi32, #tpu.memory_space<vmem>>
      %dma_start3A_430 = tpu.memref_squeeze %dma_start3A_429 : memref<1x1x128xi32, #tpu.memory_space<vmem>> -> memref<128xi32, #tpu.memory_space<vmem>>
      %dma_start3A_431 = arith.constant 0 : i32
      %dma_start3A_432 = arith.constant 0 : i32
      %dma_start3A_433 = tpu.memref_slice %arg18[%dma_start3A_431, %dma_start3A_432] : memref<100352x16xf32, #tpu.memory_space<vmem_shared>> -> memref<100352x16xf32, #tpu.memory_space<vmem_shared>>
      tpu.enqueue_indirect_dma source(%dma_start3A_427 : memref<128x16xf32, #tpu.memory_space<vmem>>) target(%dma_start3A_433 : memref<100352x16xf32, #tpu.memory_space<vmem_shared>>) offsets(%dma_start3A_430 : memref<128xi32, #tpu.memory_space<vmem>>) semaphore(%arg17 : memref<!tpu.dma_semaphore, #tpu.memory_space<semaphore_mem>>) {add = true}
      %dma_start3A_434 = arith.constant 1 : i32
      %dma_start3A_435 = arith.constant 3 : i32
      %dma_start3A_436 = arith.constant 0 : i32
      %dma_start3A_437 = arith.constant 7 : i32
      %dma_start3A_438 = arith.constant 0 : i32
      %dma_start3A_439 = arith.constant 0 : i32
      %dma_start3A_440 = tpu.memref_slice %arg9[%dma_start3A_434, %dma_start3A_435, %dma_start3A_438, %dma_start3A_439] : memref<2x4x128x16xf32, #tpu.memory_space<vmem>> -> memref<1x1x128x16xf32, #tpu.memory_space<vmem>>
      %dma_start3A_441 = tpu.memref_squeeze %dma_start3A_440 : memref<1x1x128x16xf32, #tpu.memory_space<vmem>> -> memref<128x16xf32, #tpu.memory_space<vmem>>
      %dma_start3A_442 = arith.constant 0 : i32
      %dma_start3A_443 = tpu.memref_slice %arg8[%dma_start3A_436, %dma_start3A_437, %dma_start3A_442] : memref<2x8x128xi32, #tpu.memory_space<vmem>> -> memref<1x1x128xi32, #tpu.memory_space<vmem>>
      %dma_start3A_444 = tpu.memref_squeeze %dma_start3A_443 : memref<1x1x128xi32, #tpu.memory_space<vmem>> -> memref<128xi32, #tpu.memory_space<vmem>>
      %dma_start3A_445 = arith.constant 0 : i32
      %dma_start3A_446 = arith.constant 0 : i32
      %dma_start3A_447 = tpu.memref_slice %arg18[%dma_start3A_445, %dma_start3A_446] : memref<100352x16xf32, #tpu.memory_space<vmem_shared>> -> memref<100352x16xf32, #tpu.memory_space<vmem_shared>>
      tpu.enqueue_indirect_dma source(%dma_start3A_441 : memref<128x16xf32, #tpu.memory_space<vmem>>) target(%dma_start3A_447 : memref<100352x16xf32, #tpu.memory_space<vmem_shared>>) offsets(%dma_start3A_444 : memref<128xi32, #tpu.memory_space<vmem>>) semaphore(%arg17 : memref<!tpu.dma_semaphore, #tpu.memory_space<semaphore_mem>>) {add = true}
      %dma_wait3A_448 = arith.constant 0 : i32
      %dma_wait3A_449 = arith.constant 0 : i32
      %dma_wait3A_450 = arith.constant 0 : i32
      %dma_wait3A_451 = arith.constant 0 : i32
      %dma_wait3A_452 = arith.constant 0 : i32
      %dma_wait3A_453 = arith.constant 0 : i32
      %dma_wait3A_454 = tpu.memref_slice %arg9[%dma_wait3A_448, %dma_wait3A_449, %dma_wait3A_452, %dma_wait3A_453] : memref<2x4x128x16xf32, #tpu.memory_space<vmem>> -> memref<1x1x128x16xf32, #tpu.memory_space<vmem>>
      %dma_wait3A_455 = tpu.memref_squeeze %dma_wait3A_454 : memref<1x1x128x16xf32, #tpu.memory_space<vmem>> -> memref<128x16xf32, #tpu.memory_space<vmem>>
      %dma_wait3A_456 = arith.constant 0 : i32
      %dma_wait3A_457 = tpu.memref_slice %arg8[%dma_wait3A_450, %dma_wait3A_451, %dma_wait3A_456] : memref<2x8x128xi32, #tpu.memory_space<vmem>> -> memref<1x1x128xi32, #tpu.memory_space<vmem>>
      %dma_wait3A_458 = tpu.memref_squeeze %dma_wait3A_457 : memref<1x1x128xi32, #tpu.memory_space<vmem>> -> memref<128xi32, #tpu.memory_space<vmem>>
      %dma_wait3A_459 = arith.constant 0 : i32
      %dma_wait3A_460 = arith.constant 0 : i32
      %dma_wait3A_461 = tpu.memref_slice %arg18[%dma_wait3A_459, %dma_wait3A_460] : memref<100352x16xf32, #tpu.memory_space<vmem_shared>> -> memref<100352x16xf32, #tpu.memory_space<vmem_shared>>
      tpu.wait_indirect_dma semaphore(%arg16 : memref<!tpu.dma_semaphore, #tpu.memory_space<semaphore_mem>>) src(%dma_wait3A_455 : memref<128x16xf32, #tpu.memory_space<vmem>>) dst(%dma_wait3A_461 : memref<100352x16xf32, #tpu.memory_space<vmem_shared>>)
      %dma_wait3A_462 = arith.constant 0 : i32
      %dma_wait3A_463 = arith.constant 1 : i32
      %dma_wait3A_464 = arith.constant 0 : i32
      %dma_wait3A_465 = arith.constant 1 : i32
      %dma_wait3A_466 = arith.constant 0 : i32
      %dma_wait3A_467 = arith.constant 0 : i32
      %dma_wait3A_468 = tpu.memref_slice %arg9[%dma_wait3A_462, %dma_wait3A_463, %dma_wait3A_466, %dma_wait3A_467] : memref<2x4x128x16xf32, #tpu.memory_space<vmem>> -> memref<1x1x128x16xf32, #tpu.memory_space<vmem>>
      %dma_wait3A_469 = tpu.memref_squeeze %dma_wait3A_468 : memref<1x1x128x16xf32, #tpu.memory_space<vmem>> -> memref<128x16xf32, #tpu.memory_space<vmem>>
      %dma_wait3A_470 = arith.constant 0 : i32
      %dma_wait3A_471 = tpu.memref_slice %arg8[%dma_wait3A_464, %dma_wait3A_465, %dma_wait3A_470] : memref<2x8x128xi32, #tpu.memory_space<vmem>> -> memref<1x1x128xi32, #tpu.memory_space<vmem>>
      %dma_wait3A_472 = tpu.memref_squeeze %dma_wait3A_471 : memref<1x1x128xi32, #tpu.memory_space<vmem>> -> memref<128xi32, #tpu.memory_space<vmem>>
      %dma_wait3A_473 = arith.constant 0 : i32
      %dma_wait3A_474 = arith.constant 0 : i32
      %dma_wait3A_475 = tpu.memref_slice %arg18[%dma_wait3A_473, %dma_wait3A_474] : memref<100352x16xf32, #tpu.memory_space<vmem_shared>> -> memref<100352x16xf32, #tpu.memory_space<vmem_shared>>
      tpu.wait_indirect_dma semaphore(%arg16 : memref<!tpu.dma_semaphore, #tpu.memory_space<semaphore_mem>>) src(%dma_wait3A_469 : memref<128x16xf32, #tpu.memory_space<vmem>>) dst(%dma_wait3A_475 : memref<100352x16xf32, #tpu.memory_space<vmem_shared>>)
      %dma_wait3A_476 = arith.constant 0 : i32
      %dma_wait3A_477 = arith.constant 2 : i32
      %dma_wait3A_478 = arith.constant 0 : i32
      %dma_wait3A_479 = arith.constant 2 : i32
      %dma_wait3A_480 = arith.constant 0 : i32
      %dma_wait3A_481 = arith.constant 0 : i32
      %dma_wait3A_482 = tpu.memref_slice %arg9[%dma_wait3A_476, %dma_wait3A_477, %dma_wait3A_480, %dma_wait3A_481] : memref<2x4x128x16xf32, #tpu.memory_space<vmem>> -> memref<1x1x128x16xf32, #tpu.memory_space<vmem>>
      %dma_wait3A_483 = tpu.memref_squeeze %dma_wait3A_482 : memref<1x1x128x16xf32, #tpu.memory_space<vmem>> -> memref<128x16xf32, #tpu.memory_space<vmem>>
      %dma_wait3A_484 = arith.constant 0 : i32
      %dma_wait3A_485 = tpu.memref_slice %arg8[%dma_wait3A_478, %dma_wait3A_479, %dma_wait3A_484] : memref<2x8x128xi32, #tpu.memory_space<vmem>> -> memref<1x1x128xi32, #tpu.memory_space<vmem>>
      %dma_wait3A_486 = tpu.memref_squeeze %dma_wait3A_485 : memref<1x1x128xi32, #tpu.memory_space<vmem>> -> memref<128xi32, #tpu.memory_space<vmem>>
      %dma_wait3A_487 = arith.constant 0 : i32
      %dma_wait3A_488 = arith.constant 0 : i32
      %dma_wait3A_489 = tpu.memref_slice %arg18[%dma_wait3A_487, %dma_wait3A_488] : memref<100352x16xf32, #tpu.memory_space<vmem_shared>> -> memref<100352x16xf32, #tpu.memory_space<vmem_shared>>
      tpu.wait_indirect_dma semaphore(%arg16 : memref<!tpu.dma_semaphore, #tpu.memory_space<semaphore_mem>>) src(%dma_wait3A_483 : memref<128x16xf32, #tpu.memory_space<vmem>>) dst(%dma_wait3A_489 : memref<100352x16xf32, #tpu.memory_space<vmem_shared>>)
      %dma_wait3A_490 = arith.constant 0 : i32
      %dma_wait3A_491 = arith.constant 3 : i32
      %dma_wait3A_492 = arith.constant 0 : i32
      %dma_wait3A_493 = arith.constant 3 : i32
      %dma_wait3A_494 = arith.constant 0 : i32
      %dma_wait3A_495 = arith.constant 0 : i32
      %dma_wait3A_496 = tpu.memref_slice %arg9[%dma_wait3A_490, %dma_wait3A_491, %dma_wait3A_494, %dma_wait3A_495] : memref<2x4x128x16xf32, #tpu.memory_space<vmem>> -> memref<1x1x128x16xf32, #tpu.memory_space<vmem>>
      %dma_wait3A_497 = tpu.memref_squeeze %dma_wait3A_496 : memref<1x1x128x16xf32, #tpu.memory_space<vmem>> -> memref<128x16xf32, #tpu.memory_space<vmem>>
      %dma_wait3A_498 = arith.constant 0 : i32
      %dma_wait3A_499 = tpu.memref_slice %arg8[%dma_wait3A_492, %dma_wait3A_493, %dma_wait3A_498] : memref<2x8x128xi32, #tpu.memory_space<vmem>> -> memref<1x1x128xi32, #tpu.memory_space<vmem>>
      %dma_wait3A_500 = tpu.memref_squeeze %dma_wait3A_499 : memref<1x1x128xi32, #tpu.memory_space<vmem>> -> memref<128xi32, #tpu.memory_space<vmem>>
      %dma_wait3A_501 = arith.constant 0 : i32
      %dma_wait3A_502 = arith.constant 0 : i32
      %dma_wait3A_503 = tpu.memref_slice %arg18[%dma_wait3A_501, %dma_wait3A_502] : memref<100352x16xf32, #tpu.memory_space<vmem_shared>> -> memref<100352x16xf32, #tpu.memory_space<vmem_shared>>
      tpu.wait_indirect_dma semaphore(%arg16 : memref<!tpu.dma_semaphore, #tpu.memory_space<semaphore_mem>>) src(%dma_wait3A_497 : memref<128x16xf32, #tpu.memory_space<vmem>>) dst(%dma_wait3A_503 : memref<100352x16xf32, #tpu.memory_space<vmem_shared>>)
      %dma_wait3A_504 = arith.constant 1 : i32
      %dma_wait3A_505 = arith.constant 0 : i32
      %dma_wait3A_506 = arith.constant 0 : i32
      %dma_wait3A_507 = arith.constant 4 : i32
      %dma_wait3A_508 = arith.constant 0 : i32
      %dma_wait3A_509 = arith.constant 0 : i32
      %dma_wait3A_510 = tpu.memref_slice %arg9[%dma_wait3A_504, %dma_wait3A_505, %dma_wait3A_508, %dma_wait3A_509] : memref<2x4x128x16xf32, #tpu.memory_space<vmem>> -> memref<1x1x128x16xf32, #tpu.memory_space<vmem>>
      %dma_wait3A_511 = tpu.memref_squeeze %dma_wait3A_510 : memref<1x1x128x16xf32, #tpu.memory_space<vmem>> -> memref<128x16xf32, #tpu.memory_space<vmem>>
      %dma_wait3A_512 = arith.constant 0 : i32
      %dma_wait3A_513 = tpu.memref_slice %arg8[%dma_wait3A_506, %dma_wait3A_507, %dma_wait3A_512] : memref<2x8x128xi32, #tpu.memory_space<vmem>> -> memref<1x1x128xi32, #tpu.memory_space<vmem>>
      %dma_wait3A_514 = tpu.memref_squeeze %dma_wait3A_513 : memref<1x1x128xi32, #tpu.memory_space<vmem>> -> memref<128xi32, #tpu.memory_space<vmem>>
      %dma_wait3A_515 = arith.constant 0 : i32
      %dma_wait3A_516 = arith.constant 0 : i32
      %dma_wait3A_517 = tpu.memref_slice %arg18[%dma_wait3A_515, %dma_wait3A_516] : memref<100352x16xf32, #tpu.memory_space<vmem_shared>> -> memref<100352x16xf32, #tpu.memory_space<vmem_shared>>
      tpu.wait_indirect_dma semaphore(%arg17 : memref<!tpu.dma_semaphore, #tpu.memory_space<semaphore_mem>>) src(%dma_wait3A_511 : memref<128x16xf32, #tpu.memory_space<vmem>>) dst(%dma_wait3A_517 : memref<100352x16xf32, #tpu.memory_space<vmem_shared>>)
      %dma_wait3A_518 = arith.constant 1 : i32
      %dma_wait3A_519 = arith.constant 1 : i32
      %dma_wait3A_520 = arith.constant 0 : i32
      %dma_wait3A_521 = arith.constant 5 : i32
      %dma_wait3A_522 = arith.constant 0 : i32
      %dma_wait3A_523 = arith.constant 0 : i32
      %dma_wait3A_524 = tpu.memref_slice %arg9[%dma_wait3A_518, %dma_wait3A_519, %dma_wait3A_522, %dma_wait3A_523] : memref<2x4x128x16xf32, #tpu.memory_space<vmem>> -> memref<1x1x128x16xf32, #tpu.memory_space<vmem>>
      %dma_wait3A_525 = tpu.memref_squeeze %dma_wait3A_524 : memref<1x1x128x16xf32, #tpu.memory_space<vmem>> -> memref<128x16xf32, #tpu.memory_space<vmem>>
      %dma_wait3A_526 = arith.constant 0 : i32
      %dma_wait3A_527 = tpu.memref_slice %arg8[%dma_wait3A_520, %dma_wait3A_521, %dma_wait3A_526] : memref<2x8x128xi32, #tpu.memory_space<vmem>> -> memref<1x1x128xi32, #tpu.memory_space<vmem>>
      %dma_wait3A_528 = tpu.memref_squeeze %dma_wait3A_527 : memref<1x1x128xi32, #tpu.memory_space<vmem>> -> memref<128xi32, #tpu.memory_space<vmem>>
      %dma_wait3A_529 = arith.constant 0 : i32
      %dma_wait3A_530 = arith.constant 0 : i32
      %dma_wait3A_531 = tpu.memref_slice %arg18[%dma_wait3A_529, %dma_wait3A_530] : memref<100352x16xf32, #tpu.memory_space<vmem_shared>> -> memref<100352x16xf32, #tpu.memory_space<vmem_shared>>
      tpu.wait_indirect_dma semaphore(%arg17 : memref<!tpu.dma_semaphore, #tpu.memory_space<semaphore_mem>>) src(%dma_wait3A_525 : memref<128x16xf32, #tpu.memory_space<vmem>>) dst(%dma_wait3A_531 : memref<100352x16xf32, #tpu.memory_space<vmem_shared>>)
      %dma_wait3A_532 = arith.constant 1 : i32
      %dma_wait3A_533 = arith.constant 2 : i32
      %dma_wait3A_534 = arith.constant 0 : i32
      %dma_wait3A_535 = arith.constant 6 : i32
      %dma_wait3A_536 = arith.constant 0 : i32
      %dma_wait3A_537 = arith.constant 0 : i32
      %dma_wait3A_538 = tpu.memref_slice %arg9[%dma_wait3A_532, %dma_wait3A_533, %dma_wait3A_536, %dma_wait3A_537] : memref<2x4x128x16xf32, #tpu.memory_space<vmem>> -> memref<1x1x128x16xf32, #tpu.memory_space<vmem>>
      %dma_wait3A_539 = tpu.memref_squeeze %dma_wait3A_538 : memref<1x1x128x16xf32, #tpu.memory_space<vmem>> -> memref<128x16xf32, #tpu.memory_space<vmem>>
      %dma_wait3A_540 = arith.constant 0 : i32
      %dma_wait3A_541 = tpu.memref_slice %arg8[%dma_wait3A_534, %dma_wait3A_535, %dma_wait3A_540] : memref<2x8x128xi32, #tpu.memory_space<vmem>> -> memref<1x1x128xi32, #tpu.memory_space<vmem>>
      %dma_wait3A_542 = tpu.memref_squeeze %dma_wait3A_541 : memref<1x1x128xi32, #tpu.memory_space<vmem>> -> memref<128xi32, #tpu.memory_space<vmem>>
      %dma_wait3A_543 = arith.constant 0 : i32
      %dma_wait3A_544 = arith.constant 0 : i32
      %dma_wait3A_545 = tpu.memref_slice %arg18[%dma_wait3A_543, %dma_wait3A_544] : memref<100352x16xf32, #tpu.memory_space<vmem_shared>> -> memref<100352x16xf32, #tpu.memory_space<vmem_shared>>
      tpu.wait_indirect_dma semaphore(%arg17 : memref<!tpu.dma_semaphore, #tpu.memory_space<semaphore_mem>>) src(%dma_wait3A_539 : memref<128x16xf32, #tpu.memory_space<vmem>>) dst(%dma_wait3A_545 : memref<100352x16xf32, #tpu.memory_space<vmem_shared>>)
      %dma_wait3A_546 = arith.constant 1 : i32
      %dma_wait3A_547 = arith.constant 3 : i32
      %dma_wait3A_548 = arith.constant 0 : i32
      %dma_wait3A_549 = arith.constant 7 : i32
      %dma_wait3A_550 = arith.constant 0 : i32
      %dma_wait3A_551 = arith.constant 0 : i32
      %dma_wait3A_552 = tpu.memref_slice %arg9[%dma_wait3A_546, %dma_wait3A_547, %dma_wait3A_550, %dma_wait3A_551] : memref<2x4x128x16xf32, #tpu.memory_space<vmem>> -> memref<1x1x128x16xf32, #tpu.memory_space<vmem>>
      %dma_wait3A_553 = tpu.memref_squeeze %dma_wait3A_552 : memref<1x1x128x16xf32, #tpu.memory_space<vmem>> -> memref<128x16xf32, #tpu.memory_space<vmem>>
      %dma_wait3A_554 = arith.constant 0 : i32
      %dma_wait3A_555 = tpu.memref_slice %arg8[%dma_wait3A_548, %dma_wait3A_549, %dma_wait3A_554] : memref<2x8x128xi32, #tpu.memory_space<vmem>> -> memref<1x1x128xi32, #tpu.memory_space<vmem>>
      %dma_wait3A_556 = tpu.memref_squeeze %dma_wait3A_555 : memref<1x1x128xi32, #tpu.memory_space<vmem>> -> memref<128xi32, #tpu.memory_space<vmem>>
      %dma_wait3A_557 = arith.constant 0 : i32
      %dma_wait3A_558 = arith.constant 0 : i32
      %dma_wait3A_559 = tpu.memref_slice %arg18[%dma_wait3A_557, %dma_wait3A_558] : memref<100352x16xf32, #tpu.memory_space<vmem_shared>> -> memref<100352x16xf32, #tpu.memory_space<vmem_shared>>
      tpu.wait_indirect_dma semaphore(%arg17 : memref<!tpu.dma_semaphore, #tpu.memory_space<semaphore_mem>>) src(%dma_wait3A_553 : memref<128x16xf32, #tpu.memory_space<vmem>>) dst(%dma_wait3A_559 : memref<100352x16xf32, #tpu.memory_space<vmem_shared>>)
      %not3A = arith.constant true
      %not3A_560 = arith.xori %ge3A_77, %not3A : i1
      %convert_element_type3A = arith.extui %not3A_560 : i1 to i32
      %cond3A = arith.constant 0 : i32
      %cond3A_561 = arith.cmpi ne, %convert_element_type3A, %cond3A : i32
      scf.if %cond3A_561 {
        %add3A_1052 = arith.constant 2 : i32
        %add3A_1053 = arith.addi %mul3A_79, %add3A_1052 : i32
        %mul3A_1054 = arith.constant 1568 : i32
        %mul3A_1055 = arith.muli %add3A, %mul3A_1054 : i32
        %mul3A_1056 = arith.constant 2 : i32
        %mul3A_1057 = arith.muli %add3A_1053, %mul3A_1056 : i32
        %mul3A_1058 = arith.constant 4 : i32
        %mul3A_1059 = arith.muli %mul3A_1057, %mul3A_1058 : i32
        %add3A_1060 = arith.addi %mul3A_1055, %mul3A_1059 : i32
        %dma_start3A_1061 = arith.constant 0 : i32
        %dma_start3A_1062 = arith.constant 0 : i32
        %dma_start3A_1063 = arith.constant 0 : i32
        %dma_start3A_1064 = tpu.memref_slice %arg7[%dma_start3A_1061, %dma_start3A_1062, %dma_start3A_1063] : memref<2x8x128xi32, #tpu.memory_space<vmem>> -> memref<1x8x128xi32, #tpu.memory_space<vmem>>
        %dma_start3A_1065 = tpu.memref_squeeze %dma_start3A_1064 : memref<1x8x128xi32, #tpu.memory_space<vmem>> -> memref<8x128xi32, #tpu.memory_space<vmem>>
        %dma_start3A_1066 = arith.constant 0 : i32
        %dma_start3A_1067 = tpu.memref_slice %arg2[%add3A_1060, %dma_start3A_1066] : memref<50176x128xi32, #tpu.memory_space<hbm>> -> memref<8x128xi32, #tpu.memory_space<hbm>>
        %dma_start3A_1068 = arith.constant 0 : i32
        %dma_start3A_1069 = arith.constant 0 : i32
        %dma_start3A_1070 = tpu.memref_slice %arg7[%dma_start3A_1061, %dma_start3A_1068, %dma_start3A_1069] : memref<2x8x128xi32, #tpu.memory_space<vmem>> -> memref<1x8x128xi32, #tpu.memory_space<vmem>>
        %dma_start3A_1071 = tpu.memref_squeeze %dma_start3A_1070 : memref<1x8x128xi32, #tpu.memory_space<vmem>> -> memref<8x128xi32, #tpu.memory_space<vmem>>
        %dma_start3A_1072 = arith.constant 0 : i32
        %dma_start3A_1073 = tpu.memref_slice %arg2[%add3A_1060, %dma_start3A_1072] : memref<50176x128xi32, #tpu.memory_space<hbm>> -> memref<8x128xi32, #tpu.memory_space<hbm>>
        tpu.enqueue_dma source(%dma_start3A_1073 : memref<8x128xi32, #tpu.memory_space<hbm>>) target(%dma_start3A_1071 : memref<8x128xi32, #tpu.memory_space<vmem>>) target_semaphore(%arg10 : memref<!tpu.dma_semaphore, #tpu.memory_space<semaphore_mem>>)
        %dma_start3A_1074 = arith.constant 0 : i32
        %dma_start3A_1075 = arith.constant 0 : i32
        %dma_start3A_1076 = arith.constant 0 : i32
        %dma_start3A_1077 = tpu.memref_slice %arg8[%dma_start3A_1074, %dma_start3A_1075, %dma_start3A_1076] : memref<2x8x128xi32, #tpu.memory_space<vmem>> -> memref<1x8x128xi32, #tpu.memory_space<vmem>>
        %dma_start3A_1078 = tpu.memref_squeeze %dma_start3A_1077 : memref<1x8x128xi32, #tpu.memory_space<vmem>> -> memref<8x128xi32, #tpu.memory_space<vmem>>
        %dma_start3A_1079 = arith.constant 0 : i32
        %dma_start3A_1080 = tpu.memref_slice %arg3[%add3A_1060, %dma_start3A_1079] : memref<50176x128xi32, #tpu.memory_space<hbm>> -> memref<8x128xi32, #tpu.memory_space<hbm>>
        %dma_start3A_1081 = arith.constant 0 : i32
        %dma_start3A_1082 = arith.constant 0 : i32
        %dma_start3A_1083 = tpu.memref_slice %arg8[%dma_start3A_1074, %dma_start3A_1081, %dma_start3A_1082] : memref<2x8x128xi32, #tpu.memory_space<vmem>> -> memref<1x8x128xi32, #tpu.memory_space<vmem>>
        %dma_start3A_1084 = tpu.memref_squeeze %dma_start3A_1083 : memref<1x8x128xi32, #tpu.memory_space<vmem>> -> memref<8x128xi32, #tpu.memory_space<vmem>>
        %dma_start3A_1085 = arith.constant 0 : i32
        %dma_start3A_1086 = tpu.memref_slice %arg3[%add3A_1060, %dma_start3A_1085] : memref<50176x128xi32, #tpu.memory_space<hbm>> -> memref<8x128xi32, #tpu.memory_space<hbm>>
        tpu.enqueue_dma source(%dma_start3A_1086 : memref<8x128xi32, #tpu.memory_space<hbm>>) target(%dma_start3A_1084 : memref<8x128xi32, #tpu.memory_space<vmem>>) target_semaphore(%arg12 : memref<!tpu.dma_semaphore, #tpu.memory_space<semaphore_mem>>)
      } else {
      }
      %mul3A_562 = arith.constant 2 : i32
      %mul3A_563 = arith.muli %mul3A_562, %scan3A_76 : i32
      %add3A_564 = arith.constant 1 : i32
      %add3A_565 = arith.addi %mul3A_563, %add3A_564 : i32
      %mul3A_566 = arith.constant 1568 : i32
      %mul3A_567 = arith.muli %add3A, %mul3A_566 : i32
      %mul3A_568 = arith.constant 2 : i32
      %mul3A_569 = arith.muli %add3A_565, %mul3A_568 : i32
      %mul3A_570 = arith.constant 4 : i32
      %mul3A_571 = arith.muli %mul3A_569, %mul3A_570 : i32
      %add3A_572 = arith.addi %mul3A_567, %mul3A_571 : i32
      %dma_wait3A_573 = arith.constant 1 : i32
      %dma_wait3A_574 = arith.constant 0 : i32
      %dma_wait3A_575 = arith.constant 0 : i32
      %dma_wait3A_576 = tpu.memref_slice %arg7[%dma_wait3A_573, %dma_wait3A_574, %dma_wait3A_575] : memref<2x8x128xi32, #tpu.memory_space<vmem>> -> memref<1x8x128xi32, #tpu.memory_space<vmem>>
      %dma_wait3A_577 = tpu.memref_squeeze %dma_wait3A_576 : memref<1x8x128xi32, #tpu.memory_space<vmem>> -> memref<8x128xi32, #tpu.memory_space<vmem>>
      %dma_wait3A_578 = arith.constant 0 : i32
      %dma_wait3A_579 = tpu.memref_slice %arg2[%add3A_572, %dma_wait3A_578] : memref<50176x128xi32, #tpu.memory_space<hbm>> -> memref<8x128xi32, #tpu.memory_space<hbm>>
      %dma_wait3A_580 = arith.constant 0 : i32
      %dma_wait3A_581 = arith.constant 0 : i32
      %dma_wait3A_582 = tpu.memref_slice %arg7[%dma_wait3A_573, %dma_wait3A_580, %dma_wait3A_581] : memref<2x8x128xi32, #tpu.memory_space<vmem>> -> memref<1x8x128xi32, #tpu.memory_space<vmem>>
      %dma_wait3A_583 = tpu.memref_squeeze %dma_wait3A_582 : memref<1x8x128xi32, #tpu.memory_space<vmem>> -> memref<8x128xi32, #tpu.memory_space<vmem>>
      %dma_wait3A_584 = arith.constant 0 : i32
      %dma_wait3A_585 = tpu.memref_slice %arg2[%add3A_572, %dma_wait3A_584] : memref<50176x128xi32, #tpu.memory_space<hbm>> -> memref<8x128xi32, #tpu.memory_space<hbm>>
      tpu.wait_dma2 semaphore(%arg11 : memref<!tpu.dma_semaphore, #tpu.memory_space<semaphore_mem>>) src(%dma_wait3A_585 : memref<8x128xi32, #tpu.memory_space<hbm>>) dst(%dma_wait3A_583 : memref<8x128xi32, #tpu.memory_space<vmem>>)
      %dma_wait3A_586 = arith.constant 1 : i32
      %dma_wait3A_587 = arith.constant 0 : i32
      %dma_wait3A_588 = arith.constant 0 : i32
      %dma_wait3A_589 = tpu.memref_slice %arg8[%dma_wait3A_586, %dma_wait3A_587, %dma_wait3A_588] : memref<2x8x128xi32, #tpu.memory_space<vmem>> -> memref<1x8x128xi32, #tpu.memory_space<vmem>>
      %dma_wait3A_590 = tpu.memref_squeeze %dma_wait3A_589 : memref<1x8x128xi32, #tpu.memory_space<vmem>> -> memref<8x128xi32, #tpu.memory_space<vmem>>
      %dma_wait3A_591 = arith.constant 0 : i32
      %dma_wait3A_592 = tpu.memref_slice %arg3[%add3A_572, %dma_wait3A_591] : memref<50176x128xi32, #tpu.memory_space<hbm>> -> memref<8x128xi32, #tpu.memory_space<hbm>>
      %dma_wait3A_593 = arith.constant 0 : i32
      %dma_wait3A_594 = arith.constant 0 : i32
      %dma_wait3A_595 = tpu.memref_slice %arg8[%dma_wait3A_586, %dma_wait3A_593, %dma_wait3A_594] : memref<2x8x128xi32, #tpu.memory_space<vmem>> -> memref<1x8x128xi32, #tpu.memory_space<vmem>>
      %dma_wait3A_596 = tpu.memref_squeeze %dma_wait3A_595 : memref<1x8x128xi32, #tpu.memory_space<vmem>> -> memref<8x128xi32, #tpu.memory_space<vmem>>
      %dma_wait3A_597 = arith.constant 0 : i32
      %dma_wait3A_598 = tpu.memref_slice %arg3[%add3A_572, %dma_wait3A_597] : memref<50176x128xi32, #tpu.memory_space<hbm>> -> memref<8x128xi32, #tpu.memory_space<hbm>>
      tpu.wait_dma2 semaphore(%arg13 : memref<!tpu.dma_semaphore, #tpu.memory_space<semaphore_mem>>) src(%dma_wait3A_598 : memref<8x128xi32, #tpu.memory_space<hbm>>) dst(%dma_wait3A_596 : memref<8x128xi32, #tpu.memory_space<vmem>>)
      %dma_start3A_599 = arith.constant 1 : i32
      %dma_start3A_600 = arith.constant 0 : i32
      %dma_start3A_601 = arith.constant 0 : i32
      %dma_start3A_602 = arith.constant 0 : i32
      %dma_start3A_603 = arith.constant 0 : i32
      %dma_start3A_604 = arith.constant 0 : i32
      %dma_start3A_605 = tpu.memref_slice %arg9[%dma_start3A_601, %dma_start3A_602, %dma_start3A_603, %dma_start3A_604] : memref<2x4x128x16xf32, #tpu.memory_space<vmem>> -> memref<1x1x128x16xf32, #tpu.memory_space<vmem>>
      %dma_start3A_606 = tpu.memref_squeeze %dma_start3A_605 : memref<1x1x128x16xf32, #tpu.memory_space<vmem>> -> memref<128x16xf32, #tpu.memory_space<vmem>>
      %dma_start3A_607 = arith.constant 0 : i32
      %dma_start3A_608 = tpu.memref_slice %arg7[%dma_start3A_599, %dma_start3A_600, %dma_start3A_607] : memref<2x8x128xi32, #tpu.memory_space<vmem>> -> memref<1x1x128xi32, #tpu.memory_space<vmem>>
      %dma_start3A_609 = tpu.memref_squeeze %dma_start3A_608 : memref<1x1x128xi32, #tpu.memory_space<vmem>> -> memref<128xi32, #tpu.memory_space<vmem>>
      %dma_start3A_610 = arith.constant 0 : i32
      %dma_start3A_611 = arith.constant 0 : i32
      %dma_start3A_612 = tpu.memref_slice %arg4[%dma_start3A_610, %dma_start3A_611] : memref<100352x16xf32, #tpu.memory_space<hbm>> -> memref<100352x16xf32, #tpu.memory_space<hbm>>
      tpu.enqueue_indirect_dma source(%dma_start3A_612 : memref<100352x16xf32, #tpu.memory_space<hbm>>) target(%dma_start3A_606 : memref<128x16xf32, #tpu.memory_space<vmem>>) offsets(%dma_start3A_609 : memref<128xi32, #tpu.memory_space<vmem>>) semaphore(%arg14 : memref<!tpu.dma_semaphore, #tpu.memory_space<semaphore_mem>>)
      %dma_start3A_613 = arith.constant 1 : i32
      %dma_start3A_614 = arith.constant 1 : i32
      %dma_start3A_615 = arith.constant 0 : i32
      %dma_start3A_616 = arith.constant 1 : i32
      %dma_start3A_617 = arith.constant 0 : i32
      %dma_start3A_618 = arith.constant 0 : i32
      %dma_start3A_619 = tpu.memref_slice %arg9[%dma_start3A_615, %dma_start3A_616, %dma_start3A_617, %dma_start3A_618] : memref<2x4x128x16xf32, #tpu.memory_space<vmem>> -> memref<1x1x128x16xf32, #tpu.memory_space<vmem>>
      %dma_start3A_620 = tpu.memref_squeeze %dma_start3A_619 : memref<1x1x128x16xf32, #tpu.memory_space<vmem>> -> memref<128x16xf32, #tpu.memory_space<vmem>>
      %dma_start3A_621 = arith.constant 0 : i32
      %dma_start3A_622 = tpu.memref_slice %arg7[%dma_start3A_613, %dma_start3A_614, %dma_start3A_621] : memref<2x8x128xi32, #tpu.memory_space<vmem>> -> memref<1x1x128xi32, #tpu.memory_space<vmem>>
      %dma_start3A_623 = tpu.memref_squeeze %dma_start3A_622 : memref<1x1x128xi32, #tpu.memory_space<vmem>> -> memref<128xi32, #tpu.memory_space<vmem>>
      %dma_start3A_624 = arith.constant 0 : i32
      %dma_start3A_625 = arith.constant 0 : i32
      %dma_start3A_626 = tpu.memref_slice %arg4[%dma_start3A_624, %dma_start3A_625] : memref<100352x16xf32, #tpu.memory_space<hbm>> -> memref<100352x16xf32, #tpu.memory_space<hbm>>
      tpu.enqueue_indirect_dma source(%dma_start3A_626 : memref<100352x16xf32, #tpu.memory_space<hbm>>) target(%dma_start3A_620 : memref<128x16xf32, #tpu.memory_space<vmem>>) offsets(%dma_start3A_623 : memref<128xi32, #tpu.memory_space<vmem>>) semaphore(%arg14 : memref<!tpu.dma_semaphore, #tpu.memory_space<semaphore_mem>>)
      %dma_start3A_627 = arith.constant 1 : i32
      %dma_start3A_628 = arith.constant 2 : i32
      %dma_start3A_629 = arith.constant 0 : i32
      %dma_start3A_630 = arith.constant 2 : i32
      %dma_start3A_631 = arith.constant 0 : i32
      %dma_start3A_632 = arith.constant 0 : i32
      %dma_start3A_633 = tpu.memref_slice %arg9[%dma_start3A_629, %dma_start3A_630, %dma_start3A_631, %dma_start3A_632] : memref<2x4x128x16xf32, #tpu.memory_space<vmem>> -> memref<1x1x128x16xf32, #tpu.memory_space<vmem>>
      %dma_start3A_634 = tpu.memref_squeeze %dma_start3A_633 : memref<1x1x128x16xf32, #tpu.memory_space<vmem>> -> memref<128x16xf32, #tpu.memory_space<vmem>>
      %dma_start3A_635 = arith.constant 0 : i32
      %dma_start3A_636 = tpu.memref_slice %arg7[%dma_start3A_627, %dma_start3A_628, %dma_start3A_635] : memref<2x8x128xi32, #tpu.memory_space<vmem>> -> memref<1x1x128xi32, #tpu.memory_space<vmem>>
      %dma_start3A_637 = tpu.memref_squeeze %dma_start3A_636 : memref<1x1x128xi32, #tpu.memory_space<vmem>> -> memref<128xi32, #tpu.memory_space<vmem>>
      %dma_start3A_638 = arith.constant 0 : i32
      %dma_start3A_639 = arith.constant 0 : i32
      %dma_start3A_640 = tpu.memref_slice %arg4[%dma_start3A_638, %dma_start3A_639] : memref<100352x16xf32, #tpu.memory_space<hbm>> -> memref<100352x16xf32, #tpu.memory_space<hbm>>
      tpu.enqueue_indirect_dma source(%dma_start3A_640 : memref<100352x16xf32, #tpu.memory_space<hbm>>) target(%dma_start3A_634 : memref<128x16xf32, #tpu.memory_space<vmem>>) offsets(%dma_start3A_637 : memref<128xi32, #tpu.memory_space<vmem>>) semaphore(%arg14 : memref<!tpu.dma_semaphore, #tpu.memory_space<semaphore_mem>>)
      %dma_start3A_641 = arith.constant 1 : i32
      %dma_start3A_642 = arith.constant 3 : i32
      %dma_start3A_643 = arith.constant 0 : i32
      %dma_start3A_644 = arith.constant 3 : i32
      %dma_start3A_645 = arith.constant 0 : i32
      %dma_start3A_646 = arith.constant 0 : i32
      %dma_start3A_647 = tpu.memref_slice %arg9[%dma_start3A_643, %dma_start3A_644, %dma_start3A_645, %dma_start3A_646] : memref<2x4x128x16xf32, #tpu.memory_space<vmem>> -> memref<1x1x128x16xf32, #tpu.memory_space<vmem>>
      %dma_start3A_648 = tpu.memref_squeeze %dma_start3A_647 : memref<1x1x128x16xf32, #tpu.memory_space<vmem>> -> memref<128x16xf32, #tpu.memory_space<vmem>>
      %dma_start3A_649 = arith.constant 0 : i32
      %dma_start3A_650 = tpu.memref_slice %arg7[%dma_start3A_641, %dma_start3A_642, %dma_start3A_649] : memref<2x8x128xi32, #tpu.memory_space<vmem>> -> memref<1x1x128xi32, #tpu.memory_space<vmem>>
      %dma_start3A_651 = tpu.memref_squeeze %dma_start3A_650 : memref<1x1x128xi32, #tpu.memory_space<vmem>> -> memref<128xi32, #tpu.memory_space<vmem>>
      %dma_start3A_652 = arith.constant 0 : i32
      %dma_start3A_653 = arith.constant 0 : i32
      %dma_start3A_654 = tpu.memref_slice %arg4[%dma_start3A_652, %dma_start3A_653] : memref<100352x16xf32, #tpu.memory_space<hbm>> -> memref<100352x16xf32, #tpu.memory_space<hbm>>
      tpu.enqueue_indirect_dma source(%dma_start3A_654 : memref<100352x16xf32, #tpu.memory_space<hbm>>) target(%dma_start3A_648 : memref<128x16xf32, #tpu.memory_space<vmem>>) offsets(%dma_start3A_651 : memref<128xi32, #tpu.memory_space<vmem>>) semaphore(%arg14 : memref<!tpu.dma_semaphore, #tpu.memory_space<semaphore_mem>>)
      %dma_start3A_655 = arith.constant 1 : i32
      %dma_start3A_656 = arith.constant 4 : i32
      %dma_start3A_657 = arith.constant 1 : i32
      %dma_start3A_658 = arith.constant 0 : i32
      %dma_start3A_659 = arith.constant 0 : i32
      %dma_start3A_660 = arith.constant 0 : i32
      %dma_start3A_661 = tpu.memref_slice %arg9[%dma_start3A_657, %dma_start3A_658, %dma_start3A_659, %dma_start3A_660] : memref<2x4x128x16xf32, #tpu.memory_space<vmem>> -> memref<1x1x128x16xf32, #tpu.memory_space<vmem>>
      %dma_start3A_662 = tpu.memref_squeeze %dma_start3A_661 : memref<1x1x128x16xf32, #tpu.memory_space<vmem>> -> memref<128x16xf32, #tpu.memory_space<vmem>>
      %dma_start3A_663 = arith.constant 0 : i32
      %dma_start3A_664 = tpu.memref_slice %arg7[%dma_start3A_655, %dma_start3A_656, %dma_start3A_663] : memref<2x8x128xi32, #tpu.memory_space<vmem>> -> memref<1x1x128xi32, #tpu.memory_space<vmem>>
      %dma_start3A_665 = tpu.memref_squeeze %dma_start3A_664 : memref<1x1x128xi32, #tpu.memory_space<vmem>> -> memref<128xi32, #tpu.memory_space<vmem>>
      %dma_start3A_666 = arith.constant 0 : i32
      %dma_start3A_667 = arith.constant 0 : i32
      %dma_start3A_668 = tpu.memref_slice %arg4[%dma_start3A_666, %dma_start3A_667] : memref<100352x16xf32, #tpu.memory_space<hbm>> -> memref<100352x16xf32, #tpu.memory_space<hbm>>
      tpu.enqueue_indirect_dma source(%dma_start3A_668 : memref<100352x16xf32, #tpu.memory_space<hbm>>) target(%dma_start3A_662 : memref<128x16xf32, #tpu.memory_space<vmem>>) offsets(%dma_start3A_665 : memref<128xi32, #tpu.memory_space<vmem>>) semaphore(%arg15 : memref<!tpu.dma_semaphore, #tpu.memory_space<semaphore_mem>>)
      %dma_start3A_669 = arith.constant 1 : i32
      %dma_start3A_670 = arith.constant 5 : i32
      %dma_start3A_671 = arith.constant 1 : i32
      %dma_start3A_672 = arith.constant 1 : i32
      %dma_start3A_673 = arith.constant 0 : i32
      %dma_start3A_674 = arith.constant 0 : i32
      %dma_start3A_675 = tpu.memref_slice %arg9[%dma_start3A_671, %dma_start3A_672, %dma_start3A_673, %dma_start3A_674] : memref<2x4x128x16xf32, #tpu.memory_space<vmem>> -> memref<1x1x128x16xf32, #tpu.memory_space<vmem>>
      %dma_start3A_676 = tpu.memref_squeeze %dma_start3A_675 : memref<1x1x128x16xf32, #tpu.memory_space<vmem>> -> memref<128x16xf32, #tpu.memory_space<vmem>>
      %dma_start3A_677 = arith.constant 0 : i32
      %dma_start3A_678 = tpu.memref_slice %arg7[%dma_start3A_669, %dma_start3A_670, %dma_start3A_677] : memref<2x8x128xi32, #tpu.memory_space<vmem>> -> memref<1x1x128xi32, #tpu.memory_space<vmem>>
      %dma_start3A_679 = tpu.memref_squeeze %dma_start3A_678 : memref<1x1x128xi32, #tpu.memory_space<vmem>> -> memref<128xi32, #tpu.memory_space<vmem>>
      %dma_start3A_680 = arith.constant 0 : i32
      %dma_start3A_681 = arith.constant 0 : i32
      %dma_start3A_682 = tpu.memref_slice %arg4[%dma_start3A_680, %dma_start3A_681] : memref<100352x16xf32, #tpu.memory_space<hbm>> -> memref<100352x16xf32, #tpu.memory_space<hbm>>
      tpu.enqueue_indirect_dma source(%dma_start3A_682 : memref<100352x16xf32, #tpu.memory_space<hbm>>) target(%dma_start3A_676 : memref<128x16xf32, #tpu.memory_space<vmem>>) offsets(%dma_start3A_679 : memref<128xi32, #tpu.memory_space<vmem>>) semaphore(%arg15 : memref<!tpu.dma_semaphore, #tpu.memory_space<semaphore_mem>>)
      %dma_start3A_683 = arith.constant 1 : i32
      %dma_start3A_684 = arith.constant 6 : i32
      %dma_start3A_685 = arith.constant 1 : i32
      %dma_start3A_686 = arith.constant 2 : i32
      %dma_start3A_687 = arith.constant 0 : i32
      %dma_start3A_688 = arith.constant 0 : i32
      %dma_start3A_689 = tpu.memref_slice %arg9[%dma_start3A_685, %dma_start3A_686, %dma_start3A_687, %dma_start3A_688] : memref<2x4x128x16xf32, #tpu.memory_space<vmem>> -> memref<1x1x128x16xf32, #tpu.memory_space<vmem>>
      %dma_start3A_690 = tpu.memref_squeeze %dma_start3A_689 : memref<1x1x128x16xf32, #tpu.memory_space<vmem>> -> memref<128x16xf32, #tpu.memory_space<vmem>>
      %dma_start3A_691 = arith.constant 0 : i32
      %dma_start3A_692 = tpu.memref_slice %arg7[%dma_start3A_683, %dma_start3A_684, %dma_start3A_691] : memref<2x8x128xi32, #tpu.memory_space<vmem>> -> memref<1x1x128xi32, #tpu.memory_space<vmem>>
      %dma_start3A_693 = tpu.memref_squeeze %dma_start3A_692 : memref<1x1x128xi32, #tpu.memory_space<vmem>> -> memref<128xi32, #tpu.memory_space<vmem>>
      %dma_start3A_694 = arith.constant 0 : i32
      %dma_start3A_695 = arith.constant 0 : i32
      %dma_start3A_696 = tpu.memref_slice %arg4[%dma_start3A_694, %dma_start3A_695] : memref<100352x16xf32, #tpu.memory_space<hbm>> -> memref<100352x16xf32, #tpu.memory_space<hbm>>
      tpu.enqueue_indirect_dma source(%dma_start3A_696 : memref<100352x16xf32, #tpu.memory_space<hbm>>) target(%dma_start3A_690 : memref<128x16xf32, #tpu.memory_space<vmem>>) offsets(%dma_start3A_693 : memref<128xi32, #tpu.memory_space<vmem>>) semaphore(%arg15 : memref<!tpu.dma_semaphore, #tpu.memory_space<semaphore_mem>>)
      %dma_start3A_697 = arith.constant 1 : i32
      %dma_start3A_698 = arith.constant 7 : i32
      %dma_start3A_699 = arith.constant 1 : i32
      %dma_start3A_700 = arith.constant 3 : i32
      %dma_start3A_701 = arith.constant 0 : i32
      %dma_start3A_702 = arith.constant 0 : i32
      %dma_start3A_703 = tpu.memref_slice %arg9[%dma_start3A_699, %dma_start3A_700, %dma_start3A_701, %dma_start3A_702] : memref<2x4x128x16xf32, #tpu.memory_space<vmem>> -> memref<1x1x128x16xf32, #tpu.memory_space<vmem>>
      %dma_start3A_704 = tpu.memref_squeeze %dma_start3A_703 : memref<1x1x128x16xf32, #tpu.memory_space<vmem>> -> memref<128x16xf32, #tpu.memory_space<vmem>>
      %dma_start3A_705 = arith.constant 0 : i32
      %dma_start3A_706 = tpu.memref_slice %arg7[%dma_start3A_697, %dma_start3A_698, %dma_start3A_705] : memref<2x8x128xi32, #tpu.memory_space<vmem>> -> memref<1x1x128xi32, #tpu.memory_space<vmem>>
      %dma_start3A_707 = tpu.memref_squeeze %dma_start3A_706 : memref<1x1x128xi32, #tpu.memory_space<vmem>> -> memref<128xi32, #tpu.memory_space<vmem>>
      %dma_start3A_708 = arith.constant 0 : i32
      %dma_start3A_709 = arith.constant 0 : i32
      %dma_start3A_710 = tpu.memref_slice %arg4[%dma_start3A_708, %dma_start3A_709] : memref<100352x16xf32, #tpu.memory_space<hbm>> -> memref<100352x16xf32, #tpu.memory_space<hbm>>
      tpu.enqueue_indirect_dma source(%dma_start3A_710 : memref<100352x16xf32, #tpu.memory_space<hbm>>) target(%dma_start3A_704 : memref<128x16xf32, #tpu.memory_space<vmem>>) offsets(%dma_start3A_707 : memref<128xi32, #tpu.memory_space<vmem>>) semaphore(%arg15 : memref<!tpu.dma_semaphore, #tpu.memory_space<semaphore_mem>>)
      %dma_wait3A_711 = arith.constant 1 : i32
      %dma_wait3A_712 = arith.constant 0 : i32
      %dma_wait3A_713 = arith.constant 0 : i32
      %dma_wait3A_714 = arith.constant 0 : i32
      %dma_wait3A_715 = arith.constant 0 : i32
      %dma_wait3A_716 = arith.constant 0 : i32
      %dma_wait3A_717 = tpu.memref_slice %arg9[%dma_wait3A_713, %dma_wait3A_714, %dma_wait3A_715, %dma_wait3A_716] : memref<2x4x128x16xf32, #tpu.memory_space<vmem>> -> memref<1x1x128x16xf32, #tpu.memory_space<vmem>>
      %dma_wait3A_718 = tpu.memref_squeeze %dma_wait3A_717 : memref<1x1x128x16xf32, #tpu.memory_space<vmem>> -> memref<128x16xf32, #tpu.memory_space<vmem>>
      %dma_wait3A_719 = arith.constant 0 : i32
      %dma_wait3A_720 = tpu.memref_slice %arg7[%dma_wait3A_711, %dma_wait3A_712, %dma_wait3A_719] : memref<2x8x128xi32, #tpu.memory_space<vmem>> -> memref<1x1x128xi32, #tpu.memory_space<vmem>>
      %dma_wait3A_721 = tpu.memref_squeeze %dma_wait3A_720 : memref<1x1x128xi32, #tpu.memory_space<vmem>> -> memref<128xi32, #tpu.memory_space<vmem>>
      %dma_wait3A_722 = arith.constant 0 : i32
      %dma_wait3A_723 = arith.constant 0 : i32
      %dma_wait3A_724 = tpu.memref_slice %arg4[%dma_wait3A_722, %dma_wait3A_723] : memref<100352x16xf32, #tpu.memory_space<hbm>> -> memref<100352x16xf32, #tpu.memory_space<hbm>>
      tpu.wait_indirect_dma semaphore(%arg14 : memref<!tpu.dma_semaphore, #tpu.memory_space<semaphore_mem>>) src(%dma_wait3A_724 : memref<100352x16xf32, #tpu.memory_space<hbm>>) dst(%dma_wait3A_718 : memref<128x16xf32, #tpu.memory_space<vmem>>)
      %dma_wait3A_725 = arith.constant 1 : i32
      %dma_wait3A_726 = arith.constant 1 : i32
      %dma_wait3A_727 = arith.constant 0 : i32
      %dma_wait3A_728 = arith.constant 1 : i32
      %dma_wait3A_729 = arith.constant 0 : i32
      %dma_wait3A_730 = arith.constant 0 : i32
      %dma_wait3A_731 = tpu.memref_slice %arg9[%dma_wait3A_727, %dma_wait3A_728, %dma_wait3A_729, %dma_wait3A_730] : memref<2x4x128x16xf32, #tpu.memory_space<vmem>> -> memref<1x1x128x16xf32, #tpu.memory_space<vmem>>
      %dma_wait3A_732 = tpu.memref_squeeze %dma_wait3A_731 : memref<1x1x128x16xf32, #tpu.memory_space<vmem>> -> memref<128x16xf32, #tpu.memory_space<vmem>>
      %dma_wait3A_733 = arith.constant 0 : i32
      %dma_wait3A_734 = tpu.memref_slice %arg7[%dma_wait3A_725, %dma_wait3A_726, %dma_wait3A_733] : memref<2x8x128xi32, #tpu.memory_space<vmem>> -> memref<1x1x128xi32, #tpu.memory_space<vmem>>
      %dma_wait3A_735 = tpu.memref_squeeze %dma_wait3A_734 : memref<1x1x128xi32, #tpu.memory_space<vmem>> -> memref<128xi32, #tpu.memory_space<vmem>>
      %dma_wait3A_736 = arith.constant 0 : i32
      %dma_wait3A_737 = arith.constant 0 : i32
      %dma_wait3A_738 = tpu.memref_slice %arg4[%dma_wait3A_736, %dma_wait3A_737] : memref<100352x16xf32, #tpu.memory_space<hbm>> -> memref<100352x16xf32, #tpu.memory_space<hbm>>
      tpu.wait_indirect_dma semaphore(%arg14 : memref<!tpu.dma_semaphore, #tpu.memory_space<semaphore_mem>>) src(%dma_wait3A_738 : memref<100352x16xf32, #tpu.memory_space<hbm>>) dst(%dma_wait3A_732 : memref<128x16xf32, #tpu.memory_space<vmem>>)
      %dma_wait3A_739 = arith.constant 1 : i32
      %dma_wait3A_740 = arith.constant 2 : i32
      %dma_wait3A_741 = arith.constant 0 : i32
      %dma_wait3A_742 = arith.constant 2 : i32
      %dma_wait3A_743 = arith.constant 0 : i32
      %dma_wait3A_744 = arith.constant 0 : i32
      %dma_wait3A_745 = tpu.memref_slice %arg9[%dma_wait3A_741, %dma_wait3A_742, %dma_wait3A_743, %dma_wait3A_744] : memref<2x4x128x16xf32, #tpu.memory_space<vmem>> -> memref<1x1x128x16xf32, #tpu.memory_space<vmem>>
      %dma_wait3A_746 = tpu.memref_squeeze %dma_wait3A_745 : memref<1x1x128x16xf32, #tpu.memory_space<vmem>> -> memref<128x16xf32, #tpu.memory_space<vmem>>
      %dma_wait3A_747 = arith.constant 0 : i32
      %dma_wait3A_748 = tpu.memref_slice %arg7[%dma_wait3A_739, %dma_wait3A_740, %dma_wait3A_747] : memref<2x8x128xi32, #tpu.memory_space<vmem>> -> memref<1x1x128xi32, #tpu.memory_space<vmem>>
      %dma_wait3A_749 = tpu.memref_squeeze %dma_wait3A_748 : memref<1x1x128xi32, #tpu.memory_space<vmem>> -> memref<128xi32, #tpu.memory_space<vmem>>
      %dma_wait3A_750 = arith.constant 0 : i32
      %dma_wait3A_751 = arith.constant 0 : i32
      %dma_wait3A_752 = tpu.memref_slice %arg4[%dma_wait3A_750, %dma_wait3A_751] : memref<100352x16xf32, #tpu.memory_space<hbm>> -> memref<100352x16xf32, #tpu.memory_space<hbm>>
      tpu.wait_indirect_dma semaphore(%arg14 : memref<!tpu.dma_semaphore, #tpu.memory_space<semaphore_mem>>) src(%dma_wait3A_752 : memref<100352x16xf32, #tpu.memory_space<hbm>>) dst(%dma_wait3A_746 : memref<128x16xf32, #tpu.memory_space<vmem>>)
      %dma_wait3A_753 = arith.constant 1 : i32
      %dma_wait3A_754 = arith.constant 3 : i32
      %dma_wait3A_755 = arith.constant 0 : i32
      %dma_wait3A_756 = arith.constant 3 : i32
      %dma_wait3A_757 = arith.constant 0 : i32
      %dma_wait3A_758 = arith.constant 0 : i32
      %dma_wait3A_759 = tpu.memref_slice %arg9[%dma_wait3A_755, %dma_wait3A_756, %dma_wait3A_757, %dma_wait3A_758] : memref<2x4x128x16xf32, #tpu.memory_space<vmem>> -> memref<1x1x128x16xf32, #tpu.memory_space<vmem>>
      %dma_wait3A_760 = tpu.memref_squeeze %dma_wait3A_759 : memref<1x1x128x16xf32, #tpu.memory_space<vmem>> -> memref<128x16xf32, #tpu.memory_space<vmem>>
      %dma_wait3A_761 = arith.constant 0 : i32
      %dma_wait3A_762 = tpu.memref_slice %arg7[%dma_wait3A_753, %dma_wait3A_754, %dma_wait3A_761] : memref<2x8x128xi32, #tpu.memory_space<vmem>> -> memref<1x1x128xi32, #tpu.memory_space<vmem>>
      %dma_wait3A_763 = tpu.memref_squeeze %dma_wait3A_762 : memref<1x1x128xi32, #tpu.memory_space<vmem>> -> memref<128xi32, #tpu.memory_space<vmem>>
      %dma_wait3A_764 = arith.constant 0 : i32
      %dma_wait3A_765 = arith.constant 0 : i32
      %dma_wait3A_766 = tpu.memref_slice %arg4[%dma_wait3A_764, %dma_wait3A_765] : memref<100352x16xf32, #tpu.memory_space<hbm>> -> memref<100352x16xf32, #tpu.memory_space<hbm>>
      tpu.wait_indirect_dma semaphore(%arg14 : memref<!tpu.dma_semaphore, #tpu.memory_space<semaphore_mem>>) src(%dma_wait3A_766 : memref<100352x16xf32, #tpu.memory_space<hbm>>) dst(%dma_wait3A_760 : memref<128x16xf32, #tpu.memory_space<vmem>>)
      %dma_start3A_767 = arith.constant 0 : i32
      %dma_start3A_768 = arith.constant 0 : i32
      %dma_start3A_769 = arith.constant 1 : i32
      %dma_start3A_770 = arith.constant 0 : i32
      %dma_start3A_771 = arith.constant 0 : i32
      %dma_start3A_772 = arith.constant 0 : i32
      %dma_start3A_773 = tpu.memref_slice %arg9[%dma_start3A_767, %dma_start3A_768, %dma_start3A_771, %dma_start3A_772] : memref<2x4x128x16xf32, #tpu.memory_space<vmem>> -> memref<1x1x128x16xf32, #tpu.memory_space<vmem>>
      %dma_start3A_774 = tpu.memref_squeeze %dma_start3A_773 : memref<1x1x128x16xf32, #tpu.memory_space<vmem>> -> memref<128x16xf32, #tpu.memory_space<vmem>>
      %dma_start3A_775 = arith.constant 0 : i32
      %dma_start3A_776 = tpu.memref_slice %arg8[%dma_start3A_769, %dma_start3A_770, %dma_start3A_775] : memref<2x8x128xi32, #tpu.memory_space<vmem>> -> memref<1x1x128xi32, #tpu.memory_space<vmem>>
      %dma_start3A_777 = tpu.memref_squeeze %dma_start3A_776 : memref<1x1x128xi32, #tpu.memory_space<vmem>> -> memref<128xi32, #tpu.memory_space<vmem>>
      %dma_start3A_778 = arith.constant 0 : i32
      %dma_start3A_779 = arith.constant 0 : i32
      %dma_start3A_780 = tpu.memref_slice %arg18[%dma_start3A_778, %dma_start3A_779] : memref<100352x16xf32, #tpu.memory_space<vmem_shared>> -> memref<100352x16xf32, #tpu.memory_space<vmem_shared>>
      tpu.enqueue_indirect_dma source(%dma_start3A_774 : memref<128x16xf32, #tpu.memory_space<vmem>>) target(%dma_start3A_780 : memref<100352x16xf32, #tpu.memory_space<vmem_shared>>) offsets(%dma_start3A_777 : memref<128xi32, #tpu.memory_space<vmem>>) semaphore(%arg16 : memref<!tpu.dma_semaphore, #tpu.memory_space<semaphore_mem>>) {add = true}
      %dma_start3A_781 = arith.constant 0 : i32
      %dma_start3A_782 = arith.constant 1 : i32
      %dma_start3A_783 = arith.constant 1 : i32
      %dma_start3A_784 = arith.constant 1 : i32
      %dma_start3A_785 = arith.constant 0 : i32
      %dma_start3A_786 = arith.constant 0 : i32
      %dma_start3A_787 = tpu.memref_slice %arg9[%dma_start3A_781, %dma_start3A_782, %dma_start3A_785, %dma_start3A_786] : memref<2x4x128x16xf32, #tpu.memory_space<vmem>> -> memref<1x1x128x16xf32, #tpu.memory_space<vmem>>
      %dma_start3A_788 = tpu.memref_squeeze %dma_start3A_787 : memref<1x1x128x16xf32, #tpu.memory_space<vmem>> -> memref<128x16xf32, #tpu.memory_space<vmem>>
      %dma_start3A_789 = arith.constant 0 : i32
      %dma_start3A_790 = tpu.memref_slice %arg8[%dma_start3A_783, %dma_start3A_784, %dma_start3A_789] : memref<2x8x128xi32, #tpu.memory_space<vmem>> -> memref<1x1x128xi32, #tpu.memory_space<vmem>>
      %dma_start3A_791 = tpu.memref_squeeze %dma_start3A_790 : memref<1x1x128xi32, #tpu.memory_space<vmem>> -> memref<128xi32, #tpu.memory_space<vmem>>
      %dma_start3A_792 = arith.constant 0 : i32
      %dma_start3A_793 = arith.constant 0 : i32
      %dma_start3A_794 = tpu.memref_slice %arg18[%dma_start3A_792, %dma_start3A_793] : memref<100352x16xf32, #tpu.memory_space<vmem_shared>> -> memref<100352x16xf32, #tpu.memory_space<vmem_shared>>
      tpu.enqueue_indirect_dma source(%dma_start3A_788 : memref<128x16xf32, #tpu.memory_space<vmem>>) target(%dma_start3A_794 : memref<100352x16xf32, #tpu.memory_space<vmem_shared>>) offsets(%dma_start3A_791 : memref<128xi32, #tpu.memory_space<vmem>>) semaphore(%arg16 : memref<!tpu.dma_semaphore, #tpu.memory_space<semaphore_mem>>) {add = true}
      %dma_start3A_795 = arith.constant 0 : i32
      %dma_start3A_796 = arith.constant 2 : i32
      %dma_start3A_797 = arith.constant 1 : i32
      %dma_start3A_798 = arith.constant 2 : i32
      %dma_start3A_799 = arith.constant 0 : i32
      %dma_start3A_800 = arith.constant 0 : i32
      %dma_start3A_801 = tpu.memref_slice %arg9[%dma_start3A_795, %dma_start3A_796, %dma_start3A_799, %dma_start3A_800] : memref<2x4x128x16xf32, #tpu.memory_space<vmem>> -> memref<1x1x128x16xf32, #tpu.memory_space<vmem>>
      %dma_start3A_802 = tpu.memref_squeeze %dma_start3A_801 : memref<1x1x128x16xf32, #tpu.memory_space<vmem>> -> memref<128x16xf32, #tpu.memory_space<vmem>>
      %dma_start3A_803 = arith.constant 0 : i32
      %dma_start3A_804 = tpu.memref_slice %arg8[%dma_start3A_797, %dma_start3A_798, %dma_start3A_803] : memref<2x8x128xi32, #tpu.memory_space<vmem>> -> memref<1x1x128xi32, #tpu.memory_space<vmem>>
      %dma_start3A_805 = tpu.memref_squeeze %dma_start3A_804 : memref<1x1x128xi32, #tpu.memory_space<vmem>> -> memref<128xi32, #tpu.memory_space<vmem>>
      %dma_start3A_806 = arith.constant 0 : i32
      %dma_start3A_807 = arith.constant 0 : i32
      %dma_start3A_808 = tpu.memref_slice %arg18[%dma_start3A_806, %dma_start3A_807] : memref<100352x16xf32, #tpu.memory_space<vmem_shared>> -> memref<100352x16xf32, #tpu.memory_space<vmem_shared>>
      tpu.enqueue_indirect_dma source(%dma_start3A_802 : memref<128x16xf32, #tpu.memory_space<vmem>>) target(%dma_start3A_808 : memref<100352x16xf32, #tpu.memory_space<vmem_shared>>) offsets(%dma_start3A_805 : memref<128xi32, #tpu.memory_space<vmem>>) semaphore(%arg16 : memref<!tpu.dma_semaphore, #tpu.memory_space<semaphore_mem>>) {add = true}
      %dma_start3A_809 = arith.constant 0 : i32
      %dma_start3A_810 = arith.constant 3 : i32
      %dma_start3A_811 = arith.constant 1 : i32
      %dma_start3A_812 = arith.constant 3 : i32
      %dma_start3A_813 = arith.constant 0 : i32
      %dma_start3A_814 = arith.constant 0 : i32
      %dma_start3A_815 = tpu.memref_slice %arg9[%dma_start3A_809, %dma_start3A_810, %dma_start3A_813, %dma_start3A_814] : memref<2x4x128x16xf32, #tpu.memory_space<vmem>> -> memref<1x1x128x16xf32, #tpu.memory_space<vmem>>
      %dma_start3A_816 = tpu.memref_squeeze %dma_start3A_815 : memref<1x1x128x16xf32, #tpu.memory_space<vmem>> -> memref<128x16xf32, #tpu.memory_space<vmem>>
      %dma_start3A_817 = arith.constant 0 : i32
      %dma_start3A_818 = tpu.memref_slice %arg8[%dma_start3A_811, %dma_start3A_812, %dma_start3A_817] : memref<2x8x128xi32, #tpu.memory_space<vmem>> -> memref<1x1x128xi32, #tpu.memory_space<vmem>>
      %dma_start3A_819 = tpu.memref_squeeze %dma_start3A_818 : memref<1x1x128xi32, #tpu.memory_space<vmem>> -> memref<128xi32, #tpu.memory_space<vmem>>
      %dma_start3A_820 = arith.constant 0 : i32
      %dma_start3A_821 = arith.constant 0 : i32
      %dma_start3A_822 = tpu.memref_slice %arg18[%dma_start3A_820, %dma_start3A_821] : memref<100352x16xf32, #tpu.memory_space<vmem_shared>> -> memref<100352x16xf32, #tpu.memory_space<vmem_shared>>
      tpu.enqueue_indirect_dma source(%dma_start3A_816 : memref<128x16xf32, #tpu.memory_space<vmem>>) target(%dma_start3A_822 : memref<100352x16xf32, #tpu.memory_space<vmem_shared>>) offsets(%dma_start3A_819 : memref<128xi32, #tpu.memory_space<vmem>>) semaphore(%arg16 : memref<!tpu.dma_semaphore, #tpu.memory_space<semaphore_mem>>) {add = true}
      %dma_wait3A_823 = arith.constant 1 : i32
      %dma_wait3A_824 = arith.constant 4 : i32
      %dma_wait3A_825 = arith.constant 1 : i32
      %dma_wait3A_826 = arith.constant 0 : i32
      %dma_wait3A_827 = arith.constant 0 : i32
      %dma_wait3A_828 = arith.constant 0 : i32
      %dma_wait3A_829 = tpu.memref_slice %arg9[%dma_wait3A_825, %dma_wait3A_826, %dma_wait3A_827, %dma_wait3A_828] : memref<2x4x128x16xf32, #tpu.memory_space<vmem>> -> memref<1x1x128x16xf32, #tpu.memory_space<vmem>>
      %dma_wait3A_830 = tpu.memref_squeeze %dma_wait3A_829 : memref<1x1x128x16xf32, #tpu.memory_space<vmem>> -> memref<128x16xf32, #tpu.memory_space<vmem>>
      %dma_wait3A_831 = arith.constant 0 : i32
      %dma_wait3A_832 = tpu.memref_slice %arg7[%dma_wait3A_823, %dma_wait3A_824, %dma_wait3A_831] : memref<2x8x128xi32, #tpu.memory_space<vmem>> -> memref<1x1x128xi32, #tpu.memory_space<vmem>>
      %dma_wait3A_833 = tpu.memref_squeeze %dma_wait3A_832 : memref<1x1x128xi32, #tpu.memory_space<vmem>> -> memref<128xi32, #tpu.memory_space<vmem>>
      %dma_wait3A_834 = arith.constant 0 : i32
      %dma_wait3A_835 = arith.constant 0 : i32
      %dma_wait3A_836 = tpu.memref_slice %arg4[%dma_wait3A_834, %dma_wait3A_835] : memref<100352x16xf32, #tpu.memory_space<hbm>> -> memref<100352x16xf32, #tpu.memory_space<hbm>>
      tpu.wait_indirect_dma semaphore(%arg15 : memref<!tpu.dma_semaphore, #tpu.memory_space<semaphore_mem>>) src(%dma_wait3A_836 : memref<100352x16xf32, #tpu.memory_space<hbm>>) dst(%dma_wait3A_830 : memref<128x16xf32, #tpu.memory_space<vmem>>)
      %dma_wait3A_837 = arith.constant 1 : i32
      %dma_wait3A_838 = arith.constant 5 : i32
      %dma_wait3A_839 = arith.constant 1 : i32
      %dma_wait3A_840 = arith.constant 1 : i32
      %dma_wait3A_841 = arith.constant 0 : i32
      %dma_wait3A_842 = arith.constant 0 : i32
      %dma_wait3A_843 = tpu.memref_slice %arg9[%dma_wait3A_839, %dma_wait3A_840, %dma_wait3A_841, %dma_wait3A_842] : memref<2x4x128x16xf32, #tpu.memory_space<vmem>> -> memref<1x1x128x16xf32, #tpu.memory_space<vmem>>
      %dma_wait3A_844 = tpu.memref_squeeze %dma_wait3A_843 : memref<1x1x128x16xf32, #tpu.memory_space<vmem>> -> memref<128x16xf32, #tpu.memory_space<vmem>>
      %dma_wait3A_845 = arith.constant 0 : i32
      %dma_wait3A_846 = tpu.memref_slice %arg7[%dma_wait3A_837, %dma_wait3A_838, %dma_wait3A_845] : memref<2x8x128xi32, #tpu.memory_space<vmem>> -> memref<1x1x128xi32, #tpu.memory_space<vmem>>
      %dma_wait3A_847 = tpu.memref_squeeze %dma_wait3A_846 : memref<1x1x128xi32, #tpu.memory_space<vmem>> -> memref<128xi32, #tpu.memory_space<vmem>>
      %dma_wait3A_848 = arith.constant 0 : i32
      %dma_wait3A_849 = arith.constant 0 : i32
      %dma_wait3A_850 = tpu.memref_slice %arg4[%dma_wait3A_848, %dma_wait3A_849] : memref<100352x16xf32, #tpu.memory_space<hbm>> -> memref<100352x16xf32, #tpu.memory_space<hbm>>
      tpu.wait_indirect_dma semaphore(%arg15 : memref<!tpu.dma_semaphore, #tpu.memory_space<semaphore_mem>>) src(%dma_wait3A_850 : memref<100352x16xf32, #tpu.memory_space<hbm>>) dst(%dma_wait3A_844 : memref<128x16xf32, #tpu.memory_space<vmem>>)
      %dma_wait3A_851 = arith.constant 1 : i32
      %dma_wait3A_852 = arith.constant 6 : i32
      %dma_wait3A_853 = arith.constant 1 : i32
      %dma_wait3A_854 = arith.constant 2 : i32
      %dma_wait3A_855 = arith.constant 0 : i32
      %dma_wait3A_856 = arith.constant 0 : i32
      %dma_wait3A_857 = tpu.memref_slice %arg9[%dma_wait3A_853, %dma_wait3A_854, %dma_wait3A_855, %dma_wait3A_856] : memref<2x4x128x16xf32, #tpu.memory_space<vmem>> -> memref<1x1x128x16xf32, #tpu.memory_space<vmem>>
      %dma_wait3A_858 = tpu.memref_squeeze %dma_wait3A_857 : memref<1x1x128x16xf32, #tpu.memory_space<vmem>> -> memref<128x16xf32, #tpu.memory_space<vmem>>
      %dma_wait3A_859 = arith.constant 0 : i32
      %dma_wait3A_860 = tpu.memref_slice %arg7[%dma_wait3A_851, %dma_wait3A_852, %dma_wait3A_859] : memref<2x8x128xi32, #tpu.memory_space<vmem>> -> memref<1x1x128xi32, #tpu.memory_space<vmem>>
      %dma_wait3A_861 = tpu.memref_squeeze %dma_wait3A_860 : memref<1x1x128xi32, #tpu.memory_space<vmem>> -> memref<128xi32, #tpu.memory_space<vmem>>
      %dma_wait3A_862 = arith.constant 0 : i32
      %dma_wait3A_863 = arith.constant 0 : i32
      %dma_wait3A_864 = tpu.memref_slice %arg4[%dma_wait3A_862, %dma_wait3A_863] : memref<100352x16xf32, #tpu.memory_space<hbm>> -> memref<100352x16xf32, #tpu.memory_space<hbm>>
      tpu.wait_indirect_dma semaphore(%arg15 : memref<!tpu.dma_semaphore, #tpu.memory_space<semaphore_mem>>) src(%dma_wait3A_864 : memref<100352x16xf32, #tpu.memory_space<hbm>>) dst(%dma_wait3A_858 : memref<128x16xf32, #tpu.memory_space<vmem>>)
      %dma_wait3A_865 = arith.constant 1 : i32
      %dma_wait3A_866 = arith.constant 7 : i32
      %dma_wait3A_867 = arith.constant 1 : i32
      %dma_wait3A_868 = arith.constant 3 : i32
      %dma_wait3A_869 = arith.constant 0 : i32
      %dma_wait3A_870 = arith.constant 0 : i32
      %dma_wait3A_871 = tpu.memref_slice %arg9[%dma_wait3A_867, %dma_wait3A_868, %dma_wait3A_869, %dma_wait3A_870] : memref<2x4x128x16xf32, #tpu.memory_space<vmem>> -> memref<1x1x128x16xf32, #tpu.memory_space<vmem>>
      %dma_wait3A_872 = tpu.memref_squeeze %dma_wait3A_871 : memref<1x1x128x16xf32, #tpu.memory_space<vmem>> -> memref<128x16xf32, #tpu.memory_space<vmem>>
      %dma_wait3A_873 = arith.constant 0 : i32
      %dma_wait3A_874 = tpu.memref_slice %arg7[%dma_wait3A_865, %dma_wait3A_866, %dma_wait3A_873] : memref<2x8x128xi32, #tpu.memory_space<vmem>> -> memref<1x1x128xi32, #tpu.memory_space<vmem>>
      %dma_wait3A_875 = tpu.memref_squeeze %dma_wait3A_874 : memref<1x1x128xi32, #tpu.memory_space<vmem>> -> memref<128xi32, #tpu.memory_space<vmem>>
      %dma_wait3A_876 = arith.constant 0 : i32
      %dma_wait3A_877 = arith.constant 0 : i32
      %dma_wait3A_878 = tpu.memref_slice %arg4[%dma_wait3A_876, %dma_wait3A_877] : memref<100352x16xf32, #tpu.memory_space<hbm>> -> memref<100352x16xf32, #tpu.memory_space<hbm>>
      tpu.wait_indirect_dma semaphore(%arg15 : memref<!tpu.dma_semaphore, #tpu.memory_space<semaphore_mem>>) src(%dma_wait3A_878 : memref<100352x16xf32, #tpu.memory_space<hbm>>) dst(%dma_wait3A_872 : memref<128x16xf32, #tpu.memory_space<vmem>>)
      %dma_start3A_879 = arith.constant 1 : i32
      %dma_start3A_880 = arith.constant 0 : i32
      %dma_start3A_881 = arith.constant 1 : i32
      %dma_start3A_882 = arith.constant 4 : i32
      %dma_start3A_883 = arith.constant 0 : i32
      %dma_start3A_884 = arith.constant 0 : i32
      %dma_start3A_885 = tpu.memref_slice %arg9[%dma_start3A_879, %dma_start3A_880, %dma_start3A_883, %dma_start3A_884] : memref<2x4x128x16xf32, #tpu.memory_space<vmem>> -> memref<1x1x128x16xf32, #tpu.memory_space<vmem>>
      %dma_start3A_886 = tpu.memref_squeeze %dma_start3A_885 : memref<1x1x128x16xf32, #tpu.memory_space<vmem>> -> memref<128x16xf32, #tpu.memory_space<vmem>>
      %dma_start3A_887 = arith.constant 0 : i32
      %dma_start3A_888 = tpu.memref_slice %arg8[%dma_start3A_881, %dma_start3A_882, %dma_start3A_887] : memref<2x8x128xi32, #tpu.memory_space<vmem>> -> memref<1x1x128xi32, #tpu.memory_space<vmem>>
      %dma_start3A_889 = tpu.memref_squeeze %dma_start3A_888 : memref<1x1x128xi32, #tpu.memory_space<vmem>> -> memref<128xi32, #tpu.memory_space<vmem>>
      %dma_start3A_890 = arith.constant 0 : i32
      %dma_start3A_891 = arith.constant 0 : i32
      %dma_start3A_892 = tpu.memref_slice %arg18[%dma_start3A_890, %dma_start3A_891] : memref<100352x16xf32, #tpu.memory_space<vmem_shared>> -> memref<100352x16xf32, #tpu.memory_space<vmem_shared>>
      tpu.enqueue_indirect_dma source(%dma_start3A_886 : memref<128x16xf32, #tpu.memory_space<vmem>>) target(%dma_start3A_892 : memref<100352x16xf32, #tpu.memory_space<vmem_shared>>) offsets(%dma_start3A_889 : memref<128xi32, #tpu.memory_space<vmem>>) semaphore(%arg17 : memref<!tpu.dma_semaphore, #tpu.memory_space<semaphore_mem>>) {add = true}
      %dma_start3A_893 = arith.constant 1 : i32
      %dma_start3A_894 = arith.constant 1 : i32
      %dma_start3A_895 = arith.constant 1 : i32
      %dma_start3A_896 = arith.constant 5 : i32
      %dma_start3A_897 = arith.constant 0 : i32
      %dma_start3A_898 = arith.constant 0 : i32
      %dma_start3A_899 = tpu.memref_slice %arg9[%dma_start3A_893, %dma_start3A_894, %dma_start3A_897, %dma_start3A_898] : memref<2x4x128x16xf32, #tpu.memory_space<vmem>> -> memref<1x1x128x16xf32, #tpu.memory_space<vmem>>
      %dma_start3A_900 = tpu.memref_squeeze %dma_start3A_899 : memref<1x1x128x16xf32, #tpu.memory_space<vmem>> -> memref<128x16xf32, #tpu.memory_space<vmem>>
      %dma_start3A_901 = arith.constant 0 : i32
      %dma_start3A_902 = tpu.memref_slice %arg8[%dma_start3A_895, %dma_start3A_896, %dma_start3A_901] : memref<2x8x128xi32, #tpu.memory_space<vmem>> -> memref<1x1x128xi32, #tpu.memory_space<vmem>>
      %dma_start3A_903 = tpu.memref_squeeze %dma_start3A_902 : memref<1x1x128xi32, #tpu.memory_space<vmem>> -> memref<128xi32, #tpu.memory_space<vmem>>
      %dma_start3A_904 = arith.constant 0 : i32
      %dma_start3A_905 = arith.constant 0 : i32
      %dma_start3A_906 = tpu.memref_slice %arg18[%dma_start3A_904, %dma_start3A_905] : memref<100352x16xf32, #tpu.memory_space<vmem_shared>> -> memref<100352x16xf32, #tpu.memory_space<vmem_shared>>
      tpu.enqueue_indirect_dma source(%dma_start3A_900 : memref<128x16xf32, #tpu.memory_space<vmem>>) target(%dma_start3A_906 : memref<100352x16xf32, #tpu.memory_space<vmem_shared>>) offsets(%dma_start3A_903 : memref<128xi32, #tpu.memory_space<vmem>>) semaphore(%arg17 : memref<!tpu.dma_semaphore, #tpu.memory_space<semaphore_mem>>) {add = true}
      %dma_start3A_907 = arith.constant 1 : i32
      %dma_start3A_908 = arith.constant 2 : i32
      %dma_start3A_909 = arith.constant 1 : i32
      %dma_start3A_910 = arith.constant 6 : i32
      %dma_start3A_911 = arith.constant 0 : i32
      %dma_start3A_912 = arith.constant 0 : i32
      %dma_start3A_913 = tpu.memref_slice %arg9[%dma_start3A_907, %dma_start3A_908, %dma_start3A_911, %dma_start3A_912] : memref<2x4x128x16xf32, #tpu.memory_space<vmem>> -> memref<1x1x128x16xf32, #tpu.memory_space<vmem>>
      %dma_start3A_914 = tpu.memref_squeeze %dma_start3A_913 : memref<1x1x128x16xf32, #tpu.memory_space<vmem>> -> memref<128x16xf32, #tpu.memory_space<vmem>>
      %dma_start3A_915 = arith.constant 0 : i32
      %dma_start3A_916 = tpu.memref_slice %arg8[%dma_start3A_909, %dma_start3A_910, %dma_start3A_915] : memref<2x8x128xi32, #tpu.memory_space<vmem>> -> memref<1x1x128xi32, #tpu.memory_space<vmem>>
      %dma_start3A_917 = tpu.memref_squeeze %dma_start3A_916 : memref<1x1x128xi32, #tpu.memory_space<vmem>> -> memref<128xi32, #tpu.memory_space<vmem>>
      %dma_start3A_918 = arith.constant 0 : i32
      %dma_start3A_919 = arith.constant 0 : i32
      %dma_start3A_920 = tpu.memref_slice %arg18[%dma_start3A_918, %dma_start3A_919] : memref<100352x16xf32, #tpu.memory_space<vmem_shared>> -> memref<100352x16xf32, #tpu.memory_space<vmem_shared>>
      tpu.enqueue_indirect_dma source(%dma_start3A_914 : memref<128x16xf32, #tpu.memory_space<vmem>>) target(%dma_start3A_920 : memref<100352x16xf32, #tpu.memory_space<vmem_shared>>) offsets(%dma_start3A_917 : memref<128xi32, #tpu.memory_space<vmem>>) semaphore(%arg17 : memref<!tpu.dma_semaphore, #tpu.memory_space<semaphore_mem>>) {add = true}
      %dma_start3A_921 = arith.constant 1 : i32
      %dma_start3A_922 = arith.constant 3 : i32
      %dma_start3A_923 = arith.constant 1 : i32
      %dma_start3A_924 = arith.constant 7 : i32
      %dma_start3A_925 = arith.constant 0 : i32
      %dma_start3A_926 = arith.constant 0 : i32
      %dma_start3A_927 = tpu.memref_slice %arg9[%dma_start3A_921, %dma_start3A_922, %dma_start3A_925, %dma_start3A_926] : memref<2x4x128x16xf32, #tpu.memory_space<vmem>> -> memref<1x1x128x16xf32, #tpu.memory_space<vmem>>
      %dma_start3A_928 = tpu.memref_squeeze %dma_start3A_927 : memref<1x1x128x16xf32, #tpu.memory_space<vmem>> -> memref<128x16xf32, #tpu.memory_space<vmem>>
      %dma_start3A_929 = arith.constant 0 : i32
      %dma_start3A_930 = tpu.memref_slice %arg8[%dma_start3A_923, %dma_start3A_924, %dma_start3A_929] : memref<2x8x128xi32, #tpu.memory_space<vmem>> -> memref<1x1x128xi32, #tpu.memory_space<vmem>>
      %dma_start3A_931 = tpu.memref_squeeze %dma_start3A_930 : memref<1x1x128xi32, #tpu.memory_space<vmem>> -> memref<128xi32, #tpu.memory_space<vmem>>
      %dma_start3A_932 = arith.constant 0 : i32
      %dma_start3A_933 = arith.constant 0 : i32
      %dma_start3A_934 = tpu.memref_slice %arg18[%dma_start3A_932, %dma_start3A_933] : memref<100352x16xf32, #tpu.memory_space<vmem_shared>> -> memref<100352x16xf32, #tpu.memory_space<vmem_shared>>
      tpu.enqueue_indirect_dma source(%dma_start3A_928 : memref<128x16xf32, #tpu.memory_space<vmem>>) target(%dma_start3A_934 : memref<100352x16xf32, #tpu.memory_space<vmem_shared>>) offsets(%dma_start3A_931 : memref<128xi32, #tpu.memory_space<vmem>>) semaphore(%arg17 : memref<!tpu.dma_semaphore, #tpu.memory_space<semaphore_mem>>) {add = true}
      %dma_wait3A_935 = arith.constant 0 : i32
      %dma_wait3A_936 = arith.constant 0 : i32
      %dma_wait3A_937 = arith.constant 1 : i32
      %dma_wait3A_938 = arith.constant 0 : i32
      %dma_wait3A_939 = arith.constant 0 : i32
      %dma_wait3A_940 = arith.constant 0 : i32
      %dma_wait3A_941 = tpu.memref_slice %arg9[%dma_wait3A_935, %dma_wait3A_936, %dma_wait3A_939, %dma_wait3A_940] : memref<2x4x128x16xf32, #tpu.memory_space<vmem>> -> memref<1x1x128x16xf32, #tpu.memory_space<vmem>>
      %dma_wait3A_942 = tpu.memref_squeeze %dma_wait3A_941 : memref<1x1x128x16xf32, #tpu.memory_space<vmem>> -> memref<128x16xf32, #tpu.memory_space<vmem>>
      %dma_wait3A_943 = arith.constant 0 : i32
      %dma_wait3A_944 = tpu.memref_slice %arg8[%dma_wait3A_937, %dma_wait3A_938, %dma_wait3A_943] : memref<2x8x128xi32, #tpu.memory_space<vmem>> -> memref<1x1x128xi32, #tpu.memory_space<vmem>>
      %dma_wait3A_945 = tpu.memref_squeeze %dma_wait3A_944 : memref<1x1x128xi32, #tpu.memory_space<vmem>> -> memref<128xi32, #tpu.memory_space<vmem>>
      %dma_wait3A_946 = arith.constant 0 : i32
      %dma_wait3A_947 = arith.constant 0 : i32
      %dma_wait3A_948 = tpu.memref_slice %arg18[%dma_wait3A_946, %dma_wait3A_947] : memref<100352x16xf32, #tpu.memory_space<vmem_shared>> -> memref<100352x16xf32, #tpu.memory_space<vmem_shared>>
      tpu.wait_indirect_dma semaphore(%arg16 : memref<!tpu.dma_semaphore, #tpu.memory_space<semaphore_mem>>) src(%dma_wait3A_942 : memref<128x16xf32, #tpu.memory_space<vmem>>) dst(%dma_wait3A_948 : memref<100352x16xf32, #tpu.memory_space<vmem_shared>>)
      %dma_wait3A_949 = arith.constant 0 : i32
      %dma_wait3A_950 = arith.constant 1 : i32
      %dma_wait3A_951 = arith.constant 1 : i32
      %dma_wait3A_952 = arith.constant 1 : i32
      %dma_wait3A_953 = arith.constant 0 : i32
      %dma_wait3A_954 = arith.constant 0 : i32
      %dma_wait3A_955 = tpu.memref_slice %arg9[%dma_wait3A_949, %dma_wait3A_950, %dma_wait3A_953, %dma_wait3A_954] : memref<2x4x128x16xf32, #tpu.memory_space<vmem>> -> memref<1x1x128x16xf32, #tpu.memory_space<vmem>>
      %dma_wait3A_956 = tpu.memref_squeeze %dma_wait3A_955 : memref<1x1x128x16xf32, #tpu.memory_space<vmem>> -> memref<128x16xf32, #tpu.memory_space<vmem>>
      %dma_wait3A_957 = arith.constant 0 : i32
      %dma_wait3A_958 = tpu.memref_slice %arg8[%dma_wait3A_951, %dma_wait3A_952, %dma_wait3A_957] : memref<2x8x128xi32, #tpu.memory_space<vmem>> -> memref<1x1x128xi32, #tpu.memory_space<vmem>>
      %dma_wait3A_959 = tpu.memref_squeeze %dma_wait3A_958 : memref<1x1x128xi32, #tpu.memory_space<vmem>> -> memref<128xi32, #tpu.memory_space<vmem>>
      %dma_wait3A_960 = arith.constant 0 : i32
      %dma_wait3A_961 = arith.constant 0 : i32
      %dma_wait3A_962 = tpu.memref_slice %arg18[%dma_wait3A_960, %dma_wait3A_961] : memref<100352x16xf32, #tpu.memory_space<vmem_shared>> -> memref<100352x16xf32, #tpu.memory_space<vmem_shared>>
      tpu.wait_indirect_dma semaphore(%arg16 : memref<!tpu.dma_semaphore, #tpu.memory_space<semaphore_mem>>) src(%dma_wait3A_956 : memref<128x16xf32, #tpu.memory_space<vmem>>) dst(%dma_wait3A_962 : memref<100352x16xf32, #tpu.memory_space<vmem_shared>>)
      %dma_wait3A_963 = arith.constant 0 : i32
      %dma_wait3A_964 = arith.constant 2 : i32
      %dma_wait3A_965 = arith.constant 1 : i32
      %dma_wait3A_966 = arith.constant 2 : i32
      %dma_wait3A_967 = arith.constant 0 : i32
      %dma_wait3A_968 = arith.constant 0 : i32
      %dma_wait3A_969 = tpu.memref_slice %arg9[%dma_wait3A_963, %dma_wait3A_964, %dma_wait3A_967, %dma_wait3A_968] : memref<2x4x128x16xf32, #tpu.memory_space<vmem>> -> memref<1x1x128x16xf32, #tpu.memory_space<vmem>>
      %dma_wait3A_970 = tpu.memref_squeeze %dma_wait3A_969 : memref<1x1x128x16xf32, #tpu.memory_space<vmem>> -> memref<128x16xf32, #tpu.memory_space<vmem>>
      %dma_wait3A_971 = arith.constant 0 : i32
      %dma_wait3A_972 = tpu.memref_slice %arg8[%dma_wait3A_965, %dma_wait3A_966, %dma_wait3A_971] : memref<2x8x128xi32, #tpu.memory_space<vmem>> -> memref<1x1x128xi32, #tpu.memory_space<vmem>>
      %dma_wait3A_973 = tpu.memref_squeeze %dma_wait3A_972 : memref<1x1x128xi32, #tpu.memory_space<vmem>> -> memref<128xi32, #tpu.memory_space<vmem>>
      %dma_wait3A_974 = arith.constant 0 : i32
      %dma_wait3A_975 = arith.constant 0 : i32
      %dma_wait3A_976 = tpu.memref_slice %arg18[%dma_wait3A_974, %dma_wait3A_975] : memref<100352x16xf32, #tpu.memory_space<vmem_shared>> -> memref<100352x16xf32, #tpu.memory_space<vmem_shared>>
      tpu.wait_indirect_dma semaphore(%arg16 : memref<!tpu.dma_semaphore, #tpu.memory_space<semaphore_mem>>) src(%dma_wait3A_970 : memref<128x16xf32, #tpu.memory_space<vmem>>) dst(%dma_wait3A_976 : memref<100352x16xf32, #tpu.memory_space<vmem_shared>>)
      %dma_wait3A_977 = arith.constant 0 : i32
      %dma_wait3A_978 = arith.constant 3 : i32
      %dma_wait3A_979 = arith.constant 1 : i32
      %dma_wait3A_980 = arith.constant 3 : i32
      %dma_wait3A_981 = arith.constant 0 : i32
      %dma_wait3A_982 = arith.constant 0 : i32
      %dma_wait3A_983 = tpu.memref_slice %arg9[%dma_wait3A_977, %dma_wait3A_978, %dma_wait3A_981, %dma_wait3A_982] : memref<2x4x128x16xf32, #tpu.memory_space<vmem>> -> memref<1x1x128x16xf32, #tpu.memory_space<vmem>>
      %dma_wait3A_984 = tpu.memref_squeeze %dma_wait3A_983 : memref<1x1x128x16xf32, #tpu.memory_space<vmem>> -> memref<128x16xf32, #tpu.memory_space<vmem>>
      %dma_wait3A_985 = arith.constant 0 : i32
      %dma_wait3A_986 = tpu.memref_slice %arg8[%dma_wait3A_979, %dma_wait3A_980, %dma_wait3A_985] : memref<2x8x128xi32, #tpu.memory_space<vmem>> -> memref<1x1x128xi32, #tpu.memory_space<vmem>>
      %dma_wait3A_987 = tpu.memref_squeeze %dma_wait3A_986 : memref<1x1x128xi32, #tpu.memory_space<vmem>> -> memref<128xi32, #tpu.memory_space<vmem>>
      %dma_wait3A_988 = arith.constant 0 : i32
      %dma_wait3A_989 = arith.constant 0 : i32
      %dma_wait3A_990 = tpu.memref_slice %arg18[%dma_wait3A_988, %dma_wait3A_989] : memref<100352x16xf32, #tpu.memory_space<vmem_shared>> -> memref<100352x16xf32, #tpu.memory_space<vmem_shared>>
      tpu.wait_indirect_dma semaphore(%arg16 : memref<!tpu.dma_semaphore, #tpu.memory_space<semaphore_mem>>) src(%dma_wait3A_984 : memref<128x16xf32, #tpu.memory_space<vmem>>) dst(%dma_wait3A_990 : memref<100352x16xf32, #tpu.memory_space<vmem_shared>>)
      %dma_wait3A_991 = arith.constant 1 : i32
      %dma_wait3A_992 = arith.constant 0 : i32
      %dma_wait3A_993 = arith.constant 1 : i32
      %dma_wait3A_994 = arith.constant 4 : i32
      %dma_wait3A_995 = arith.constant 0 : i32
      %dma_wait3A_996 = arith.constant 0 : i32
      %dma_wait3A_997 = tpu.memref_slice %arg9[%dma_wait3A_991, %dma_wait3A_992, %dma_wait3A_995, %dma_wait3A_996] : memref<2x4x128x16xf32, #tpu.memory_space<vmem>> -> memref<1x1x128x16xf32, #tpu.memory_space<vmem>>
      %dma_wait3A_998 = tpu.memref_squeeze %dma_wait3A_997 : memref<1x1x128x16xf32, #tpu.memory_space<vmem>> -> memref<128x16xf32, #tpu.memory_space<vmem>>
      %dma_wait3A_999 = arith.constant 0 : i32
      %dma_wait3A_1000 = tpu.memref_slice %arg8[%dma_wait3A_993, %dma_wait3A_994, %dma_wait3A_999] : memref<2x8x128xi32, #tpu.memory_space<vmem>> -> memref<1x1x128xi32, #tpu.memory_space<vmem>>
      %dma_wait3A_1001 = tpu.memref_squeeze %dma_wait3A_1000 : memref<1x1x128xi32, #tpu.memory_space<vmem>> -> memref<128xi32, #tpu.memory_space<vmem>>
      %dma_wait3A_1002 = arith.constant 0 : i32
      %dma_wait3A_1003 = arith.constant 0 : i32
      %dma_wait3A_1004 = tpu.memref_slice %arg18[%dma_wait3A_1002, %dma_wait3A_1003] : memref<100352x16xf32, #tpu.memory_space<vmem_shared>> -> memref<100352x16xf32, #tpu.memory_space<vmem_shared>>
      tpu.wait_indirect_dma semaphore(%arg17 : memref<!tpu.dma_semaphore, #tpu.memory_space<semaphore_mem>>) src(%dma_wait3A_998 : memref<128x16xf32, #tpu.memory_space<vmem>>) dst(%dma_wait3A_1004 : memref<100352x16xf32, #tpu.memory_space<vmem_shared>>)
      %dma_wait3A_1005 = arith.constant 1 : i32
      %dma_wait3A_1006 = arith.constant 1 : i32
      %dma_wait3A_1007 = arith.constant 1 : i32
      %dma_wait3A_1008 = arith.constant 5 : i32
      %dma_wait3A_1009 = arith.constant 0 : i32
      %dma_wait3A_1010 = arith.constant 0 : i32
      %dma_wait3A_1011 = tpu.memref_slice %arg9[%dma_wait3A_1005, %dma_wait3A_1006, %dma_wait3A_1009, %dma_wait3A_1010] : memref<2x4x128x16xf32, #tpu.memory_space<vmem>> -> memref<1x1x128x16xf32, #tpu.memory_space<vmem>>
      %dma_wait3A_1012 = tpu.memref_squeeze %dma_wait3A_1011 : memref<1x1x128x16xf32, #tpu.memory_space<vmem>> -> memref<128x16xf32, #tpu.memory_space<vmem>>
      %dma_wait3A_1013 = arith.constant 0 : i32
      %dma_wait3A_1014 = tpu.memref_slice %arg8[%dma_wait3A_1007, %dma_wait3A_1008, %dma_wait3A_1013] : memref<2x8x128xi32, #tpu.memory_space<vmem>> -> memref<1x1x128xi32, #tpu.memory_space<vmem>>
      %dma_wait3A_1015 = tpu.memref_squeeze %dma_wait3A_1014 : memref<1x1x128xi32, #tpu.memory_space<vmem>> -> memref<128xi32, #tpu.memory_space<vmem>>
      %dma_wait3A_1016 = arith.constant 0 : i32
      %dma_wait3A_1017 = arith.constant 0 : i32
      %dma_wait3A_1018 = tpu.memref_slice %arg18[%dma_wait3A_1016, %dma_wait3A_1017] : memref<100352x16xf32, #tpu.memory_space<vmem_shared>> -> memref<100352x16xf32, #tpu.memory_space<vmem_shared>>
      tpu.wait_indirect_dma semaphore(%arg17 : memref<!tpu.dma_semaphore, #tpu.memory_space<semaphore_mem>>) src(%dma_wait3A_1012 : memref<128x16xf32, #tpu.memory_space<vmem>>) dst(%dma_wait3A_1018 : memref<100352x16xf32, #tpu.memory_space<vmem_shared>>)
      %dma_wait3A_1019 = arith.constant 1 : i32
      %dma_wait3A_1020 = arith.constant 2 : i32
      %dma_wait3A_1021 = arith.constant 1 : i32
      %dma_wait3A_1022 = arith.constant 6 : i32
      %dma_wait3A_1023 = arith.constant 0 : i32
      %dma_wait3A_1024 = arith.constant 0 : i32
      %dma_wait3A_1025 = tpu.memref_slice %arg9[%dma_wait3A_1019, %dma_wait3A_1020, %dma_wait3A_1023, %dma_wait3A_1024] : memref<2x4x128x16xf32, #tpu.memory_space<vmem>> -> memref<1x1x128x16xf32, #tpu.memory_space<vmem>>
      %dma_wait3A_1026 = tpu.memref_squeeze %dma_wait3A_1025 : memref<1x1x128x16xf32, #tpu.memory_space<vmem>> -> memref<128x16xf32, #tpu.memory_space<vmem>>
      %dma_wait3A_1027 = arith.constant 0 : i32
      %dma_wait3A_1028 = tpu.memref_slice %arg8[%dma_wait3A_1021, %dma_wait3A_1022, %dma_wait3A_1027] : memref<2x8x128xi32, #tpu.memory_space<vmem>> -> memref<1x1x128xi32, #tpu.memory_space<vmem>>
      %dma_wait3A_1029 = tpu.memref_squeeze %dma_wait3A_1028 : memref<1x1x128xi32, #tpu.memory_space<vmem>> -> memref<128xi32, #tpu.memory_space<vmem>>
      %dma_wait3A_1030 = arith.constant 0 : i32
      %dma_wait3A_1031 = arith.constant 0 : i32
      %dma_wait3A_1032 = tpu.memref_slice %arg18[%dma_wait3A_1030, %dma_wait3A_1031] : memref<100352x16xf32, #tpu.memory_space<vmem_shared>> -> memref<100352x16xf32, #tpu.memory_space<vmem_shared>>
      tpu.wait_indirect_dma semaphore(%arg17 : memref<!tpu.dma_semaphore, #tpu.memory_space<semaphore_mem>>) src(%dma_wait3A_1026 : memref<128x16xf32, #tpu.memory_space<vmem>>) dst(%dma_wait3A_1032 : memref<100352x16xf32, #tpu.memory_space<vmem_shared>>)
      %dma_wait3A_1033 = arith.constant 1 : i32
      %dma_wait3A_1034 = arith.constant 3 : i32
      %dma_wait3A_1035 = arith.constant 1 : i32
      %dma_wait3A_1036 = arith.constant 7 : i32
      %dma_wait3A_1037 = arith.constant 0 : i32
      %dma_wait3A_1038 = arith.constant 0 : i32
      %dma_wait3A_1039 = tpu.memref_slice %arg9[%dma_wait3A_1033, %dma_wait3A_1034, %dma_wait3A_1037, %dma_wait3A_1038] : memref<2x4x128x16xf32, #tpu.memory_space<vmem>> -> memref<1x1x128x16xf32, #tpu.memory_space<vmem>>
      %dma_wait3A_1040 = tpu.memref_squeeze %dma_wait3A_1039 : memref<1x1x128x16xf32, #tpu.memory_space<vmem>> -> memref<128x16xf32, #tpu.memory_space<vmem>>
      %dma_wait3A_1041 = arith.constant 0 : i32
      %dma_wait3A_1042 = tpu.memref_slice %arg8[%dma_wait3A_1035, %dma_wait3A_1036, %dma_wait3A_1041] : memref<2x8x128xi32, #tpu.memory_space<vmem>> -> memref<1x1x128xi32, #tpu.memory_space<vmem>>
      %dma_wait3A_1043 = tpu.memref_squeeze %dma_wait3A_1042 : memref<1x1x128xi32, #tpu.memory_space<vmem>> -> memref<128xi32, #tpu.memory_space<vmem>>
      %dma_wait3A_1044 = arith.constant 0 : i32
      %dma_wait3A_1045 = arith.constant 0 : i32
      %dma_wait3A_1046 = tpu.memref_slice %arg18[%dma_wait3A_1044, %dma_wait3A_1045] : memref<100352x16xf32, #tpu.memory_space<vmem_shared>> -> memref<100352x16xf32, #tpu.memory_space<vmem_shared>>
      tpu.wait_indirect_dma semaphore(%arg17 : memref<!tpu.dma_semaphore, #tpu.memory_space<semaphore_mem>>) src(%dma_wait3A_1040 : memref<128x16xf32, #tpu.memory_space<vmem>>) dst(%dma_wait3A_1046 : memref<100352x16xf32, #tpu.memory_space<vmem_shared>>)
      %not3A_1047 = arith.constant true
      %not3A_1048 = arith.xori %ge3A_77, %not3A_1047 : i1
      %convert_element_type3A_1049 = arith.extui %not3A_1048 : i1 to i32
      %cond3A_1050 = arith.constant 0 : i32
      %cond3A_1051 = arith.cmpi ne, %convert_element_type3A_1049, %cond3A_1050 : i32
      scf.if %cond3A_1051 {
        %add3A_1052 = arith.constant 2 : i32
        %add3A_1053 = arith.addi %add3A_565, %add3A_1052 : i32
        %mul3A_1054 = arith.constant 1568 : i32
        %mul3A_1055 = arith.muli %add3A, %mul3A_1054 : i32
        %mul3A_1056 = arith.constant 2 : i32
        %mul3A_1057 = arith.muli %add3A_1053, %mul3A_1056 : i32
        %mul3A_1058 = arith.constant 4 : i32
        %mul3A_1059 = arith.muli %mul3A_1057, %mul3A_1058 : i32
        %add3A_1060 = arith.addi %mul3A_1055, %mul3A_1059 : i32
        %dma_start3A_1061 = arith.constant 1 : i32
        %dma_start3A_1062 = arith.constant 0 : i32
        %dma_start3A_1063 = arith.constant 0 : i32
        %dma_start3A_1064 = tpu.memref_slice %arg7[%dma_start3A_1061, %dma_start3A_1062, %dma_start3A_1063] : memref<2x8x128xi32, #tpu.memory_space<vmem>> -> memref<1x8x128xi32, #tpu.memory_space<vmem>>
        %dma_start3A_1065 = tpu.memref_squeeze %dma_start3A_1064 : memref<1x8x128xi32, #tpu.memory_space<vmem>> -> memref<8x128xi32, #tpu.memory_space<vmem>>
        %dma_start3A_1066 = arith.constant 0 : i32
        %dma_start3A_1067 = tpu.memref_slice %arg2[%add3A_1060, %dma_start3A_1066] : memref<50176x128xi32, #tpu.memory_space<hbm>> -> memref<8x128xi32, #tpu.memory_space<hbm>>
        %dma_start3A_1068 = arith.constant 0 : i32
        %dma_start3A_1069 = arith.constant 0 : i32
        %dma_start3A_1070 = tpu.memref_slice %arg7[%dma_start3A_1061, %dma_start3A_1068, %dma_start3A_1069] : memref<2x8x128xi32, #tpu.memory_space<vmem>> -> memref<1x8x128xi32, #tpu.memory_space<vmem>>
        %dma_start3A_1071 = tpu.memref_squeeze %dma_start3A_1070 : memref<1x8x128xi32, #tpu.memory_space<vmem>> -> memref<8x128xi32, #tpu.memory_space<vmem>>
        %dma_start3A_1072 = arith.constant 0 : i32
        %dma_start3A_1073 = tpu.memref_slice %arg2[%add3A_1060, %dma_start3A_1072] : memref<50176x128xi32, #tpu.memory_space<hbm>> -> memref<8x128xi32, #tpu.memory_space<hbm>>
        tpu.enqueue_dma source(%dma_start3A_1073 : memref<8x128xi32, #tpu.memory_space<hbm>>) target(%dma_start3A_1071 : memref<8x128xi32, #tpu.memory_space<vmem>>) target_semaphore(%arg11 : memref<!tpu.dma_semaphore, #tpu.memory_space<semaphore_mem>>)
        %dma_start3A_1074 = arith.constant 1 : i32
        %dma_start3A_1075 = arith.constant 0 : i32
        %dma_start3A_1076 = arith.constant 0 : i32
        %dma_start3A_1077 = tpu.memref_slice %arg8[%dma_start3A_1074, %dma_start3A_1075, %dma_start3A_1076] : memref<2x8x128xi32, #tpu.memory_space<vmem>> -> memref<1x8x128xi32, #tpu.memory_space<vmem>>
        %dma_start3A_1078 = tpu.memref_squeeze %dma_start3A_1077 : memref<1x8x128xi32, #tpu.memory_space<vmem>> -> memref<8x128xi32, #tpu.memory_space<vmem>>
        %dma_start3A_1079 = arith.constant 0 : i32
        %dma_start3A_1080 = tpu.memref_slice %arg3[%add3A_1060, %dma_start3A_1079] : memref<50176x128xi32, #tpu.memory_space<hbm>> -> memref<8x128xi32, #tpu.memory_space<hbm>>
        %dma_start3A_1081 = arith.constant 0 : i32
        %dma_start3A_1082 = arith.constant 0 : i32
        %dma_start3A_1083 = tpu.memref_slice %arg8[%dma_start3A_1074, %dma_start3A_1081, %dma_start3A_1082] : memref<2x8x128xi32, #tpu.memory_space<vmem>> -> memref<1x8x128xi32, #tpu.memory_space<vmem>>
        %dma_start3A_1084 = tpu.memref_squeeze %dma_start3A_1083 : memref<1x8x128xi32, #tpu.memory_space<vmem>> -> memref<8x128xi32, #tpu.memory_space<vmem>>
        %dma_start3A_1085 = arith.constant 0 : i32
        %dma_start3A_1086 = tpu.memref_slice %arg3[%add3A_1060, %dma_start3A_1085] : memref<50176x128xi32, #tpu.memory_space<hbm>> -> memref<8x128xi32, #tpu.memory_space<hbm>>
        tpu.enqueue_dma source(%dma_start3A_1086 : memref<8x128xi32, #tpu.memory_space<hbm>>) target(%dma_start3A_1084 : memref<8x128xi32, #tpu.memory_space<vmem>>) target_semaphore(%arg13 : memref<!tpu.dma_semaphore, #tpu.memory_space<semaphore_mem>>)
      } else {
      }
    }
    %scan3A_67 = arith.constant 98 : i32
    %barrier3A_68 = arith.constant 0 : index
    tpu.barrier barrier_id(%barrier3A_68)
    %mul3A_69 = arith.constant 6272 : i32
    %mul3A_70 = arith.muli %arg1, %mul3A_69 : i32
    %mul3A_71 = arith.constant 100352 : i32
    %mul3A_72 = arith.muli %arg0, %mul3A_71 : i32
    %mul3A_73 = arith.constant 6272 : i32
    %mul3A_74 = arith.muli %arg1, %mul3A_73 : i32
    %add3A_75 = arith.addi %mul3A_72, %mul3A_74 : i32
    "tpu.region"() ({
      %run_scoped3A = tpu.sem_alloc : memref<!tpu.dma_semaphore, #tpu.memory_space<semaphore_mem>>
      %dma_start3A_76 = arith.constant 0 : i32
      %dma_start3A_77 = tpu.memref_slice %arg6[%add3A_75, %dma_start3A_76] : memref<200704x16xf32, #tpu.memory_space<hbm>> -> memref<6272x16xf32, #tpu.memory_space<hbm>>
      %dma_start3A_78 = arith.constant 0 : i32
      %dma_start3A_79 = tpu.memref_slice %arg18[%mul3A_70, %dma_start3A_78] : memref<100352x16xf32, #tpu.memory_space<vmem_shared>> -> memref<6272x16xf32, #tpu.memory_space<vmem_shared>>
      tpu.enqueue_dma source(%dma_start3A_79 : memref<6272x16xf32, #tpu.memory_space<vmem_shared>>) target(%dma_start3A_77 : memref<6272x16xf32, #tpu.memory_space<hbm>>) target_semaphore(%run_scoped3A : memref<!tpu.dma_semaphore, #tpu.memory_space<semaphore_mem>>)
      %dma_wait3A = arith.constant 0 : i32
      %dma_wait3A_80 = tpu.memref_slice %arg6[%add3A_75, %dma_wait3A] : memref<200704x16xf32, #tpu.memory_space<hbm>> -> memref<6272x16xf32, #tpu.memory_space<hbm>>
      %dma_wait3A_81 = arith.constant 0 : i32
      %dma_wait3A_82 = tpu.memref_slice %arg18[%mul3A_70, %dma_wait3A_81] : memref<100352x16xf32, #tpu.memory_space<vmem_shared>> -> memref<6272x16xf32, #tpu.memory_space<vmem_shared>>
      tpu.wait_dma2 semaphore(%run_scoped3A : memref<!tpu.dma_semaphore, #tpu.memory_space<semaphore_mem>>) src(%dma_wait3A_82 : memref<6272x16xf32, #tpu.memory_space<vmem_shared>>) dst(%dma_wait3A_80 : memref<6272x16xf32, #tpu.memory_space<hbm>>)
      tpu.yield
    }) : () -> ()
    return
  }
}

#map = affine_map<(d0, d1) -> (0, 0)>
#map1 = affine_map<(d0, d1) -> (0)>
module attributes {stable_mosaic.version = 14 : i64} {
  func.func @body(%arg0: i32, %arg1: i32, %arg2: memref<50176x128xi32, #tpu.memory_space<hbm>>, %arg3: memref<50176x128xi32, #tpu.memory_space<hbm>>, %arg4: memref<100352xf32, #tpu.memory_space<hbm>>, %arg5: memref<100352xf32, #tpu.memory_space<hbm>>, %arg6: memref<200704xf32, #tpu.memory_space<hbm>>, %arg7: memref<2x8x128xi32, #tpu.memory_space<vmem>>, %arg8: memref<2x8x128xi32, #tpu.memory_space<vmem>>, %arg9: memref<8x128xf32, #tpu.memory_space<vmem>>, %arg10: memref<!tpu.dma_semaphore, #tpu.memory_space<semaphore_mem>>, %arg11: memref<!tpu.dma_semaphore, #tpu.memory_space<semaphore_mem>>, %arg12: memref<!tpu.dma_semaphore, #tpu.memory_space<semaphore_mem>>, %arg13: memref<!tpu.dma_semaphore, #tpu.memory_space<semaphore_mem>>, %arg14: memref<!tpu.dma_semaphore, #tpu.memory_space<semaphore_mem>>, %arg15: memref<!tpu.dma_semaphore, #tpu.memory_space<semaphore_mem>>, %arg16: memref<!tpu.dma_semaphore, #tpu.memory_space<semaphore_mem>>, %arg17: memref<!tpu.dma_semaphore, #tpu.memory_space<semaphore_mem>>, %arg18: memref<100352xf32, #tpu.memory_space<vmem_shared>>) attributes {dimension_semantics = [#tpu.dimension_semantics<core_parallel>, #tpu.dimension_semantics<subcore_parallel>], iteration_bounds = array<i64: 2, 16>, scalar_prefetch = 0 : i64, scratch_operands = 12 : i64, tpu.core_type = #tpu.core_type<sc_vector_subcore>, window_params = [{transform_indices = #map}, {transform_indices = #map}, {transform_indices = #map1}, {transform_indices = #map1}, {transform_indices = #map1}]} {
    %mul3A = arith.constant 2 : i32
    %mul3A_0 = arith.muli %arg1, %mul3A : i32
    %add3A = arith.addi %mul3A_0, %arg0 : i32
    %mul3A_1 = arith.constant 6272 : i32
    %mul3A_2 = arith.muli %arg1, %mul3A_1 : i32
    %mul3A_3 = arith.constant 6272 : i32
    %mul3A_4 = arith.muli %arg1, %mul3A_3 : i32
    "tpu.region"() ({
      %run_scoped3A = tpu.sem_alloc : memref<!tpu.dma_semaphore, #tpu.memory_space<semaphore_mem>>
      %dma_start3A_76 = tpu.memref_slice %arg18[%mul3A_4] : memref<100352xf32, #tpu.memory_space<vmem_shared>> -> memref<6272xf32, #tpu.memory_space<vmem_shared>>
      %dma_start3A_77 = tpu.memref_slice %arg5[%mul3A_2] : memref<100352xf32, #tpu.memory_space<hbm>> -> memref<6272xf32, #tpu.memory_space<hbm>>
      tpu.enqueue_dma source(%dma_start3A_77 : memref<6272xf32, #tpu.memory_space<hbm>>) target(%dma_start3A_76 : memref<6272xf32, #tpu.memory_space<vmem_shared>>) target_semaphore(%run_scoped3A : memref<!tpu.dma_semaphore, #tpu.memory_space<semaphore_mem>>)
      %dma_wait3A = tpu.memref_slice %arg18[%mul3A_4] : memref<100352xf32, #tpu.memory_space<vmem_shared>> -> memref<6272xf32, #tpu.memory_space<vmem_shared>>
      %dma_wait3A_78 = tpu.memref_slice %arg5[%mul3A_2] : memref<100352xf32, #tpu.memory_space<hbm>> -> memref<6272xf32, #tpu.memory_space<hbm>>
      tpu.wait_dma2 semaphore(%run_scoped3A : memref<!tpu.dma_semaphore, #tpu.memory_space<semaphore_mem>>) src(%dma_wait3A_78 : memref<6272xf32, #tpu.memory_space<hbm>>) dst(%dma_wait3A : memref<6272xf32, #tpu.memory_space<vmem_shared>>)
      tpu.yield
    }) : () -> ()
    %barrier3A = arith.constant 0 : index
    tpu.barrier barrier_id(%barrier3A)
    %mul3A_5 = arith.constant 1568 : i32
    %mul3A_6 = arith.muli %add3A, %mul3A_5 : i32
    %add3A_7 = arith.constant 0 : i32
    %add3A_8 = arith.addi %mul3A_6, %add3A_7 : i32
    %dma_start3A = arith.constant 0 : i32
    %dma_start3A_9 = arith.constant 0 : i32
    %dma_start3A_10 = arith.constant 0 : i32
    %dma_start3A_11 = tpu.memref_slice %arg7[%dma_start3A, %dma_start3A_9, %dma_start3A_10] : memref<2x8x128xi32, #tpu.memory_space<vmem>> -> memref<1x8x128xi32, #tpu.memory_space<vmem>>
    %dma_start3A_12 = tpu.memref_squeeze %dma_start3A_11 : memref<1x8x128xi32, #tpu.memory_space<vmem>> -> memref<8x128xi32, #tpu.memory_space<vmem>>
    %dma_start3A_13 = arith.constant 0 : i32
    %dma_start3A_14 = tpu.memref_slice %arg2[%add3A_8, %dma_start3A_13] : memref<50176x128xi32, #tpu.memory_space<hbm>> -> memref<8x128xi32, #tpu.memory_space<hbm>>
    %dma_start3A_15 = arith.constant 0 : i32
    %dma_start3A_16 = arith.constant 0 : i32
    %dma_start3A_17 = tpu.memref_slice %arg7[%dma_start3A, %dma_start3A_15, %dma_start3A_16] : memref<2x8x128xi32, #tpu.memory_space<vmem>> -> memref<1x8x128xi32, #tpu.memory_space<vmem>>
    %dma_start3A_18 = tpu.memref_squeeze %dma_start3A_17 : memref<1x8x128xi32, #tpu.memory_space<vmem>> -> memref<8x128xi32, #tpu.memory_space<vmem>>
    %dma_start3A_19 = arith.constant 0 : i32
    %dma_start3A_20 = tpu.memref_slice %arg2[%add3A_8, %dma_start3A_19] : memref<50176x128xi32, #tpu.memory_space<hbm>> -> memref<8x128xi32, #tpu.memory_space<hbm>>
    tpu.enqueue_dma source(%dma_start3A_20 : memref<8x128xi32, #tpu.memory_space<hbm>>) target(%dma_start3A_18 : memref<8x128xi32, #tpu.memory_space<vmem>>) target_semaphore(%arg10 : memref<!tpu.dma_semaphore, #tpu.memory_space<semaphore_mem>>)
    %dma_start3A_21 = arith.constant 0 : i32
    %dma_start3A_22 = arith.constant 0 : i32
    %dma_start3A_23 = arith.constant 0 : i32
    %dma_start3A_24 = tpu.memref_slice %arg8[%dma_start3A_21, %dma_start3A_22, %dma_start3A_23] : memref<2x8x128xi32, #tpu.memory_space<vmem>> -> memref<1x8x128xi32, #tpu.memory_space<vmem>>
    %dma_start3A_25 = tpu.memref_squeeze %dma_start3A_24 : memref<1x8x128xi32, #tpu.memory_space<vmem>> -> memref<8x128xi32, #tpu.memory_space<vmem>>
    %dma_start3A_26 = arith.constant 0 : i32
    %dma_start3A_27 = tpu.memref_slice %arg3[%add3A_8, %dma_start3A_26] : memref<50176x128xi32, #tpu.memory_space<hbm>> -> memref<8x128xi32, #tpu.memory_space<hbm>>
    %dma_start3A_28 = arith.constant 0 : i32
    %dma_start3A_29 = arith.constant 0 : i32
    %dma_start3A_30 = tpu.memref_slice %arg8[%dma_start3A_21, %dma_start3A_28, %dma_start3A_29] : memref<2x8x128xi32, #tpu.memory_space<vmem>> -> memref<1x8x128xi32, #tpu.memory_space<vmem>>
    %dma_start3A_31 = tpu.memref_squeeze %dma_start3A_30 : memref<1x8x128xi32, #tpu.memory_space<vmem>> -> memref<8x128xi32, #tpu.memory_space<vmem>>
    %dma_start3A_32 = arith.constant 0 : i32
    %dma_start3A_33 = tpu.memref_slice %arg3[%add3A_8, %dma_start3A_32] : memref<50176x128xi32, #tpu.memory_space<hbm>> -> memref<8x128xi32, #tpu.memory_space<hbm>>
    tpu.enqueue_dma source(%dma_start3A_33 : memref<8x128xi32, #tpu.memory_space<hbm>>) target(%dma_start3A_31 : memref<8x128xi32, #tpu.memory_space<vmem>>) target_semaphore(%arg12 : memref<!tpu.dma_semaphore, #tpu.memory_space<semaphore_mem>>)
    %mul3A_34 = arith.constant 1568 : i32
    %mul3A_35 = arith.muli %add3A, %mul3A_34 : i32
    %add3A_36 = arith.constant 8 : i32
    %add3A_37 = arith.addi %mul3A_35, %add3A_36 : i32
    %dma_start3A_38 = arith.constant 1 : i32
    %dma_start3A_39 = arith.constant 0 : i32
    %dma_start3A_40 = arith.constant 0 : i32
    %dma_start3A_41 = tpu.memref_slice %arg7[%dma_start3A_38, %dma_start3A_39, %dma_start3A_40] : memref<2x8x128xi32, #tpu.memory_space<vmem>> -> memref<1x8x128xi32, #tpu.memory_space<vmem>>
    %dma_start3A_42 = tpu.memref_squeeze %dma_start3A_41 : memref<1x8x128xi32, #tpu.memory_space<vmem>> -> memref<8x128xi32, #tpu.memory_space<vmem>>
    %dma_start3A_43 = arith.constant 0 : i32
    %dma_start3A_44 = tpu.memref_slice %arg2[%add3A_37, %dma_start3A_43] : memref<50176x128xi32, #tpu.memory_space<hbm>> -> memref<8x128xi32, #tpu.memory_space<hbm>>
    %dma_start3A_45 = arith.constant 0 : i32
    %dma_start3A_46 = arith.constant 0 : i32
    %dma_start3A_47 = tpu.memref_slice %arg7[%dma_start3A_38, %dma_start3A_45, %dma_start3A_46] : memref<2x8x128xi32, #tpu.memory_space<vmem>> -> memref<1x8x128xi32, #tpu.memory_space<vmem>>
    %dma_start3A_48 = tpu.memref_squeeze %dma_start3A_47 : memref<1x8x128xi32, #tpu.memory_space<vmem>> -> memref<8x128xi32, #tpu.memory_space<vmem>>
    %dma_start3A_49 = arith.constant 0 : i32
    %dma_start3A_50 = tpu.memref_slice %arg2[%add3A_37, %dma_start3A_49] : memref<50176x128xi32, #tpu.memory_space<hbm>> -> memref<8x128xi32, #tpu.memory_space<hbm>>
    tpu.enqueue_dma source(%dma_start3A_50 : memref<8x128xi32, #tpu.memory_space<hbm>>) target(%dma_start3A_48 : memref<8x128xi32, #tpu.memory_space<vmem>>) target_semaphore(%arg11 : memref<!tpu.dma_semaphore, #tpu.memory_space<semaphore_mem>>)
    %dma_start3A_51 = arith.constant 1 : i32
    %dma_start3A_52 = arith.constant 0 : i32
    %dma_start3A_53 = arith.constant 0 : i32
    %dma_start3A_54 = tpu.memref_slice %arg8[%dma_start3A_51, %dma_start3A_52, %dma_start3A_53] : memref<2x8x128xi32, #tpu.memory_space<vmem>> -> memref<1x8x128xi32, #tpu.memory_space<vmem>>
    %dma_start3A_55 = tpu.memref_squeeze %dma_start3A_54 : memref<1x8x128xi32, #tpu.memory_space<vmem>> -> memref<8x128xi32, #tpu.memory_space<vmem>>
    %dma_start3A_56 = arith.constant 0 : i32
    %dma_start3A_57 = tpu.memref_slice %arg3[%add3A_37, %dma_start3A_56] : memref<50176x128xi32, #tpu.memory_space<hbm>> -> memref<8x128xi32, #tpu.memory_space<hbm>>
    %dma_start3A_58 = arith.constant 0 : i32
    %dma_start3A_59 = arith.constant 0 : i32
    %dma_start3A_60 = tpu.memref_slice %arg8[%dma_start3A_51, %dma_start3A_58, %dma_start3A_59] : memref<2x8x128xi32, #tpu.memory_space<vmem>> -> memref<1x8x128xi32, #tpu.memory_space<vmem>>
    %dma_start3A_61 = tpu.memref_squeeze %dma_start3A_60 : memref<1x8x128xi32, #tpu.memory_space<vmem>> -> memref<8x128xi32, #tpu.memory_space<vmem>>
    %dma_start3A_62 = arith.constant 0 : i32
    %dma_start3A_63 = tpu.memref_slice %arg3[%add3A_37, %dma_start3A_62] : memref<50176x128xi32, #tpu.memory_space<hbm>> -> memref<8x128xi32, #tpu.memory_space<hbm>>
    tpu.enqueue_dma source(%dma_start3A_63 : memref<8x128xi32, #tpu.memory_space<hbm>>) target(%dma_start3A_61 : memref<8x128xi32, #tpu.memory_space<vmem>>) target_semaphore(%arg13 : memref<!tpu.dma_semaphore, #tpu.memory_space<semaphore_mem>>)
    %scan3A = arith.constant 0 : i32
    %scan3A_64 = arith.constant 98 : i32
    %scan3A_65 = arith.addi %scan3A, %scan3A_64 : i32
    %scan3A_66 = arith.constant 1 : i32
    scf.for %scan3A_76 = %scan3A to %scan3A_65 step %scan3A_66  : i32 {
      %ge3A = arith.constant 97 : i32
      %ge3A_77 = arith.cmpi sge, %scan3A_76, %ge3A : i32
      %mul3A_78 = arith.constant 2 : i32
      %mul3A_79 = arith.muli %mul3A_78, %scan3A_76 : i32
      %mul3A_80 = arith.constant 1568 : i32
      %mul3A_81 = arith.muli %add3A, %mul3A_80 : i32
      %mul3A_82 = arith.constant 2 : i32
      %mul3A_83 = arith.muli %mul3A_79, %mul3A_82 : i32
      %mul3A_84 = arith.constant 4 : i32
      %mul3A_85 = arith.muli %mul3A_83, %mul3A_84 : i32
      %add3A_86 = arith.addi %mul3A_81, %mul3A_85 : i32
      %dma_wait3A = arith.constant 0 : i32
      %dma_wait3A_87 = arith.constant 0 : i32
      %dma_wait3A_88 = arith.constant 0 : i32
      %dma_wait3A_89 = tpu.memref_slice %arg7[%dma_wait3A, %dma_wait3A_87, %dma_wait3A_88] : memref<2x8x128xi32, #tpu.memory_space<vmem>> -> memref<1x8x128xi32, #tpu.memory_space<vmem>>
      %dma_wait3A_90 = tpu.memref_squeeze %dma_wait3A_89 : memref<1x8x128xi32, #tpu.memory_space<vmem>> -> memref<8x128xi32, #tpu.memory_space<vmem>>
      %dma_wait3A_91 = arith.constant 0 : i32
      %dma_wait3A_92 = tpu.memref_slice %arg2[%add3A_86, %dma_wait3A_91] : memref<50176x128xi32, #tpu.memory_space<hbm>> -> memref<8x128xi32, #tpu.memory_space<hbm>>
      %dma_wait3A_93 = arith.constant 0 : i32
      %dma_wait3A_94 = arith.constant 0 : i32
      %dma_wait3A_95 = tpu.memref_slice %arg7[%dma_wait3A, %dma_wait3A_93, %dma_wait3A_94] : memref<2x8x128xi32, #tpu.memory_space<vmem>> -> memref<1x8x128xi32, #tpu.memory_space<vmem>>
      %dma_wait3A_96 = tpu.memref_squeeze %dma_wait3A_95 : memref<1x8x128xi32, #tpu.memory_space<vmem>> -> memref<8x128xi32, #tpu.memory_space<vmem>>
      %dma_wait3A_97 = arith.constant 0 : i32
      %dma_wait3A_98 = tpu.memref_slice %arg2[%add3A_86, %dma_wait3A_97] : memref<50176x128xi32, #tpu.memory_space<hbm>> -> memref<8x128xi32, #tpu.memory_space<hbm>>
      tpu.wait_dma2 semaphore(%arg10 : memref<!tpu.dma_semaphore, #tpu.memory_space<semaphore_mem>>) src(%dma_wait3A_98 : memref<8x128xi32, #tpu.memory_space<hbm>>) dst(%dma_wait3A_96 : memref<8x128xi32, #tpu.memory_space<vmem>>)
      %dma_wait3A_99 = arith.constant 0 : i32
      %dma_wait3A_100 = arith.constant 0 : i32
      %dma_wait3A_101 = arith.constant 0 : i32
      %dma_wait3A_102 = tpu.memref_slice %arg8[%dma_wait3A_99, %dma_wait3A_100, %dma_wait3A_101] : memref<2x8x128xi32, #tpu.memory_space<vmem>> -> memref<1x8x128xi32, #tpu.memory_space<vmem>>
      %dma_wait3A_103 = tpu.memref_squeeze %dma_wait3A_102 : memref<1x8x128xi32, #tpu.memory_space<vmem>> -> memref<8x128xi32, #tpu.memory_space<vmem>>
      %dma_wait3A_104 = arith.constant 0 : i32
      %dma_wait3A_105 = tpu.memref_slice %arg3[%add3A_86, %dma_wait3A_104] : memref<50176x128xi32, #tpu.memory_space<hbm>> -> memref<8x128xi32, #tpu.memory_space<hbm>>
      %dma_wait3A_106 = arith.constant 0 : i32
      %dma_wait3A_107 = arith.constant 0 : i32
      %dma_wait3A_108 = tpu.memref_slice %arg8[%dma_wait3A_99, %dma_wait3A_106, %dma_wait3A_107] : memref<2x8x128xi32, #tpu.memory_space<vmem>> -> memref<1x8x128xi32, #tpu.memory_space<vmem>>
      %dma_wait3A_109 = tpu.memref_squeeze %dma_wait3A_108 : memref<1x8x128xi32, #tpu.memory_space<vmem>> -> memref<8x128xi32, #tpu.memory_space<vmem>>
      %dma_wait3A_110 = arith.constant 0 : i32
      %dma_wait3A_111 = tpu.memref_slice %arg3[%add3A_86, %dma_wait3A_110] : memref<50176x128xi32, #tpu.memory_space<hbm>> -> memref<8x128xi32, #tpu.memory_space<hbm>>
      tpu.wait_dma2 semaphore(%arg12 : memref<!tpu.dma_semaphore, #tpu.memory_space<semaphore_mem>>) src(%dma_wait3A_111 : memref<8x128xi32, #tpu.memory_space<hbm>>) dst(%dma_wait3A_109 : memref<8x128xi32, #tpu.memory_space<vmem>>)
      %dma_start3A_112 = arith.constant 0 : i32
      %dma_start3A_113 = arith.constant 0 : i32
      %dma_start3A_114 = arith.constant 0 : i32
      %dma_start3A_115 = arith.constant 0 : i32
      %dma_start3A_116 = tpu.memref_slice %arg9[%dma_start3A_114, %dma_start3A_115] : memref<8x128xf32, #tpu.memory_space<vmem>> -> memref<1x128xf32, #tpu.memory_space<vmem>>
      %dma_start3A_117 = tpu.memref_squeeze %dma_start3A_116 : memref<1x128xf32, #tpu.memory_space<vmem>> -> memref<128xf32, #tpu.memory_space<vmem>>
      %dma_start3A_118 = arith.constant 0 : i32
      %dma_start3A_119 = tpu.memref_slice %arg7[%dma_start3A_112, %dma_start3A_113, %dma_start3A_118] : memref<2x8x128xi32, #tpu.memory_space<vmem>> -> memref<1x1x128xi32, #tpu.memory_space<vmem>>
      %dma_start3A_120 = tpu.memref_squeeze %dma_start3A_119 : memref<1x1x128xi32, #tpu.memory_space<vmem>> -> memref<128xi32, #tpu.memory_space<vmem>>
      %dma_start3A_121 = arith.constant 0 : i32
      %dma_start3A_122 = tpu.memref_slice %arg4[%dma_start3A_121] : memref<100352xf32, #tpu.memory_space<hbm>> -> memref<100352xf32, #tpu.memory_space<hbm>>
      tpu.enqueue_indirect_dma source(%dma_start3A_122 : memref<100352xf32, #tpu.memory_space<hbm>>) target(%dma_start3A_117 : memref<128xf32, #tpu.memory_space<vmem>>) offsets(%dma_start3A_120 : memref<128xi32, #tpu.memory_space<vmem>>) semaphore(%arg14 : memref<!tpu.dma_semaphore, #tpu.memory_space<semaphore_mem>>)
      %dma_start3A_123 = arith.constant 0 : i32
      %dma_start3A_124 = arith.constant 1 : i32
      %dma_start3A_125 = arith.constant 1 : i32
      %dma_start3A_126 = arith.constant 0 : i32
      %dma_start3A_127 = tpu.memref_slice %arg9[%dma_start3A_125, %dma_start3A_126] : memref<8x128xf32, #tpu.memory_space<vmem>> -> memref<1x128xf32, #tpu.memory_space<vmem>>
      %dma_start3A_128 = tpu.memref_squeeze %dma_start3A_127 : memref<1x128xf32, #tpu.memory_space<vmem>> -> memref<128xf32, #tpu.memory_space<vmem>>
      %dma_start3A_129 = arith.constant 0 : i32
      %dma_start3A_130 = tpu.memref_slice %arg7[%dma_start3A_123, %dma_start3A_124, %dma_start3A_129] : memref<2x8x128xi32, #tpu.memory_space<vmem>> -> memref<1x1x128xi32, #tpu.memory_space<vmem>>
      %dma_start3A_131 = tpu.memref_squeeze %dma_start3A_130 : memref<1x1x128xi32, #tpu.memory_space<vmem>> -> memref<128xi32, #tpu.memory_space<vmem>>
      %dma_start3A_132 = arith.constant 0 : i32
      %dma_start3A_133 = tpu.memref_slice %arg4[%dma_start3A_132] : memref<100352xf32, #tpu.memory_space<hbm>> -> memref<100352xf32, #tpu.memory_space<hbm>>
      tpu.enqueue_indirect_dma source(%dma_start3A_133 : memref<100352xf32, #tpu.memory_space<hbm>>) target(%dma_start3A_128 : memref<128xf32, #tpu.memory_space<vmem>>) offsets(%dma_start3A_131 : memref<128xi32, #tpu.memory_space<vmem>>) semaphore(%arg14 : memref<!tpu.dma_semaphore, #tpu.memory_space<semaphore_mem>>)
      %dma_start3A_134 = arith.constant 0 : i32
      %dma_start3A_135 = arith.constant 2 : i32
      %dma_start3A_136 = arith.constant 2 : i32
      %dma_start3A_137 = arith.constant 0 : i32
      %dma_start3A_138 = tpu.memref_slice %arg9[%dma_start3A_136, %dma_start3A_137] : memref<8x128xf32, #tpu.memory_space<vmem>> -> memref<1x128xf32, #tpu.memory_space<vmem>>
      %dma_start3A_139 = tpu.memref_squeeze %dma_start3A_138 : memref<1x128xf32, #tpu.memory_space<vmem>> -> memref<128xf32, #tpu.memory_space<vmem>>
      %dma_start3A_140 = arith.constant 0 : i32
      %dma_start3A_141 = tpu.memref_slice %arg7[%dma_start3A_134, %dma_start3A_135, %dma_start3A_140] : memref<2x8x128xi32, #tpu.memory_space<vmem>> -> memref<1x1x128xi32, #tpu.memory_space<vmem>>
      %dma_start3A_142 = tpu.memref_squeeze %dma_start3A_141 : memref<1x1x128xi32, #tpu.memory_space<vmem>> -> memref<128xi32, #tpu.memory_space<vmem>>
      %dma_start3A_143 = arith.constant 0 : i32
      %dma_start3A_144 = tpu.memref_slice %arg4[%dma_start3A_143] : memref<100352xf32, #tpu.memory_space<hbm>> -> memref<100352xf32, #tpu.memory_space<hbm>>
      tpu.enqueue_indirect_dma source(%dma_start3A_144 : memref<100352xf32, #tpu.memory_space<hbm>>) target(%dma_start3A_139 : memref<128xf32, #tpu.memory_space<vmem>>) offsets(%dma_start3A_142 : memref<128xi32, #tpu.memory_space<vmem>>) semaphore(%arg14 : memref<!tpu.dma_semaphore, #tpu.memory_space<semaphore_mem>>)
      %dma_start3A_145 = arith.constant 0 : i32
      %dma_start3A_146 = arith.constant 3 : i32
      %dma_start3A_147 = arith.constant 3 : i32
      %dma_start3A_148 = arith.constant 0 : i32
      %dma_start3A_149 = tpu.memref_slice %arg9[%dma_start3A_147, %dma_start3A_148] : memref<8x128xf32, #tpu.memory_space<vmem>> -> memref<1x128xf32, #tpu.memory_space<vmem>>
      %dma_start3A_150 = tpu.memref_squeeze %dma_start3A_149 : memref<1x128xf32, #tpu.memory_space<vmem>> -> memref<128xf32, #tpu.memory_space<vmem>>
      %dma_start3A_151 = arith.constant 0 : i32
      %dma_start3A_152 = tpu.memref_slice %arg7[%dma_start3A_145, %dma_start3A_146, %dma_start3A_151] : memref<2x8x128xi32, #tpu.memory_space<vmem>> -> memref<1x1x128xi32, #tpu.memory_space<vmem>>
      %dma_start3A_153 = tpu.memref_squeeze %dma_start3A_152 : memref<1x1x128xi32, #tpu.memory_space<vmem>> -> memref<128xi32, #tpu.memory_space<vmem>>
      %dma_start3A_154 = arith.constant 0 : i32
      %dma_start3A_155 = tpu.memref_slice %arg4[%dma_start3A_154] : memref<100352xf32, #tpu.memory_space<hbm>> -> memref<100352xf32, #tpu.memory_space<hbm>>
      tpu.enqueue_indirect_dma source(%dma_start3A_155 : memref<100352xf32, #tpu.memory_space<hbm>>) target(%dma_start3A_150 : memref<128xf32, #tpu.memory_space<vmem>>) offsets(%dma_start3A_153 : memref<128xi32, #tpu.memory_space<vmem>>) semaphore(%arg14 : memref<!tpu.dma_semaphore, #tpu.memory_space<semaphore_mem>>)
      %dma_start3A_156 = arith.constant 0 : i32
      %dma_start3A_157 = arith.constant 4 : i32
      %dma_start3A_158 = arith.constant 4 : i32
      %dma_start3A_159 = arith.constant 0 : i32
      %dma_start3A_160 = tpu.memref_slice %arg9[%dma_start3A_158, %dma_start3A_159] : memref<8x128xf32, #tpu.memory_space<vmem>> -> memref<1x128xf32, #tpu.memory_space<vmem>>
      %dma_start3A_161 = tpu.memref_squeeze %dma_start3A_160 : memref<1x128xf32, #tpu.memory_space<vmem>> -> memref<128xf32, #tpu.memory_space<vmem>>
      %dma_start3A_162 = arith.constant 0 : i32
      %dma_start3A_163 = tpu.memref_slice %arg7[%dma_start3A_156, %dma_start3A_157, %dma_start3A_162] : memref<2x8x128xi32, #tpu.memory_space<vmem>> -> memref<1x1x128xi32, #tpu.memory_space<vmem>>
      %dma_start3A_164 = tpu.memref_squeeze %dma_start3A_163 : memref<1x1x128xi32, #tpu.memory_space<vmem>> -> memref<128xi32, #tpu.memory_space<vmem>>
      %dma_start3A_165 = arith.constant 0 : i32
      %dma_start3A_166 = tpu.memref_slice %arg4[%dma_start3A_165] : memref<100352xf32, #tpu.memory_space<hbm>> -> memref<100352xf32, #tpu.memory_space<hbm>>
      tpu.enqueue_indirect_dma source(%dma_start3A_166 : memref<100352xf32, #tpu.memory_space<hbm>>) target(%dma_start3A_161 : memref<128xf32, #tpu.memory_space<vmem>>) offsets(%dma_start3A_164 : memref<128xi32, #tpu.memory_space<vmem>>) semaphore(%arg15 : memref<!tpu.dma_semaphore, #tpu.memory_space<semaphore_mem>>)
      %dma_start3A_167 = arith.constant 0 : i32
      %dma_start3A_168 = arith.constant 5 : i32
      %dma_start3A_169 = arith.constant 5 : i32
      %dma_start3A_170 = arith.constant 0 : i32
      %dma_start3A_171 = tpu.memref_slice %arg9[%dma_start3A_169, %dma_start3A_170] : memref<8x128xf32, #tpu.memory_space<vmem>> -> memref<1x128xf32, #tpu.memory_space<vmem>>
      %dma_start3A_172 = tpu.memref_squeeze %dma_start3A_171 : memref<1x128xf32, #tpu.memory_space<vmem>> -> memref<128xf32, #tpu.memory_space<vmem>>
      %dma_start3A_173 = arith.constant 0 : i32
      %dma_start3A_174 = tpu.memref_slice %arg7[%dma_start3A_167, %dma_start3A_168, %dma_start3A_173] : memref<2x8x128xi32, #tpu.memory_space<vmem>> -> memref<1x1x128xi32, #tpu.memory_space<vmem>>
      %dma_start3A_175 = tpu.memref_squeeze %dma_start3A_174 : memref<1x1x128xi32, #tpu.memory_space<vmem>> -> memref<128xi32, #tpu.memory_space<vmem>>
      %dma_start3A_176 = arith.constant 0 : i32
      %dma_start3A_177 = tpu.memref_slice %arg4[%dma_start3A_176] : memref<100352xf32, #tpu.memory_space<hbm>> -> memref<100352xf32, #tpu.memory_space<hbm>>
      tpu.enqueue_indirect_dma source(%dma_start3A_177 : memref<100352xf32, #tpu.memory_space<hbm>>) target(%dma_start3A_172 : memref<128xf32, #tpu.memory_space<vmem>>) offsets(%dma_start3A_175 : memref<128xi32, #tpu.memory_space<vmem>>) semaphore(%arg15 : memref<!tpu.dma_semaphore, #tpu.memory_space<semaphore_mem>>)
      %dma_start3A_178 = arith.constant 0 : i32
      %dma_start3A_179 = arith.constant 6 : i32
      %dma_start3A_180 = arith.constant 6 : i32
      %dma_start3A_181 = arith.constant 0 : i32
      %dma_start3A_182 = tpu.memref_slice %arg9[%dma_start3A_180, %dma_start3A_181] : memref<8x128xf32, #tpu.memory_space<vmem>> -> memref<1x128xf32, #tpu.memory_space<vmem>>
      %dma_start3A_183 = tpu.memref_squeeze %dma_start3A_182 : memref<1x128xf32, #tpu.memory_space<vmem>> -> memref<128xf32, #tpu.memory_space<vmem>>
      %dma_start3A_184 = arith.constant 0 : i32
      %dma_start3A_185 = tpu.memref_slice %arg7[%dma_start3A_178, %dma_start3A_179, %dma_start3A_184] : memref<2x8x128xi32, #tpu.memory_space<vmem>> -> memref<1x1x128xi32, #tpu.memory_space<vmem>>
      %dma_start3A_186 = tpu.memref_squeeze %dma_start3A_185 : memref<1x1x128xi32, #tpu.memory_space<vmem>> -> memref<128xi32, #tpu.memory_space<vmem>>
      %dma_start3A_187 = arith.constant 0 : i32
      %dma_start3A_188 = tpu.memref_slice %arg4[%dma_start3A_187] : memref<100352xf32, #tpu.memory_space<hbm>> -> memref<100352xf32, #tpu.memory_space<hbm>>
      tpu.enqueue_indirect_dma source(%dma_start3A_188 : memref<100352xf32, #tpu.memory_space<hbm>>) target(%dma_start3A_183 : memref<128xf32, #tpu.memory_space<vmem>>) offsets(%dma_start3A_186 : memref<128xi32, #tpu.memory_space<vmem>>) semaphore(%arg15 : memref<!tpu.dma_semaphore, #tpu.memory_space<semaphore_mem>>)
      %dma_start3A_189 = arith.constant 0 : i32
      %dma_start3A_190 = arith.constant 7 : i32
      %dma_start3A_191 = arith.constant 7 : i32
      %dma_start3A_192 = arith.constant 0 : i32
      %dma_start3A_193 = tpu.memref_slice %arg9[%dma_start3A_191, %dma_start3A_192] : memref<8x128xf32, #tpu.memory_space<vmem>> -> memref<1x128xf32, #tpu.memory_space<vmem>>
      %dma_start3A_194 = tpu.memref_squeeze %dma_start3A_193 : memref<1x128xf32, #tpu.memory_space<vmem>> -> memref<128xf32, #tpu.memory_space<vmem>>
      %dma_start3A_195 = arith.constant 0 : i32
      %dma_start3A_196 = tpu.memref_slice %arg7[%dma_start3A_189, %dma_start3A_190, %dma_start3A_195] : memref<2x8x128xi32, #tpu.memory_space<vmem>> -> memref<1x1x128xi32, #tpu.memory_space<vmem>>
      %dma_start3A_197 = tpu.memref_squeeze %dma_start3A_196 : memref<1x1x128xi32, #tpu.memory_space<vmem>> -> memref<128xi32, #tpu.memory_space<vmem>>
      %dma_start3A_198 = arith.constant 0 : i32
      %dma_start3A_199 = tpu.memref_slice %arg4[%dma_start3A_198] : memref<100352xf32, #tpu.memory_space<hbm>> -> memref<100352xf32, #tpu.memory_space<hbm>>
      tpu.enqueue_indirect_dma source(%dma_start3A_199 : memref<100352xf32, #tpu.memory_space<hbm>>) target(%dma_start3A_194 : memref<128xf32, #tpu.memory_space<vmem>>) offsets(%dma_start3A_197 : memref<128xi32, #tpu.memory_space<vmem>>) semaphore(%arg15 : memref<!tpu.dma_semaphore, #tpu.memory_space<semaphore_mem>>)
      %dma_wait3A_200 = arith.constant 0 : i32
      %dma_wait3A_201 = arith.constant 0 : i32
      %dma_wait3A_202 = arith.constant 0 : i32
      %dma_wait3A_203 = arith.constant 0 : i32
      %dma_wait3A_204 = tpu.memref_slice %arg9[%dma_wait3A_202, %dma_wait3A_203] : memref<8x128xf32, #tpu.memory_space<vmem>> -> memref<1x128xf32, #tpu.memory_space<vmem>>
      %dma_wait3A_205 = tpu.memref_squeeze %dma_wait3A_204 : memref<1x128xf32, #tpu.memory_space<vmem>> -> memref<128xf32, #tpu.memory_space<vmem>>
      %dma_wait3A_206 = arith.constant 0 : i32
      %dma_wait3A_207 = tpu.memref_slice %arg7[%dma_wait3A_200, %dma_wait3A_201, %dma_wait3A_206] : memref<2x8x128xi32, #tpu.memory_space<vmem>> -> memref<1x1x128xi32, #tpu.memory_space<vmem>>
      %dma_wait3A_208 = tpu.memref_squeeze %dma_wait3A_207 : memref<1x1x128xi32, #tpu.memory_space<vmem>> -> memref<128xi32, #tpu.memory_space<vmem>>
      %dma_wait3A_209 = arith.constant 0 : i32
      %dma_wait3A_210 = tpu.memref_slice %arg4[%dma_wait3A_209] : memref<100352xf32, #tpu.memory_space<hbm>> -> memref<100352xf32, #tpu.memory_space<hbm>>
      tpu.wait_indirect_dma semaphore(%arg14 : memref<!tpu.dma_semaphore, #tpu.memory_space<semaphore_mem>>) src(%dma_wait3A_210 : memref<100352xf32, #tpu.memory_space<hbm>>) dst(%dma_wait3A_205 : memref<128xf32, #tpu.memory_space<vmem>>)
      %dma_wait3A_211 = arith.constant 0 : i32
      %dma_wait3A_212 = arith.constant 1 : i32
      %dma_wait3A_213 = arith.constant 1 : i32
      %dma_wait3A_214 = arith.constant 0 : i32
      %dma_wait3A_215 = tpu.memref_slice %arg9[%dma_wait3A_213, %dma_wait3A_214] : memref<8x128xf32, #tpu.memory_space<vmem>> -> memref<1x128xf32, #tpu.memory_space<vmem>>
      %dma_wait3A_216 = tpu.memref_squeeze %dma_wait3A_215 : memref<1x128xf32, #tpu.memory_space<vmem>> -> memref<128xf32, #tpu.memory_space<vmem>>
      %dma_wait3A_217 = arith.constant 0 : i32
      %dma_wait3A_218 = tpu.memref_slice %arg7[%dma_wait3A_211, %dma_wait3A_212, %dma_wait3A_217] : memref<2x8x128xi32, #tpu.memory_space<vmem>> -> memref<1x1x128xi32, #tpu.memory_space<vmem>>
      %dma_wait3A_219 = tpu.memref_squeeze %dma_wait3A_218 : memref<1x1x128xi32, #tpu.memory_space<vmem>> -> memref<128xi32, #tpu.memory_space<vmem>>
      %dma_wait3A_220 = arith.constant 0 : i32
      %dma_wait3A_221 = tpu.memref_slice %arg4[%dma_wait3A_220] : memref<100352xf32, #tpu.memory_space<hbm>> -> memref<100352xf32, #tpu.memory_space<hbm>>
      tpu.wait_indirect_dma semaphore(%arg14 : memref<!tpu.dma_semaphore, #tpu.memory_space<semaphore_mem>>) src(%dma_wait3A_221 : memref<100352xf32, #tpu.memory_space<hbm>>) dst(%dma_wait3A_216 : memref<128xf32, #tpu.memory_space<vmem>>)
      %dma_wait3A_222 = arith.constant 0 : i32
      %dma_wait3A_223 = arith.constant 2 : i32
      %dma_wait3A_224 = arith.constant 2 : i32
      %dma_wait3A_225 = arith.constant 0 : i32
      %dma_wait3A_226 = tpu.memref_slice %arg9[%dma_wait3A_224, %dma_wait3A_225] : memref<8x128xf32, #tpu.memory_space<vmem>> -> memref<1x128xf32, #tpu.memory_space<vmem>>
      %dma_wait3A_227 = tpu.memref_squeeze %dma_wait3A_226 : memref<1x128xf32, #tpu.memory_space<vmem>> -> memref<128xf32, #tpu.memory_space<vmem>>
      %dma_wait3A_228 = arith.constant 0 : i32
      %dma_wait3A_229 = tpu.memref_slice %arg7[%dma_wait3A_222, %dma_wait3A_223, %dma_wait3A_228] : memref<2x8x128xi32, #tpu.memory_space<vmem>> -> memref<1x1x128xi32, #tpu.memory_space<vmem>>
      %dma_wait3A_230 = tpu.memref_squeeze %dma_wait3A_229 : memref<1x1x128xi32, #tpu.memory_space<vmem>> -> memref<128xi32, #tpu.memory_space<vmem>>
      %dma_wait3A_231 = arith.constant 0 : i32
      %dma_wait3A_232 = tpu.memref_slice %arg4[%dma_wait3A_231] : memref<100352xf32, #tpu.memory_space<hbm>> -> memref<100352xf32, #tpu.memory_space<hbm>>
      tpu.wait_indirect_dma semaphore(%arg14 : memref<!tpu.dma_semaphore, #tpu.memory_space<semaphore_mem>>) src(%dma_wait3A_232 : memref<100352xf32, #tpu.memory_space<hbm>>) dst(%dma_wait3A_227 : memref<128xf32, #tpu.memory_space<vmem>>)
      %dma_wait3A_233 = arith.constant 0 : i32
      %dma_wait3A_234 = arith.constant 3 : i32
      %dma_wait3A_235 = arith.constant 3 : i32
      %dma_wait3A_236 = arith.constant 0 : i32
      %dma_wait3A_237 = tpu.memref_slice %arg9[%dma_wait3A_235, %dma_wait3A_236] : memref<8x128xf32, #tpu.memory_space<vmem>> -> memref<1x128xf32, #tpu.memory_space<vmem>>
      %dma_wait3A_238 = tpu.memref_squeeze %dma_wait3A_237 : memref<1x128xf32, #tpu.memory_space<vmem>> -> memref<128xf32, #tpu.memory_space<vmem>>
      %dma_wait3A_239 = arith.constant 0 : i32
      %dma_wait3A_240 = tpu.memref_slice %arg7[%dma_wait3A_233, %dma_wait3A_234, %dma_wait3A_239] : memref<2x8x128xi32, #tpu.memory_space<vmem>> -> memref<1x1x128xi32, #tpu.memory_space<vmem>>
      %dma_wait3A_241 = tpu.memref_squeeze %dma_wait3A_240 : memref<1x1x128xi32, #tpu.memory_space<vmem>> -> memref<128xi32, #tpu.memory_space<vmem>>
      %dma_wait3A_242 = arith.constant 0 : i32
      %dma_wait3A_243 = tpu.memref_slice %arg4[%dma_wait3A_242] : memref<100352xf32, #tpu.memory_space<hbm>> -> memref<100352xf32, #tpu.memory_space<hbm>>
      tpu.wait_indirect_dma semaphore(%arg14 : memref<!tpu.dma_semaphore, #tpu.memory_space<semaphore_mem>>) src(%dma_wait3A_243 : memref<100352xf32, #tpu.memory_space<hbm>>) dst(%dma_wait3A_238 : memref<128xf32, #tpu.memory_space<vmem>>)
      %dma_start3A_244 = arith.constant 0 : i32
      %dma_start3A_245 = arith.constant 0 : i32
      %dma_start3A_246 = arith.constant 0 : i32
      %dma_start3A_247 = arith.constant 0 : i32
      %dma_start3A_248 = tpu.memref_slice %arg9[%dma_start3A_244, %dma_start3A_247] : memref<8x128xf32, #tpu.memory_space<vmem>> -> memref<1x128xf32, #tpu.memory_space<vmem>>
      %dma_start3A_249 = tpu.memref_squeeze %dma_start3A_248 : memref<1x128xf32, #tpu.memory_space<vmem>> -> memref<128xf32, #tpu.memory_space<vmem>>
      %dma_start3A_250 = arith.constant 0 : i32
      %dma_start3A_251 = tpu.memref_slice %arg8[%dma_start3A_245, %dma_start3A_246, %dma_start3A_250] : memref<2x8x128xi32, #tpu.memory_space<vmem>> -> memref<1x1x128xi32, #tpu.memory_space<vmem>>
      %dma_start3A_252 = tpu.memref_squeeze %dma_start3A_251 : memref<1x1x128xi32, #tpu.memory_space<vmem>> -> memref<128xi32, #tpu.memory_space<vmem>>
      %dma_start3A_253 = arith.constant 0 : i32
      %dma_start3A_254 = tpu.memref_slice %arg18[%dma_start3A_253] : memref<100352xf32, #tpu.memory_space<vmem_shared>> -> memref<100352xf32, #tpu.memory_space<vmem_shared>>
      tpu.enqueue_indirect_dma source(%dma_start3A_249 : memref<128xf32, #tpu.memory_space<vmem>>) target(%dma_start3A_254 : memref<100352xf32, #tpu.memory_space<vmem_shared>>) offsets(%dma_start3A_252 : memref<128xi32, #tpu.memory_space<vmem>>) semaphore(%arg16 : memref<!tpu.dma_semaphore, #tpu.memory_space<semaphore_mem>>) {add = true}
      %dma_start3A_255 = arith.constant 1 : i32
      %dma_start3A_256 = arith.constant 0 : i32
      %dma_start3A_257 = arith.constant 1 : i32
      %dma_start3A_258 = arith.constant 0 : i32
      %dma_start3A_259 = tpu.memref_slice %arg9[%dma_start3A_255, %dma_start3A_258] : memref<8x128xf32, #tpu.memory_space<vmem>> -> memref<1x128xf32, #tpu.memory_space<vmem>>
      %dma_start3A_260 = tpu.memref_squeeze %dma_start3A_259 : memref<1x128xf32, #tpu.memory_space<vmem>> -> memref<128xf32, #tpu.memory_space<vmem>>
      %dma_start3A_261 = arith.constant 0 : i32
      %dma_start3A_262 = tpu.memref_slice %arg8[%dma_start3A_256, %dma_start3A_257, %dma_start3A_261] : memref<2x8x128xi32, #tpu.memory_space<vmem>> -> memref<1x1x128xi32, #tpu.memory_space<vmem>>
      %dma_start3A_263 = tpu.memref_squeeze %dma_start3A_262 : memref<1x1x128xi32, #tpu.memory_space<vmem>> -> memref<128xi32, #tpu.memory_space<vmem>>
      %dma_start3A_264 = arith.constant 0 : i32
      %dma_start3A_265 = tpu.memref_slice %arg18[%dma_start3A_264] : memref<100352xf32, #tpu.memory_space<vmem_shared>> -> memref<100352xf32, #tpu.memory_space<vmem_shared>>
      tpu.enqueue_indirect_dma source(%dma_start3A_260 : memref<128xf32, #tpu.memory_space<vmem>>) target(%dma_start3A_265 : memref<100352xf32, #tpu.memory_space<vmem_shared>>) offsets(%dma_start3A_263 : memref<128xi32, #tpu.memory_space<vmem>>) semaphore(%arg16 : memref<!tpu.dma_semaphore, #tpu.memory_space<semaphore_mem>>) {add = true}
      %dma_start3A_266 = arith.constant 2 : i32
      %dma_start3A_267 = arith.constant 0 : i32
      %dma_start3A_268 = arith.constant 2 : i32
      %dma_start3A_269 = arith.constant 0 : i32
      %dma_start3A_270 = tpu.memref_slice %arg9[%dma_start3A_266, %dma_start3A_269] : memref<8x128xf32, #tpu.memory_space<vmem>> -> memref<1x128xf32, #tpu.memory_space<vmem>>
      %dma_start3A_271 = tpu.memref_squeeze %dma_start3A_270 : memref<1x128xf32, #tpu.memory_space<vmem>> -> memref<128xf32, #tpu.memory_space<vmem>>
      %dma_start3A_272 = arith.constant 0 : i32
      %dma_start3A_273 = tpu.memref_slice %arg8[%dma_start3A_267, %dma_start3A_268, %dma_start3A_272] : memref<2x8x128xi32, #tpu.memory_space<vmem>> -> memref<1x1x128xi32, #tpu.memory_space<vmem>>
      %dma_start3A_274 = tpu.memref_squeeze %dma_start3A_273 : memref<1x1x128xi32, #tpu.memory_space<vmem>> -> memref<128xi32, #tpu.memory_space<vmem>>
      %dma_start3A_275 = arith.constant 0 : i32
      %dma_start3A_276 = tpu.memref_slice %arg18[%dma_start3A_275] : memref<100352xf32, #tpu.memory_space<vmem_shared>> -> memref<100352xf32, #tpu.memory_space<vmem_shared>>
      tpu.enqueue_indirect_dma source(%dma_start3A_271 : memref<128xf32, #tpu.memory_space<vmem>>) target(%dma_start3A_276 : memref<100352xf32, #tpu.memory_space<vmem_shared>>) offsets(%dma_start3A_274 : memref<128xi32, #tpu.memory_space<vmem>>) semaphore(%arg16 : memref<!tpu.dma_semaphore, #tpu.memory_space<semaphore_mem>>) {add = true}
      %dma_start3A_277 = arith.constant 3 : i32
      %dma_start3A_278 = arith.constant 0 : i32
      %dma_start3A_279 = arith.constant 3 : i32
      %dma_start3A_280 = arith.constant 0 : i32
      %dma_start3A_281 = tpu.memref_slice %arg9[%dma_start3A_277, %dma_start3A_280] : memref<8x128xf32, #tpu.memory_space<vmem>> -> memref<1x128xf32, #tpu.memory_space<vmem>>
      %dma_start3A_282 = tpu.memref_squeeze %dma_start3A_281 : memref<1x128xf32, #tpu.memory_space<vmem>> -> memref<128xf32, #tpu.memory_space<vmem>>
      %dma_start3A_283 = arith.constant 0 : i32
      %dma_start3A_284 = tpu.memref_slice %arg8[%dma_start3A_278, %dma_start3A_279, %dma_start3A_283] : memref<2x8x128xi32, #tpu.memory_space<vmem>> -> memref<1x1x128xi32, #tpu.memory_space<vmem>>
      %dma_start3A_285 = tpu.memref_squeeze %dma_start3A_284 : memref<1x1x128xi32, #tpu.memory_space<vmem>> -> memref<128xi32, #tpu.memory_space<vmem>>
      %dma_start3A_286 = arith.constant 0 : i32
      %dma_start3A_287 = tpu.memref_slice %arg18[%dma_start3A_286] : memref<100352xf32, #tpu.memory_space<vmem_shared>> -> memref<100352xf32, #tpu.memory_space<vmem_shared>>
      tpu.enqueue_indirect_dma source(%dma_start3A_282 : memref<128xf32, #tpu.memory_space<vmem>>) target(%dma_start3A_287 : memref<100352xf32, #tpu.memory_space<vmem_shared>>) offsets(%dma_start3A_285 : memref<128xi32, #tpu.memory_space<vmem>>) semaphore(%arg16 : memref<!tpu.dma_semaphore, #tpu.memory_space<semaphore_mem>>) {add = true}
      %dma_wait3A_288 = arith.constant 0 : i32
      %dma_wait3A_289 = arith.constant 4 : i32
      %dma_wait3A_290 = arith.constant 4 : i32
      %dma_wait3A_291 = arith.constant 0 : i32
      %dma_wait3A_292 = tpu.memref_slice %arg9[%dma_wait3A_290, %dma_wait3A_291] : memref<8x128xf32, #tpu.memory_space<vmem>> -> memref<1x128xf32, #tpu.memory_space<vmem>>
      %dma_wait3A_293 = tpu.memref_squeeze %dma_wait3A_292 : memref<1x128xf32, #tpu.memory_space<vmem>> -> memref<128xf32, #tpu.memory_space<vmem>>
      %dma_wait3A_294 = arith.constant 0 : i32
      %dma_wait3A_295 = tpu.memref_slice %arg7[%dma_wait3A_288, %dma_wait3A_289, %dma_wait3A_294] : memref<2x8x128xi32, #tpu.memory_space<vmem>> -> memref<1x1x128xi32, #tpu.memory_space<vmem>>
      %dma_wait3A_296 = tpu.memref_squeeze %dma_wait3A_295 : memref<1x1x128xi32, #tpu.memory_space<vmem>> -> memref<128xi32, #tpu.memory_space<vmem>>
      %dma_wait3A_297 = arith.constant 0 : i32
      %dma_wait3A_298 = tpu.memref_slice %arg4[%dma_wait3A_297] : memref<100352xf32, #tpu.memory_space<hbm>> -> memref<100352xf32, #tpu.memory_space<hbm>>
      tpu.wait_indirect_dma semaphore(%arg15 : memref<!tpu.dma_semaphore, #tpu.memory_space<semaphore_mem>>) src(%dma_wait3A_298 : memref<100352xf32, #tpu.memory_space<hbm>>) dst(%dma_wait3A_293 : memref<128xf32, #tpu.memory_space<vmem>>)
      %dma_wait3A_299 = arith.constant 0 : i32
      %dma_wait3A_300 = arith.constant 5 : i32
      %dma_wait3A_301 = arith.constant 5 : i32
      %dma_wait3A_302 = arith.constant 0 : i32
      %dma_wait3A_303 = tpu.memref_slice %arg9[%dma_wait3A_301, %dma_wait3A_302] : memref<8x128xf32, #tpu.memory_space<vmem>> -> memref<1x128xf32, #tpu.memory_space<vmem>>
      %dma_wait3A_304 = tpu.memref_squeeze %dma_wait3A_303 : memref<1x128xf32, #tpu.memory_space<vmem>> -> memref<128xf32, #tpu.memory_space<vmem>>
      %dma_wait3A_305 = arith.constant 0 : i32
      %dma_wait3A_306 = tpu.memref_slice %arg7[%dma_wait3A_299, %dma_wait3A_300, %dma_wait3A_305] : memref<2x8x128xi32, #tpu.memory_space<vmem>> -> memref<1x1x128xi32, #tpu.memory_space<vmem>>
      %dma_wait3A_307 = tpu.memref_squeeze %dma_wait3A_306 : memref<1x1x128xi32, #tpu.memory_space<vmem>> -> memref<128xi32, #tpu.memory_space<vmem>>
      %dma_wait3A_308 = arith.constant 0 : i32
      %dma_wait3A_309 = tpu.memref_slice %arg4[%dma_wait3A_308] : memref<100352xf32, #tpu.memory_space<hbm>> -> memref<100352xf32, #tpu.memory_space<hbm>>
      tpu.wait_indirect_dma semaphore(%arg15 : memref<!tpu.dma_semaphore, #tpu.memory_space<semaphore_mem>>) src(%dma_wait3A_309 : memref<100352xf32, #tpu.memory_space<hbm>>) dst(%dma_wait3A_304 : memref<128xf32, #tpu.memory_space<vmem>>)
      %dma_wait3A_310 = arith.constant 0 : i32
      %dma_wait3A_311 = arith.constant 6 : i32
      %dma_wait3A_312 = arith.constant 6 : i32
      %dma_wait3A_313 = arith.constant 0 : i32
      %dma_wait3A_314 = tpu.memref_slice %arg9[%dma_wait3A_312, %dma_wait3A_313] : memref<8x128xf32, #tpu.memory_space<vmem>> -> memref<1x128xf32, #tpu.memory_space<vmem>>
      %dma_wait3A_315 = tpu.memref_squeeze %dma_wait3A_314 : memref<1x128xf32, #tpu.memory_space<vmem>> -> memref<128xf32, #tpu.memory_space<vmem>>
      %dma_wait3A_316 = arith.constant 0 : i32
      %dma_wait3A_317 = tpu.memref_slice %arg7[%dma_wait3A_310, %dma_wait3A_311, %dma_wait3A_316] : memref<2x8x128xi32, #tpu.memory_space<vmem>> -> memref<1x1x128xi32, #tpu.memory_space<vmem>>
      %dma_wait3A_318 = tpu.memref_squeeze %dma_wait3A_317 : memref<1x1x128xi32, #tpu.memory_space<vmem>> -> memref<128xi32, #tpu.memory_space<vmem>>
      %dma_wait3A_319 = arith.constant 0 : i32
      %dma_wait3A_320 = tpu.memref_slice %arg4[%dma_wait3A_319] : memref<100352xf32, #tpu.memory_space<hbm>> -> memref<100352xf32, #tpu.memory_space<hbm>>
      tpu.wait_indirect_dma semaphore(%arg15 : memref<!tpu.dma_semaphore, #tpu.memory_space<semaphore_mem>>) src(%dma_wait3A_320 : memref<100352xf32, #tpu.memory_space<hbm>>) dst(%dma_wait3A_315 : memref<128xf32, #tpu.memory_space<vmem>>)
      %dma_wait3A_321 = arith.constant 0 : i32
      %dma_wait3A_322 = arith.constant 7 : i32
      %dma_wait3A_323 = arith.constant 7 : i32
      %dma_wait3A_324 = arith.constant 0 : i32
      %dma_wait3A_325 = tpu.memref_slice %arg9[%dma_wait3A_323, %dma_wait3A_324] : memref<8x128xf32, #tpu.memory_space<vmem>> -> memref<1x128xf32, #tpu.memory_space<vmem>>
      %dma_wait3A_326 = tpu.memref_squeeze %dma_wait3A_325 : memref<1x128xf32, #tpu.memory_space<vmem>> -> memref<128xf32, #tpu.memory_space<vmem>>
      %dma_wait3A_327 = arith.constant 0 : i32
      %dma_wait3A_328 = tpu.memref_slice %arg7[%dma_wait3A_321, %dma_wait3A_322, %dma_wait3A_327] : memref<2x8x128xi32, #tpu.memory_space<vmem>> -> memref<1x1x128xi32, #tpu.memory_space<vmem>>
      %dma_wait3A_329 = tpu.memref_squeeze %dma_wait3A_328 : memref<1x1x128xi32, #tpu.memory_space<vmem>> -> memref<128xi32, #tpu.memory_space<vmem>>
      %dma_wait3A_330 = arith.constant 0 : i32
      %dma_wait3A_331 = tpu.memref_slice %arg4[%dma_wait3A_330] : memref<100352xf32, #tpu.memory_space<hbm>> -> memref<100352xf32, #tpu.memory_space<hbm>>
      tpu.wait_indirect_dma semaphore(%arg15 : memref<!tpu.dma_semaphore, #tpu.memory_space<semaphore_mem>>) src(%dma_wait3A_331 : memref<100352xf32, #tpu.memory_space<hbm>>) dst(%dma_wait3A_326 : memref<128xf32, #tpu.memory_space<vmem>>)
      %dma_start3A_332 = arith.constant 4 : i32
      %dma_start3A_333 = arith.constant 0 : i32
      %dma_start3A_334 = arith.constant 4 : i32
      %dma_start3A_335 = arith.constant 0 : i32
      %dma_start3A_336 = tpu.memref_slice %arg9[%dma_start3A_332, %dma_start3A_335] : memref<8x128xf32, #tpu.memory_space<vmem>> -> memref<1x128xf32, #tpu.memory_space<vmem>>
      %dma_start3A_337 = tpu.memref_squeeze %dma_start3A_336 : memref<1x128xf32, #tpu.memory_space<vmem>> -> memref<128xf32, #tpu.memory_space<vmem>>
      %dma_start3A_338 = arith.constant 0 : i32
      %dma_start3A_339 = tpu.memref_slice %arg8[%dma_start3A_333, %dma_start3A_334, %dma_start3A_338] : memref<2x8x128xi32, #tpu.memory_space<vmem>> -> memref<1x1x128xi32, #tpu.memory_space<vmem>>
      %dma_start3A_340 = tpu.memref_squeeze %dma_start3A_339 : memref<1x1x128xi32, #tpu.memory_space<vmem>> -> memref<128xi32, #tpu.memory_space<vmem>>
      %dma_start3A_341 = arith.constant 0 : i32
      %dma_start3A_342 = tpu.memref_slice %arg18[%dma_start3A_341] : memref<100352xf32, #tpu.memory_space<vmem_shared>> -> memref<100352xf32, #tpu.memory_space<vmem_shared>>
      tpu.enqueue_indirect_dma source(%dma_start3A_337 : memref<128xf32, #tpu.memory_space<vmem>>) target(%dma_start3A_342 : memref<100352xf32, #tpu.memory_space<vmem_shared>>) offsets(%dma_start3A_340 : memref<128xi32, #tpu.memory_space<vmem>>) semaphore(%arg17 : memref<!tpu.dma_semaphore, #tpu.memory_space<semaphore_mem>>) {add = true}
      %dma_start3A_343 = arith.constant 5 : i32
      %dma_start3A_344 = arith.constant 0 : i32
      %dma_start3A_345 = arith.constant 5 : i32
      %dma_start3A_346 = arith.constant 0 : i32
      %dma_start3A_347 = tpu.memref_slice %arg9[%dma_start3A_343, %dma_start3A_346] : memref<8x128xf32, #tpu.memory_space<vmem>> -> memref<1x128xf32, #tpu.memory_space<vmem>>
      %dma_start3A_348 = tpu.memref_squeeze %dma_start3A_347 : memref<1x128xf32, #tpu.memory_space<vmem>> -> memref<128xf32, #tpu.memory_space<vmem>>
      %dma_start3A_349 = arith.constant 0 : i32
      %dma_start3A_350 = tpu.memref_slice %arg8[%dma_start3A_344, %dma_start3A_345, %dma_start3A_349] : memref<2x8x128xi32, #tpu.memory_space<vmem>> -> memref<1x1x128xi32, #tpu.memory_space<vmem>>
      %dma_start3A_351 = tpu.memref_squeeze %dma_start3A_350 : memref<1x1x128xi32, #tpu.memory_space<vmem>> -> memref<128xi32, #tpu.memory_space<vmem>>
      %dma_start3A_352 = arith.constant 0 : i32
      %dma_start3A_353 = tpu.memref_slice %arg18[%dma_start3A_352] : memref<100352xf32, #tpu.memory_space<vmem_shared>> -> memref<100352xf32, #tpu.memory_space<vmem_shared>>
      tpu.enqueue_indirect_dma source(%dma_start3A_348 : memref<128xf32, #tpu.memory_space<vmem>>) target(%dma_start3A_353 : memref<100352xf32, #tpu.memory_space<vmem_shared>>) offsets(%dma_start3A_351 : memref<128xi32, #tpu.memory_space<vmem>>) semaphore(%arg17 : memref<!tpu.dma_semaphore, #tpu.memory_space<semaphore_mem>>) {add = true}
      %dma_start3A_354 = arith.constant 6 : i32
      %dma_start3A_355 = arith.constant 0 : i32
      %dma_start3A_356 = arith.constant 6 : i32
      %dma_start3A_357 = arith.constant 0 : i32
      %dma_start3A_358 = tpu.memref_slice %arg9[%dma_start3A_354, %dma_start3A_357] : memref<8x128xf32, #tpu.memory_space<vmem>> -> memref<1x128xf32, #tpu.memory_space<vmem>>
      %dma_start3A_359 = tpu.memref_squeeze %dma_start3A_358 : memref<1x128xf32, #tpu.memory_space<vmem>> -> memref<128xf32, #tpu.memory_space<vmem>>
      %dma_start3A_360 = arith.constant 0 : i32
      %dma_start3A_361 = tpu.memref_slice %arg8[%dma_start3A_355, %dma_start3A_356, %dma_start3A_360] : memref<2x8x128xi32, #tpu.memory_space<vmem>> -> memref<1x1x128xi32, #tpu.memory_space<vmem>>
      %dma_start3A_362 = tpu.memref_squeeze %dma_start3A_361 : memref<1x1x128xi32, #tpu.memory_space<vmem>> -> memref<128xi32, #tpu.memory_space<vmem>>
      %dma_start3A_363 = arith.constant 0 : i32
      %dma_start3A_364 = tpu.memref_slice %arg18[%dma_start3A_363] : memref<100352xf32, #tpu.memory_space<vmem_shared>> -> memref<100352xf32, #tpu.memory_space<vmem_shared>>
      tpu.enqueue_indirect_dma source(%dma_start3A_359 : memref<128xf32, #tpu.memory_space<vmem>>) target(%dma_start3A_364 : memref<100352xf32, #tpu.memory_space<vmem_shared>>) offsets(%dma_start3A_362 : memref<128xi32, #tpu.memory_space<vmem>>) semaphore(%arg17 : memref<!tpu.dma_semaphore, #tpu.memory_space<semaphore_mem>>) {add = true}
      %dma_start3A_365 = arith.constant 7 : i32
      %dma_start3A_366 = arith.constant 0 : i32
      %dma_start3A_367 = arith.constant 7 : i32
      %dma_start3A_368 = arith.constant 0 : i32
      %dma_start3A_369 = tpu.memref_slice %arg9[%dma_start3A_365, %dma_start3A_368] : memref<8x128xf32, #tpu.memory_space<vmem>> -> memref<1x128xf32, #tpu.memory_space<vmem>>
      %dma_start3A_370 = tpu.memref_squeeze %dma_start3A_369 : memref<1x128xf32, #tpu.memory_space<vmem>> -> memref<128xf32, #tpu.memory_space<vmem>>
      %dma_start3A_371 = arith.constant 0 : i32
      %dma_start3A_372 = tpu.memref_slice %arg8[%dma_start3A_366, %dma_start3A_367, %dma_start3A_371] : memref<2x8x128xi32, #tpu.memory_space<vmem>> -> memref<1x1x128xi32, #tpu.memory_space<vmem>>
      %dma_start3A_373 = tpu.memref_squeeze %dma_start3A_372 : memref<1x1x128xi32, #tpu.memory_space<vmem>> -> memref<128xi32, #tpu.memory_space<vmem>>
      %dma_start3A_374 = arith.constant 0 : i32
      %dma_start3A_375 = tpu.memref_slice %arg18[%dma_start3A_374] : memref<100352xf32, #tpu.memory_space<vmem_shared>> -> memref<100352xf32, #tpu.memory_space<vmem_shared>>
      tpu.enqueue_indirect_dma source(%dma_start3A_370 : memref<128xf32, #tpu.memory_space<vmem>>) target(%dma_start3A_375 : memref<100352xf32, #tpu.memory_space<vmem_shared>>) offsets(%dma_start3A_373 : memref<128xi32, #tpu.memory_space<vmem>>) semaphore(%arg17 : memref<!tpu.dma_semaphore, #tpu.memory_space<semaphore_mem>>) {add = true}
      %dma_wait3A_376 = arith.constant 0 : i32
      %dma_wait3A_377 = arith.constant 0 : i32
      %dma_wait3A_378 = arith.constant 0 : i32
      %dma_wait3A_379 = arith.constant 0 : i32
      %dma_wait3A_380 = tpu.memref_slice %arg9[%dma_wait3A_376, %dma_wait3A_379] : memref<8x128xf32, #tpu.memory_space<vmem>> -> memref<1x128xf32, #tpu.memory_space<vmem>>
      %dma_wait3A_381 = tpu.memref_squeeze %dma_wait3A_380 : memref<1x128xf32, #tpu.memory_space<vmem>> -> memref<128xf32, #tpu.memory_space<vmem>>
      %dma_wait3A_382 = arith.constant 0 : i32
      %dma_wait3A_383 = tpu.memref_slice %arg8[%dma_wait3A_377, %dma_wait3A_378, %dma_wait3A_382] : memref<2x8x128xi32, #tpu.memory_space<vmem>> -> memref<1x1x128xi32, #tpu.memory_space<vmem>>
      %dma_wait3A_384 = tpu.memref_squeeze %dma_wait3A_383 : memref<1x1x128xi32, #tpu.memory_space<vmem>> -> memref<128xi32, #tpu.memory_space<vmem>>
      %dma_wait3A_385 = arith.constant 0 : i32
      %dma_wait3A_386 = tpu.memref_slice %arg18[%dma_wait3A_385] : memref<100352xf32, #tpu.memory_space<vmem_shared>> -> memref<100352xf32, #tpu.memory_space<vmem_shared>>
      tpu.wait_indirect_dma semaphore(%arg16 : memref<!tpu.dma_semaphore, #tpu.memory_space<semaphore_mem>>) src(%dma_wait3A_381 : memref<128xf32, #tpu.memory_space<vmem>>) dst(%dma_wait3A_386 : memref<100352xf32, #tpu.memory_space<vmem_shared>>)
      %dma_wait3A_387 = arith.constant 1 : i32
      %dma_wait3A_388 = arith.constant 0 : i32
      %dma_wait3A_389 = arith.constant 1 : i32
      %dma_wait3A_390 = arith.constant 0 : i32
      %dma_wait3A_391 = tpu.memref_slice %arg9[%dma_wait3A_387, %dma_wait3A_390] : memref<8x128xf32, #tpu.memory_space<vmem>> -> memref<1x128xf32, #tpu.memory_space<vmem>>
      %dma_wait3A_392 = tpu.memref_squeeze %dma_wait3A_391 : memref<1x128xf32, #tpu.memory_space<vmem>> -> memref<128xf32, #tpu.memory_space<vmem>>
      %dma_wait3A_393 = arith.constant 0 : i32
      %dma_wait3A_394 = tpu.memref_slice %arg8[%dma_wait3A_388, %dma_wait3A_389, %dma_wait3A_393] : memref<2x8x128xi32, #tpu.memory_space<vmem>> -> memref<1x1x128xi32, #tpu.memory_space<vmem>>
      %dma_wait3A_395 = tpu.memref_squeeze %dma_wait3A_394 : memref<1x1x128xi32, #tpu.memory_space<vmem>> -> memref<128xi32, #tpu.memory_space<vmem>>
      %dma_wait3A_396 = arith.constant 0 : i32
      %dma_wait3A_397 = tpu.memref_slice %arg18[%dma_wait3A_396] : memref<100352xf32, #tpu.memory_space<vmem_shared>> -> memref<100352xf32, #tpu.memory_space<vmem_shared>>
      tpu.wait_indirect_dma semaphore(%arg16 : memref<!tpu.dma_semaphore, #tpu.memory_space<semaphore_mem>>) src(%dma_wait3A_392 : memref<128xf32, #tpu.memory_space<vmem>>) dst(%dma_wait3A_397 : memref<100352xf32, #tpu.memory_space<vmem_shared>>)
      %dma_wait3A_398 = arith.constant 2 : i32
      %dma_wait3A_399 = arith.constant 0 : i32
      %dma_wait3A_400 = arith.constant 2 : i32
      %dma_wait3A_401 = arith.constant 0 : i32
      %dma_wait3A_402 = tpu.memref_slice %arg9[%dma_wait3A_398, %dma_wait3A_401] : memref<8x128xf32, #tpu.memory_space<vmem>> -> memref<1x128xf32, #tpu.memory_space<vmem>>
      %dma_wait3A_403 = tpu.memref_squeeze %dma_wait3A_402 : memref<1x128xf32, #tpu.memory_space<vmem>> -> memref<128xf32, #tpu.memory_space<vmem>>
      %dma_wait3A_404 = arith.constant 0 : i32
      %dma_wait3A_405 = tpu.memref_slice %arg8[%dma_wait3A_399, %dma_wait3A_400, %dma_wait3A_404] : memref<2x8x128xi32, #tpu.memory_space<vmem>> -> memref<1x1x128xi32, #tpu.memory_space<vmem>>
      %dma_wait3A_406 = tpu.memref_squeeze %dma_wait3A_405 : memref<1x1x128xi32, #tpu.memory_space<vmem>> -> memref<128xi32, #tpu.memory_space<vmem>>
      %dma_wait3A_407 = arith.constant 0 : i32
      %dma_wait3A_408 = tpu.memref_slice %arg18[%dma_wait3A_407] : memref<100352xf32, #tpu.memory_space<vmem_shared>> -> memref<100352xf32, #tpu.memory_space<vmem_shared>>
      tpu.wait_indirect_dma semaphore(%arg16 : memref<!tpu.dma_semaphore, #tpu.memory_space<semaphore_mem>>) src(%dma_wait3A_403 : memref<128xf32, #tpu.memory_space<vmem>>) dst(%dma_wait3A_408 : memref<100352xf32, #tpu.memory_space<vmem_shared>>)
      %dma_wait3A_409 = arith.constant 3 : i32
      %dma_wait3A_410 = arith.constant 0 : i32
      %dma_wait3A_411 = arith.constant 3 : i32
      %dma_wait3A_412 = arith.constant 0 : i32
      %dma_wait3A_413 = tpu.memref_slice %arg9[%dma_wait3A_409, %dma_wait3A_412] : memref<8x128xf32, #tpu.memory_space<vmem>> -> memref<1x128xf32, #tpu.memory_space<vmem>>
      %dma_wait3A_414 = tpu.memref_squeeze %dma_wait3A_413 : memref<1x128xf32, #tpu.memory_space<vmem>> -> memref<128xf32, #tpu.memory_space<vmem>>
      %dma_wait3A_415 = arith.constant 0 : i32
      %dma_wait3A_416 = tpu.memref_slice %arg8[%dma_wait3A_410, %dma_wait3A_411, %dma_wait3A_415] : memref<2x8x128xi32, #tpu.memory_space<vmem>> -> memref<1x1x128xi32, #tpu.memory_space<vmem>>
      %dma_wait3A_417 = tpu.memref_squeeze %dma_wait3A_416 : memref<1x1x128xi32, #tpu.memory_space<vmem>> -> memref<128xi32, #tpu.memory_space<vmem>>
      %dma_wait3A_418 = arith.constant 0 : i32
      %dma_wait3A_419 = tpu.memref_slice %arg18[%dma_wait3A_418] : memref<100352xf32, #tpu.memory_space<vmem_shared>> -> memref<100352xf32, #tpu.memory_space<vmem_shared>>
      tpu.wait_indirect_dma semaphore(%arg16 : memref<!tpu.dma_semaphore, #tpu.memory_space<semaphore_mem>>) src(%dma_wait3A_414 : memref<128xf32, #tpu.memory_space<vmem>>) dst(%dma_wait3A_419 : memref<100352xf32, #tpu.memory_space<vmem_shared>>)
      %dma_wait3A_420 = arith.constant 4 : i32
      %dma_wait3A_421 = arith.constant 0 : i32
      %dma_wait3A_422 = arith.constant 4 : i32
      %dma_wait3A_423 = arith.constant 0 : i32
      %dma_wait3A_424 = tpu.memref_slice %arg9[%dma_wait3A_420, %dma_wait3A_423] : memref<8x128xf32, #tpu.memory_space<vmem>> -> memref<1x128xf32, #tpu.memory_space<vmem>>
      %dma_wait3A_425 = tpu.memref_squeeze %dma_wait3A_424 : memref<1x128xf32, #tpu.memory_space<vmem>> -> memref<128xf32, #tpu.memory_space<vmem>>
      %dma_wait3A_426 = arith.constant 0 : i32
      %dma_wait3A_427 = tpu.memref_slice %arg8[%dma_wait3A_421, %dma_wait3A_422, %dma_wait3A_426] : memref<2x8x128xi32, #tpu.memory_space<vmem>> -> memref<1x1x128xi32, #tpu.memory_space<vmem>>
      %dma_wait3A_428 = tpu.memref_squeeze %dma_wait3A_427 : memref<1x1x128xi32, #tpu.memory_space<vmem>> -> memref<128xi32, #tpu.memory_space<vmem>>
      %dma_wait3A_429 = arith.constant 0 : i32
      %dma_wait3A_430 = tpu.memref_slice %arg18[%dma_wait3A_429] : memref<100352xf32, #tpu.memory_space<vmem_shared>> -> memref<100352xf32, #tpu.memory_space<vmem_shared>>
      tpu.wait_indirect_dma semaphore(%arg17 : memref<!tpu.dma_semaphore, #tpu.memory_space<semaphore_mem>>) src(%dma_wait3A_425 : memref<128xf32, #tpu.memory_space<vmem>>) dst(%dma_wait3A_430 : memref<100352xf32, #tpu.memory_space<vmem_shared>>)
      %dma_wait3A_431 = arith.constant 5 : i32
      %dma_wait3A_432 = arith.constant 0 : i32
      %dma_wait3A_433 = arith.constant 5 : i32
      %dma_wait3A_434 = arith.constant 0 : i32
      %dma_wait3A_435 = tpu.memref_slice %arg9[%dma_wait3A_431, %dma_wait3A_434] : memref<8x128xf32, #tpu.memory_space<vmem>> -> memref<1x128xf32, #tpu.memory_space<vmem>>
      %dma_wait3A_436 = tpu.memref_squeeze %dma_wait3A_435 : memref<1x128xf32, #tpu.memory_space<vmem>> -> memref<128xf32, #tpu.memory_space<vmem>>
      %dma_wait3A_437 = arith.constant 0 : i32
      %dma_wait3A_438 = tpu.memref_slice %arg8[%dma_wait3A_432, %dma_wait3A_433, %dma_wait3A_437] : memref<2x8x128xi32, #tpu.memory_space<vmem>> -> memref<1x1x128xi32, #tpu.memory_space<vmem>>
      %dma_wait3A_439 = tpu.memref_squeeze %dma_wait3A_438 : memref<1x1x128xi32, #tpu.memory_space<vmem>> -> memref<128xi32, #tpu.memory_space<vmem>>
      %dma_wait3A_440 = arith.constant 0 : i32
      %dma_wait3A_441 = tpu.memref_slice %arg18[%dma_wait3A_440] : memref<100352xf32, #tpu.memory_space<vmem_shared>> -> memref<100352xf32, #tpu.memory_space<vmem_shared>>
      tpu.wait_indirect_dma semaphore(%arg17 : memref<!tpu.dma_semaphore, #tpu.memory_space<semaphore_mem>>) src(%dma_wait3A_436 : memref<128xf32, #tpu.memory_space<vmem>>) dst(%dma_wait3A_441 : memref<100352xf32, #tpu.memory_space<vmem_shared>>)
      %dma_wait3A_442 = arith.constant 6 : i32
      %dma_wait3A_443 = arith.constant 0 : i32
      %dma_wait3A_444 = arith.constant 6 : i32
      %dma_wait3A_445 = arith.constant 0 : i32
      %dma_wait3A_446 = tpu.memref_slice %arg9[%dma_wait3A_442, %dma_wait3A_445] : memref<8x128xf32, #tpu.memory_space<vmem>> -> memref<1x128xf32, #tpu.memory_space<vmem>>
      %dma_wait3A_447 = tpu.memref_squeeze %dma_wait3A_446 : memref<1x128xf32, #tpu.memory_space<vmem>> -> memref<128xf32, #tpu.memory_space<vmem>>
      %dma_wait3A_448 = arith.constant 0 : i32
      %dma_wait3A_449 = tpu.memref_slice %arg8[%dma_wait3A_443, %dma_wait3A_444, %dma_wait3A_448] : memref<2x8x128xi32, #tpu.memory_space<vmem>> -> memref<1x1x128xi32, #tpu.memory_space<vmem>>
      %dma_wait3A_450 = tpu.memref_squeeze %dma_wait3A_449 : memref<1x1x128xi32, #tpu.memory_space<vmem>> -> memref<128xi32, #tpu.memory_space<vmem>>
      %dma_wait3A_451 = arith.constant 0 : i32
      %dma_wait3A_452 = tpu.memref_slice %arg18[%dma_wait3A_451] : memref<100352xf32, #tpu.memory_space<vmem_shared>> -> memref<100352xf32, #tpu.memory_space<vmem_shared>>
      tpu.wait_indirect_dma semaphore(%arg17 : memref<!tpu.dma_semaphore, #tpu.memory_space<semaphore_mem>>) src(%dma_wait3A_447 : memref<128xf32, #tpu.memory_space<vmem>>) dst(%dma_wait3A_452 : memref<100352xf32, #tpu.memory_space<vmem_shared>>)
      %dma_wait3A_453 = arith.constant 7 : i32
      %dma_wait3A_454 = arith.constant 0 : i32
      %dma_wait3A_455 = arith.constant 7 : i32
      %dma_wait3A_456 = arith.constant 0 : i32
      %dma_wait3A_457 = tpu.memref_slice %arg9[%dma_wait3A_453, %dma_wait3A_456] : memref<8x128xf32, #tpu.memory_space<vmem>> -> memref<1x128xf32, #tpu.memory_space<vmem>>
      %dma_wait3A_458 = tpu.memref_squeeze %dma_wait3A_457 : memref<1x128xf32, #tpu.memory_space<vmem>> -> memref<128xf32, #tpu.memory_space<vmem>>
      %dma_wait3A_459 = arith.constant 0 : i32
      %dma_wait3A_460 = tpu.memref_slice %arg8[%dma_wait3A_454, %dma_wait3A_455, %dma_wait3A_459] : memref<2x8x128xi32, #tpu.memory_space<vmem>> -> memref<1x1x128xi32, #tpu.memory_space<vmem>>
      %dma_wait3A_461 = tpu.memref_squeeze %dma_wait3A_460 : memref<1x1x128xi32, #tpu.memory_space<vmem>> -> memref<128xi32, #tpu.memory_space<vmem>>
      %dma_wait3A_462 = arith.constant 0 : i32
      %dma_wait3A_463 = tpu.memref_slice %arg18[%dma_wait3A_462] : memref<100352xf32, #tpu.memory_space<vmem_shared>> -> memref<100352xf32, #tpu.memory_space<vmem_shared>>
      tpu.wait_indirect_dma semaphore(%arg17 : memref<!tpu.dma_semaphore, #tpu.memory_space<semaphore_mem>>) src(%dma_wait3A_458 : memref<128xf32, #tpu.memory_space<vmem>>) dst(%dma_wait3A_463 : memref<100352xf32, #tpu.memory_space<vmem_shared>>)
      %not3A = arith.constant true
      %not3A_464 = arith.xori %ge3A_77, %not3A : i1
      %convert_element_type3A = arith.extui %not3A_464 : i1 to i32
      %cond3A = arith.constant 0 : i32
      %cond3A_465 = arith.cmpi ne, %convert_element_type3A, %cond3A : i32
      scf.if %cond3A_465 {
        %add3A_860 = arith.constant 2 : i32
        %add3A_861 = arith.addi %mul3A_79, %add3A_860 : i32
        %mul3A_862 = arith.constant 1568 : i32
        %mul3A_863 = arith.muli %add3A, %mul3A_862 : i32
        %mul3A_864 = arith.constant 2 : i32
        %mul3A_865 = arith.muli %add3A_861, %mul3A_864 : i32
        %mul3A_866 = arith.constant 4 : i32
        %mul3A_867 = arith.muli %mul3A_865, %mul3A_866 : i32
        %add3A_868 = arith.addi %mul3A_863, %mul3A_867 : i32
        %dma_start3A_869 = arith.constant 0 : i32
        %dma_start3A_870 = arith.constant 0 : i32
        %dma_start3A_871 = arith.constant 0 : i32
        %dma_start3A_872 = tpu.memref_slice %arg7[%dma_start3A_869, %dma_start3A_870, %dma_start3A_871] : memref<2x8x128xi32, #tpu.memory_space<vmem>> -> memref<1x8x128xi32, #tpu.memory_space<vmem>>
        %dma_start3A_873 = tpu.memref_squeeze %dma_start3A_872 : memref<1x8x128xi32, #tpu.memory_space<vmem>> -> memref<8x128xi32, #tpu.memory_space<vmem>>
        %dma_start3A_874 = arith.constant 0 : i32
        %dma_start3A_875 = tpu.memref_slice %arg2[%add3A_868, %dma_start3A_874] : memref<50176x128xi32, #tpu.memory_space<hbm>> -> memref<8x128xi32, #tpu.memory_space<hbm>>
        %dma_start3A_876 = arith.constant 0 : i32
        %dma_start3A_877 = arith.constant 0 : i32
        %dma_start3A_878 = tpu.memref_slice %arg7[%dma_start3A_869, %dma_start3A_876, %dma_start3A_877] : memref<2x8x128xi32, #tpu.memory_space<vmem>> -> memref<1x8x128xi32, #tpu.memory_space<vmem>>
        %dma_start3A_879 = tpu.memref_squeeze %dma_start3A_878 : memref<1x8x128xi32, #tpu.memory_space<vmem>> -> memref<8x128xi32, #tpu.memory_space<vmem>>
        %dma_start3A_880 = arith.constant 0 : i32
        %dma_start3A_881 = tpu.memref_slice %arg2[%add3A_868, %dma_start3A_880] : memref<50176x128xi32, #tpu.memory_space<hbm>> -> memref<8x128xi32, #tpu.memory_space<hbm>>
        tpu.enqueue_dma source(%dma_start3A_881 : memref<8x128xi32, #tpu.memory_space<hbm>>) target(%dma_start3A_879 : memref<8x128xi32, #tpu.memory_space<vmem>>) target_semaphore(%arg10 : memref<!tpu.dma_semaphore, #tpu.memory_space<semaphore_mem>>)
        %dma_start3A_882 = arith.constant 0 : i32
        %dma_start3A_883 = arith.constant 0 : i32
        %dma_start3A_884 = arith.constant 0 : i32
        %dma_start3A_885 = tpu.memref_slice %arg8[%dma_start3A_882, %dma_start3A_883, %dma_start3A_884] : memref<2x8x128xi32, #tpu.memory_space<vmem>> -> memref<1x8x128xi32, #tpu.memory_space<vmem>>
        %dma_start3A_886 = tpu.memref_squeeze %dma_start3A_885 : memref<1x8x128xi32, #tpu.memory_space<vmem>> -> memref<8x128xi32, #tpu.memory_space<vmem>>
        %dma_start3A_887 = arith.constant 0 : i32
        %dma_start3A_888 = tpu.memref_slice %arg3[%add3A_868, %dma_start3A_887] : memref<50176x128xi32, #tpu.memory_space<hbm>> -> memref<8x128xi32, #tpu.memory_space<hbm>>
        %dma_start3A_889 = arith.constant 0 : i32
        %dma_start3A_890 = arith.constant 0 : i32
        %dma_start3A_891 = tpu.memref_slice %arg8[%dma_start3A_882, %dma_start3A_889, %dma_start3A_890] : memref<2x8x128xi32, #tpu.memory_space<vmem>> -> memref<1x8x128xi32, #tpu.memory_space<vmem>>
        %dma_start3A_892 = tpu.memref_squeeze %dma_start3A_891 : memref<1x8x128xi32, #tpu.memory_space<vmem>> -> memref<8x128xi32, #tpu.memory_space<vmem>>
        %dma_start3A_893 = arith.constant 0 : i32
        %dma_start3A_894 = tpu.memref_slice %arg3[%add3A_868, %dma_start3A_893] : memref<50176x128xi32, #tpu.memory_space<hbm>> -> memref<8x128xi32, #tpu.memory_space<hbm>>
        tpu.enqueue_dma source(%dma_start3A_894 : memref<8x128xi32, #tpu.memory_space<hbm>>) target(%dma_start3A_892 : memref<8x128xi32, #tpu.memory_space<vmem>>) target_semaphore(%arg12 : memref<!tpu.dma_semaphore, #tpu.memory_space<semaphore_mem>>)
      } else {
      }
      %mul3A_466 = arith.constant 2 : i32
      %mul3A_467 = arith.muli %mul3A_466, %scan3A_76 : i32
      %add3A_468 = arith.constant 1 : i32
      %add3A_469 = arith.addi %mul3A_467, %add3A_468 : i32
      %mul3A_470 = arith.constant 1568 : i32
      %mul3A_471 = arith.muli %add3A, %mul3A_470 : i32
      %mul3A_472 = arith.constant 2 : i32
      %mul3A_473 = arith.muli %add3A_469, %mul3A_472 : i32
      %mul3A_474 = arith.constant 4 : i32
      %mul3A_475 = arith.muli %mul3A_473, %mul3A_474 : i32
      %add3A_476 = arith.addi %mul3A_471, %mul3A_475 : i32
      %dma_wait3A_477 = arith.constant 1 : i32
      %dma_wait3A_478 = arith.constant 0 : i32
      %dma_wait3A_479 = arith.constant 0 : i32
      %dma_wait3A_480 = tpu.memref_slice %arg7[%dma_wait3A_477, %dma_wait3A_478, %dma_wait3A_479] : memref<2x8x128xi32, #tpu.memory_space<vmem>> -> memref<1x8x128xi32, #tpu.memory_space<vmem>>
      %dma_wait3A_481 = tpu.memref_squeeze %dma_wait3A_480 : memref<1x8x128xi32, #tpu.memory_space<vmem>> -> memref<8x128xi32, #tpu.memory_space<vmem>>
      %dma_wait3A_482 = arith.constant 0 : i32
      %dma_wait3A_483 = tpu.memref_slice %arg2[%add3A_476, %dma_wait3A_482] : memref<50176x128xi32, #tpu.memory_space<hbm>> -> memref<8x128xi32, #tpu.memory_space<hbm>>
      %dma_wait3A_484 = arith.constant 0 : i32
      %dma_wait3A_485 = arith.constant 0 : i32
      %dma_wait3A_486 = tpu.memref_slice %arg7[%dma_wait3A_477, %dma_wait3A_484, %dma_wait3A_485] : memref<2x8x128xi32, #tpu.memory_space<vmem>> -> memref<1x8x128xi32, #tpu.memory_space<vmem>>
      %dma_wait3A_487 = tpu.memref_squeeze %dma_wait3A_486 : memref<1x8x128xi32, #tpu.memory_space<vmem>> -> memref<8x128xi32, #tpu.memory_space<vmem>>
      %dma_wait3A_488 = arith.constant 0 : i32
      %dma_wait3A_489 = tpu.memref_slice %arg2[%add3A_476, %dma_wait3A_488] : memref<50176x128xi32, #tpu.memory_space<hbm>> -> memref<8x128xi32, #tpu.memory_space<hbm>>
      tpu.wait_dma2 semaphore(%arg11 : memref<!tpu.dma_semaphore, #tpu.memory_space<semaphore_mem>>) src(%dma_wait3A_489 : memref<8x128xi32, #tpu.memory_space<hbm>>) dst(%dma_wait3A_487 : memref<8x128xi32, #tpu.memory_space<vmem>>)
      %dma_wait3A_490 = arith.constant 1 : i32
      %dma_wait3A_491 = arith.constant 0 : i32
      %dma_wait3A_492 = arith.constant 0 : i32
      %dma_wait3A_493 = tpu.memref_slice %arg8[%dma_wait3A_490, %dma_wait3A_491, %dma_wait3A_492] : memref<2x8x128xi32, #tpu.memory_space<vmem>> -> memref<1x8x128xi32, #tpu.memory_space<vmem>>
      %dma_wait3A_494 = tpu.memref_squeeze %dma_wait3A_493 : memref<1x8x128xi32, #tpu.memory_space<vmem>> -> memref<8x128xi32, #tpu.memory_space<vmem>>
      %dma_wait3A_495 = arith.constant 0 : i32
      %dma_wait3A_496 = tpu.memref_slice %arg3[%add3A_476, %dma_wait3A_495] : memref<50176x128xi32, #tpu.memory_space<hbm>> -> memref<8x128xi32, #tpu.memory_space<hbm>>
      %dma_wait3A_497 = arith.constant 0 : i32
      %dma_wait3A_498 = arith.constant 0 : i32
      %dma_wait3A_499 = tpu.memref_slice %arg8[%dma_wait3A_490, %dma_wait3A_497, %dma_wait3A_498] : memref<2x8x128xi32, #tpu.memory_space<vmem>> -> memref<1x8x128xi32, #tpu.memory_space<vmem>>
      %dma_wait3A_500 = tpu.memref_squeeze %dma_wait3A_499 : memref<1x8x128xi32, #tpu.memory_space<vmem>> -> memref<8x128xi32, #tpu.memory_space<vmem>>
      %dma_wait3A_501 = arith.constant 0 : i32
      %dma_wait3A_502 = tpu.memref_slice %arg3[%add3A_476, %dma_wait3A_501] : memref<50176x128xi32, #tpu.memory_space<hbm>> -> memref<8x128xi32, #tpu.memory_space<hbm>>
      tpu.wait_dma2 semaphore(%arg13 : memref<!tpu.dma_semaphore, #tpu.memory_space<semaphore_mem>>) src(%dma_wait3A_502 : memref<8x128xi32, #tpu.memory_space<hbm>>) dst(%dma_wait3A_500 : memref<8x128xi32, #tpu.memory_space<vmem>>)
      %dma_start3A_503 = arith.constant 1 : i32
      %dma_start3A_504 = arith.constant 0 : i32
      %dma_start3A_505 = arith.constant 0 : i32
      %dma_start3A_506 = arith.constant 0 : i32
      %dma_start3A_507 = tpu.memref_slice %arg9[%dma_start3A_505, %dma_start3A_506] : memref<8x128xf32, #tpu.memory_space<vmem>> -> memref<1x128xf32, #tpu.memory_space<vmem>>
      %dma_start3A_508 = tpu.memref_squeeze %dma_start3A_507 : memref<1x128xf32, #tpu.memory_space<vmem>> -> memref<128xf32, #tpu.memory_space<vmem>>
      %dma_start3A_509 = arith.constant 0 : i32
      %dma_start3A_510 = tpu.memref_slice %arg7[%dma_start3A_503, %dma_start3A_504, %dma_start3A_509] : memref<2x8x128xi32, #tpu.memory_space<vmem>> -> memref<1x1x128xi32, #tpu.memory_space<vmem>>
      %dma_start3A_511 = tpu.memref_squeeze %dma_start3A_510 : memref<1x1x128xi32, #tpu.memory_space<vmem>> -> memref<128xi32, #tpu.memory_space<vmem>>
      %dma_start3A_512 = arith.constant 0 : i32
      %dma_start3A_513 = tpu.memref_slice %arg4[%dma_start3A_512] : memref<100352xf32, #tpu.memory_space<hbm>> -> memref<100352xf32, #tpu.memory_space<hbm>>
      tpu.enqueue_indirect_dma source(%dma_start3A_513 : memref<100352xf32, #tpu.memory_space<hbm>>) target(%dma_start3A_508 : memref<128xf32, #tpu.memory_space<vmem>>) offsets(%dma_start3A_511 : memref<128xi32, #tpu.memory_space<vmem>>) semaphore(%arg14 : memref<!tpu.dma_semaphore, #tpu.memory_space<semaphore_mem>>)
      %dma_start3A_514 = arith.constant 1 : i32
      %dma_start3A_515 = arith.constant 1 : i32
      %dma_start3A_516 = arith.constant 1 : i32
      %dma_start3A_517 = arith.constant 0 : i32
      %dma_start3A_518 = tpu.memref_slice %arg9[%dma_start3A_516, %dma_start3A_517] : memref<8x128xf32, #tpu.memory_space<vmem>> -> memref<1x128xf32, #tpu.memory_space<vmem>>
      %dma_start3A_519 = tpu.memref_squeeze %dma_start3A_518 : memref<1x128xf32, #tpu.memory_space<vmem>> -> memref<128xf32, #tpu.memory_space<vmem>>
      %dma_start3A_520 = arith.constant 0 : i32
      %dma_start3A_521 = tpu.memref_slice %arg7[%dma_start3A_514, %dma_start3A_515, %dma_start3A_520] : memref<2x8x128xi32, #tpu.memory_space<vmem>> -> memref<1x1x128xi32, #tpu.memory_space<vmem>>
      %dma_start3A_522 = tpu.memref_squeeze %dma_start3A_521 : memref<1x1x128xi32, #tpu.memory_space<vmem>> -> memref<128xi32, #tpu.memory_space<vmem>>
      %dma_start3A_523 = arith.constant 0 : i32
      %dma_start3A_524 = tpu.memref_slice %arg4[%dma_start3A_523] : memref<100352xf32, #tpu.memory_space<hbm>> -> memref<100352xf32, #tpu.memory_space<hbm>>
      tpu.enqueue_indirect_dma source(%dma_start3A_524 : memref<100352xf32, #tpu.memory_space<hbm>>) target(%dma_start3A_519 : memref<128xf32, #tpu.memory_space<vmem>>) offsets(%dma_start3A_522 : memref<128xi32, #tpu.memory_space<vmem>>) semaphore(%arg14 : memref<!tpu.dma_semaphore, #tpu.memory_space<semaphore_mem>>)
      %dma_start3A_525 = arith.constant 1 : i32
      %dma_start3A_526 = arith.constant 2 : i32
      %dma_start3A_527 = arith.constant 2 : i32
      %dma_start3A_528 = arith.constant 0 : i32
      %dma_start3A_529 = tpu.memref_slice %arg9[%dma_start3A_527, %dma_start3A_528] : memref<8x128xf32, #tpu.memory_space<vmem>> -> memref<1x128xf32, #tpu.memory_space<vmem>>
      %dma_start3A_530 = tpu.memref_squeeze %dma_start3A_529 : memref<1x128xf32, #tpu.memory_space<vmem>> -> memref<128xf32, #tpu.memory_space<vmem>>
      %dma_start3A_531 = arith.constant 0 : i32
      %dma_start3A_532 = tpu.memref_slice %arg7[%dma_start3A_525, %dma_start3A_526, %dma_start3A_531] : memref<2x8x128xi32, #tpu.memory_space<vmem>> -> memref<1x1x128xi32, #tpu.memory_space<vmem>>
      %dma_start3A_533 = tpu.memref_squeeze %dma_start3A_532 : memref<1x1x128xi32, #tpu.memory_space<vmem>> -> memref<128xi32, #tpu.memory_space<vmem>>
      %dma_start3A_534 = arith.constant 0 : i32
      %dma_start3A_535 = tpu.memref_slice %arg4[%dma_start3A_534] : memref<100352xf32, #tpu.memory_space<hbm>> -> memref<100352xf32, #tpu.memory_space<hbm>>
      tpu.enqueue_indirect_dma source(%dma_start3A_535 : memref<100352xf32, #tpu.memory_space<hbm>>) target(%dma_start3A_530 : memref<128xf32, #tpu.memory_space<vmem>>) offsets(%dma_start3A_533 : memref<128xi32, #tpu.memory_space<vmem>>) semaphore(%arg14 : memref<!tpu.dma_semaphore, #tpu.memory_space<semaphore_mem>>)
      %dma_start3A_536 = arith.constant 1 : i32
      %dma_start3A_537 = arith.constant 3 : i32
      %dma_start3A_538 = arith.constant 3 : i32
      %dma_start3A_539 = arith.constant 0 : i32
      %dma_start3A_540 = tpu.memref_slice %arg9[%dma_start3A_538, %dma_start3A_539] : memref<8x128xf32, #tpu.memory_space<vmem>> -> memref<1x128xf32, #tpu.memory_space<vmem>>
      %dma_start3A_541 = tpu.memref_squeeze %dma_start3A_540 : memref<1x128xf32, #tpu.memory_space<vmem>> -> memref<128xf32, #tpu.memory_space<vmem>>
      %dma_start3A_542 = arith.constant 0 : i32
      %dma_start3A_543 = tpu.memref_slice %arg7[%dma_start3A_536, %dma_start3A_537, %dma_start3A_542] : memref<2x8x128xi32, #tpu.memory_space<vmem>> -> memref<1x1x128xi32, #tpu.memory_space<vmem>>
      %dma_start3A_544 = tpu.memref_squeeze %dma_start3A_543 : memref<1x1x128xi32, #tpu.memory_space<vmem>> -> memref<128xi32, #tpu.memory_space<vmem>>
      %dma_start3A_545 = arith.constant 0 : i32
      %dma_start3A_546 = tpu.memref_slice %arg4[%dma_start3A_545] : memref<100352xf32, #tpu.memory_space<hbm>> -> memref<100352xf32, #tpu.memory_space<hbm>>
      tpu.enqueue_indirect_dma source(%dma_start3A_546 : memref<100352xf32, #tpu.memory_space<hbm>>) target(%dma_start3A_541 : memref<128xf32, #tpu.memory_space<vmem>>) offsets(%dma_start3A_544 : memref<128xi32, #tpu.memory_space<vmem>>) semaphore(%arg14 : memref<!tpu.dma_semaphore, #tpu.memory_space<semaphore_mem>>)
      %dma_start3A_547 = arith.constant 1 : i32
      %dma_start3A_548 = arith.constant 4 : i32
      %dma_start3A_549 = arith.constant 4 : i32
      %dma_start3A_550 = arith.constant 0 : i32
      %dma_start3A_551 = tpu.memref_slice %arg9[%dma_start3A_549, %dma_start3A_550] : memref<8x128xf32, #tpu.memory_space<vmem>> -> memref<1x128xf32, #tpu.memory_space<vmem>>
      %dma_start3A_552 = tpu.memref_squeeze %dma_start3A_551 : memref<1x128xf32, #tpu.memory_space<vmem>> -> memref<128xf32, #tpu.memory_space<vmem>>
      %dma_start3A_553 = arith.constant 0 : i32
      %dma_start3A_554 = tpu.memref_slice %arg7[%dma_start3A_547, %dma_start3A_548, %dma_start3A_553] : memref<2x8x128xi32, #tpu.memory_space<vmem>> -> memref<1x1x128xi32, #tpu.memory_space<vmem>>
      %dma_start3A_555 = tpu.memref_squeeze %dma_start3A_554 : memref<1x1x128xi32, #tpu.memory_space<vmem>> -> memref<128xi32, #tpu.memory_space<vmem>>
      %dma_start3A_556 = arith.constant 0 : i32
      %dma_start3A_557 = tpu.memref_slice %arg4[%dma_start3A_556] : memref<100352xf32, #tpu.memory_space<hbm>> -> memref<100352xf32, #tpu.memory_space<hbm>>
      tpu.enqueue_indirect_dma source(%dma_start3A_557 : memref<100352xf32, #tpu.memory_space<hbm>>) target(%dma_start3A_552 : memref<128xf32, #tpu.memory_space<vmem>>) offsets(%dma_start3A_555 : memref<128xi32, #tpu.memory_space<vmem>>) semaphore(%arg15 : memref<!tpu.dma_semaphore, #tpu.memory_space<semaphore_mem>>)
      %dma_start3A_558 = arith.constant 1 : i32
      %dma_start3A_559 = arith.constant 5 : i32
      %dma_start3A_560 = arith.constant 5 : i32
      %dma_start3A_561 = arith.constant 0 : i32
      %dma_start3A_562 = tpu.memref_slice %arg9[%dma_start3A_560, %dma_start3A_561] : memref<8x128xf32, #tpu.memory_space<vmem>> -> memref<1x128xf32, #tpu.memory_space<vmem>>
      %dma_start3A_563 = tpu.memref_squeeze %dma_start3A_562 : memref<1x128xf32, #tpu.memory_space<vmem>> -> memref<128xf32, #tpu.memory_space<vmem>>
      %dma_start3A_564 = arith.constant 0 : i32
      %dma_start3A_565 = tpu.memref_slice %arg7[%dma_start3A_558, %dma_start3A_559, %dma_start3A_564] : memref<2x8x128xi32, #tpu.memory_space<vmem>> -> memref<1x1x128xi32, #tpu.memory_space<vmem>>
      %dma_start3A_566 = tpu.memref_squeeze %dma_start3A_565 : memref<1x1x128xi32, #tpu.memory_space<vmem>> -> memref<128xi32, #tpu.memory_space<vmem>>
      %dma_start3A_567 = arith.constant 0 : i32
      %dma_start3A_568 = tpu.memref_slice %arg4[%dma_start3A_567] : memref<100352xf32, #tpu.memory_space<hbm>> -> memref<100352xf32, #tpu.memory_space<hbm>>
      tpu.enqueue_indirect_dma source(%dma_start3A_568 : memref<100352xf32, #tpu.memory_space<hbm>>) target(%dma_start3A_563 : memref<128xf32, #tpu.memory_space<vmem>>) offsets(%dma_start3A_566 : memref<128xi32, #tpu.memory_space<vmem>>) semaphore(%arg15 : memref<!tpu.dma_semaphore, #tpu.memory_space<semaphore_mem>>)
      %dma_start3A_569 = arith.constant 1 : i32
      %dma_start3A_570 = arith.constant 6 : i32
      %dma_start3A_571 = arith.constant 6 : i32
      %dma_start3A_572 = arith.constant 0 : i32
      %dma_start3A_573 = tpu.memref_slice %arg9[%dma_start3A_571, %dma_start3A_572] : memref<8x128xf32, #tpu.memory_space<vmem>> -> memref<1x128xf32, #tpu.memory_space<vmem>>
      %dma_start3A_574 = tpu.memref_squeeze %dma_start3A_573 : memref<1x128xf32, #tpu.memory_space<vmem>> -> memref<128xf32, #tpu.memory_space<vmem>>
      %dma_start3A_575 = arith.constant 0 : i32
      %dma_start3A_576 = tpu.memref_slice %arg7[%dma_start3A_569, %dma_start3A_570, %dma_start3A_575] : memref<2x8x128xi32, #tpu.memory_space<vmem>> -> memref<1x1x128xi32, #tpu.memory_space<vmem>>
      %dma_start3A_577 = tpu.memref_squeeze %dma_start3A_576 : memref<1x1x128xi32, #tpu.memory_space<vmem>> -> memref<128xi32, #tpu.memory_space<vmem>>
      %dma_start3A_578 = arith.constant 0 : i32
      %dma_start3A_579 = tpu.memref_slice %arg4[%dma_start3A_578] : memref<100352xf32, #tpu.memory_space<hbm>> -> memref<100352xf32, #tpu.memory_space<hbm>>
      tpu.enqueue_indirect_dma source(%dma_start3A_579 : memref<100352xf32, #tpu.memory_space<hbm>>) target(%dma_start3A_574 : memref<128xf32, #tpu.memory_space<vmem>>) offsets(%dma_start3A_577 : memref<128xi32, #tpu.memory_space<vmem>>) semaphore(%arg15 : memref<!tpu.dma_semaphore, #tpu.memory_space<semaphore_mem>>)
      %dma_start3A_580 = arith.constant 1 : i32
      %dma_start3A_581 = arith.constant 7 : i32
      %dma_start3A_582 = arith.constant 7 : i32
      %dma_start3A_583 = arith.constant 0 : i32
      %dma_start3A_584 = tpu.memref_slice %arg9[%dma_start3A_582, %dma_start3A_583] : memref<8x128xf32, #tpu.memory_space<vmem>> -> memref<1x128xf32, #tpu.memory_space<vmem>>
      %dma_start3A_585 = tpu.memref_squeeze %dma_start3A_584 : memref<1x128xf32, #tpu.memory_space<vmem>> -> memref<128xf32, #tpu.memory_space<vmem>>
      %dma_start3A_586 = arith.constant 0 : i32
      %dma_start3A_587 = tpu.memref_slice %arg7[%dma_start3A_580, %dma_start3A_581, %dma_start3A_586] : memref<2x8x128xi32, #tpu.memory_space<vmem>> -> memref<1x1x128xi32, #tpu.memory_space<vmem>>
      %dma_start3A_588 = tpu.memref_squeeze %dma_start3A_587 : memref<1x1x128xi32, #tpu.memory_space<vmem>> -> memref<128xi32, #tpu.memory_space<vmem>>
      %dma_start3A_589 = arith.constant 0 : i32
      %dma_start3A_590 = tpu.memref_slice %arg4[%dma_start3A_589] : memref<100352xf32, #tpu.memory_space<hbm>> -> memref<100352xf32, #tpu.memory_space<hbm>>
      tpu.enqueue_indirect_dma source(%dma_start3A_590 : memref<100352xf32, #tpu.memory_space<hbm>>) target(%dma_start3A_585 : memref<128xf32, #tpu.memory_space<vmem>>) offsets(%dma_start3A_588 : memref<128xi32, #tpu.memory_space<vmem>>) semaphore(%arg15 : memref<!tpu.dma_semaphore, #tpu.memory_space<semaphore_mem>>)
      %dma_wait3A_591 = arith.constant 1 : i32
      %dma_wait3A_592 = arith.constant 0 : i32
      %dma_wait3A_593 = arith.constant 0 : i32
      %dma_wait3A_594 = arith.constant 0 : i32
      %dma_wait3A_595 = tpu.memref_slice %arg9[%dma_wait3A_593, %dma_wait3A_594] : memref<8x128xf32, #tpu.memory_space<vmem>> -> memref<1x128xf32, #tpu.memory_space<vmem>>
      %dma_wait3A_596 = tpu.memref_squeeze %dma_wait3A_595 : memref<1x128xf32, #tpu.memory_space<vmem>> -> memref<128xf32, #tpu.memory_space<vmem>>
      %dma_wait3A_597 = arith.constant 0 : i32
      %dma_wait3A_598 = tpu.memref_slice %arg7[%dma_wait3A_591, %dma_wait3A_592, %dma_wait3A_597] : memref<2x8x128xi32, #tpu.memory_space<vmem>> -> memref<1x1x128xi32, #tpu.memory_space<vmem>>
      %dma_wait3A_599 = tpu.memref_squeeze %dma_wait3A_598 : memref<1x1x128xi32, #tpu.memory_space<vmem>> -> memref<128xi32, #tpu.memory_space<vmem>>
      %dma_wait3A_600 = arith.constant 0 : i32
      %dma_wait3A_601 = tpu.memref_slice %arg4[%dma_wait3A_600] : memref<100352xf32, #tpu.memory_space<hbm>> -> memref<100352xf32, #tpu.memory_space<hbm>>
      tpu.wait_indirect_dma semaphore(%arg14 : memref<!tpu.dma_semaphore, #tpu.memory_space<semaphore_mem>>) src(%dma_wait3A_601 : memref<100352xf32, #tpu.memory_space<hbm>>) dst(%dma_wait3A_596 : memref<128xf32, #tpu.memory_space<vmem>>)
      %dma_wait3A_602 = arith.constant 1 : i32
      %dma_wait3A_603 = arith.constant 1 : i32
      %dma_wait3A_604 = arith.constant 1 : i32
      %dma_wait3A_605 = arith.constant 0 : i32
      %dma_wait3A_606 = tpu.memref_slice %arg9[%dma_wait3A_604, %dma_wait3A_605] : memref<8x128xf32, #tpu.memory_space<vmem>> -> memref<1x128xf32, #tpu.memory_space<vmem>>
      %dma_wait3A_607 = tpu.memref_squeeze %dma_wait3A_606 : memref<1x128xf32, #tpu.memory_space<vmem>> -> memref<128xf32, #tpu.memory_space<vmem>>
      %dma_wait3A_608 = arith.constant 0 : i32
      %dma_wait3A_609 = tpu.memref_slice %arg7[%dma_wait3A_602, %dma_wait3A_603, %dma_wait3A_608] : memref<2x8x128xi32, #tpu.memory_space<vmem>> -> memref<1x1x128xi32, #tpu.memory_space<vmem>>
      %dma_wait3A_610 = tpu.memref_squeeze %dma_wait3A_609 : memref<1x1x128xi32, #tpu.memory_space<vmem>> -> memref<128xi32, #tpu.memory_space<vmem>>
      %dma_wait3A_611 = arith.constant 0 : i32
      %dma_wait3A_612 = tpu.memref_slice %arg4[%dma_wait3A_611] : memref<100352xf32, #tpu.memory_space<hbm>> -> memref<100352xf32, #tpu.memory_space<hbm>>
      tpu.wait_indirect_dma semaphore(%arg14 : memref<!tpu.dma_semaphore, #tpu.memory_space<semaphore_mem>>) src(%dma_wait3A_612 : memref<100352xf32, #tpu.memory_space<hbm>>) dst(%dma_wait3A_607 : memref<128xf32, #tpu.memory_space<vmem>>)
      %dma_wait3A_613 = arith.constant 1 : i32
      %dma_wait3A_614 = arith.constant 2 : i32
      %dma_wait3A_615 = arith.constant 2 : i32
      %dma_wait3A_616 = arith.constant 0 : i32
      %dma_wait3A_617 = tpu.memref_slice %arg9[%dma_wait3A_615, %dma_wait3A_616] : memref<8x128xf32, #tpu.memory_space<vmem>> -> memref<1x128xf32, #tpu.memory_space<vmem>>
      %dma_wait3A_618 = tpu.memref_squeeze %dma_wait3A_617 : memref<1x128xf32, #tpu.memory_space<vmem>> -> memref<128xf32, #tpu.memory_space<vmem>>
      %dma_wait3A_619 = arith.constant 0 : i32
      %dma_wait3A_620 = tpu.memref_slice %arg7[%dma_wait3A_613, %dma_wait3A_614, %dma_wait3A_619] : memref<2x8x128xi32, #tpu.memory_space<vmem>> -> memref<1x1x128xi32, #tpu.memory_space<vmem>>
      %dma_wait3A_621 = tpu.memref_squeeze %dma_wait3A_620 : memref<1x1x128xi32, #tpu.memory_space<vmem>> -> memref<128xi32, #tpu.memory_space<vmem>>
      %dma_wait3A_622 = arith.constant 0 : i32
      %dma_wait3A_623 = tpu.memref_slice %arg4[%dma_wait3A_622] : memref<100352xf32, #tpu.memory_space<hbm>> -> memref<100352xf32, #tpu.memory_space<hbm>>
      tpu.wait_indirect_dma semaphore(%arg14 : memref<!tpu.dma_semaphore, #tpu.memory_space<semaphore_mem>>) src(%dma_wait3A_623 : memref<100352xf32, #tpu.memory_space<hbm>>) dst(%dma_wait3A_618 : memref<128xf32, #tpu.memory_space<vmem>>)
      %dma_wait3A_624 = arith.constant 1 : i32
      %dma_wait3A_625 = arith.constant 3 : i32
      %dma_wait3A_626 = arith.constant 3 : i32
      %dma_wait3A_627 = arith.constant 0 : i32
      %dma_wait3A_628 = tpu.memref_slice %arg9[%dma_wait3A_626, %dma_wait3A_627] : memref<8x128xf32, #tpu.memory_space<vmem>> -> memref<1x128xf32, #tpu.memory_space<vmem>>
      %dma_wait3A_629 = tpu.memref_squeeze %dma_wait3A_628 : memref<1x128xf32, #tpu.memory_space<vmem>> -> memref<128xf32, #tpu.memory_space<vmem>>
      %dma_wait3A_630 = arith.constant 0 : i32
      %dma_wait3A_631 = tpu.memref_slice %arg7[%dma_wait3A_624, %dma_wait3A_625, %dma_wait3A_630] : memref<2x8x128xi32, #tpu.memory_space<vmem>> -> memref<1x1x128xi32, #tpu.memory_space<vmem>>
      %dma_wait3A_632 = tpu.memref_squeeze %dma_wait3A_631 : memref<1x1x128xi32, #tpu.memory_space<vmem>> -> memref<128xi32, #tpu.memory_space<vmem>>
      %dma_wait3A_633 = arith.constant 0 : i32
      %dma_wait3A_634 = tpu.memref_slice %arg4[%dma_wait3A_633] : memref<100352xf32, #tpu.memory_space<hbm>> -> memref<100352xf32, #tpu.memory_space<hbm>>
      tpu.wait_indirect_dma semaphore(%arg14 : memref<!tpu.dma_semaphore, #tpu.memory_space<semaphore_mem>>) src(%dma_wait3A_634 : memref<100352xf32, #tpu.memory_space<hbm>>) dst(%dma_wait3A_629 : memref<128xf32, #tpu.memory_space<vmem>>)
      %dma_start3A_635 = arith.constant 0 : i32
      %dma_start3A_636 = arith.constant 1 : i32
      %dma_start3A_637 = arith.constant 0 : i32
      %dma_start3A_638 = arith.constant 0 : i32
      %dma_start3A_639 = tpu.memref_slice %arg9[%dma_start3A_635, %dma_start3A_638] : memref<8x128xf32, #tpu.memory_space<vmem>> -> memref<1x128xf32, #tpu.memory_space<vmem>>
      %dma_start3A_640 = tpu.memref_squeeze %dma_start3A_639 : memref<1x128xf32, #tpu.memory_space<vmem>> -> memref<128xf32, #tpu.memory_space<vmem>>
      %dma_start3A_641 = arith.constant 0 : i32
      %dma_start3A_642 = tpu.memref_slice %arg8[%dma_start3A_636, %dma_start3A_637, %dma_start3A_641] : memref<2x8x128xi32, #tpu.memory_space<vmem>> -> memref<1x1x128xi32, #tpu.memory_space<vmem>>
      %dma_start3A_643 = tpu.memref_squeeze %dma_start3A_642 : memref<1x1x128xi32, #tpu.memory_space<vmem>> -> memref<128xi32, #tpu.memory_space<vmem>>
      %dma_start3A_644 = arith.constant 0 : i32
      %dma_start3A_645 = tpu.memref_slice %arg18[%dma_start3A_644] : memref<100352xf32, #tpu.memory_space<vmem_shared>> -> memref<100352xf32, #tpu.memory_space<vmem_shared>>
      tpu.enqueue_indirect_dma source(%dma_start3A_640 : memref<128xf32, #tpu.memory_space<vmem>>) target(%dma_start3A_645 : memref<100352xf32, #tpu.memory_space<vmem_shared>>) offsets(%dma_start3A_643 : memref<128xi32, #tpu.memory_space<vmem>>) semaphore(%arg16 : memref<!tpu.dma_semaphore, #tpu.memory_space<semaphore_mem>>) {add = true}
      %dma_start3A_646 = arith.constant 1 : i32
      %dma_start3A_647 = arith.constant 1 : i32
      %dma_start3A_648 = arith.constant 1 : i32
      %dma_start3A_649 = arith.constant 0 : i32
      %dma_start3A_650 = tpu.memref_slice %arg9[%dma_start3A_646, %dma_start3A_649] : memref<8x128xf32, #tpu.memory_space<vmem>> -> memref<1x128xf32, #tpu.memory_space<vmem>>
      %dma_start3A_651 = tpu.memref_squeeze %dma_start3A_650 : memref<1x128xf32, #tpu.memory_space<vmem>> -> memref<128xf32, #tpu.memory_space<vmem>>
      %dma_start3A_652 = arith.constant 0 : i32
      %dma_start3A_653 = tpu.memref_slice %arg8[%dma_start3A_647, %dma_start3A_648, %dma_start3A_652] : memref<2x8x128xi32, #tpu.memory_space<vmem>> -> memref<1x1x128xi32, #tpu.memory_space<vmem>>
      %dma_start3A_654 = tpu.memref_squeeze %dma_start3A_653 : memref<1x1x128xi32, #tpu.memory_space<vmem>> -> memref<128xi32, #tpu.memory_space<vmem>>
      %dma_start3A_655 = arith.constant 0 : i32
      %dma_start3A_656 = tpu.memref_slice %arg18[%dma_start3A_655] : memref<100352xf32, #tpu.memory_space<vmem_shared>> -> memref<100352xf32, #tpu.memory_space<vmem_shared>>
      tpu.enqueue_indirect_dma source(%dma_start3A_651 : memref<128xf32, #tpu.memory_space<vmem>>) target(%dma_start3A_656 : memref<100352xf32, #tpu.memory_space<vmem_shared>>) offsets(%dma_start3A_654 : memref<128xi32, #tpu.memory_space<vmem>>) semaphore(%arg16 : memref<!tpu.dma_semaphore, #tpu.memory_space<semaphore_mem>>) {add = true}
      %dma_start3A_657 = arith.constant 2 : i32
      %dma_start3A_658 = arith.constant 1 : i32
      %dma_start3A_659 = arith.constant 2 : i32
      %dma_start3A_660 = arith.constant 0 : i32
      %dma_start3A_661 = tpu.memref_slice %arg9[%dma_start3A_657, %dma_start3A_660] : memref<8x128xf32, #tpu.memory_space<vmem>> -> memref<1x128xf32, #tpu.memory_space<vmem>>
      %dma_start3A_662 = tpu.memref_squeeze %dma_start3A_661 : memref<1x128xf32, #tpu.memory_space<vmem>> -> memref<128xf32, #tpu.memory_space<vmem>>
      %dma_start3A_663 = arith.constant 0 : i32
      %dma_start3A_664 = tpu.memref_slice %arg8[%dma_start3A_658, %dma_start3A_659, %dma_start3A_663] : memref<2x8x128xi32, #tpu.memory_space<vmem>> -> memref<1x1x128xi32, #tpu.memory_space<vmem>>
      %dma_start3A_665 = tpu.memref_squeeze %dma_start3A_664 : memref<1x1x128xi32, #tpu.memory_space<vmem>> -> memref<128xi32, #tpu.memory_space<vmem>>
      %dma_start3A_666 = arith.constant 0 : i32
      %dma_start3A_667 = tpu.memref_slice %arg18[%dma_start3A_666] : memref<100352xf32, #tpu.memory_space<vmem_shared>> -> memref<100352xf32, #tpu.memory_space<vmem_shared>>
      tpu.enqueue_indirect_dma source(%dma_start3A_662 : memref<128xf32, #tpu.memory_space<vmem>>) target(%dma_start3A_667 : memref<100352xf32, #tpu.memory_space<vmem_shared>>) offsets(%dma_start3A_665 : memref<128xi32, #tpu.memory_space<vmem>>) semaphore(%arg16 : memref<!tpu.dma_semaphore, #tpu.memory_space<semaphore_mem>>) {add = true}
      %dma_start3A_668 = arith.constant 3 : i32
      %dma_start3A_669 = arith.constant 1 : i32
      %dma_start3A_670 = arith.constant 3 : i32
      %dma_start3A_671 = arith.constant 0 : i32
      %dma_start3A_672 = tpu.memref_slice %arg9[%dma_start3A_668, %dma_start3A_671] : memref<8x128xf32, #tpu.memory_space<vmem>> -> memref<1x128xf32, #tpu.memory_space<vmem>>
      %dma_start3A_673 = tpu.memref_squeeze %dma_start3A_672 : memref<1x128xf32, #tpu.memory_space<vmem>> -> memref<128xf32, #tpu.memory_space<vmem>>
      %dma_start3A_674 = arith.constant 0 : i32
      %dma_start3A_675 = tpu.memref_slice %arg8[%dma_start3A_669, %dma_start3A_670, %dma_start3A_674] : memref<2x8x128xi32, #tpu.memory_space<vmem>> -> memref<1x1x128xi32, #tpu.memory_space<vmem>>
      %dma_start3A_676 = tpu.memref_squeeze %dma_start3A_675 : memref<1x1x128xi32, #tpu.memory_space<vmem>> -> memref<128xi32, #tpu.memory_space<vmem>>
      %dma_start3A_677 = arith.constant 0 : i32
      %dma_start3A_678 = tpu.memref_slice %arg18[%dma_start3A_677] : memref<100352xf32, #tpu.memory_space<vmem_shared>> -> memref<100352xf32, #tpu.memory_space<vmem_shared>>
      tpu.enqueue_indirect_dma source(%dma_start3A_673 : memref<128xf32, #tpu.memory_space<vmem>>) target(%dma_start3A_678 : memref<100352xf32, #tpu.memory_space<vmem_shared>>) offsets(%dma_start3A_676 : memref<128xi32, #tpu.memory_space<vmem>>) semaphore(%arg16 : memref<!tpu.dma_semaphore, #tpu.memory_space<semaphore_mem>>) {add = true}
      %dma_wait3A_679 = arith.constant 1 : i32
      %dma_wait3A_680 = arith.constant 4 : i32
      %dma_wait3A_681 = arith.constant 4 : i32
      %dma_wait3A_682 = arith.constant 0 : i32
      %dma_wait3A_683 = tpu.memref_slice %arg9[%dma_wait3A_681, %dma_wait3A_682] : memref<8x128xf32, #tpu.memory_space<vmem>> -> memref<1x128xf32, #tpu.memory_space<vmem>>
      %dma_wait3A_684 = tpu.memref_squeeze %dma_wait3A_683 : memref<1x128xf32, #tpu.memory_space<vmem>> -> memref<128xf32, #tpu.memory_space<vmem>>
      %dma_wait3A_685 = arith.constant 0 : i32
      %dma_wait3A_686 = tpu.memref_slice %arg7[%dma_wait3A_679, %dma_wait3A_680, %dma_wait3A_685] : memref<2x8x128xi32, #tpu.memory_space<vmem>> -> memref<1x1x128xi32, #tpu.memory_space<vmem>>
      %dma_wait3A_687 = tpu.memref_squeeze %dma_wait3A_686 : memref<1x1x128xi32, #tpu.memory_space<vmem>> -> memref<128xi32, #tpu.memory_space<vmem>>
      %dma_wait3A_688 = arith.constant 0 : i32
      %dma_wait3A_689 = tpu.memref_slice %arg4[%dma_wait3A_688] : memref<100352xf32, #tpu.memory_space<hbm>> -> memref<100352xf32, #tpu.memory_space<hbm>>
      tpu.wait_indirect_dma semaphore(%arg15 : memref<!tpu.dma_semaphore, #tpu.memory_space<semaphore_mem>>) src(%dma_wait3A_689 : memref<100352xf32, #tpu.memory_space<hbm>>) dst(%dma_wait3A_684 : memref<128xf32, #tpu.memory_space<vmem>>)
      %dma_wait3A_690 = arith.constant 1 : i32
      %dma_wait3A_691 = arith.constant 5 : i32
      %dma_wait3A_692 = arith.constant 5 : i32
      %dma_wait3A_693 = arith.constant 0 : i32
      %dma_wait3A_694 = tpu.memref_slice %arg9[%dma_wait3A_692, %dma_wait3A_693] : memref<8x128xf32, #tpu.memory_space<vmem>> -> memref<1x128xf32, #tpu.memory_space<vmem>>
      %dma_wait3A_695 = tpu.memref_squeeze %dma_wait3A_694 : memref<1x128xf32, #tpu.memory_space<vmem>> -> memref<128xf32, #tpu.memory_space<vmem>>
      %dma_wait3A_696 = arith.constant 0 : i32
      %dma_wait3A_697 = tpu.memref_slice %arg7[%dma_wait3A_690, %dma_wait3A_691, %dma_wait3A_696] : memref<2x8x128xi32, #tpu.memory_space<vmem>> -> memref<1x1x128xi32, #tpu.memory_space<vmem>>
      %dma_wait3A_698 = tpu.memref_squeeze %dma_wait3A_697 : memref<1x1x128xi32, #tpu.memory_space<vmem>> -> memref<128xi32, #tpu.memory_space<vmem>>
      %dma_wait3A_699 = arith.constant 0 : i32
      %dma_wait3A_700 = tpu.memref_slice %arg4[%dma_wait3A_699] : memref<100352xf32, #tpu.memory_space<hbm>> -> memref<100352xf32, #tpu.memory_space<hbm>>
      tpu.wait_indirect_dma semaphore(%arg15 : memref<!tpu.dma_semaphore, #tpu.memory_space<semaphore_mem>>) src(%dma_wait3A_700 : memref<100352xf32, #tpu.memory_space<hbm>>) dst(%dma_wait3A_695 : memref<128xf32, #tpu.memory_space<vmem>>)
      %dma_wait3A_701 = arith.constant 1 : i32
      %dma_wait3A_702 = arith.constant 6 : i32
      %dma_wait3A_703 = arith.constant 6 : i32
      %dma_wait3A_704 = arith.constant 0 : i32
      %dma_wait3A_705 = tpu.memref_slice %arg9[%dma_wait3A_703, %dma_wait3A_704] : memref<8x128xf32, #tpu.memory_space<vmem>> -> memref<1x128xf32, #tpu.memory_space<vmem>>
      %dma_wait3A_706 = tpu.memref_squeeze %dma_wait3A_705 : memref<1x128xf32, #tpu.memory_space<vmem>> -> memref<128xf32, #tpu.memory_space<vmem>>
      %dma_wait3A_707 = arith.constant 0 : i32
      %dma_wait3A_708 = tpu.memref_slice %arg7[%dma_wait3A_701, %dma_wait3A_702, %dma_wait3A_707] : memref<2x8x128xi32, #tpu.memory_space<vmem>> -> memref<1x1x128xi32, #tpu.memory_space<vmem>>
      %dma_wait3A_709 = tpu.memref_squeeze %dma_wait3A_708 : memref<1x1x128xi32, #tpu.memory_space<vmem>> -> memref<128xi32, #tpu.memory_space<vmem>>
      %dma_wait3A_710 = arith.constant 0 : i32
      %dma_wait3A_711 = tpu.memref_slice %arg4[%dma_wait3A_710] : memref<100352xf32, #tpu.memory_space<hbm>> -> memref<100352xf32, #tpu.memory_space<hbm>>
      tpu.wait_indirect_dma semaphore(%arg15 : memref<!tpu.dma_semaphore, #tpu.memory_space<semaphore_mem>>) src(%dma_wait3A_711 : memref<100352xf32, #tpu.memory_space<hbm>>) dst(%dma_wait3A_706 : memref<128xf32, #tpu.memory_space<vmem>>)
      %dma_wait3A_712 = arith.constant 1 : i32
      %dma_wait3A_713 = arith.constant 7 : i32
      %dma_wait3A_714 = arith.constant 7 : i32
      %dma_wait3A_715 = arith.constant 0 : i32
      %dma_wait3A_716 = tpu.memref_slice %arg9[%dma_wait3A_714, %dma_wait3A_715] : memref<8x128xf32, #tpu.memory_space<vmem>> -> memref<1x128xf32, #tpu.memory_space<vmem>>
      %dma_wait3A_717 = tpu.memref_squeeze %dma_wait3A_716 : memref<1x128xf32, #tpu.memory_space<vmem>> -> memref<128xf32, #tpu.memory_space<vmem>>
      %dma_wait3A_718 = arith.constant 0 : i32
      %dma_wait3A_719 = tpu.memref_slice %arg7[%dma_wait3A_712, %dma_wait3A_713, %dma_wait3A_718] : memref<2x8x128xi32, #tpu.memory_space<vmem>> -> memref<1x1x128xi32, #tpu.memory_space<vmem>>
      %dma_wait3A_720 = tpu.memref_squeeze %dma_wait3A_719 : memref<1x1x128xi32, #tpu.memory_space<vmem>> -> memref<128xi32, #tpu.memory_space<vmem>>
      %dma_wait3A_721 = arith.constant 0 : i32
      %dma_wait3A_722 = tpu.memref_slice %arg4[%dma_wait3A_721] : memref<100352xf32, #tpu.memory_space<hbm>> -> memref<100352xf32, #tpu.memory_space<hbm>>
      tpu.wait_indirect_dma semaphore(%arg15 : memref<!tpu.dma_semaphore, #tpu.memory_space<semaphore_mem>>) src(%dma_wait3A_722 : memref<100352xf32, #tpu.memory_space<hbm>>) dst(%dma_wait3A_717 : memref<128xf32, #tpu.memory_space<vmem>>)
      %dma_start3A_723 = arith.constant 4 : i32
      %dma_start3A_724 = arith.constant 1 : i32
      %dma_start3A_725 = arith.constant 4 : i32
      %dma_start3A_726 = arith.constant 0 : i32
      %dma_start3A_727 = tpu.memref_slice %arg9[%dma_start3A_723, %dma_start3A_726] : memref<8x128xf32, #tpu.memory_space<vmem>> -> memref<1x128xf32, #tpu.memory_space<vmem>>
      %dma_start3A_728 = tpu.memref_squeeze %dma_start3A_727 : memref<1x128xf32, #tpu.memory_space<vmem>> -> memref<128xf32, #tpu.memory_space<vmem>>
      %dma_start3A_729 = arith.constant 0 : i32
      %dma_start3A_730 = tpu.memref_slice %arg8[%dma_start3A_724, %dma_start3A_725, %dma_start3A_729] : memref<2x8x128xi32, #tpu.memory_space<vmem>> -> memref<1x1x128xi32, #tpu.memory_space<vmem>>
      %dma_start3A_731 = tpu.memref_squeeze %dma_start3A_730 : memref<1x1x128xi32, #tpu.memory_space<vmem>> -> memref<128xi32, #tpu.memory_space<vmem>>
      %dma_start3A_732 = arith.constant 0 : i32
      %dma_start3A_733 = tpu.memref_slice %arg18[%dma_start3A_732] : memref<100352xf32, #tpu.memory_space<vmem_shared>> -> memref<100352xf32, #tpu.memory_space<vmem_shared>>
      tpu.enqueue_indirect_dma source(%dma_start3A_728 : memref<128xf32, #tpu.memory_space<vmem>>) target(%dma_start3A_733 : memref<100352xf32, #tpu.memory_space<vmem_shared>>) offsets(%dma_start3A_731 : memref<128xi32, #tpu.memory_space<vmem>>) semaphore(%arg17 : memref<!tpu.dma_semaphore, #tpu.memory_space<semaphore_mem>>) {add = true}
      %dma_start3A_734 = arith.constant 5 : i32
      %dma_start3A_735 = arith.constant 1 : i32
      %dma_start3A_736 = arith.constant 5 : i32
      %dma_start3A_737 = arith.constant 0 : i32
      %dma_start3A_738 = tpu.memref_slice %arg9[%dma_start3A_734, %dma_start3A_737] : memref<8x128xf32, #tpu.memory_space<vmem>> -> memref<1x128xf32, #tpu.memory_space<vmem>>
      %dma_start3A_739 = tpu.memref_squeeze %dma_start3A_738 : memref<1x128xf32, #tpu.memory_space<vmem>> -> memref<128xf32, #tpu.memory_space<vmem>>
      %dma_start3A_740 = arith.constant 0 : i32
      %dma_start3A_741 = tpu.memref_slice %arg8[%dma_start3A_735, %dma_start3A_736, %dma_start3A_740] : memref<2x8x128xi32, #tpu.memory_space<vmem>> -> memref<1x1x128xi32, #tpu.memory_space<vmem>>
      %dma_start3A_742 = tpu.memref_squeeze %dma_start3A_741 : memref<1x1x128xi32, #tpu.memory_space<vmem>> -> memref<128xi32, #tpu.memory_space<vmem>>
      %dma_start3A_743 = arith.constant 0 : i32
      %dma_start3A_744 = tpu.memref_slice %arg18[%dma_start3A_743] : memref<100352xf32, #tpu.memory_space<vmem_shared>> -> memref<100352xf32, #tpu.memory_space<vmem_shared>>
      tpu.enqueue_indirect_dma source(%dma_start3A_739 : memref<128xf32, #tpu.memory_space<vmem>>) target(%dma_start3A_744 : memref<100352xf32, #tpu.memory_space<vmem_shared>>) offsets(%dma_start3A_742 : memref<128xi32, #tpu.memory_space<vmem>>) semaphore(%arg17 : memref<!tpu.dma_semaphore, #tpu.memory_space<semaphore_mem>>) {add = true}
      %dma_start3A_745 = arith.constant 6 : i32
      %dma_start3A_746 = arith.constant 1 : i32
      %dma_start3A_747 = arith.constant 6 : i32
      %dma_start3A_748 = arith.constant 0 : i32
      %dma_start3A_749 = tpu.memref_slice %arg9[%dma_start3A_745, %dma_start3A_748] : memref<8x128xf32, #tpu.memory_space<vmem>> -> memref<1x128xf32, #tpu.memory_space<vmem>>
      %dma_start3A_750 = tpu.memref_squeeze %dma_start3A_749 : memref<1x128xf32, #tpu.memory_space<vmem>> -> memref<128xf32, #tpu.memory_space<vmem>>
      %dma_start3A_751 = arith.constant 0 : i32
      %dma_start3A_752 = tpu.memref_slice %arg8[%dma_start3A_746, %dma_start3A_747, %dma_start3A_751] : memref<2x8x128xi32, #tpu.memory_space<vmem>> -> memref<1x1x128xi32, #tpu.memory_space<vmem>>
      %dma_start3A_753 = tpu.memref_squeeze %dma_start3A_752 : memref<1x1x128xi32, #tpu.memory_space<vmem>> -> memref<128xi32, #tpu.memory_space<vmem>>
      %dma_start3A_754 = arith.constant 0 : i32
      %dma_start3A_755 = tpu.memref_slice %arg18[%dma_start3A_754] : memref<100352xf32, #tpu.memory_space<vmem_shared>> -> memref<100352xf32, #tpu.memory_space<vmem_shared>>
      tpu.enqueue_indirect_dma source(%dma_start3A_750 : memref<128xf32, #tpu.memory_space<vmem>>) target(%dma_start3A_755 : memref<100352xf32, #tpu.memory_space<vmem_shared>>) offsets(%dma_start3A_753 : memref<128xi32, #tpu.memory_space<vmem>>) semaphore(%arg17 : memref<!tpu.dma_semaphore, #tpu.memory_space<semaphore_mem>>) {add = true}
      %dma_start3A_756 = arith.constant 7 : i32
      %dma_start3A_757 = arith.constant 1 : i32
      %dma_start3A_758 = arith.constant 7 : i32
      %dma_start3A_759 = arith.constant 0 : i32
      %dma_start3A_760 = tpu.memref_slice %arg9[%dma_start3A_756, %dma_start3A_759] : memref<8x128xf32, #tpu.memory_space<vmem>> -> memref<1x128xf32, #tpu.memory_space<vmem>>
      %dma_start3A_761 = tpu.memref_squeeze %dma_start3A_760 : memref<1x128xf32, #tpu.memory_space<vmem>> -> memref<128xf32, #tpu.memory_space<vmem>>
      %dma_start3A_762 = arith.constant 0 : i32
      %dma_start3A_763 = tpu.memref_slice %arg8[%dma_start3A_757, %dma_start3A_758, %dma_start3A_762] : memref<2x8x128xi32, #tpu.memory_space<vmem>> -> memref<1x1x128xi32, #tpu.memory_space<vmem>>
      %dma_start3A_764 = tpu.memref_squeeze %dma_start3A_763 : memref<1x1x128xi32, #tpu.memory_space<vmem>> -> memref<128xi32, #tpu.memory_space<vmem>>
      %dma_start3A_765 = arith.constant 0 : i32
      %dma_start3A_766 = tpu.memref_slice %arg18[%dma_start3A_765] : memref<100352xf32, #tpu.memory_space<vmem_shared>> -> memref<100352xf32, #tpu.memory_space<vmem_shared>>
      tpu.enqueue_indirect_dma source(%dma_start3A_761 : memref<128xf32, #tpu.memory_space<vmem>>) target(%dma_start3A_766 : memref<100352xf32, #tpu.memory_space<vmem_shared>>) offsets(%dma_start3A_764 : memref<128xi32, #tpu.memory_space<vmem>>) semaphore(%arg17 : memref<!tpu.dma_semaphore, #tpu.memory_space<semaphore_mem>>) {add = true}
      %dma_wait3A_767 = arith.constant 0 : i32
      %dma_wait3A_768 = arith.constant 1 : i32
      %dma_wait3A_769 = arith.constant 0 : i32
      %dma_wait3A_770 = arith.constant 0 : i32
      %dma_wait3A_771 = tpu.memref_slice %arg9[%dma_wait3A_767, %dma_wait3A_770] : memref<8x128xf32, #tpu.memory_space<vmem>> -> memref<1x128xf32, #tpu.memory_space<vmem>>
      %dma_wait3A_772 = tpu.memref_squeeze %dma_wait3A_771 : memref<1x128xf32, #tpu.memory_space<vmem>> -> memref<128xf32, #tpu.memory_space<vmem>>
      %dma_wait3A_773 = arith.constant 0 : i32
      %dma_wait3A_774 = tpu.memref_slice %arg8[%dma_wait3A_768, %dma_wait3A_769, %dma_wait3A_773] : memref<2x8x128xi32, #tpu.memory_space<vmem>> -> memref<1x1x128xi32, #tpu.memory_space<vmem>>
      %dma_wait3A_775 = tpu.memref_squeeze %dma_wait3A_774 : memref<1x1x128xi32, #tpu.memory_space<vmem>> -> memref<128xi32, #tpu.memory_space<vmem>>
      %dma_wait3A_776 = arith.constant 0 : i32
      %dma_wait3A_777 = tpu.memref_slice %arg18[%dma_wait3A_776] : memref<100352xf32, #tpu.memory_space<vmem_shared>> -> memref<100352xf32, #tpu.memory_space<vmem_shared>>
      tpu.wait_indirect_dma semaphore(%arg16 : memref<!tpu.dma_semaphore, #tpu.memory_space<semaphore_mem>>) src(%dma_wait3A_772 : memref<128xf32, #tpu.memory_space<vmem>>) dst(%dma_wait3A_777 : memref<100352xf32, #tpu.memory_space<vmem_shared>>)
      %dma_wait3A_778 = arith.constant 1 : i32
      %dma_wait3A_779 = arith.constant 1 : i32
      %dma_wait3A_780 = arith.constant 1 : i32
      %dma_wait3A_781 = arith.constant 0 : i32
      %dma_wait3A_782 = tpu.memref_slice %arg9[%dma_wait3A_778, %dma_wait3A_781] : memref<8x128xf32, #tpu.memory_space<vmem>> -> memref<1x128xf32, #tpu.memory_space<vmem>>
      %dma_wait3A_783 = tpu.memref_squeeze %dma_wait3A_782 : memref<1x128xf32, #tpu.memory_space<vmem>> -> memref<128xf32, #tpu.memory_space<vmem>>
      %dma_wait3A_784 = arith.constant 0 : i32
      %dma_wait3A_785 = tpu.memref_slice %arg8[%dma_wait3A_779, %dma_wait3A_780, %dma_wait3A_784] : memref<2x8x128xi32, #tpu.memory_space<vmem>> -> memref<1x1x128xi32, #tpu.memory_space<vmem>>
      %dma_wait3A_786 = tpu.memref_squeeze %dma_wait3A_785 : memref<1x1x128xi32, #tpu.memory_space<vmem>> -> memref<128xi32, #tpu.memory_space<vmem>>
      %dma_wait3A_787 = arith.constant 0 : i32
      %dma_wait3A_788 = tpu.memref_slice %arg18[%dma_wait3A_787] : memref<100352xf32, #tpu.memory_space<vmem_shared>> -> memref<100352xf32, #tpu.memory_space<vmem_shared>>
      tpu.wait_indirect_dma semaphore(%arg16 : memref<!tpu.dma_semaphore, #tpu.memory_space<semaphore_mem>>) src(%dma_wait3A_783 : memref<128xf32, #tpu.memory_space<vmem>>) dst(%dma_wait3A_788 : memref<100352xf32, #tpu.memory_space<vmem_shared>>)
      %dma_wait3A_789 = arith.constant 2 : i32
      %dma_wait3A_790 = arith.constant 1 : i32
      %dma_wait3A_791 = arith.constant 2 : i32
      %dma_wait3A_792 = arith.constant 0 : i32
      %dma_wait3A_793 = tpu.memref_slice %arg9[%dma_wait3A_789, %dma_wait3A_792] : memref<8x128xf32, #tpu.memory_space<vmem>> -> memref<1x128xf32, #tpu.memory_space<vmem>>
      %dma_wait3A_794 = tpu.memref_squeeze %dma_wait3A_793 : memref<1x128xf32, #tpu.memory_space<vmem>> -> memref<128xf32, #tpu.memory_space<vmem>>
      %dma_wait3A_795 = arith.constant 0 : i32
      %dma_wait3A_796 = tpu.memref_slice %arg8[%dma_wait3A_790, %dma_wait3A_791, %dma_wait3A_795] : memref<2x8x128xi32, #tpu.memory_space<vmem>> -> memref<1x1x128xi32, #tpu.memory_space<vmem>>
      %dma_wait3A_797 = tpu.memref_squeeze %dma_wait3A_796 : memref<1x1x128xi32, #tpu.memory_space<vmem>> -> memref<128xi32, #tpu.memory_space<vmem>>
      %dma_wait3A_798 = arith.constant 0 : i32
      %dma_wait3A_799 = tpu.memref_slice %arg18[%dma_wait3A_798] : memref<100352xf32, #tpu.memory_space<vmem_shared>> -> memref<100352xf32, #tpu.memory_space<vmem_shared>>
      tpu.wait_indirect_dma semaphore(%arg16 : memref<!tpu.dma_semaphore, #tpu.memory_space<semaphore_mem>>) src(%dma_wait3A_794 : memref<128xf32, #tpu.memory_space<vmem>>) dst(%dma_wait3A_799 : memref<100352xf32, #tpu.memory_space<vmem_shared>>)
      %dma_wait3A_800 = arith.constant 3 : i32
      %dma_wait3A_801 = arith.constant 1 : i32
      %dma_wait3A_802 = arith.constant 3 : i32
      %dma_wait3A_803 = arith.constant 0 : i32
      %dma_wait3A_804 = tpu.memref_slice %arg9[%dma_wait3A_800, %dma_wait3A_803] : memref<8x128xf32, #tpu.memory_space<vmem>> -> memref<1x128xf32, #tpu.memory_space<vmem>>
      %dma_wait3A_805 = tpu.memref_squeeze %dma_wait3A_804 : memref<1x128xf32, #tpu.memory_space<vmem>> -> memref<128xf32, #tpu.memory_space<vmem>>
      %dma_wait3A_806 = arith.constant 0 : i32
      %dma_wait3A_807 = tpu.memref_slice %arg8[%dma_wait3A_801, %dma_wait3A_802, %dma_wait3A_806] : memref<2x8x128xi32, #tpu.memory_space<vmem>> -> memref<1x1x128xi32, #tpu.memory_space<vmem>>
      %dma_wait3A_808 = tpu.memref_squeeze %dma_wait3A_807 : memref<1x1x128xi32, #tpu.memory_space<vmem>> -> memref<128xi32, #tpu.memory_space<vmem>>
      %dma_wait3A_809 = arith.constant 0 : i32
      %dma_wait3A_810 = tpu.memref_slice %arg18[%dma_wait3A_809] : memref<100352xf32, #tpu.memory_space<vmem_shared>> -> memref<100352xf32, #tpu.memory_space<vmem_shared>>
      tpu.wait_indirect_dma semaphore(%arg16 : memref<!tpu.dma_semaphore, #tpu.memory_space<semaphore_mem>>) src(%dma_wait3A_805 : memref<128xf32, #tpu.memory_space<vmem>>) dst(%dma_wait3A_810 : memref<100352xf32, #tpu.memory_space<vmem_shared>>)
      %dma_wait3A_811 = arith.constant 4 : i32
      %dma_wait3A_812 = arith.constant 1 : i32
      %dma_wait3A_813 = arith.constant 4 : i32
      %dma_wait3A_814 = arith.constant 0 : i32
      %dma_wait3A_815 = tpu.memref_slice %arg9[%dma_wait3A_811, %dma_wait3A_814] : memref<8x128xf32, #tpu.memory_space<vmem>> -> memref<1x128xf32, #tpu.memory_space<vmem>>
      %dma_wait3A_816 = tpu.memref_squeeze %dma_wait3A_815 : memref<1x128xf32, #tpu.memory_space<vmem>> -> memref<128xf32, #tpu.memory_space<vmem>>
      %dma_wait3A_817 = arith.constant 0 : i32
      %dma_wait3A_818 = tpu.memref_slice %arg8[%dma_wait3A_812, %dma_wait3A_813, %dma_wait3A_817] : memref<2x8x128xi32, #tpu.memory_space<vmem>> -> memref<1x1x128xi32, #tpu.memory_space<vmem>>
      %dma_wait3A_819 = tpu.memref_squeeze %dma_wait3A_818 : memref<1x1x128xi32, #tpu.memory_space<vmem>> -> memref<128xi32, #tpu.memory_space<vmem>>
      %dma_wait3A_820 = arith.constant 0 : i32
      %dma_wait3A_821 = tpu.memref_slice %arg18[%dma_wait3A_820] : memref<100352xf32, #tpu.memory_space<vmem_shared>> -> memref<100352xf32, #tpu.memory_space<vmem_shared>>
      tpu.wait_indirect_dma semaphore(%arg17 : memref<!tpu.dma_semaphore, #tpu.memory_space<semaphore_mem>>) src(%dma_wait3A_816 : memref<128xf32, #tpu.memory_space<vmem>>) dst(%dma_wait3A_821 : memref<100352xf32, #tpu.memory_space<vmem_shared>>)
      %dma_wait3A_822 = arith.constant 5 : i32
      %dma_wait3A_823 = arith.constant 1 : i32
      %dma_wait3A_824 = arith.constant 5 : i32
      %dma_wait3A_825 = arith.constant 0 : i32
      %dma_wait3A_826 = tpu.memref_slice %arg9[%dma_wait3A_822, %dma_wait3A_825] : memref<8x128xf32, #tpu.memory_space<vmem>> -> memref<1x128xf32, #tpu.memory_space<vmem>>
      %dma_wait3A_827 = tpu.memref_squeeze %dma_wait3A_826 : memref<1x128xf32, #tpu.memory_space<vmem>> -> memref<128xf32, #tpu.memory_space<vmem>>
      %dma_wait3A_828 = arith.constant 0 : i32
      %dma_wait3A_829 = tpu.memref_slice %arg8[%dma_wait3A_823, %dma_wait3A_824, %dma_wait3A_828] : memref<2x8x128xi32, #tpu.memory_space<vmem>> -> memref<1x1x128xi32, #tpu.memory_space<vmem>>
      %dma_wait3A_830 = tpu.memref_squeeze %dma_wait3A_829 : memref<1x1x128xi32, #tpu.memory_space<vmem>> -> memref<128xi32, #tpu.memory_space<vmem>>
      %dma_wait3A_831 = arith.constant 0 : i32
      %dma_wait3A_832 = tpu.memref_slice %arg18[%dma_wait3A_831] : memref<100352xf32, #tpu.memory_space<vmem_shared>> -> memref<100352xf32, #tpu.memory_space<vmem_shared>>
      tpu.wait_indirect_dma semaphore(%arg17 : memref<!tpu.dma_semaphore, #tpu.memory_space<semaphore_mem>>) src(%dma_wait3A_827 : memref<128xf32, #tpu.memory_space<vmem>>) dst(%dma_wait3A_832 : memref<100352xf32, #tpu.memory_space<vmem_shared>>)
      %dma_wait3A_833 = arith.constant 6 : i32
      %dma_wait3A_834 = arith.constant 1 : i32
      %dma_wait3A_835 = arith.constant 6 : i32
      %dma_wait3A_836 = arith.constant 0 : i32
      %dma_wait3A_837 = tpu.memref_slice %arg9[%dma_wait3A_833, %dma_wait3A_836] : memref<8x128xf32, #tpu.memory_space<vmem>> -> memref<1x128xf32, #tpu.memory_space<vmem>>
      %dma_wait3A_838 = tpu.memref_squeeze %dma_wait3A_837 : memref<1x128xf32, #tpu.memory_space<vmem>> -> memref<128xf32, #tpu.memory_space<vmem>>
      %dma_wait3A_839 = arith.constant 0 : i32
      %dma_wait3A_840 = tpu.memref_slice %arg8[%dma_wait3A_834, %dma_wait3A_835, %dma_wait3A_839] : memref<2x8x128xi32, #tpu.memory_space<vmem>> -> memref<1x1x128xi32, #tpu.memory_space<vmem>>
      %dma_wait3A_841 = tpu.memref_squeeze %dma_wait3A_840 : memref<1x1x128xi32, #tpu.memory_space<vmem>> -> memref<128xi32, #tpu.memory_space<vmem>>
      %dma_wait3A_842 = arith.constant 0 : i32
      %dma_wait3A_843 = tpu.memref_slice %arg18[%dma_wait3A_842] : memref<100352xf32, #tpu.memory_space<vmem_shared>> -> memref<100352xf32, #tpu.memory_space<vmem_shared>>
      tpu.wait_indirect_dma semaphore(%arg17 : memref<!tpu.dma_semaphore, #tpu.memory_space<semaphore_mem>>) src(%dma_wait3A_838 : memref<128xf32, #tpu.memory_space<vmem>>) dst(%dma_wait3A_843 : memref<100352xf32, #tpu.memory_space<vmem_shared>>)
      %dma_wait3A_844 = arith.constant 7 : i32
      %dma_wait3A_845 = arith.constant 1 : i32
      %dma_wait3A_846 = arith.constant 7 : i32
      %dma_wait3A_847 = arith.constant 0 : i32
      %dma_wait3A_848 = tpu.memref_slice %arg9[%dma_wait3A_844, %dma_wait3A_847] : memref<8x128xf32, #tpu.memory_space<vmem>> -> memref<1x128xf32, #tpu.memory_space<vmem>>
      %dma_wait3A_849 = tpu.memref_squeeze %dma_wait3A_848 : memref<1x128xf32, #tpu.memory_space<vmem>> -> memref<128xf32, #tpu.memory_space<vmem>>
      %dma_wait3A_850 = arith.constant 0 : i32
      %dma_wait3A_851 = tpu.memref_slice %arg8[%dma_wait3A_845, %dma_wait3A_846, %dma_wait3A_850] : memref<2x8x128xi32, #tpu.memory_space<vmem>> -> memref<1x1x128xi32, #tpu.memory_space<vmem>>
      %dma_wait3A_852 = tpu.memref_squeeze %dma_wait3A_851 : memref<1x1x128xi32, #tpu.memory_space<vmem>> -> memref<128xi32, #tpu.memory_space<vmem>>
      %dma_wait3A_853 = arith.constant 0 : i32
      %dma_wait3A_854 = tpu.memref_slice %arg18[%dma_wait3A_853] : memref<100352xf32, #tpu.memory_space<vmem_shared>> -> memref<100352xf32, #tpu.memory_space<vmem_shared>>
      tpu.wait_indirect_dma semaphore(%arg17 : memref<!tpu.dma_semaphore, #tpu.memory_space<semaphore_mem>>) src(%dma_wait3A_849 : memref<128xf32, #tpu.memory_space<vmem>>) dst(%dma_wait3A_854 : memref<100352xf32, #tpu.memory_space<vmem_shared>>)
      %not3A_855 = arith.constant true
      %not3A_856 = arith.xori %ge3A_77, %not3A_855 : i1
      %convert_element_type3A_857 = arith.extui %not3A_856 : i1 to i32
      %cond3A_858 = arith.constant 0 : i32
      %cond3A_859 = arith.cmpi ne, %convert_element_type3A_857, %cond3A_858 : i32
      scf.if %cond3A_859 {
        %add3A_860 = arith.constant 2 : i32
        %add3A_861 = arith.addi %add3A_469, %add3A_860 : i32
        %mul3A_862 = arith.constant 1568 : i32
        %mul3A_863 = arith.muli %add3A, %mul3A_862 : i32
        %mul3A_864 = arith.constant 2 : i32
        %mul3A_865 = arith.muli %add3A_861, %mul3A_864 : i32
        %mul3A_866 = arith.constant 4 : i32
        %mul3A_867 = arith.muli %mul3A_865, %mul3A_866 : i32
        %add3A_868 = arith.addi %mul3A_863, %mul3A_867 : i32
        %dma_start3A_869 = arith.constant 1 : i32
        %dma_start3A_870 = arith.constant 0 : i32
        %dma_start3A_871 = arith.constant 0 : i32
        %dma_start3A_872 = tpu.memref_slice %arg7[%dma_start3A_869, %dma_start3A_870, %dma_start3A_871] : memref<2x8x128xi32, #tpu.memory_space<vmem>> -> memref<1x8x128xi32, #tpu.memory_space<vmem>>
        %dma_start3A_873 = tpu.memref_squeeze %dma_start3A_872 : memref<1x8x128xi32, #tpu.memory_space<vmem>> -> memref<8x128xi32, #tpu.memory_space<vmem>>
        %dma_start3A_874 = arith.constant 0 : i32
        %dma_start3A_875 = tpu.memref_slice %arg2[%add3A_868, %dma_start3A_874] : memref<50176x128xi32, #tpu.memory_space<hbm>> -> memref<8x128xi32, #tpu.memory_space<hbm>>
        %dma_start3A_876 = arith.constant 0 : i32
        %dma_start3A_877 = arith.constant 0 : i32
        %dma_start3A_878 = tpu.memref_slice %arg7[%dma_start3A_869, %dma_start3A_876, %dma_start3A_877] : memref<2x8x128xi32, #tpu.memory_space<vmem>> -> memref<1x8x128xi32, #tpu.memory_space<vmem>>
        %dma_start3A_879 = tpu.memref_squeeze %dma_start3A_878 : memref<1x8x128xi32, #tpu.memory_space<vmem>> -> memref<8x128xi32, #tpu.memory_space<vmem>>
        %dma_start3A_880 = arith.constant 0 : i32
        %dma_start3A_881 = tpu.memref_slice %arg2[%add3A_868, %dma_start3A_880] : memref<50176x128xi32, #tpu.memory_space<hbm>> -> memref<8x128xi32, #tpu.memory_space<hbm>>
        tpu.enqueue_dma source(%dma_start3A_881 : memref<8x128xi32, #tpu.memory_space<hbm>>) target(%dma_start3A_879 : memref<8x128xi32, #tpu.memory_space<vmem>>) target_semaphore(%arg11 : memref<!tpu.dma_semaphore, #tpu.memory_space<semaphore_mem>>)
        %dma_start3A_882 = arith.constant 1 : i32
        %dma_start3A_883 = arith.constant 0 : i32
        %dma_start3A_884 = arith.constant 0 : i32
        %dma_start3A_885 = tpu.memref_slice %arg8[%dma_start3A_882, %dma_start3A_883, %dma_start3A_884] : memref<2x8x128xi32, #tpu.memory_space<vmem>> -> memref<1x8x128xi32, #tpu.memory_space<vmem>>
        %dma_start3A_886 = tpu.memref_squeeze %dma_start3A_885 : memref<1x8x128xi32, #tpu.memory_space<vmem>> -> memref<8x128xi32, #tpu.memory_space<vmem>>
        %dma_start3A_887 = arith.constant 0 : i32
        %dma_start3A_888 = tpu.memref_slice %arg3[%add3A_868, %dma_start3A_887] : memref<50176x128xi32, #tpu.memory_space<hbm>> -> memref<8x128xi32, #tpu.memory_space<hbm>>
        %dma_start3A_889 = arith.constant 0 : i32
        %dma_start3A_890 = arith.constant 0 : i32
        %dma_start3A_891 = tpu.memref_slice %arg8[%dma_start3A_882, %dma_start3A_889, %dma_start3A_890] : memref<2x8x128xi32, #tpu.memory_space<vmem>> -> memref<1x8x128xi32, #tpu.memory_space<vmem>>
        %dma_start3A_892 = tpu.memref_squeeze %dma_start3A_891 : memref<1x8x128xi32, #tpu.memory_space<vmem>> -> memref<8x128xi32, #tpu.memory_space<vmem>>
        %dma_start3A_893 = arith.constant 0 : i32
        %dma_start3A_894 = tpu.memref_slice %arg3[%add3A_868, %dma_start3A_893] : memref<50176x128xi32, #tpu.memory_space<hbm>> -> memref<8x128xi32, #tpu.memory_space<hbm>>
        tpu.enqueue_dma source(%dma_start3A_894 : memref<8x128xi32, #tpu.memory_space<hbm>>) target(%dma_start3A_892 : memref<8x128xi32, #tpu.memory_space<vmem>>) target_semaphore(%arg13 : memref<!tpu.dma_semaphore, #tpu.memory_space<semaphore_mem>>)
      } else {
      }
    }
    %scan3A_67 = arith.constant 98 : i32
    %barrier3A_68 = arith.constant 0 : index
    tpu.barrier barrier_id(%barrier3A_68)
    %mul3A_69 = arith.constant 6272 : i32
    %mul3A_70 = arith.muli %arg1, %mul3A_69 : i32
    %mul3A_71 = arith.constant 100352 : i32
    %mul3A_72 = arith.muli %arg0, %mul3A_71 : i32
    %mul3A_73 = arith.constant 6272 : i32
    %mul3A_74 = arith.muli %arg1, %mul3A_73 : i32
    %add3A_75 = arith.addi %mul3A_72, %mul3A_74 : i32
    "tpu.region"() ({
      %run_scoped3A = tpu.sem_alloc : memref<!tpu.dma_semaphore, #tpu.memory_space<semaphore_mem>>
      %dma_start3A_76 = tpu.memref_slice %arg6[%add3A_75] : memref<200704xf32, #tpu.memory_space<hbm>> -> memref<6272xf32, #tpu.memory_space<hbm>>
      %dma_start3A_77 = tpu.memref_slice %arg18[%mul3A_70] : memref<100352xf32, #tpu.memory_space<vmem_shared>> -> memref<6272xf32, #tpu.memory_space<vmem_shared>>
      tpu.enqueue_dma source(%dma_start3A_77 : memref<6272xf32, #tpu.memory_space<vmem_shared>>) target(%dma_start3A_76 : memref<6272xf32, #tpu.memory_space<hbm>>) target_semaphore(%run_scoped3A : memref<!tpu.dma_semaphore, #tpu.memory_space<semaphore_mem>>)
      %dma_wait3A = tpu.memref_slice %arg6[%add3A_75] : memref<200704xf32, #tpu.memory_space<hbm>> -> memref<6272xf32, #tpu.memory_space<hbm>>
      %dma_wait3A_78 = tpu.memref_slice %arg18[%mul3A_70] : memref<100352xf32, #tpu.memory_space<vmem_shared>> -> memref<6272xf32, #tpu.memory_space<vmem_shared>>
      tpu.wait_dma2 semaphore(%run_scoped3A : memref<!tpu.dma_semaphore, #tpu.memory_space<semaphore_mem>>) src(%dma_wait3A_78 : memref<6272xf32, #tpu.memory_space<vmem_shared>>) dst(%dma_wait3A : memref<6272xf32, #tpu.memory_space<hbm>>)
      tpu.yield
    }) : () -> ()
    return
  }
}

#map = affine_map<(d0, d1) -> (0, 0)>
#map1 = affine_map<(d0, d1) -> (0)>
module attributes {stable_mosaic.version = 14 : i64} {
  func.func @body(%arg0: i32, %arg1: i32, %arg2: memref<50176x128xi32, #tpu.memory_space<hbm>>, %arg3: memref<100352xf32, #tpu.memory_space<hbm>>, %arg4: memref<200704xf32, #tpu.memory_space<hbm>>, %arg5: memref<2x8x128xi32, #tpu.memory_space<vmem>>, %arg6: memref<128xf32, #tpu.memory_space<vmem>>, %arg7: memref<!tpu.dma_semaphore, #tpu.memory_space<semaphore_mem>>, %arg8: memref<!tpu.dma_semaphore, #tpu.memory_space<semaphore_mem>>, %arg9: memref<!tpu.dma_semaphore, #tpu.memory_space<semaphore_mem>>, %arg10: memref<!tpu.dma_semaphore, #tpu.memory_space<semaphore_mem>>, %arg11: memref<100352xf32, #tpu.memory_space<vmem_shared>>) attributes {dimension_semantics = [#tpu.dimension_semantics<core_parallel>, #tpu.dimension_semantics<subcore_parallel>], iteration_bounds = array<i64: 2, 16>, scalar_prefetch = 0 : i64, scratch_operands = 7 : i64, tpu.core_type = #tpu.core_type<sc_vector_subcore>, window_params = [{transform_indices = #map}, {transform_indices = #map1}, {transform_indices = #map1}]} {
    %mul3A = arith.constant 2 : i32
    %mul3A_0 = arith.muli %arg1, %mul3A : i32
    %add3A = arith.addi %mul3A_0, %arg0 : i32
    %mul3A_1 = arith.constant 6272 : i32
    %mul3A_2 = arith.muli %arg1, %mul3A_1 : i32
    %mul3A_3 = arith.constant 6272 : i32
    %mul3A_4 = arith.muli %arg1, %mul3A_3 : i32
    "tpu.region"() ({
      %run_scoped3A = tpu.sem_alloc : memref<!tpu.dma_semaphore, #tpu.memory_space<semaphore_mem>>
      %dma_start3A_96 = tpu.memref_slice %arg11[%mul3A_4] : memref<100352xf32, #tpu.memory_space<vmem_shared>> -> memref<6272xf32, #tpu.memory_space<vmem_shared>>
      %dma_start3A_97 = tpu.memref_slice %arg3[%mul3A_2] : memref<100352xf32, #tpu.memory_space<hbm>> -> memref<6272xf32, #tpu.memory_space<hbm>>
      tpu.enqueue_dma source(%dma_start3A_97 : memref<6272xf32, #tpu.memory_space<hbm>>) target(%dma_start3A_96 : memref<6272xf32, #tpu.memory_space<vmem_shared>>) target_semaphore(%run_scoped3A : memref<!tpu.dma_semaphore, #tpu.memory_space<semaphore_mem>>)
      %dma_wait3A = tpu.memref_slice %arg11[%mul3A_4] : memref<100352xf32, #tpu.memory_space<vmem_shared>> -> memref<6272xf32, #tpu.memory_space<vmem_shared>>
      %dma_wait3A_98 = tpu.memref_slice %arg3[%mul3A_2] : memref<100352xf32, #tpu.memory_space<hbm>> -> memref<6272xf32, #tpu.memory_space<hbm>>
      tpu.wait_dma2 semaphore(%run_scoped3A : memref<!tpu.dma_semaphore, #tpu.memory_space<semaphore_mem>>) src(%dma_wait3A_98 : memref<6272xf32, #tpu.memory_space<hbm>>) dst(%dma_wait3A : memref<6272xf32, #tpu.memory_space<vmem_shared>>)
      tpu.yield
    }) : () -> ()
    %broadcast_in_dim3A = arith.constant 1.000000e+00 : f32
    %broadcast_in_dim3A_5 = vector.broadcast %broadcast_in_dim3A : f32 to vector<16xf32>
    %swap3A = arith.constant 0 : index
    %swap3A_6 = tpu.vector_load %arg6[%swap3A] {strides = array<i32>} : memref<128xf32, #tpu.memory_space<vmem>>, vector<16xf32>,
    %swap3A_7 = vector.shape_cast %swap3A_6 : vector<16xf32> to vector<16xf32>
    %swap3A_8 = vector.shape_cast %broadcast_in_dim3A_5 : vector<16xf32> to vector<16xf32>
    tpu.vector_store %arg6[%swap3A], %swap3A_8 {strides = array<i32>} : memref<128xf32, #tpu.memory_space<vmem>>, vector<16xf32>,
    %broadcast_in_dim3A_9 = arith.constant 1.000000e+00 : f32
    %broadcast_in_dim3A_10 = vector.broadcast %broadcast_in_dim3A_9 : f32 to vector<16xf32>
    %swap3A_11 = arith.constant 16 : index
    %swap3A_12 = tpu.vector_load %arg6[%swap3A_11] {strides = array<i32>} : memref<128xf32, #tpu.memory_space<vmem>>, vector<16xf32>,
    %swap3A_13 = vector.shape_cast %swap3A_12 : vector<16xf32> to vector<16xf32>
    %swap3A_14 = vector.shape_cast %broadcast_in_dim3A_10 : vector<16xf32> to vector<16xf32>
    tpu.vector_store %arg6[%swap3A_11], %swap3A_14 {strides = array<i32>} : memref<128xf32, #tpu.memory_space<vmem>>, vector<16xf32>,
    %broadcast_in_dim3A_15 = arith.constant 1.000000e+00 : f32
    %broadcast_in_dim3A_16 = vector.broadcast %broadcast_in_dim3A_15 : f32 to vector<16xf32>
    %swap3A_17 = arith.constant 32 : index
    %swap3A_18 = tpu.vector_load %arg6[%swap3A_17] {strides = array<i32>} : memref<128xf32, #tpu.memory_space<vmem>>, vector<16xf32>,
    %swap3A_19 = vector.shape_cast %swap3A_18 : vector<16xf32> to vector<16xf32>
    %swap3A_20 = vector.shape_cast %broadcast_in_dim3A_16 : vector<16xf32> to vector<16xf32>
    tpu.vector_store %arg6[%swap3A_17], %swap3A_20 {strides = array<i32>} : memref<128xf32, #tpu.memory_space<vmem>>, vector<16xf32>,
    %broadcast_in_dim3A_21 = arith.constant 1.000000e+00 : f32
    %broadcast_in_dim3A_22 = vector.broadcast %broadcast_in_dim3A_21 : f32 to vector<16xf32>
    %swap3A_23 = arith.constant 48 : index
    %swap3A_24 = tpu.vector_load %arg6[%swap3A_23] {strides = array<i32>} : memref<128xf32, #tpu.memory_space<vmem>>, vector<16xf32>,
    %swap3A_25 = vector.shape_cast %swap3A_24 : vector<16xf32> to vector<16xf32>
    %swap3A_26 = vector.shape_cast %broadcast_in_dim3A_22 : vector<16xf32> to vector<16xf32>
    tpu.vector_store %arg6[%swap3A_23], %swap3A_26 {strides = array<i32>} : memref<128xf32, #tpu.memory_space<vmem>>, vector<16xf32>,
    %broadcast_in_dim3A_27 = arith.constant 1.000000e+00 : f32
    %broadcast_in_dim3A_28 = vector.broadcast %broadcast_in_dim3A_27 : f32 to vector<16xf32>
    %swap3A_29 = arith.constant 64 : index
    %swap3A_30 = tpu.vector_load %arg6[%swap3A_29] {strides = array<i32>} : memref<128xf32, #tpu.memory_space<vmem>>, vector<16xf32>,
    %swap3A_31 = vector.shape_cast %swap3A_30 : vector<16xf32> to vector<16xf32>
    %swap3A_32 = vector.shape_cast %broadcast_in_dim3A_28 : vector<16xf32> to vector<16xf32>
    tpu.vector_store %arg6[%swap3A_29], %swap3A_32 {strides = array<i32>} : memref<128xf32, #tpu.memory_space<vmem>>, vector<16xf32>,
    %broadcast_in_dim3A_33 = arith.constant 1.000000e+00 : f32
    %broadcast_in_dim3A_34 = vector.broadcast %broadcast_in_dim3A_33 : f32 to vector<16xf32>
    %swap3A_35 = arith.constant 80 : index
    %swap3A_36 = tpu.vector_load %arg6[%swap3A_35] {strides = array<i32>} : memref<128xf32, #tpu.memory_space<vmem>>, vector<16xf32>,
    %swap3A_37 = vector.shape_cast %swap3A_36 : vector<16xf32> to vector<16xf32>
    %swap3A_38 = vector.shape_cast %broadcast_in_dim3A_34 : vector<16xf32> to vector<16xf32>
    tpu.vector_store %arg6[%swap3A_35], %swap3A_38 {strides = array<i32>} : memref<128xf32, #tpu.memory_space<vmem>>, vector<16xf32>,
    %broadcast_in_dim3A_39 = arith.constant 1.000000e+00 : f32
    %broadcast_in_dim3A_40 = vector.broadcast %broadcast_in_dim3A_39 : f32 to vector<16xf32>
    %swap3A_41 = arith.constant 96 : index
    %swap3A_42 = tpu.vector_load %arg6[%swap3A_41] {strides = array<i32>} : memref<128xf32, #tpu.memory_space<vmem>>, vector<16xf32>,
    %swap3A_43 = vector.shape_cast %swap3A_42 : vector<16xf32> to vector<16xf32>
    %swap3A_44 = vector.shape_cast %broadcast_in_dim3A_40 : vector<16xf32> to vector<16xf32>
    tpu.vector_store %arg6[%swap3A_41], %swap3A_44 {strides = array<i32>} : memref<128xf32, #tpu.memory_space<vmem>>, vector<16xf32>,
    %broadcast_in_dim3A_45 = arith.constant 1.000000e+00 : f32
    %broadcast_in_dim3A_46 = vector.broadcast %broadcast_in_dim3A_45 : f32 to vector<16xf32>
    %swap3A_47 = arith.constant 112 : index
    %swap3A_48 = tpu.vector_load %arg6[%swap3A_47] {strides = array<i32>} : memref<128xf32, #tpu.memory_space<vmem>>, vector<16xf32>,
    %swap3A_49 = vector.shape_cast %swap3A_48 : vector<16xf32> to vector<16xf32>
    %swap3A_50 = vector.shape_cast %broadcast_in_dim3A_46 : vector<16xf32> to vector<16xf32>
    tpu.vector_store %arg6[%swap3A_47], %swap3A_50 {strides = array<i32>} : memref<128xf32, #tpu.memory_space<vmem>>, vector<16xf32>,
    %barrier3A = arith.constant 0 : index
    tpu.barrier barrier_id(%barrier3A)
    %mul3A_51 = arith.constant 1568 : i32
    %mul3A_52 = arith.muli %add3A, %mul3A_51 : i32
    %add3A_53 = arith.constant 0 : i32
    %add3A_54 = arith.addi %mul3A_52, %add3A_53 : i32
    %dma_start3A = arith.constant 0 : i32
    %dma_start3A_55 = arith.constant 0 : i32
    %dma_start3A_56 = arith.constant 0 : i32
    %dma_start3A_57 = tpu.memref_slice %arg5[%dma_start3A, %dma_start3A_55, %dma_start3A_56] : memref<2x8x128xi32, #tpu.memory_space<vmem>> -> memref<1x8x128xi32, #tpu.memory_space<vmem>>
    %dma_start3A_58 = tpu.memref_squeeze %dma_start3A_57 : memref<1x8x128xi32, #tpu.memory_space<vmem>> -> memref<8x128xi32, #tpu.memory_space<vmem>>
    %dma_start3A_59 = arith.constant 0 : i32
    %dma_start3A_60 = tpu.memref_slice %arg2[%add3A_54, %dma_start3A_59] : memref<50176x128xi32, #tpu.memory_space<hbm>> -> memref<8x128xi32, #tpu.memory_space<hbm>>
    %dma_start3A_61 = arith.constant 0 : i32
    %dma_start3A_62 = arith.constant 0 : i32
    %dma_start3A_63 = tpu.memref_slice %arg5[%dma_start3A, %dma_start3A_61, %dma_start3A_62] : memref<2x8x128xi32, #tpu.memory_space<vmem>> -> memref<1x8x128xi32, #tpu.memory_space<vmem>>
    %dma_start3A_64 = tpu.memref_squeeze %dma_start3A_63 : memref<1x8x128xi32, #tpu.memory_space<vmem>> -> memref<8x128xi32, #tpu.memory_space<vmem>>
    %dma_start3A_65 = arith.constant 0 : i32
    %dma_start3A_66 = tpu.memref_slice %arg2[%add3A_54, %dma_start3A_65] : memref<50176x128xi32, #tpu.memory_space<hbm>> -> memref<8x128xi32, #tpu.memory_space<hbm>>
    tpu.enqueue_dma source(%dma_start3A_66 : memref<8x128xi32, #tpu.memory_space<hbm>>) target(%dma_start3A_64 : memref<8x128xi32, #tpu.memory_space<vmem>>) target_semaphore(%arg7 : memref<!tpu.dma_semaphore, #tpu.memory_space<semaphore_mem>>)
    %mul3A_67 = arith.constant 1568 : i32
    %mul3A_68 = arith.muli %add3A, %mul3A_67 : i32
    %add3A_69 = arith.constant 8 : i32
    %add3A_70 = arith.addi %mul3A_68, %add3A_69 : i32
    %dma_start3A_71 = arith.constant 1 : i32
    %dma_start3A_72 = arith.constant 0 : i32
    %dma_start3A_73 = arith.constant 0 : i32
    %dma_start3A_74 = tpu.memref_slice %arg5[%dma_start3A_71, %dma_start3A_72, %dma_start3A_73] : memref<2x8x128xi32, #tpu.memory_space<vmem>> -> memref<1x8x128xi32, #tpu.memory_space<vmem>>
    %dma_start3A_75 = tpu.memref_squeeze %dma_start3A_74 : memref<1x8x128xi32, #tpu.memory_space<vmem>> -> memref<8x128xi32, #tpu.memory_space<vmem>>
    %dma_start3A_76 = arith.constant 0 : i32
    %dma_start3A_77 = tpu.memref_slice %arg2[%add3A_70, %dma_start3A_76] : memref<50176x128xi32, #tpu.memory_space<hbm>> -> memref<8x128xi32, #tpu.memory_space<hbm>>
    %dma_start3A_78 = arith.constant 0 : i32
    %dma_start3A_79 = arith.constant 0 : i32
    %dma_start3A_80 = tpu.memref_slice %arg5[%dma_start3A_71, %dma_start3A_78, %dma_start3A_79] : memref<2x8x128xi32, #tpu.memory_space<vmem>> -> memref<1x8x128xi32, #tpu.memory_space<vmem>>
    %dma_start3A_81 = tpu.memref_squeeze %dma_start3A_80 : memref<1x8x128xi32, #tpu.memory_space<vmem>> -> memref<8x128xi32, #tpu.memory_space<vmem>>
    %dma_start3A_82 = arith.constant 0 : i32
    %dma_start3A_83 = tpu.memref_slice %arg2[%add3A_70, %dma_start3A_82] : memref<50176x128xi32, #tpu.memory_space<hbm>> -> memref<8x128xi32, #tpu.memory_space<hbm>>
    tpu.enqueue_dma source(%dma_start3A_83 : memref<8x128xi32, #tpu.memory_space<hbm>>) target(%dma_start3A_81 : memref<8x128xi32, #tpu.memory_space<vmem>>) target_semaphore(%arg8 : memref<!tpu.dma_semaphore, #tpu.memory_space<semaphore_mem>>)
    %scan3A = arith.constant 0 : i32
    %scan3A_84 = arith.constant 98 : i32
    %scan3A_85 = arith.addi %scan3A, %scan3A_84 : i32
    %scan3A_86 = arith.constant 1 : i32
    scf.for %scan3A_96 = %scan3A to %scan3A_85 step %scan3A_86  : i32 {
      %ge3A = arith.constant 97 : i32
      %ge3A_97 = arith.cmpi sge, %scan3A_96, %ge3A : i32
      %mul3A_98 = arith.constant 2 : i32
      %mul3A_99 = arith.muli %mul3A_98, %scan3A_96 : i32
      %mul3A_100 = arith.constant 1568 : i32
      %mul3A_101 = arith.muli %add3A, %mul3A_100 : i32
      %mul3A_102 = arith.constant 2 : i32
      %mul3A_103 = arith.muli %mul3A_99, %mul3A_102 : i32
      %mul3A_104 = arith.constant 4 : i32
      %mul3A_105 = arith.muli %mul3A_103, %mul3A_104 : i32
      %add3A_106 = arith.addi %mul3A_101, %mul3A_105 : i32
      %dma_wait3A = arith.constant 0 : i32
      %dma_wait3A_107 = arith.constant 0 : i32
      %dma_wait3A_108 = arith.constant 0 : i32
      %dma_wait3A_109 = tpu.memref_slice %arg5[%dma_wait3A, %dma_wait3A_107, %dma_wait3A_108] : memref<2x8x128xi32, #tpu.memory_space<vmem>> -> memref<1x8x128xi32, #tpu.memory_space<vmem>>
      %dma_wait3A_110 = tpu.memref_squeeze %dma_wait3A_109 : memref<1x8x128xi32, #tpu.memory_space<vmem>> -> memref<8x128xi32, #tpu.memory_space<vmem>>
      %dma_wait3A_111 = arith.constant 0 : i32
      %dma_wait3A_112 = tpu.memref_slice %arg2[%add3A_106, %dma_wait3A_111] : memref<50176x128xi32, #tpu.memory_space<hbm>> -> memref<8x128xi32, #tpu.memory_space<hbm>>
      %dma_wait3A_113 = arith.constant 0 : i32
      %dma_wait3A_114 = arith.constant 0 : i32
      %dma_wait3A_115 = tpu.memref_slice %arg5[%dma_wait3A, %dma_wait3A_113, %dma_wait3A_114] : memref<2x8x128xi32, #tpu.memory_space<vmem>> -> memref<1x8x128xi32, #tpu.memory_space<vmem>>
      %dma_wait3A_116 = tpu.memref_squeeze %dma_wait3A_115 : memref<1x8x128xi32, #tpu.memory_space<vmem>> -> memref<8x128xi32, #tpu.memory_space<vmem>>
      %dma_wait3A_117 = arith.constant 0 : i32
      %dma_wait3A_118 = tpu.memref_slice %arg2[%add3A_106, %dma_wait3A_117] : memref<50176x128xi32, #tpu.memory_space<hbm>> -> memref<8x128xi32, #tpu.memory_space<hbm>>
      tpu.wait_dma2 semaphore(%arg7 : memref<!tpu.dma_semaphore, #tpu.memory_space<semaphore_mem>>) src(%dma_wait3A_118 : memref<8x128xi32, #tpu.memory_space<hbm>>) dst(%dma_wait3A_116 : memref<8x128xi32, #tpu.memory_space<vmem>>)
      %dma_start3A_119 = arith.constant 0 : i32
      %dma_start3A_120 = arith.constant 0 : i32
      %dma_start3A_121 = arith.constant 0 : i32
      %dma_start3A_122 = tpu.memref_slice %arg5[%dma_start3A_119, %dma_start3A_120, %dma_start3A_121] : memref<2x8x128xi32, #tpu.memory_space<vmem>> -> memref<1x1x128xi32, #tpu.memory_space<vmem>>
      %dma_start3A_123 = tpu.memref_squeeze %dma_start3A_122 : memref<1x1x128xi32, #tpu.memory_space<vmem>> -> memref<128xi32, #tpu.memory_space<vmem>>
      %dma_start3A_124 = arith.constant 0 : i32
      %dma_start3A_125 = tpu.memref_slice %arg11[%dma_start3A_124] : memref<100352xf32, #tpu.memory_space<vmem_shared>> -> memref<100352xf32, #tpu.memory_space<vmem_shared>>
      tpu.enqueue_indirect_dma source(%arg6 : memref<128xf32, #tpu.memory_space<vmem>>) target(%dma_start3A_125 : memref<100352xf32, #tpu.memory_space<vmem_shared>>) offsets(%dma_start3A_123 : memref<128xi32, #tpu.memory_space<vmem>>) semaphore(%arg9 : memref<!tpu.dma_semaphore, #tpu.memory_space<semaphore_mem>>) {add = true}
      %dma_start3A_126 = arith.constant 0 : i32
      %dma_start3A_127 = arith.constant 1 : i32
      %dma_start3A_128 = arith.constant 0 : i32
      %dma_start3A_129 = tpu.memref_slice %arg5[%dma_start3A_126, %dma_start3A_127, %dma_start3A_128] : memref<2x8x128xi32, #tpu.memory_space<vmem>> -> memref<1x1x128xi32, #tpu.memory_space<vmem>>
      %dma_start3A_130 = tpu.memref_squeeze %dma_start3A_129 : memref<1x1x128xi32, #tpu.memory_space<vmem>> -> memref<128xi32, #tpu.memory_space<vmem>>
      %dma_start3A_131 = arith.constant 0 : i32
      %dma_start3A_132 = tpu.memref_slice %arg11[%dma_start3A_131] : memref<100352xf32, #tpu.memory_space<vmem_shared>> -> memref<100352xf32, #tpu.memory_space<vmem_shared>>
      tpu.enqueue_indirect_dma source(%arg6 : memref<128xf32, #tpu.memory_space<vmem>>) target(%dma_start3A_132 : memref<100352xf32, #tpu.memory_space<vmem_shared>>) offsets(%dma_start3A_130 : memref<128xi32, #tpu.memory_space<vmem>>) semaphore(%arg9 : memref<!tpu.dma_semaphore, #tpu.memory_space<semaphore_mem>>) {add = true}
      %dma_start3A_133 = arith.constant 0 : i32
      %dma_start3A_134 = arith.constant 2 : i32
      %dma_start3A_135 = arith.constant 0 : i32
      %dma_start3A_136 = tpu.memref_slice %arg5[%dma_start3A_133, %dma_start3A_134, %dma_start3A_135] : memref<2x8x128xi32, #tpu.memory_space<vmem>> -> memref<1x1x128xi32, #tpu.memory_space<vmem>>
      %dma_start3A_137 = tpu.memref_squeeze %dma_start3A_136 : memref<1x1x128xi32, #tpu.memory_space<vmem>> -> memref<128xi32, #tpu.memory_space<vmem>>
      %dma_start3A_138 = arith.constant 0 : i32
      %dma_start3A_139 = tpu.memref_slice %arg11[%dma_start3A_138] : memref<100352xf32, #tpu.memory_space<vmem_shared>> -> memref<100352xf32, #tpu.memory_space<vmem_shared>>
      tpu.enqueue_indirect_dma source(%arg6 : memref<128xf32, #tpu.memory_space<vmem>>) target(%dma_start3A_139 : memref<100352xf32, #tpu.memory_space<vmem_shared>>) offsets(%dma_start3A_137 : memref<128xi32, #tpu.memory_space<vmem>>) semaphore(%arg9 : memref<!tpu.dma_semaphore, #tpu.memory_space<semaphore_mem>>) {add = true}
      %dma_start3A_140 = arith.constant 0 : i32
      %dma_start3A_141 = arith.constant 3 : i32
      %dma_start3A_142 = arith.constant 0 : i32
      %dma_start3A_143 = tpu.memref_slice %arg5[%dma_start3A_140, %dma_start3A_141, %dma_start3A_142] : memref<2x8x128xi32, #tpu.memory_space<vmem>> -> memref<1x1x128xi32, #tpu.memory_space<vmem>>
      %dma_start3A_144 = tpu.memref_squeeze %dma_start3A_143 : memref<1x1x128xi32, #tpu.memory_space<vmem>> -> memref<128xi32, #tpu.memory_space<vmem>>
      %dma_start3A_145 = arith.constant 0 : i32
      %dma_start3A_146 = tpu.memref_slice %arg11[%dma_start3A_145] : memref<100352xf32, #tpu.memory_space<vmem_shared>> -> memref<100352xf32, #tpu.memory_space<vmem_shared>>
      tpu.enqueue_indirect_dma source(%arg6 : memref<128xf32, #tpu.memory_space<vmem>>) target(%dma_start3A_146 : memref<100352xf32, #tpu.memory_space<vmem_shared>>) offsets(%dma_start3A_144 : memref<128xi32, #tpu.memory_space<vmem>>) semaphore(%arg9 : memref<!tpu.dma_semaphore, #tpu.memory_space<semaphore_mem>>) {add = true}
      %dma_start3A_147 = arith.constant 0 : i32
      %dma_start3A_148 = arith.constant 4 : i32
      %dma_start3A_149 = arith.constant 0 : i32
      %dma_start3A_150 = tpu.memref_slice %arg5[%dma_start3A_147, %dma_start3A_148, %dma_start3A_149] : memref<2x8x128xi32, #tpu.memory_space<vmem>> -> memref<1x1x128xi32, #tpu.memory_space<vmem>>
      %dma_start3A_151 = tpu.memref_squeeze %dma_start3A_150 : memref<1x1x128xi32, #tpu.memory_space<vmem>> -> memref<128xi32, #tpu.memory_space<vmem>>
      %dma_start3A_152 = arith.constant 0 : i32
      %dma_start3A_153 = tpu.memref_slice %arg11[%dma_start3A_152] : memref<100352xf32, #tpu.memory_space<vmem_shared>> -> memref<100352xf32, #tpu.memory_space<vmem_shared>>
      tpu.enqueue_indirect_dma source(%arg6 : memref<128xf32, #tpu.memory_space<vmem>>) target(%dma_start3A_153 : memref<100352xf32, #tpu.memory_space<vmem_shared>>) offsets(%dma_start3A_151 : memref<128xi32, #tpu.memory_space<vmem>>) semaphore(%arg10 : memref<!tpu.dma_semaphore, #tpu.memory_space<semaphore_mem>>) {add = true}
      %dma_start3A_154 = arith.constant 0 : i32
      %dma_start3A_155 = arith.constant 5 : i32
      %dma_start3A_156 = arith.constant 0 : i32
      %dma_start3A_157 = tpu.memref_slice %arg5[%dma_start3A_154, %dma_start3A_155, %dma_start3A_156] : memref<2x8x128xi32, #tpu.memory_space<vmem>> -> memref<1x1x128xi32, #tpu.memory_space<vmem>>
      %dma_start3A_158 = tpu.memref_squeeze %dma_start3A_157 : memref<1x1x128xi32, #tpu.memory_space<vmem>> -> memref<128xi32, #tpu.memory_space<vmem>>
      %dma_start3A_159 = arith.constant 0 : i32
      %dma_start3A_160 = tpu.memref_slice %arg11[%dma_start3A_159] : memref<100352xf32, #tpu.memory_space<vmem_shared>> -> memref<100352xf32, #tpu.memory_space<vmem_shared>>
      tpu.enqueue_indirect_dma source(%arg6 : memref<128xf32, #tpu.memory_space<vmem>>) target(%dma_start3A_160 : memref<100352xf32, #tpu.memory_space<vmem_shared>>) offsets(%dma_start3A_158 : memref<128xi32, #tpu.memory_space<vmem>>) semaphore(%arg10 : memref<!tpu.dma_semaphore, #tpu.memory_space<semaphore_mem>>) {add = true}
      %dma_start3A_161 = arith.constant 0 : i32
      %dma_start3A_162 = arith.constant 6 : i32
      %dma_start3A_163 = arith.constant 0 : i32
      %dma_start3A_164 = tpu.memref_slice %arg5[%dma_start3A_161, %dma_start3A_162, %dma_start3A_163] : memref<2x8x128xi32, #tpu.memory_space<vmem>> -> memref<1x1x128xi32, #tpu.memory_space<vmem>>
      %dma_start3A_165 = tpu.memref_squeeze %dma_start3A_164 : memref<1x1x128xi32, #tpu.memory_space<vmem>> -> memref<128xi32, #tpu.memory_space<vmem>>
      %dma_start3A_166 = arith.constant 0 : i32
      %dma_start3A_167 = tpu.memref_slice %arg11[%dma_start3A_166] : memref<100352xf32, #tpu.memory_space<vmem_shared>> -> memref<100352xf32, #tpu.memory_space<vmem_shared>>
      tpu.enqueue_indirect_dma source(%arg6 : memref<128xf32, #tpu.memory_space<vmem>>) target(%dma_start3A_167 : memref<100352xf32, #tpu.memory_space<vmem_shared>>) offsets(%dma_start3A_165 : memref<128xi32, #tpu.memory_space<vmem>>) semaphore(%arg10 : memref<!tpu.dma_semaphore, #tpu.memory_space<semaphore_mem>>) {add = true}
      %dma_start3A_168 = arith.constant 0 : i32
      %dma_start3A_169 = arith.constant 7 : i32
      %dma_start3A_170 = arith.constant 0 : i32
      %dma_start3A_171 = tpu.memref_slice %arg5[%dma_start3A_168, %dma_start3A_169, %dma_start3A_170] : memref<2x8x128xi32, #tpu.memory_space<vmem>> -> memref<1x1x128xi32, #tpu.memory_space<vmem>>
      %dma_start3A_172 = tpu.memref_squeeze %dma_start3A_171 : memref<1x1x128xi32, #tpu.memory_space<vmem>> -> memref<128xi32, #tpu.memory_space<vmem>>
      %dma_start3A_173 = arith.constant 0 : i32
      %dma_start3A_174 = tpu.memref_slice %arg11[%dma_start3A_173] : memref<100352xf32, #tpu.memory_space<vmem_shared>> -> memref<100352xf32, #tpu.memory_space<vmem_shared>>
      tpu.enqueue_indirect_dma source(%arg6 : memref<128xf32, #tpu.memory_space<vmem>>) target(%dma_start3A_174 : memref<100352xf32, #tpu.memory_space<vmem_shared>>) offsets(%dma_start3A_172 : memref<128xi32, #tpu.memory_space<vmem>>) semaphore(%arg10 : memref<!tpu.dma_semaphore, #tpu.memory_space<semaphore_mem>>) {add = true}
      %dma_wait3A_175 = arith.constant 0 : i32
      %dma_wait3A_176 = arith.constant 0 : i32
      %dma_wait3A_177 = arith.constant 0 : i32
      %dma_wait3A_178 = tpu.memref_slice %arg5[%dma_wait3A_175, %dma_wait3A_176, %dma_wait3A_177] : memref<2x8x128xi32, #tpu.memory_space<vmem>> -> memref<1x1x128xi32, #tpu.memory_space<vmem>>
      %dma_wait3A_179 = tpu.memref_squeeze %dma_wait3A_178 : memref<1x1x128xi32, #tpu.memory_space<vmem>> -> memref<128xi32, #tpu.memory_space<vmem>>
      %dma_wait3A_180 = arith.constant 0 : i32
      %dma_wait3A_181 = tpu.memref_slice %arg11[%dma_wait3A_180] : memref<100352xf32, #tpu.memory_space<vmem_shared>> -> memref<100352xf32, #tpu.memory_space<vmem_shared>>
      tpu.wait_indirect_dma semaphore(%arg9 : memref<!tpu.dma_semaphore, #tpu.memory_space<semaphore_mem>>) src(%arg6 : memref<128xf32, #tpu.memory_space<vmem>>) dst(%dma_wait3A_181 : memref<100352xf32, #tpu.memory_space<vmem_shared>>)
      %dma_wait3A_182 = arith.constant 0 : i32
      %dma_wait3A_183 = arith.constant 1 : i32
      %dma_wait3A_184 = arith.constant 0 : i32
      %dma_wait3A_185 = tpu.memref_slice %arg5[%dma_wait3A_182, %dma_wait3A_183, %dma_wait3A_184] : memref<2x8x128xi32, #tpu.memory_space<vmem>> -> memref<1x1x128xi32, #tpu.memory_space<vmem>>
      %dma_wait3A_186 = tpu.memref_squeeze %dma_wait3A_185 : memref<1x1x128xi32, #tpu.memory_space<vmem>> -> memref<128xi32, #tpu.memory_space<vmem>>
      %dma_wait3A_187 = arith.constant 0 : i32
      %dma_wait3A_188 = tpu.memref_slice %arg11[%dma_wait3A_187] : memref<100352xf32, #tpu.memory_space<vmem_shared>> -> memref<100352xf32, #tpu.memory_space<vmem_shared>>
      tpu.wait_indirect_dma semaphore(%arg9 : memref<!tpu.dma_semaphore, #tpu.memory_space<semaphore_mem>>) src(%arg6 : memref<128xf32, #tpu.memory_space<vmem>>) dst(%dma_wait3A_188 : memref<100352xf32, #tpu.memory_space<vmem_shared>>)
      %dma_wait3A_189 = arith.constant 0 : i32
      %dma_wait3A_190 = arith.constant 2 : i32
      %dma_wait3A_191 = arith.constant 0 : i32
      %dma_wait3A_192 = tpu.memref_slice %arg5[%dma_wait3A_189, %dma_wait3A_190, %dma_wait3A_191] : memref<2x8x128xi32, #tpu.memory_space<vmem>> -> memref<1x1x128xi32, #tpu.memory_space<vmem>>
      %dma_wait3A_193 = tpu.memref_squeeze %dma_wait3A_192 : memref<1x1x128xi32, #tpu.memory_space<vmem>> -> memref<128xi32, #tpu.memory_space<vmem>>
      %dma_wait3A_194 = arith.constant 0 : i32
      %dma_wait3A_195 = tpu.memref_slice %arg11[%dma_wait3A_194] : memref<100352xf32, #tpu.memory_space<vmem_shared>> -> memref<100352xf32, #tpu.memory_space<vmem_shared>>
      tpu.wait_indirect_dma semaphore(%arg9 : memref<!tpu.dma_semaphore, #tpu.memory_space<semaphore_mem>>) src(%arg6 : memref<128xf32, #tpu.memory_space<vmem>>) dst(%dma_wait3A_195 : memref<100352xf32, #tpu.memory_space<vmem_shared>>)
      %dma_wait3A_196 = arith.constant 0 : i32
      %dma_wait3A_197 = arith.constant 3 : i32
      %dma_wait3A_198 = arith.constant 0 : i32
      %dma_wait3A_199 = tpu.memref_slice %arg5[%dma_wait3A_196, %dma_wait3A_197, %dma_wait3A_198] : memref<2x8x128xi32, #tpu.memory_space<vmem>> -> memref<1x1x128xi32, #tpu.memory_space<vmem>>
      %dma_wait3A_200 = tpu.memref_squeeze %dma_wait3A_199 : memref<1x1x128xi32, #tpu.memory_space<vmem>> -> memref<128xi32, #tpu.memory_space<vmem>>
      %dma_wait3A_201 = arith.constant 0 : i32
      %dma_wait3A_202 = tpu.memref_slice %arg11[%dma_wait3A_201] : memref<100352xf32, #tpu.memory_space<vmem_shared>> -> memref<100352xf32, #tpu.memory_space<vmem_shared>>
      tpu.wait_indirect_dma semaphore(%arg9 : memref<!tpu.dma_semaphore, #tpu.memory_space<semaphore_mem>>) src(%arg6 : memref<128xf32, #tpu.memory_space<vmem>>) dst(%dma_wait3A_202 : memref<100352xf32, #tpu.memory_space<vmem_shared>>)
      %dma_wait3A_203 = arith.constant 0 : i32
      %dma_wait3A_204 = arith.constant 4 : i32
      %dma_wait3A_205 = arith.constant 0 : i32
      %dma_wait3A_206 = tpu.memref_slice %arg5[%dma_wait3A_203, %dma_wait3A_204, %dma_wait3A_205] : memref<2x8x128xi32, #tpu.memory_space<vmem>> -> memref<1x1x128xi32, #tpu.memory_space<vmem>>
      %dma_wait3A_207 = tpu.memref_squeeze %dma_wait3A_206 : memref<1x1x128xi32, #tpu.memory_space<vmem>> -> memref<128xi32, #tpu.memory_space<vmem>>
      %dma_wait3A_208 = arith.constant 0 : i32
      %dma_wait3A_209 = tpu.memref_slice %arg11[%dma_wait3A_208] : memref<100352xf32, #tpu.memory_space<vmem_shared>> -> memref<100352xf32, #tpu.memory_space<vmem_shared>>
      tpu.wait_indirect_dma semaphore(%arg10 : memref<!tpu.dma_semaphore, #tpu.memory_space<semaphore_mem>>) src(%arg6 : memref<128xf32, #tpu.memory_space<vmem>>) dst(%dma_wait3A_209 : memref<100352xf32, #tpu.memory_space<vmem_shared>>)
      %dma_wait3A_210 = arith.constant 0 : i32
      %dma_wait3A_211 = arith.constant 5 : i32
      %dma_wait3A_212 = arith.constant 0 : i32
      %dma_wait3A_213 = tpu.memref_slice %arg5[%dma_wait3A_210, %dma_wait3A_211, %dma_wait3A_212] : memref<2x8x128xi32, #tpu.memory_space<vmem>> -> memref<1x1x128xi32, #tpu.memory_space<vmem>>
      %dma_wait3A_214 = tpu.memref_squeeze %dma_wait3A_213 : memref<1x1x128xi32, #tpu.memory_space<vmem>> -> memref<128xi32, #tpu.memory_space<vmem>>
      %dma_wait3A_215 = arith.constant 0 : i32
      %dma_wait3A_216 = tpu.memref_slice %arg11[%dma_wait3A_215] : memref<100352xf32, #tpu.memory_space<vmem_shared>> -> memref<100352xf32, #tpu.memory_space<vmem_shared>>
      tpu.wait_indirect_dma semaphore(%arg10 : memref<!tpu.dma_semaphore, #tpu.memory_space<semaphore_mem>>) src(%arg6 : memref<128xf32, #tpu.memory_space<vmem>>) dst(%dma_wait3A_216 : memref<100352xf32, #tpu.memory_space<vmem_shared>>)
      %dma_wait3A_217 = arith.constant 0 : i32
      %dma_wait3A_218 = arith.constant 6 : i32
      %dma_wait3A_219 = arith.constant 0 : i32
      %dma_wait3A_220 = tpu.memref_slice %arg5[%dma_wait3A_217, %dma_wait3A_218, %dma_wait3A_219] : memref<2x8x128xi32, #tpu.memory_space<vmem>> -> memref<1x1x128xi32, #tpu.memory_space<vmem>>
      %dma_wait3A_221 = tpu.memref_squeeze %dma_wait3A_220 : memref<1x1x128xi32, #tpu.memory_space<vmem>> -> memref<128xi32, #tpu.memory_space<vmem>>
      %dma_wait3A_222 = arith.constant 0 : i32
      %dma_wait3A_223 = tpu.memref_slice %arg11[%dma_wait3A_222] : memref<100352xf32, #tpu.memory_space<vmem_shared>> -> memref<100352xf32, #tpu.memory_space<vmem_shared>>
      tpu.wait_indirect_dma semaphore(%arg10 : memref<!tpu.dma_semaphore, #tpu.memory_space<semaphore_mem>>) src(%arg6 : memref<128xf32, #tpu.memory_space<vmem>>) dst(%dma_wait3A_223 : memref<100352xf32, #tpu.memory_space<vmem_shared>>)
      %dma_wait3A_224 = arith.constant 0 : i32
      %dma_wait3A_225 = arith.constant 7 : i32
      %dma_wait3A_226 = arith.constant 0 : i32
      %dma_wait3A_227 = tpu.memref_slice %arg5[%dma_wait3A_224, %dma_wait3A_225, %dma_wait3A_226] : memref<2x8x128xi32, #tpu.memory_space<vmem>> -> memref<1x1x128xi32, #tpu.memory_space<vmem>>
      %dma_wait3A_228 = tpu.memref_squeeze %dma_wait3A_227 : memref<1x1x128xi32, #tpu.memory_space<vmem>> -> memref<128xi32, #tpu.memory_space<vmem>>
      %dma_wait3A_229 = arith.constant 0 : i32
      %dma_wait3A_230 = tpu.memref_slice %arg11[%dma_wait3A_229] : memref<100352xf32, #tpu.memory_space<vmem_shared>> -> memref<100352xf32, #tpu.memory_space<vmem_shared>>
      tpu.wait_indirect_dma semaphore(%arg10 : memref<!tpu.dma_semaphore, #tpu.memory_space<semaphore_mem>>) src(%arg6 : memref<128xf32, #tpu.memory_space<vmem>>) dst(%dma_wait3A_230 : memref<100352xf32, #tpu.memory_space<vmem_shared>>)
      %not3A = arith.constant true
      %not3A_231 = arith.xori %ge3A_97, %not3A : i1
      %convert_element_type3A = arith.extui %not3A_231 : i1 to i32
      %cond3A = arith.constant 0 : i32
      %cond3A_232 = arith.cmpi ne, %convert_element_type3A, %cond3A : i32
      scf.if %cond3A_232 {
        %add3A_374 = arith.constant 2 : i32
        %add3A_375 = arith.addi %mul3A_99, %add3A_374 : i32
        %mul3A_376 = arith.constant 1568 : i32
        %mul3A_377 = arith.muli %add3A, %mul3A_376 : i32
        %mul3A_378 = arith.constant 2 : i32
        %mul3A_379 = arith.muli %add3A_375, %mul3A_378 : i32
        %mul3A_380 = arith.constant 4 : i32
        %mul3A_381 = arith.muli %mul3A_379, %mul3A_380 : i32
        %add3A_382 = arith.addi %mul3A_377, %mul3A_381 : i32
        %dma_start3A_383 = arith.constant 0 : i32
        %dma_start3A_384 = arith.constant 0 : i32
        %dma_start3A_385 = arith.constant 0 : i32
        %dma_start3A_386 = tpu.memref_slice %arg5[%dma_start3A_383, %dma_start3A_384, %dma_start3A_385] : memref<2x8x128xi32, #tpu.memory_space<vmem>> -> memref<1x8x128xi32, #tpu.memory_space<vmem>>
        %dma_start3A_387 = tpu.memref_squeeze %dma_start3A_386 : memref<1x8x128xi32, #tpu.memory_space<vmem>> -> memref<8x128xi32, #tpu.memory_space<vmem>>
        %dma_start3A_388 = arith.constant 0 : i32
        %dma_start3A_389 = tpu.memref_slice %arg2[%add3A_382, %dma_start3A_388] : memref<50176x128xi32, #tpu.memory_space<hbm>> -> memref<8x128xi32, #tpu.memory_space<hbm>>
        %dma_start3A_390 = arith.constant 0 : i32
        %dma_start3A_391 = arith.constant 0 : i32
        %dma_start3A_392 = tpu.memref_slice %arg5[%dma_start3A_383, %dma_start3A_390, %dma_start3A_391] : memref<2x8x128xi32, #tpu.memory_space<vmem>> -> memref<1x8x128xi32, #tpu.memory_space<vmem>>
        %dma_start3A_393 = tpu.memref_squeeze %dma_start3A_392 : memref<1x8x128xi32, #tpu.memory_space<vmem>> -> memref<8x128xi32, #tpu.memory_space<vmem>>
        %dma_start3A_394 = arith.constant 0 : i32
        %dma_start3A_395 = tpu.memref_slice %arg2[%add3A_382, %dma_start3A_394] : memref<50176x128xi32, #tpu.memory_space<hbm>> -> memref<8x128xi32, #tpu.memory_space<hbm>>
        tpu.enqueue_dma source(%dma_start3A_395 : memref<8x128xi32, #tpu.memory_space<hbm>>) target(%dma_start3A_393 : memref<8x128xi32, #tpu.memory_space<vmem>>) target_semaphore(%arg7 : memref<!tpu.dma_semaphore, #tpu.memory_space<semaphore_mem>>)
      } else {
      }
      %mul3A_233 = arith.constant 2 : i32
      %mul3A_234 = arith.muli %mul3A_233, %scan3A_96 : i32
      %add3A_235 = arith.constant 1 : i32
      %add3A_236 = arith.addi %mul3A_234, %add3A_235 : i32
      %mul3A_237 = arith.constant 1568 : i32
      %mul3A_238 = arith.muli %add3A, %mul3A_237 : i32
      %mul3A_239 = arith.constant 2 : i32
      %mul3A_240 = arith.muli %add3A_236, %mul3A_239 : i32
      %mul3A_241 = arith.constant 4 : i32
      %mul3A_242 = arith.muli %mul3A_240, %mul3A_241 : i32
      %add3A_243 = arith.addi %mul3A_238, %mul3A_242 : i32
      %dma_wait3A_244 = arith.constant 1 : i32
      %dma_wait3A_245 = arith.constant 0 : i32
      %dma_wait3A_246 = arith.constant 0 : i32
      %dma_wait3A_247 = tpu.memref_slice %arg5[%dma_wait3A_244, %dma_wait3A_245, %dma_wait3A_246] : memref<2x8x128xi32, #tpu.memory_space<vmem>> -> memref<1x8x128xi32, #tpu.memory_space<vmem>>
      %dma_wait3A_248 = tpu.memref_squeeze %dma_wait3A_247 : memref<1x8x128xi32, #tpu.memory_space<vmem>> -> memref<8x128xi32, #tpu.memory_space<vmem>>
      %dma_wait3A_249 = arith.constant 0 : i32
      %dma_wait3A_250 = tpu.memref_slice %arg2[%add3A_243, %dma_wait3A_249] : memref<50176x128xi32, #tpu.memory_space<hbm>> -> memref<8x128xi32, #tpu.memory_space<hbm>>
      %dma_wait3A_251 = arith.constant 0 : i32
      %dma_wait3A_252 = arith.constant 0 : i32
      %dma_wait3A_253 = tpu.memref_slice %arg5[%dma_wait3A_244, %dma_wait3A_251, %dma_wait3A_252] : memref<2x8x128xi32, #tpu.memory_space<vmem>> -> memref<1x8x128xi32, #tpu.memory_space<vmem>>
      %dma_wait3A_254 = tpu.memref_squeeze %dma_wait3A_253 : memref<1x8x128xi32, #tpu.memory_space<vmem>> -> memref<8x128xi32, #tpu.memory_space<vmem>>
      %dma_wait3A_255 = arith.constant 0 : i32
      %dma_wait3A_256 = tpu.memref_slice %arg2[%add3A_243, %dma_wait3A_255] : memref<50176x128xi32, #tpu.memory_space<hbm>> -> memref<8x128xi32, #tpu.memory_space<hbm>>
      tpu.wait_dma2 semaphore(%arg8 : memref<!tpu.dma_semaphore, #tpu.memory_space<semaphore_mem>>) src(%dma_wait3A_256 : memref<8x128xi32, #tpu.memory_space<hbm>>) dst(%dma_wait3A_254 : memref<8x128xi32, #tpu.memory_space<vmem>>)
      %dma_start3A_257 = arith.constant 1 : i32
      %dma_start3A_258 = arith.constant 0 : i32
      %dma_start3A_259 = arith.constant 0 : i32
      %dma_start3A_260 = tpu.memref_slice %arg5[%dma_start3A_257, %dma_start3A_258, %dma_start3A_259] : memref<2x8x128xi32, #tpu.memory_space<vmem>> -> memref<1x1x128xi32, #tpu.memory_space<vmem>>
      %dma_start3A_261 = tpu.memref_squeeze %dma_start3A_260 : memref<1x1x128xi32, #tpu.memory_space<vmem>> -> memref<128xi32, #tpu.memory_space<vmem>>
      %dma_start3A_262 = arith.constant 0 : i32
      %dma_start3A_263 = tpu.memref_slice %arg11[%dma_start3A_262] : memref<100352xf32, #tpu.memory_space<vmem_shared>> -> memref<100352xf32, #tpu.memory_space<vmem_shared>>
      tpu.enqueue_indirect_dma source(%arg6 : memref<128xf32, #tpu.memory_space<vmem>>) target(%dma_start3A_263 : memref<100352xf32, #tpu.memory_space<vmem_shared>>) offsets(%dma_start3A_261 : memref<128xi32, #tpu.memory_space<vmem>>) semaphore(%arg9 : memref<!tpu.dma_semaphore, #tpu.memory_space<semaphore_mem>>) {add = true}
      %dma_start3A_264 = arith.constant 1 : i32
      %dma_start3A_265 = arith.constant 1 : i32
      %dma_start3A_266 = arith.constant 0 : i32
      %dma_start3A_267 = tpu.memref_slice %arg5[%dma_start3A_264, %dma_start3A_265, %dma_start3A_266] : memref<2x8x128xi32, #tpu.memory_space<vmem>> -> memref<1x1x128xi32, #tpu.memory_space<vmem>>
      %dma_start3A_268 = tpu.memref_squeeze %dma_start3A_267 : memref<1x1x128xi32, #tpu.memory_space<vmem>> -> memref<128xi32, #tpu.memory_space<vmem>>
      %dma_start3A_269 = arith.constant 0 : i32
      %dma_start3A_270 = tpu.memref_slice %arg11[%dma_start3A_269] : memref<100352xf32, #tpu.memory_space<vmem_shared>> -> memref<100352xf32, #tpu.memory_space<vmem_shared>>
      tpu.enqueue_indirect_dma source(%arg6 : memref<128xf32, #tpu.memory_space<vmem>>) target(%dma_start3A_270 : memref<100352xf32, #tpu.memory_space<vmem_shared>>) offsets(%dma_start3A_268 : memref<128xi32, #tpu.memory_space<vmem>>) semaphore(%arg9 : memref<!tpu.dma_semaphore, #tpu.memory_space<semaphore_mem>>) {add = true}
      %dma_start3A_271 = arith.constant 1 : i32
      %dma_start3A_272 = arith.constant 2 : i32
      %dma_start3A_273 = arith.constant 0 : i32
      %dma_start3A_274 = tpu.memref_slice %arg5[%dma_start3A_271, %dma_start3A_272, %dma_start3A_273] : memref<2x8x128xi32, #tpu.memory_space<vmem>> -> memref<1x1x128xi32, #tpu.memory_space<vmem>>
      %dma_start3A_275 = tpu.memref_squeeze %dma_start3A_274 : memref<1x1x128xi32, #tpu.memory_space<vmem>> -> memref<128xi32, #tpu.memory_space<vmem>>
      %dma_start3A_276 = arith.constant 0 : i32
      %dma_start3A_277 = tpu.memref_slice %arg11[%dma_start3A_276] : memref<100352xf32, #tpu.memory_space<vmem_shared>> -> memref<100352xf32, #tpu.memory_space<vmem_shared>>
      tpu.enqueue_indirect_dma source(%arg6 : memref<128xf32, #tpu.memory_space<vmem>>) target(%dma_start3A_277 : memref<100352xf32, #tpu.memory_space<vmem_shared>>) offsets(%dma_start3A_275 : memref<128xi32, #tpu.memory_space<vmem>>) semaphore(%arg9 : memref<!tpu.dma_semaphore, #tpu.memory_space<semaphore_mem>>) {add = true}
      %dma_start3A_278 = arith.constant 1 : i32
      %dma_start3A_279 = arith.constant 3 : i32
      %dma_start3A_280 = arith.constant 0 : i32
      %dma_start3A_281 = tpu.memref_slice %arg5[%dma_start3A_278, %dma_start3A_279, %dma_start3A_280] : memref<2x8x128xi32, #tpu.memory_space<vmem>> -> memref<1x1x128xi32, #tpu.memory_space<vmem>>
      %dma_start3A_282 = tpu.memref_squeeze %dma_start3A_281 : memref<1x1x128xi32, #tpu.memory_space<vmem>> -> memref<128xi32, #tpu.memory_space<vmem>>
      %dma_start3A_283 = arith.constant 0 : i32
      %dma_start3A_284 = tpu.memref_slice %arg11[%dma_start3A_283] : memref<100352xf32, #tpu.memory_space<vmem_shared>> -> memref<100352xf32, #tpu.memory_space<vmem_shared>>
      tpu.enqueue_indirect_dma source(%arg6 : memref<128xf32, #tpu.memory_space<vmem>>) target(%dma_start3A_284 : memref<100352xf32, #tpu.memory_space<vmem_shared>>) offsets(%dma_start3A_282 : memref<128xi32, #tpu.memory_space<vmem>>) semaphore(%arg9 : memref<!tpu.dma_semaphore, #tpu.memory_space<semaphore_mem>>) {add = true}
      %dma_start3A_285 = arith.constant 1 : i32
      %dma_start3A_286 = arith.constant 4 : i32
      %dma_start3A_287 = arith.constant 0 : i32
      %dma_start3A_288 = tpu.memref_slice %arg5[%dma_start3A_285, %dma_start3A_286, %dma_start3A_287] : memref<2x8x128xi32, #tpu.memory_space<vmem>> -> memref<1x1x128xi32, #tpu.memory_space<vmem>>
      %dma_start3A_289 = tpu.memref_squeeze %dma_start3A_288 : memref<1x1x128xi32, #tpu.memory_space<vmem>> -> memref<128xi32, #tpu.memory_space<vmem>>
      %dma_start3A_290 = arith.constant 0 : i32
      %dma_start3A_291 = tpu.memref_slice %arg11[%dma_start3A_290] : memref<100352xf32, #tpu.memory_space<vmem_shared>> -> memref<100352xf32, #tpu.memory_space<vmem_shared>>
      tpu.enqueue_indirect_dma source(%arg6 : memref<128xf32, #tpu.memory_space<vmem>>) target(%dma_start3A_291 : memref<100352xf32, #tpu.memory_space<vmem_shared>>) offsets(%dma_start3A_289 : memref<128xi32, #tpu.memory_space<vmem>>) semaphore(%arg10 : memref<!tpu.dma_semaphore, #tpu.memory_space<semaphore_mem>>) {add = true}
      %dma_start3A_292 = arith.constant 1 : i32
      %dma_start3A_293 = arith.constant 5 : i32
      %dma_start3A_294 = arith.constant 0 : i32
      %dma_start3A_295 = tpu.memref_slice %arg5[%dma_start3A_292, %dma_start3A_293, %dma_start3A_294] : memref<2x8x128xi32, #tpu.memory_space<vmem>> -> memref<1x1x128xi32, #tpu.memory_space<vmem>>
      %dma_start3A_296 = tpu.memref_squeeze %dma_start3A_295 : memref<1x1x128xi32, #tpu.memory_space<vmem>> -> memref<128xi32, #tpu.memory_space<vmem>>
      %dma_start3A_297 = arith.constant 0 : i32
      %dma_start3A_298 = tpu.memref_slice %arg11[%dma_start3A_297] : memref<100352xf32, #tpu.memory_space<vmem_shared>> -> memref<100352xf32, #tpu.memory_space<vmem_shared>>
      tpu.enqueue_indirect_dma source(%arg6 : memref<128xf32, #tpu.memory_space<vmem>>) target(%dma_start3A_298 : memref<100352xf32, #tpu.memory_space<vmem_shared>>) offsets(%dma_start3A_296 : memref<128xi32, #tpu.memory_space<vmem>>) semaphore(%arg10 : memref<!tpu.dma_semaphore, #tpu.memory_space<semaphore_mem>>) {add = true}
      %dma_start3A_299 = arith.constant 1 : i32
      %dma_start3A_300 = arith.constant 6 : i32
      %dma_start3A_301 = arith.constant 0 : i32
      %dma_start3A_302 = tpu.memref_slice %arg5[%dma_start3A_299, %dma_start3A_300, %dma_start3A_301] : memref<2x8x128xi32, #tpu.memory_space<vmem>> -> memref<1x1x128xi32, #tpu.memory_space<vmem>>
      %dma_start3A_303 = tpu.memref_squeeze %dma_start3A_302 : memref<1x1x128xi32, #tpu.memory_space<vmem>> -> memref<128xi32, #tpu.memory_space<vmem>>
      %dma_start3A_304 = arith.constant 0 : i32
      %dma_start3A_305 = tpu.memref_slice %arg11[%dma_start3A_304] : memref<100352xf32, #tpu.memory_space<vmem_shared>> -> memref<100352xf32, #tpu.memory_space<vmem_shared>>
      tpu.enqueue_indirect_dma source(%arg6 : memref<128xf32, #tpu.memory_space<vmem>>) target(%dma_start3A_305 : memref<100352xf32, #tpu.memory_space<vmem_shared>>) offsets(%dma_start3A_303 : memref<128xi32, #tpu.memory_space<vmem>>) semaphore(%arg10 : memref<!tpu.dma_semaphore, #tpu.memory_space<semaphore_mem>>) {add = true}
      %dma_start3A_306 = arith.constant 1 : i32
      %dma_start3A_307 = arith.constant 7 : i32
      %dma_start3A_308 = arith.constant 0 : i32
      %dma_start3A_309 = tpu.memref_slice %arg5[%dma_start3A_306, %dma_start3A_307, %dma_start3A_308] : memref<2x8x128xi32, #tpu.memory_space<vmem>> -> memref<1x1x128xi32, #tpu.memory_space<vmem>>
      %dma_start3A_310 = tpu.memref_squeeze %dma_start3A_309 : memref<1x1x128xi32, #tpu.memory_space<vmem>> -> memref<128xi32, #tpu.memory_space<vmem>>
      %dma_start3A_311 = arith.constant 0 : i32
      %dma_start3A_312 = tpu.memref_slice %arg11[%dma_start3A_311] : memref<100352xf32, #tpu.memory_space<vmem_shared>> -> memref<100352xf32, #tpu.memory_space<vmem_shared>>
      tpu.enqueue_indirect_dma source(%arg6 : memref<128xf32, #tpu.memory_space<vmem>>) target(%dma_start3A_312 : memref<100352xf32, #tpu.memory_space<vmem_shared>>) offsets(%dma_start3A_310 : memref<128xi32, #tpu.memory_space<vmem>>) semaphore(%arg10 : memref<!tpu.dma_semaphore, #tpu.memory_space<semaphore_mem>>) {add = true}
      %dma_wait3A_313 = arith.constant 1 : i32
      %dma_wait3A_314 = arith.constant 0 : i32
      %dma_wait3A_315 = arith.constant 0 : i32
      %dma_wait3A_316 = tpu.memref_slice %arg5[%dma_wait3A_313, %dma_wait3A_314, %dma_wait3A_315] : memref<2x8x128xi32, #tpu.memory_space<vmem>> -> memref<1x1x128xi32, #tpu.memory_space<vmem>>
      %dma_wait3A_317 = tpu.memref_squeeze %dma_wait3A_316 : memref<1x1x128xi32, #tpu.memory_space<vmem>> -> memref<128xi32, #tpu.memory_space<vmem>>
      %dma_wait3A_318 = arith.constant 0 : i32
      %dma_wait3A_319 = tpu.memref_slice %arg11[%dma_wait3A_318] : memref<100352xf32, #tpu.memory_space<vmem_shared>> -> memref<100352xf32, #tpu.memory_space<vmem_shared>>
      tpu.wait_indirect_dma semaphore(%arg9 : memref<!tpu.dma_semaphore, #tpu.memory_space<semaphore_mem>>) src(%arg6 : memref<128xf32, #tpu.memory_space<vmem>>) dst(%dma_wait3A_319 : memref<100352xf32, #tpu.memory_space<vmem_shared>>)
      %dma_wait3A_320 = arith.constant 1 : i32
      %dma_wait3A_321 = arith.constant 1 : i32
      %dma_wait3A_322 = arith.constant 0 : i32
      %dma_wait3A_323 = tpu.memref_slice %arg5[%dma_wait3A_320, %dma_wait3A_321, %dma_wait3A_322] : memref<2x8x128xi32, #tpu.memory_space<vmem>> -> memref<1x1x128xi32, #tpu.memory_space<vmem>>
      %dma_wait3A_324 = tpu.memref_squeeze %dma_wait3A_323 : memref<1x1x128xi32, #tpu.memory_space<vmem>> -> memref<128xi32, #tpu.memory_space<vmem>>
      %dma_wait3A_325 = arith.constant 0 : i32
      %dma_wait3A_326 = tpu.memref_slice %arg11[%dma_wait3A_325] : memref<100352xf32, #tpu.memory_space<vmem_shared>> -> memref<100352xf32, #tpu.memory_space<vmem_shared>>
      tpu.wait_indirect_dma semaphore(%arg9 : memref<!tpu.dma_semaphore, #tpu.memory_space<semaphore_mem>>) src(%arg6 : memref<128xf32, #tpu.memory_space<vmem>>) dst(%dma_wait3A_326 : memref<100352xf32, #tpu.memory_space<vmem_shared>>)
      %dma_wait3A_327 = arith.constant 1 : i32
      %dma_wait3A_328 = arith.constant 2 : i32
      %dma_wait3A_329 = arith.constant 0 : i32
      %dma_wait3A_330 = tpu.memref_slice %arg5[%dma_wait3A_327, %dma_wait3A_328, %dma_wait3A_329] : memref<2x8x128xi32, #tpu.memory_space<vmem>> -> memref<1x1x128xi32, #tpu.memory_space<vmem>>
      %dma_wait3A_331 = tpu.memref_squeeze %dma_wait3A_330 : memref<1x1x128xi32, #tpu.memory_space<vmem>> -> memref<128xi32, #tpu.memory_space<vmem>>
      %dma_wait3A_332 = arith.constant 0 : i32
      %dma_wait3A_333 = tpu.memref_slice %arg11[%dma_wait3A_332] : memref<100352xf32, #tpu.memory_space<vmem_shared>> -> memref<100352xf32, #tpu.memory_space<vmem_shared>>
      tpu.wait_indirect_dma semaphore(%arg9 : memref<!tpu.dma_semaphore, #tpu.memory_space<semaphore_mem>>) src(%arg6 : memref<128xf32, #tpu.memory_space<vmem>>) dst(%dma_wait3A_333 : memref<100352xf32, #tpu.memory_space<vmem_shared>>)
      %dma_wait3A_334 = arith.constant 1 : i32
      %dma_wait3A_335 = arith.constant 3 : i32
      %dma_wait3A_336 = arith.constant 0 : i32
      %dma_wait3A_337 = tpu.memref_slice %arg5[%dma_wait3A_334, %dma_wait3A_335, %dma_wait3A_336] : memref<2x8x128xi32, #tpu.memory_space<vmem>> -> memref<1x1x128xi32, #tpu.memory_space<vmem>>
      %dma_wait3A_338 = tpu.memref_squeeze %dma_wait3A_337 : memref<1x1x128xi32, #tpu.memory_space<vmem>> -> memref<128xi32, #tpu.memory_space<vmem>>
      %dma_wait3A_339 = arith.constant 0 : i32
      %dma_wait3A_340 = tpu.memref_slice %arg11[%dma_wait3A_339] : memref<100352xf32, #tpu.memory_space<vmem_shared>> -> memref<100352xf32, #tpu.memory_space<vmem_shared>>
      tpu.wait_indirect_dma semaphore(%arg9 : memref<!tpu.dma_semaphore, #tpu.memory_space<semaphore_mem>>) src(%arg6 : memref<128xf32, #tpu.memory_space<vmem>>) dst(%dma_wait3A_340 : memref<100352xf32, #tpu.memory_space<vmem_shared>>)
      %dma_wait3A_341 = arith.constant 1 : i32
      %dma_wait3A_342 = arith.constant 4 : i32
      %dma_wait3A_343 = arith.constant 0 : i32
      %dma_wait3A_344 = tpu.memref_slice %arg5[%dma_wait3A_341, %dma_wait3A_342, %dma_wait3A_343] : memref<2x8x128xi32, #tpu.memory_space<vmem>> -> memref<1x1x128xi32, #tpu.memory_space<vmem>>
      %dma_wait3A_345 = tpu.memref_squeeze %dma_wait3A_344 : memref<1x1x128xi32, #tpu.memory_space<vmem>> -> memref<128xi32, #tpu.memory_space<vmem>>
      %dma_wait3A_346 = arith.constant 0 : i32
      %dma_wait3A_347 = tpu.memref_slice %arg11[%dma_wait3A_346] : memref<100352xf32, #tpu.memory_space<vmem_shared>> -> memref<100352xf32, #tpu.memory_space<vmem_shared>>
      tpu.wait_indirect_dma semaphore(%arg10 : memref<!tpu.dma_semaphore, #tpu.memory_space<semaphore_mem>>) src(%arg6 : memref<128xf32, #tpu.memory_space<vmem>>) dst(%dma_wait3A_347 : memref<100352xf32, #tpu.memory_space<vmem_shared>>)
      %dma_wait3A_348 = arith.constant 1 : i32
      %dma_wait3A_349 = arith.constant 5 : i32
      %dma_wait3A_350 = arith.constant 0 : i32
      %dma_wait3A_351 = tpu.memref_slice %arg5[%dma_wait3A_348, %dma_wait3A_349, %dma_wait3A_350] : memref<2x8x128xi32, #tpu.memory_space<vmem>> -> memref<1x1x128xi32, #tpu.memory_space<vmem>>
      %dma_wait3A_352 = tpu.memref_squeeze %dma_wait3A_351 : memref<1x1x128xi32, #tpu.memory_space<vmem>> -> memref<128xi32, #tpu.memory_space<vmem>>
      %dma_wait3A_353 = arith.constant 0 : i32
      %dma_wait3A_354 = tpu.memref_slice %arg11[%dma_wait3A_353] : memref<100352xf32, #tpu.memory_space<vmem_shared>> -> memref<100352xf32, #tpu.memory_space<vmem_shared>>
      tpu.wait_indirect_dma semaphore(%arg10 : memref<!tpu.dma_semaphore, #tpu.memory_space<semaphore_mem>>) src(%arg6 : memref<128xf32, #tpu.memory_space<vmem>>) dst(%dma_wait3A_354 : memref<100352xf32, #tpu.memory_space<vmem_shared>>)
      %dma_wait3A_355 = arith.constant 1 : i32
      %dma_wait3A_356 = arith.constant 6 : i32
      %dma_wait3A_357 = arith.constant 0 : i32
      %dma_wait3A_358 = tpu.memref_slice %arg5[%dma_wait3A_355, %dma_wait3A_356, %dma_wait3A_357] : memref<2x8x128xi32, #tpu.memory_space<vmem>> -> memref<1x1x128xi32, #tpu.memory_space<vmem>>
      %dma_wait3A_359 = tpu.memref_squeeze %dma_wait3A_358 : memref<1x1x128xi32, #tpu.memory_space<vmem>> -> memref<128xi32, #tpu.memory_space<vmem>>
      %dma_wait3A_360 = arith.constant 0 : i32
      %dma_wait3A_361 = tpu.memref_slice %arg11[%dma_wait3A_360] : memref<100352xf32, #tpu.memory_space<vmem_shared>> -> memref<100352xf32, #tpu.memory_space<vmem_shared>>
      tpu.wait_indirect_dma semaphore(%arg10 : memref<!tpu.dma_semaphore, #tpu.memory_space<semaphore_mem>>) src(%arg6 : memref<128xf32, #tpu.memory_space<vmem>>) dst(%dma_wait3A_361 : memref<100352xf32, #tpu.memory_space<vmem_shared>>)
      %dma_wait3A_362 = arith.constant 1 : i32
      %dma_wait3A_363 = arith.constant 7 : i32
      %dma_wait3A_364 = arith.constant 0 : i32
      %dma_wait3A_365 = tpu.memref_slice %arg5[%dma_wait3A_362, %dma_wait3A_363, %dma_wait3A_364] : memref<2x8x128xi32, #tpu.memory_space<vmem>> -> memref<1x1x128xi32, #tpu.memory_space<vmem>>
      %dma_wait3A_366 = tpu.memref_squeeze %dma_wait3A_365 : memref<1x1x128xi32, #tpu.memory_space<vmem>> -> memref<128xi32, #tpu.memory_space<vmem>>
      %dma_wait3A_367 = arith.constant 0 : i32
      %dma_wait3A_368 = tpu.memref_slice %arg11[%dma_wait3A_367] : memref<100352xf32, #tpu.memory_space<vmem_shared>> -> memref<100352xf32, #tpu.memory_space<vmem_shared>>
      tpu.wait_indirect_dma semaphore(%arg10 : memref<!tpu.dma_semaphore, #tpu.memory_space<semaphore_mem>>) src(%arg6 : memref<128xf32, #tpu.memory_space<vmem>>) dst(%dma_wait3A_368 : memref<100352xf32, #tpu.memory_space<vmem_shared>>)
      %not3A_369 = arith.constant true
      %not3A_370 = arith.xori %ge3A_97, %not3A_369 : i1
      %convert_element_type3A_371 = arith.extui %not3A_370 : i1 to i32
      %cond3A_372 = arith.constant 0 : i32
      %cond3A_373 = arith.cmpi ne, %convert_element_type3A_371, %cond3A_372 : i32
      scf.if %cond3A_373 {
        %add3A_374 = arith.constant 2 : i32
        %add3A_375 = arith.addi %add3A_236, %add3A_374 : i32
        %mul3A_376 = arith.constant 1568 : i32
        %mul3A_377 = arith.muli %add3A, %mul3A_376 : i32
        %mul3A_378 = arith.constant 2 : i32
        %mul3A_379 = arith.muli %add3A_375, %mul3A_378 : i32
        %mul3A_380 = arith.constant 4 : i32
        %mul3A_381 = arith.muli %mul3A_379, %mul3A_380 : i32
        %add3A_382 = arith.addi %mul3A_377, %mul3A_381 : i32
        %dma_start3A_383 = arith.constant 1 : i32
        %dma_start3A_384 = arith.constant 0 : i32
        %dma_start3A_385 = arith.constant 0 : i32
        %dma_start3A_386 = tpu.memref_slice %arg5[%dma_start3A_383, %dma_start3A_384, %dma_start3A_385] : memref<2x8x128xi32, #tpu.memory_space<vmem>> -> memref<1x8x128xi32, #tpu.memory_space<vmem>>
        %dma_start3A_387 = tpu.memref_squeeze %dma_start3A_386 : memref<1x8x128xi32, #tpu.memory_space<vmem>> -> memref<8x128xi32, #tpu.memory_space<vmem>>
        %dma_start3A_388 = arith.constant 0 : i32
        %dma_start3A_389 = tpu.memref_slice %arg2[%add3A_382, %dma_start3A_388] : memref<50176x128xi32, #tpu.memory_space<hbm>> -> memref<8x128xi32, #tpu.memory_space<hbm>>
        %dma_start3A_390 = arith.constant 0 : i32
        %dma_start3A_391 = arith.constant 0 : i32
        %dma_start3A_392 = tpu.memref_slice %arg5[%dma_start3A_383, %dma_start3A_390, %dma_start3A_391] : memref<2x8x128xi32, #tpu.memory_space<vmem>> -> memref<1x8x128xi32, #tpu.memory_space<vmem>>
        %dma_start3A_393 = tpu.memref_squeeze %dma_start3A_392 : memref<1x8x128xi32, #tpu.memory_space<vmem>> -> memref<8x128xi32, #tpu.memory_space<vmem>>
        %dma_start3A_394 = arith.constant 0 : i32
        %dma_start3A_395 = tpu.memref_slice %arg2[%add3A_382, %dma_start3A_394] : memref<50176x128xi32, #tpu.memory_space<hbm>> -> memref<8x128xi32, #tpu.memory_space<hbm>>
        tpu.enqueue_dma source(%dma_start3A_395 : memref<8x128xi32, #tpu.memory_space<hbm>>) target(%dma_start3A_393 : memref<8x128xi32, #tpu.memory_space<vmem>>) target_semaphore(%arg8 : memref<!tpu.dma_semaphore, #tpu.memory_space<semaphore_mem>>)
      } else {
      }
    }
    %scan3A_87 = arith.constant 98 : i32
    %barrier3A_88 = arith.constant 0 : index
    tpu.barrier barrier_id(%barrier3A_88)
    %mul3A_89 = arith.constant 6272 : i32
    %mul3A_90 = arith.muli %arg1, %mul3A_89 : i32
    %mul3A_91 = arith.constant 100352 : i32
    %mul3A_92 = arith.muli %arg0, %mul3A_91 : i32
    %mul3A_93 = arith.constant 6272 : i32
    %mul3A_94 = arith.muli %arg1, %mul3A_93 : i32
    %add3A_95 = arith.addi %mul3A_92, %mul3A_94 : i32
    "tpu.region"() ({
      %run_scoped3A = tpu.sem_alloc : memref<!tpu.dma_semaphore, #tpu.memory_space<semaphore_mem>>
      %dma_start3A_96 = tpu.memref_slice %arg4[%add3A_95] : memref<200704xf32, #tpu.memory_space<hbm>> -> memref<6272xf32, #tpu.memory_space<hbm>>
      %dma_start3A_97 = tpu.memref_slice %arg11[%mul3A_90] : memref<100352xf32, #tpu.memory_space<vmem_shared>> -> memref<6272xf32, #tpu.memory_space<vmem_shared>>
      tpu.enqueue_dma source(%dma_start3A_97 : memref<6272xf32, #tpu.memory_space<vmem_shared>>) target(%dma_start3A_96 : memref<6272xf32, #tpu.memory_space<hbm>>) target_semaphore(%run_scoped3A : memref<!tpu.dma_semaphore, #tpu.memory_space<semaphore_mem>>)
      %dma_wait3A = tpu.memref_slice %arg4[%add3A_95] : memref<200704xf32, #tpu.memory_space<hbm>> -> memref<6272xf32, #tpu.memory_space<hbm>>
      %dma_wait3A_98 = tpu.memref_slice %arg11[%mul3A_90] : memref<100352xf32, #tpu.memory_space<vmem_shared>> -> memref<6272xf32, #tpu.memory_space<vmem_shared>>
      tpu.wait_dma2 semaphore(%run_scoped3A : memref<!tpu.dma_semaphore, #tpu.memory_space<semaphore_mem>>) src(%dma_wait3A_98 : memref<6272xf32, #tpu.memory_space<vmem_shared>>) dst(%dma_wait3A : memref<6272xf32, #tpu.memory_space<hbm>>)
      tpu.yield
    }) : () -> ()
    return
  }
}

module attributes {stable_mosaic.version = 14 : i64} {
  func.func @_tc_dinv_body(%arg0: memref<2x100352xf32, #tpu.memory_space<vmem>>, %arg1: memref<1x100352xf32, #tpu.memory_space<vmem>>) attributes {dimension_semantics = [], scalar_prefetch = 0 : i64, scratch_operands = 0 : i64, tpu.core_type = #tpu.core_type<tc>} {
    %get3A = arith.constant 0 : index
    %get3A_0 = arith.constant 0 : index
    %get3A_1 = vector.load %arg0[%get3A, %get3A_0] : memref<2x100352xf32, #tpu.memory_space<vmem>>, vector<1x100352xf32>
    %get3A_2 = vector.shape_cast %get3A_1 : vector<1x100352xf32> to vector<100352xf32>
    %get3A_3 = arith.constant 1 : index
    %get3A_4 = arith.constant 0 : index
    %get3A_5 = vector.load %arg0[%get3A_3, %get3A_4] : memref<2x100352xf32, #tpu.memory_space<vmem>>, vector<1x100352xf32>
    %get3A_6 = vector.shape_cast %get3A_5 : vector<1x100352xf32> to vector<100352xf32>
    %add3A = arith.addf %get3A_2, %get3A_6 : vector<100352xf32>
    %add3A_7 = arith.constant 1.000000e+00 : f32
    %add3A_8 = vector.broadcast %add3A_7 : f32 to vector<100352xf32>
    %add3A_9 = arith.addf %add3A, %add3A_8 : vector<100352xf32>
    %rsqrt3A = math.rsqrt %add3A_9 : vector<100352xf32>
    %swap3A = arith.constant 0 : index
    %swap3A_10 = arith.constant 0 : index
    %swap3A_11 = vector.load %arg1[%swap3A, %swap3A_10] : memref<1x100352xf32, #tpu.memory_space<vmem>>, vector<1x100352xf32>
    %swap3A_12 = vector.shape_cast %swap3A_11 : vector<1x100352xf32> to vector<100352xf32>
    %swap3A_13 = vector.shape_cast %rsqrt3A : vector<100352xf32> to vector<1x100352xf32>
    tpu.vector_store %arg1[%swap3A, %swap3A_10], %swap3A_13 {strides = array<i32>} : memref<1x100352xf32, #tpu.memory_space<vmem>>, vector<1x100352xf32>,
    return
  }
}

module attributes {stable_mosaic.version = 14 : i64} {
  func.func @_tc_xs_body(%arg0: memref<16x100352xf32, #tpu.memory_space<vmem>>, %arg1: memref<1x100352xf32, #tpu.memory_space<vmem>>, %arg2: memref<16x100352xf32, #tpu.memory_space<vmem>>) attributes {dimension_semantics = [], scalar_prefetch = 0 : i64, scratch_operands = 0 : i64, tpu.core_type = #tpu.core_type<tc>} {
    %get3A = arith.constant 0 : index
    %get3A_0 = arith.constant 0 : index
    %get3A_1 = vector.load %arg0[%get3A, %get3A_0] : memref<16x100352xf32, #tpu.memory_space<vmem>>, vector<16x100352xf32>
    %get3A_2 = arith.constant 0 : index
    %get3A_3 = arith.constant 0 : index
    %get3A_4 = vector.load %arg1[%get3A_2, %get3A_3] : memref<1x100352xf32, #tpu.memory_space<vmem>>, vector<1x100352xf32>
    %mul3A = vector.broadcast %get3A_4 : vector<1x100352xf32> to vector<16x100352xf32>
    %mul3A_5 = arith.mulf %get3A_1, %mul3A : vector<16x100352xf32>
    %swap3A = arith.constant 0 : index
    %swap3A_6 = arith.constant 0 : index
    %swap3A_7 = vector.load %arg2[%swap3A, %swap3A_6] : memref<16x100352xf32, #tpu.memory_space<vmem>>, vector<16x100352xf32>
    tpu.vector_store %arg2[%swap3A, %swap3A_6], %mul3A_5 {strides = array<i32>} : memref<16x100352xf32, #tpu.memory_space<vmem>>, vector<16x100352xf32>,
    return
  }
}

module attributes {stable_mosaic.version = 14 : i64} {
  func.func @_tc_mid_body(%arg0: memref<16x100352xf32, #tpu.memory_space<vmem>>, %arg1: memref<16x100352xf32, #tpu.memory_space<vmem>>, %arg2: memref<16x100352xf32, #tpu.memory_space<vmem>>, %arg3: memref<1x100352xf32, #tpu.memory_space<vmem>>, %arg4: memref<16x16xf32, #tpu.memory_space<vmem>>, %arg5: memref<16x1xf32, #tpu.memory_space<vmem>>, %arg6: memref<1x10xf32, #tpu.memory_space<vmem>>, %arg7: memref<10x16xf32, #tpu.memory_space<vmem>>, %arg8: memref<1x100352xf32, #tpu.memory_space<vmem>>) attributes {dimension_semantics = [], scalar_prefetch = 0 : i64, scratch_operands = 0 : i64, tpu.core_type = #tpu.core_type<tc>} {
    %get3A = arith.constant 0 : index
    %get3A_0 = arith.constant 0 : index
    %get3A_1 = vector.load %arg0[%get3A, %get3A_0] : memref<16x100352xf32, #tpu.memory_space<vmem>>, vector<16x100352xf32>
    %get3A_2 = arith.constant 0 : index
    %get3A_3 = arith.constant 0 : index
    %get3A_4 = vector.load %arg1[%get3A_2, %get3A_3] : memref<16x100352xf32, #tpu.memory_space<vmem>>, vector<16x100352xf32>
    %add3A = arith.addf %get3A_1, %get3A_4 : vector<16x100352xf32>
    %get3A_5 = arith.constant 0 : index
    %get3A_6 = arith.constant 0 : index
    %get3A_7 = vector.load %arg2[%get3A_5, %get3A_6] : memref<16x100352xf32, #tpu.memory_space<vmem>>, vector<16x100352xf32>
    %add3A_8 = arith.addf %add3A, %get3A_7 : vector<16x100352xf32>
    %get3A_9 = arith.constant 0 : index
    %get3A_10 = arith.constant 0 : index
    %get3A_11 = vector.load %arg3[%get3A_9, %get3A_10] : memref<1x100352xf32, #tpu.memory_space<vmem>>, vector<1x100352xf32>
    %mul3A = vector.broadcast %get3A_11 : vector<1x100352xf32> to vector<16x100352xf32>
    %mul3A_12 = arith.mulf %add3A_8, %mul3A : vector<16x100352xf32>
    %get3A_13 = arith.constant 0 : index
    %get3A_14 = arith.constant 0 : index
    %get3A_15 = vector.load %arg4[%get3A_13, %get3A_14] : memref<16x16xf32, #tpu.memory_space<vmem>>, vector<16x16xf32>
    %dot_general3A = arith.constant dense<0.000000e+00> : vector<16x100352xf32>
    %dot_general3A_16 = tpu.matmul %get3A_15, %mul3A_12, %dot_general3A {dimension_numbers = #tpu.dot_dimension_numbers<[1], [0], [0], [1], [0, 0, 1, 1], [], []>, precision = #tpu.contract_precision<fp32>, transpose_lhs_hint = false} : vector<16x16xf32>, vector<16x100352xf32>, vector<16x100352xf32> -> vector<16x100352xf32>
    %get3A_17 = arith.constant 0 : index
    %get3A_18 = arith.constant 0 : index
    %get3A_19 = vector.load %arg5[%get3A_17, %get3A_18] : memref<16x1xf32, #tpu.memory_space<vmem>>, vector<16x1xf32>
    %add3A_20 = vector.broadcast %get3A_19 : vector<16x1xf32> to vector<16x100352xf32>
    %add3A_21 = arith.addf %dot_general3A_16, %add3A_20 : vector<16x100352xf32>
    %max3A = arith.constant 0.000000e+00 : f32
    %max3A_22 = vector.broadcast %max3A : f32 to vector<16x100352xf32>
    %max3A_23 = arith.maximumf %add3A_21, %max3A_22 : vector<16x100352xf32>
    %get3A_24 = arith.constant 0 : index
    %get3A_25 = arith.constant 0 : index
    %get3A_26 = vector.load %arg6[%get3A_24, %get3A_25] : memref<1x10xf32, #tpu.memory_space<vmem>>, vector<1x10xf32>
    %get3A_27 = arith.constant 0 : index
    %get3A_28 = arith.constant 0 : index
    %get3A_29 = vector.load %arg7[%get3A_27, %get3A_28] : memref<10x16xf32, #tpu.memory_space<vmem>>, vector<10x16xf32>
    %dot_general3A_30 = arith.constant dense<0.000000e+00> : vector<1x16xf32>
    %dot_general3A_31 = tpu.matmul %get3A_26, %get3A_29, %dot_general3A_30 {dimension_numbers = #tpu.dot_dimension_numbers<[1], [0], [0], [1], [0, 0, 1, 1], [], []>, precision = #tpu.contract_precision<fp32>, transpose_lhs_hint = false} : vector<1x10xf32>, vector<10x16xf32>, vector<1x16xf32> -> vector<1x16xf32>
    %dot_general3A_32 = arith.constant dense<0.000000e+00> : vector<1x100352xf32>
    %dot_general3A_33 = tpu.matmul %dot_general3A_31, %max3A_23, %dot_general3A_32 {dimension_numbers = #tpu.dot_dimension_numbers<[1], [0], [0], [1], [0, 0, 1, 1], [], []>, precision = #tpu.contract_precision<fp32>, transpose_lhs_hint = false} : vector<1x16xf32>, vector<16x100352xf32>, vector<1x100352xf32> -> vector<1x100352xf32>
    %get3A_34 = arith.constant 0 : index
    %get3A_35 = arith.constant 0 : index
    %get3A_36 = vector.load %arg3[%get3A_34, %get3A_35] : memref<1x100352xf32, #tpu.memory_space<vmem>>, vector<1x100352xf32>
    %mul3A_37 = arith.mulf %dot_general3A_33, %get3A_36 : vector<1x100352xf32>
    %swap3A = arith.constant 0 : index
    %swap3A_38 = arith.constant 0 : index
    %swap3A_39 = vector.load %arg8[%swap3A, %swap3A_38] : memref<1x100352xf32, #tpu.memory_space<vmem>>, vector<1x100352xf32>
    tpu.vector_store %arg8[%swap3A, %swap3A_38], %mul3A_37 {strides = array<i32>} : memref<1x100352xf32, #tpu.memory_space<vmem>>, vector<1x100352xf32>,
    return
  }
}

module attributes {stable_mosaic.version = 14 : i64} {
  func.func @_tc_out_body(%arg0: memref<2x100352xf32, #tpu.memory_space<vmem>>, %arg1: memref<1x100352xf32, #tpu.memory_space<vmem>>, %arg2: memref<1x100352xf32, #tpu.memory_space<vmem>>, %arg3: memref<1x10xf32, #tpu.memory_space<vmem>>, %arg4: memref<10x1xf32, #tpu.memory_space<vmem>>, %arg5: memref<1xf32, #tpu.memory_space<vmem>>, %arg6: memref<1x100352xf32, #tpu.memory_space<vmem>>) attributes {dimension_semantics = [], scalar_prefetch = 0 : i64, scratch_operands = 0 : i64, tpu.core_type = #tpu.core_type<tc>} {
    %get3A = arith.constant 0 : index
    %get3A_0 = arith.constant 0 : index
    %get3A_1 = vector.load %arg3[%get3A, %get3A_0] : memref<1x10xf32, #tpu.memory_space<vmem>>, vector<1x10xf32>
    %get3A_2 = vector.shape_cast %get3A_1 : vector<1x10xf32> to vector<10xf32>
    %get3A_3 = arith.constant 0 : index
    %get3A_4 = arith.constant 0 : index
    %get3A_5 = vector.load %arg4[%get3A_3, %get3A_4] : memref<10x1xf32, #tpu.memory_space<vmem>>, vector<10x1xf32>
    %get3A_6 = vector.shape_cast %get3A_5 : vector<10x1xf32> to vector<10xf32>
    %mul3A = arith.mulf %get3A_2, %get3A_6 : vector<10xf32>
    %reduce_sum3A = vector.shape_cast %mul3A : vector<10xf32> to vector<1x10xf32>
    %reduce_sum3A_7 = arith.constant dense<0.000000e+00> : vector<1xf32>
    %reduce_sum3A_8 = vector.multi_reduction <add>, %reduce_sum3A, %reduce_sum3A_7 [1] : vector<1x10xf32> to vector<1xf32>
    %reduce_sum3A_9 = vector.shape_cast %reduce_sum3A_8 : vector<1xf32> to vector<1x1xf32>
    %reduce_sum3A_10 = vector.extract %reduce_sum3A_9[0, 0] : f32 from vector<1x1xf32>
    %get3A_11 = arith.constant 0 : index
    %get3A_12 = vector.load %arg5[%get3A_11] : memref<1xf32, #tpu.memory_space<vmem>>, vector<1xf32>
    %get3A_13 = vector.extract %get3A_12[0] : f32 from vector<1xf32>
    %add3A = arith.addf %reduce_sum3A_10, %get3A_13 : f32
    %get3A_14 = arith.constant 0 : index
    %get3A_15 = arith.constant 0 : index
    %get3A_16 = vector.load %arg0[%get3A_14, %get3A_15] : memref<2x100352xf32, #tpu.memory_space<vmem>>, vector<1x100352xf32>
    %get3A_17 = vector.shape_cast %get3A_16 : vector<1x100352xf32> to vector<100352xf32>
    %get3A_18 = arith.constant 1 : index
    %get3A_19 = arith.constant 0 : index
    %get3A_20 = vector.load %arg0[%get3A_18, %get3A_19] : memref<2x100352xf32, #tpu.memory_space<vmem>>, vector<1x100352xf32>
    %get3A_21 = vector.shape_cast %get3A_20 : vector<1x100352xf32> to vector<100352xf32>
    %add3A_22 = arith.addf %get3A_17, %get3A_21 : vector<100352xf32>
    %get3A_23 = arith.constant 0 : index
    %get3A_24 = arith.constant 0 : index
    %get3A_25 = vector.load %arg1[%get3A_23, %get3A_24] : memref<1x100352xf32, #tpu.memory_space<vmem>>, vector<1x100352xf32>
    %get3A_26 = vector.shape_cast %get3A_25 : vector<1x100352xf32> to vector<100352xf32>
    %add3A_27 = arith.addf %add3A_22, %get3A_26 : vector<100352xf32>
    %get3A_28 = arith.constant 0 : index
    %get3A_29 = arith.constant 0 : index
    %get3A_30 = vector.load %arg2[%get3A_28, %get3A_29] : memref<1x100352xf32, #tpu.memory_space<vmem>>, vector<1x100352xf32>
    %get3A_31 = vector.shape_cast %get3A_30 : vector<1x100352xf32> to vector<100352xf32>
    %mul3A_32 = arith.mulf %add3A_27, %get3A_31 : vector<100352xf32>
    %add3A_33 = vector.broadcast %add3A : f32 to vector<100352xf32>
    %add3A_34 = arith.addf %mul3A_32, %add3A_33 : vector<100352xf32>
    %swap3A = arith.constant 0 : index
    %swap3A_35 = arith.constant 0 : index
    %swap3A_36 = vector.load %arg6[%swap3A, %swap3A_35] : memref<1x100352xf32, #tpu.memory_space<vmem>>, vector<1x100352xf32>
    %swap3A_37 = vector.shape_cast %swap3A_36 : vector<1x100352xf32> to vector<100352xf32>
    %swap3A_38 = vector.shape_cast %add3A_34 : vector<100352xf32> to vector<1x100352xf32>
    tpu.vector_store %arg6[%swap3A, %swap3A_35], %swap3A_38 {strides = array<i32>} : memref<1x100352xf32, #tpu.memory_space<vmem>>, vector<1x100352xf32>,
    return
  }
}

</mosaic_0001>

<sc_bundles>
// kernel: kernel.12.cloned.1.call-start
scs
__scs_entry_jumppad:
0x0: {  	(pc) =	sbr.rel $0x88, $3  }
0x1: {  	(tag) =	ssettag $0x0;
	lr =	simm.s32 $0x1  }
0x2: {  	[smem:$0x3F99] =	sst lr;
	_ =	strace $0xD0000000  }
0x3: {  	_ = 	snop  }
0x4: {  	_ = 	snop  }
0x5: {  	_ = 	snop  }
0x6: {  	_ = 	snop  }
0x7: {  	_ = 	snop  }
__scs_overlays_trampoline_lowered:
0x8: {  	[smem:$0x3FA8] =	sst s0  }
0x9: {  	[smem:$0x3FA9] =	sst s1  }
0xa: {  	[smem:$0x3FAA] =	sst s2  }
0xb: {  	[smem:$0x3FAB] =	sst s3  }
0xc: {  	[smem:$0x3FAC] =	sst s4  }
0xd: {  	[smem:$0x3FAD] =	sst s5  }
0xe: {  	[smem:$0x3FAE] =	sst s6  }
0xf: {  	[smem:$0x3FAF] =	sst s7  }
0x10: {  	[smem:$0x3FB0] =	sst s8  }
0x11: {  	[smem:$0x3FB1] =	sst s9;
	s0 =	simm.s32 @!p0 $0x0  }
0x12: {  	s1 =	sld [smem:$0x3F97];
	s0 =	simm.s32 @p0 $0x1  }
0x13: {  	[smem:$0x3FB2] =	sst s0;
	s0 =	simm.s32 @!p1 $0x0  }
0x14: {  	s2 =	sld [smem:$0x3F96];
	s0 =	simm.s32 @p1 $0x1  }
0x15: {  	[smem:$0x3FB3] =	sst s0;
	s0 =	simm.s32 @!p2 $0x0  }
0x16: {  	s3 =	sld [smem:$0x3FDB];
	s0 =	simm.s32 @p2 $0x1  }
0x17: {  	s4 =	simm.s32 $0x1BF5;
	[smem:$0x3FB5] =	sst s0  }
0x18: {  	s0 =	sld [smem:$0x3F98];
	_ =	swait.ge [sflag:s4], $0x0  }
0x19: {  	s7 =	sld [smem:$0x3F99]  }
0x1a: {  	s8 =	sadd.s32 $0xFFFFE003, lr  }
0x1b: {  	s9 =	sadd.s32 $0xFFFFFEF7, lr;
	s5 =	simm.s32 $0xFFFFFFFF;
	p2 =	slt.u32 s8, $0xFFFFF086  }
0x1c: {  	p1 =	slt.u32 s9, $0xF7A;
	s5 =	simm.s32 @!p2 $0x0  }
0x1d: {  	s5 =	simm.s32 @p1 $0x1;
	p0 =	seq.s32 s7, s2  }
0x1e: {  	s7 =	smul.u32 @!p0 $0xF7A, s2;
	p2 =	seq.s32 @!p0 s5, $0x0  }
0x1f: {  	s9 =	smul.u32 $0xF7A, s1;
	s8 =	simm.s32 @!p0 $0x1BF5;
	p2 =	por !p2, p0  }
0x20: {  	[sflag:s8] =	ssyncset.s32 @!p0 $0xFFFFF086;
	s6 =	sadd.s32 @!p0 s3, s7;
	s7 =	simm.s32 @!p0 $0x108  }
0x21: {  	s3 =	sadd.s32 s3, s9;
	s6 =	sadd.s32 @!p0 $0x88, s6;
	s7 =	simm.s32 @p2 $0x1082  }
0x22: {  	[simem:s7], [sflag:s8] =	dma.local @!p0 [hbm:s6], $0xF7A  }
0x23: {  	s9 =	sor.u32 $0xD0000000, s2;
	s6 =	simm.s32 $0x108;
	_ =	swait.ge @!p0 [sflag:s8], $0x0  }
0x24: {  	s3 =	sadd.s32 $0x88, s3;
	s6 =	simm.s32 @!p1 $0x1082;
	[sflag:s4] =	ssyncset.s32 $0xFFFFF086  }
0x25: {  	[simem:s6], [sflag:s4] =	dma.local [hbm:s3], $0xF7A  }
0x26: {  	[smem:$0x3F99] =	sst s1;
	(tag) =	ssettag s2;
	_ =	strace s9  }
0x27: {  	s1 =	sld [smem:$0x3FA9]  }
0x28: {  	s2 =	sld [smem:$0x3FAA]  }
0x29: {  	s4 =	sld [smem:$0x3FAC]  }
0x2a: {  	p0 =	seq.s32 s5, $0x0;
	s5 =	sld [smem:$0x3FAD]  }
0x2b: {  	s6 =	sld [smem:$0x3FAE]  }
0x2c: {  	s7 =	sld [smem:$0x3FAF]  }
0x2d: {  	s3 =	simm.s32 $0x108;
	s8 =	sld [smem:$0x3FB0]  }
0x2e: {  	s3 =	simm.s32 @!p0 $0x1082;
	s9 =	sld [smem:$0x3FB1]  }
0x2f: {  	lr =	sadd.s32 s0, s3;
	s0 =	sld [smem:$0x3FA8]  }
0x30: {  	s3 =	sld [smem:$0x3FAB]  }
0x31: {  	[smem:$0x3FB4] =	sst s10  }
0x32: {  	s10 =	sld [smem:$0x3FB2];
	_ =	sdelay $0x3  }
0x33: {  	p0 =	seq.s32 s10, $0x1;
	s10 =	sld [smem:$0x3FB4];
	_ =	sdelay $0x3  }
0x34: {  	[smem:$0x3FB4] =	sst s10  }
0x35: {  	s10 =	sld [smem:$0x3FB3];
	_ =	sdelay $0x3  }
0x36: {  	p1 =	seq.s32 s10, $0x1;
	s10 =	sld [smem:$0x3FB4];
	_ =	sdelay $0x3  }
0x37: {  	[smem:$0x3FB4] =	sst s10  }
0x38: {  	s10 =	sld [smem:$0x3FB5]  }
0x39: {  	_ = 	snop;
	(pc) =	sbr.ind lr, $3  }
0x3a: {  	_ = 	snop  }
0x3b: {  	_ = 	snop  }
0x3c: {  	p2 =	seq.s32 s10, $0x1;
	s10 =	sld [smem:$0x3FB4]  }
0x3d: {  	_ =	shalt  }
0x3e: {  	_ =	shalt  }
0x3f: {  	_ =	shalt  }
0x40: {  	_ =	shalt  }
0x41: {  	_ =	shalt  }
0x42: {  	_ =	shalt  }
0x43: {  	_ =	shalt  }
0x44: {  	_ =	shalt  }
0x45: {  	_ =	shalt  }
0x46: {  	_ =	shalt  }
0x47: {  	_ =	shalt  }
0x48: {  	_ =	shalt  }
0x49: {  	_ =	shalt  }
0x4a: {  	_ =	shalt  }
0x4b: {  	_ =	shalt  }
0x4c: {  	_ =	shalt  }
0x4d: {  	_ =	shalt  }
0x4e: {  	_ =	shalt  }
0x4f: {  	_ =	shalt  }
0x50: {  	_ =	shalt  }
0x51: {  	_ =	shalt  }
0x52: {  	_ =	shalt  }
0x53: {  	_ =	shalt  }
0x54: {  	_ =	shalt  }
0x55: {  	_ =	shalt  }
0x56: {  	_ =	shalt  }
0x57: {  	_ =	shalt  }
0x58: {  	_ =	shalt  }
0x59: {  	_ =	shalt  }
0x5a: {  	_ =	shalt  }
0x5b: {  	_ =	shalt  }
0x5c: {  	_ =	shalt  }
0x5d: {  	_ =	shalt  }
0x5e: {  	_ =	shalt  }
0x5f: {  	_ =	shalt  }
0x60: {  	_ =	shalt  }
0x61: {  	_ =	shalt  }
0x62: {  	_ =	shalt  }
0x63: {  	_ =	shalt  }
0x64: {  	_ =	shalt  }
0x65: {  	_ =	shalt  }
0x66: {  	_ =	shalt  }
0x67: {  	_ =	shalt  }
0x68: {  	_ =	shalt  }
0x69: {  	_ =	shalt  }
0x6a: {  	_ =	shalt  }
0x6b: {  	_ =	shalt  }
0x6c: {  	_ =	shalt  }
0x6d: {  	_ =	shalt  }
0x6e: {  	_ =	shalt  }
0x6f: {  	_ =	shalt  }
0x70: {  	_ =	shalt  }
0x71: {  	_ =	shalt  }
0x72: {  	_ =	shalt  }
0x73: {  	_ =	shalt  }
0x74: {  	_ =	shalt  }
0x75: {  	_ =	shalt  }
0x76: {  	_ =	shalt  }
0x77: {  	_ =	shalt  }
0x78: {  	_ =	shalt  }
0x79: {  	_ =	shalt  }
0x7a: {  	_ =	shalt  }
0x7b: {  	_ =	shalt  }
0x7c: {  	_ =	shalt  }
0x7d: {  	_ =	shalt  }
0x7e: {  	_ =	shalt  }
0x7f: {  	_ =	shalt  }
0x80: {  	_ =	shalt  }
0x81: {  	_ =	shalt  }
0x82: {  	_ =	shalt  }
0x83: {  	_ =	shalt  }
0x84: {  	_ =	shalt  }
0x85: {  	_ =	shalt  }
0x86: {  	_ =	shalt  }
0x87: {  	_ =	shalt  }
.Lfunc_end0:
.L_simem_size_0:
called_computation.1_lowered:
.L_overlay_start_0:
0x88: {  	s2 =	sld [smem:$0x3FD9]  }
0x89: {  	s3 =	sld [smem:$0x3FFE];
	_ =	sdelay $0x1  }
0x8a: {  	s1 =	srdreg.scid  }
0x8b: {  	s0 =	sand.u32 $0x1, s1  }
0x8c: {  	s16 =	sshll.u32 s0, $0xA;
	s2 =	sadd.s32 s3, s2  }
0x8d: {  	s2 =	sadd.s32 s2, s16  }
0x8e: {  	[smem:$0x3FC0] =	sst s2  }
0x8f: {  	_ = 	snop  }
0x90: {  	(tm) =	ssettm $0x1  }
0x91: {  	s17 =	sld [smem:$0x3FFB];
	_ =	sdelay $0x3  }
0x92: {  	_ =	strace s17  }
0x93: {  	s2 =	sld [smem:$0x3FFC];
	_ =	sdelay $0x3  }
0x94: {  	_ =	strace s2  }
0x95: {  	s2 =	sld [smem:$0x3FFD];
	_ =	sdelay $0x3  }
0x96: {  	_ =	strace s2  }
0x97: {  	_ =	strace $0x8FFFFFFF  }
0x98: {  	s18 =	sld [smem:$0x3FDB];
	_ =	sdelay $0x1  }
0x99: {  	s19 =	simm.s32 $_scs_section_size  }
0x9a: {  	s4 =	simm.s32 $_size__tile_overlayer_lowered;
	s5 =	simm.s32 $_tile_overlayer_lowered  }
0x9b: {  	s22 =	simm.s32 $0x1BFF;
	s21 =	sshll.u32 s5, $0x1;
	s2 =	sadd.s32 s19, s18  }
0x9c: {  	s6 =	simm.s32 $0x0;
	s20 =	sshll.u32 s4, $0x1;
	s4 =	sadd.s32 s21, s2  }
0x9d: {  	[timem:s6], [sflag:s22] =	dma.local [hbm:s4], s20  }
0x9e: {  	_ =	swait.ge [sflag:s22], s20  }
0x9f: {  	s3 =	ssub.s32 $0x0, s20;
	[sflag:s22] =	ssyncset.done $0x0  }
0xa0: {  	[sflag:s22] =	ssyncadd.s32 s3;
	_ =	sdelay $0x1  }
0xa1: {  	s23 =	simm.s32 $0x1B8B  }
0xa2: {  	_ =	swait.ge [sflag:s23], $0x1  }
0xa3: {  	[sflag:s23] =	ssyncset.done $0x0  }
0xa4: {  	s25 =	simm.s32 $0x1B8E;
	s24 =	sld [smem:$0x3FFE];
	[sflag:s23] =	ssyncadd.s32 $0xFFFFFFFF  }
0xa5: {  	s26 =	simm.s32 $execute0_lowered;
	[smem:$0x3FD2] =	sst s25  }
0xa6: {  	s4 =	sshll.u32 s26, $0x1;
	_ =	strace $0x80000049;
	[dreg:$0x1] =	wrdreg $0xFFFFFFFF  }
0xa7: {  	s28 =	simm.s32 $_size_execute0_lowered;
	s2 =	sadd.s32 s2, s4;
	[dreg:$0x0] =	wrdreg $0x0  }
0xa8: {  	s4 =	sshll.u32 s28, $0x1;
	[dreg:$0x2] =	wrdreg s2  }
0xa9: {  	[dreg:$0x3] =	wrdreg s4  }
0xaa: {  	[dreg:$0x4] =	wrdreg $0xC0  }
0xab: {  	_ =	task [dreg:s6], $0x5FFFF  }
0xac: {  	[dreg:$0x1] =	wrdreg $0xFFFFFFFF  }
0xad: {  	[dreg:$0x0] =	wrdreg $0x60  }
0xae: {  	[dreg:$0x2] =	wrdreg s24  }
0xaf: {  	[dreg:$0x3] =	wrdreg $0x50000  }
0xb0: {  	[dreg:$0x4] =	wrdreg $0x9  }
0xb1: {  	_ =	task.clear_ibuf [dreg:s6], $0x5FFFF;
	_ =	strace $0x90000049  }
0xb2: {  	s29 =	simm.s32 $0x9;
	_ =	strace $0x8000004B  }
0xb3: {  	_ =	swait.ge [sflag:s29], $0x1  }
0xb4: {  	[sflag:s29] =	ssyncadd.s32 $0xFFFFFFFF  }
0xb5: {  	_ =	strace $0x9000004B  }
0xb6: {  	_ =	sfence  }
0xb7: {  	s30 =	sld [smem:$0x0];
	_ =	sdelay $0x2  }
0xb8: {  	s31 =	sshll.u32 s1, $0xD;
	s1 =	sshrl.u32 s1, $0x2  }
0xb9: {  	s3 =	sand.u32 $0x4000, s31;
	s1 =	sadd.s32 s1, s30  }
0xba: {  	s0 =	sor.u32 s3, s0;
	s1 =	sshll.u32 s1, $0x11  }
0xbb: {  	s0 =	sor.u32 s1, s0  }
0xbc: {  	s0 =	sadd.s32 $0x8F2B, s0  }
0xbd: {  	[sflag:s0] =	ssyncadd.remote.s32 $0x1  }
0xbe: {  	_ =	sfence.sel $0xFFFF  }
0xbf: {  	[dreg:$0x0] =	wrdreg $0xFFFFFFFF;
	(pc) =	sbr.abs _section_cstart, $3  }
0xc0: {  	[dreg:$0x1] =	wrdreg $0xFFFFFFFF  }
0xc1: {  	_ =	task.clear_ibuf [dreg:s6], $0x2FFFF;
	_ =	strace $0x9FFFFFFF  }
0xc2: {  	(tm) =	ssettm $0x7FFFFFFF  }
0xc3: {  	_ =	shalt  }
tec
execute0_lowered:
.L_overlay_start_1:
0x0: {  	(tag) =	ssettag $0x1  }
0x1: {  	s0 =	rddreg [dreg:$0x0]  }
0x2: {  	s2 =	rddreg [dreg:$0x1];
	s3 =	simm.s32 $0x0;
	s12 =	stileid.u32  }
0x3: {  	s4 =	srdreg.scid;
	s30 =	simm.s32 $0x9;
	s29 =	simm.s32 $0x2000  }
0x4: {  	s31 =	simm.s32 $0x2800;
	[smem:$0x7FF] =	sst s3;
	s1 =	smul.u32 $0x18800, s12  }
0x5: {  	s5 =	sadd.s32 $0x18A200, s0;
	s6 =	sand.u32 $0x1, s4;
	s7 =	smul.u32 $0x3100, s12  }
0x6: {  	s8 =	sadd.s32 $0xC6200, s0;
	s4 =	sadd.s32 $0x3A000, s0;
	s11 =	sshll.u32 s12, $0x1  }
0x7: {  	s19 =	smul.u32 $0xC40, s12;
	s20 =	sshll.u32 s12, $0x6;
	s12 =	simm.s32 $0x5  }
0x8: {  	_ =	strace $0x8000004A;
	s10 =	smul.u32 $0x31000, s6;
	s17 =	ssub.s32 $0x2, s6  }
0x9: {  	s11 =	sor.u32 s6, s11;
	s6 =	smul.u32 $0x620, s6;
	s9 =	sshrl.u32 s1, $0x3  }
0xa: {  	s18 =	sshrl.u32 s17, $0x1;
	s11 =	smul.u32 $0x6200, s11;
	s1 =	sadd.s32 s1, s2  }
0xb: {  	s9 =	sadd.s32 s9, s0;
	s7 =	sadd.s32 s7, s10;
	s6 =	sadd.s32 s6, s19  }
0xc: {  	s28 =	sshrl.u32 s1, $0x3;
	s1 =	simm.s32 $0x3000;
	s19 =	simm.s32 $0x6  }
0xd: {  	s10 =	simm.s32 $0x8;
	s0 =	sadd.s32 s7, s0;
	s7 =	ssub.s32 s17, s18  }
0xe: {  	s9 =	sadd.s32 $0x6B000, s9;
	s18 =	sor.u32 $0x1C09, s20;
	[dreg:$0xb] =	wrdreg s28  }
0xf: {  	s21 =	sadd.s32 s5, s11;
	s22 =	sor.u32 $0x80, s11;
	[dreg:$0x3] =	wrdreg s9  }
0x10: {  	s11 =	sadd.s32 s8, s11;
	s24 =	sshll.u32 s6, $0x4;
	[dreg:$0x5] =	wrdreg s21  }
0x11: {  	s20 =	simm.s32 $0x400;
	s6 =	simm.s32 $0x2;
	[dreg:$0x6] =	wrdreg s11  }
0x12: {  	s17 =	simm.s32 $0x4;
	s23 =	sadd.s32 s5, s22;
	[dreg:$0x4] =	wrdreg s18  }
0x13: {  	s9 =	sadd.s32 s8, s22;
	s0 =	sadd.s32 $0x24E200, s0;
	[dreg:$0x7] =	wrdreg s23  }
0x14: {  	s25 =	smax.u32 s7, $0x1;
	s26 =	sor.u32 $0x180, s24;
	[dreg:$0x8] =	wrdreg s9  }
0x15: {  	s21 =	simm.s32 $0xC00;
	s22 =	simm.s32 $0x1;
	[dreg:$0x9] =	wrdreg s0  }
0x16: {  	s7 =	simm.s32 $0x3800;
	s11 =	simm.s32 $0x4800;
	[dreg:$0xa] =	wrdreg s25  }
.Ltmp0:
0x17: {  	s0 =	sor.u32 $0x100, s24;
	s13 =	sadd.s32 s26, s5;
	(pc) =	sbr.rel .LBB2_1-.Ltmp0, $4  }
0x18: {  	s14 =	sadd.s32 s26, s8;
	s23 =	simm.s32 $0x3;
	s24 =	simm.s32 $0x80  }
0x19: {  	s25 =	simm.s32 $0x1000;
	s26 =	simm.s32 $0x1800;
	s9 =	simm.s32 $0x4000  }
0x1a: {  	s15 =	sadd.s32 s0, s5;
	s16 =	sadd.s32 s0, s8;
	s5 =	simm.s32 $0x0  }
0x1b: {  	s8 =	simm.s32 $0x7;
	s0 =	simm.s32 $0xF80;
	[dreg:$0xc] =	wrdreg s5  }
.LBB2_4:
0x1c: {  	[bflag:$0x0] =	sbarrier.arrive $0xFFFF  }
0x1d: {  	s0 =	rddreg [dreg:$0x4]  }
0x1e: {  	s5 =	rddreg [dreg:$0x9]  }
0x1f: {  	s30 =	simm.s32 $0x9;
	s28 =	rddreg [dreg:$0xb]  }
0x20: {  	[hbm:s5], [sflag:s0] =	dma.local [spmem:s28], $0x3100  }
0x21: {  	_ =	swait.ge [sflag:s30], $0x3100  }
0x22: {  	s18 =	rddreg [dreg:$0xc]  }
0x23: {  	s5 =	rddreg [dreg:$0xa];
	s18 =	sadd.s32 $0x1, s18  }
0x24: {  	p0 =	sne.s32 s18, s5  }
.Ltmp1:
0x25: {  	_ = 	snop;
	(pc) =	sbr.rel @!p0 .LBB2_5-.Ltmp1, $4  }
0x26: {  	_ = 	snop  }
0x27: {  	[sflag:s30] =	ssyncset.done $0x0  }
0x28: {  	[sflag:s30] =	ssyncadd.s32 $0xFFFFCF00  }
0x29: {  	[dreg:$0xc] =	wrdreg s18;
	s18 =	smov.u32 s0;
	s0 =	simm.s32 $0xF80  }
.LBB2_1:
0x2a: {  	s5 =	rddreg [dreg:$0x3]  }
0x2b: {  	[spmem:s28], [sflag:s18] =	dma.local [hbm:s5], $0x3100  }
0x2c: {  	_ =	swait.ge [sflag:s30], $0x3100  }
0x2d: {  	[sflag:s30] =	ssyncset.done $0x0  }
0x2e: {  	[sflag:s30] =	ssyncadd.s32 $0xFFFFCF00  }
0x2f: {  	[bflag:$0x0] =	sbarrier.arrive $0xFFFF  }
0x30: {  	s18 =	rddreg [dreg:$0x5]  }
0x31: {  	[tilespmem:s3], [sflag:$0x1] =	stream.linear.gather [hbm4b:s18+s3], $0x400, $0x38;
	[tilespmem:$0x1D800] =	vst v63  }
0x32: {  	s30 =	simm.s32 $0x800;
	s28 =	rddreg [dreg:$0x6]  }
0x33: {  	[tilespmem:s30], [sflag:$0x3] =	stream.linear.gather [hbm4b:s28+s3], $0x400, $0x38;
	[tilespmem:$0x1D800] =	vst v63  }
0x34: {  	s28 =	rddreg [dreg:$0x7]  }
0x35: {  	[tilespmem:s20], [sflag:$0x2] =	stream.linear.gather [hbm4b:s28+s3], $0x400, $0x38;
	[tilespmem:$0x1D800] =	vst v63  }
0x36: {  	s5 =	simm.s32 $0x0;
	s30 =	rddreg [dreg:$0x8]  }
0x37: {  	[tilespmem:s21], [sflag:$0x4] =	stream.linear.gather [hbm4b:s30+s3], $0x400, $0x38;
	[tilespmem:$0x1D800] =	vst v63  }
.LBB2_2:
0x38: {  	_ =	swait.ge [sflag:s22], $0x400  }
0x39: {  	[sflag:s22] =	ssyncset.done $0x0  }
0x3a: {  	[sflag:s22] =	ssyncadd.s32 $0xFFFFFC00  }
0x3b: {  	_ =	swait.ge [sflag:s23], $0x400  }
0x3c: {  	[sflag:s23] =	ssyncset.done $0x0  }
0x3d: {  	[sflag:s23] =	ssyncadd.s32 $0xFFFFFC00  }
0x3e: {  	[tilespmem:s25], [sflag:$0x5] =	stream.indirect.gather [hbm4b:s4+s24], $0x10, s3, s24, $0xb8;
	[tilespmem:$0x1D800] =	vst v63  }
0x3f: {  	_ = 	snop  }
0x40: {  	[tilespmem:s26], [sflag:$0x5] =	stream.indirect.gather [hbm4b:s4+s24], $0x10, s24, s24, $0xb8;
	[tilespmem:$0x1D800] =	vst v63  }
0x41: {  	s18 =	simm.s32 $0x100  }
0x42: {  	[tilespmem:s29], [sflag:$0x5] =	stream.indirect.gather [hbm4b:s4+s24], $0x10, s18, s24, $0xb8;
	[tilespmem:$0x1D800] =	vst v63  }
0x43: {  	s28 =	simm.s32 $0x180  }
0x44: {  	[tilespmem:s31], [sflag:$0x5] =	stream.indirect.gather [hbm4b:s4+s24], $0x10, s28, s24, $0xb8;
	[tilespmem:$0x1D800] =	vst v63  }
0x45: {  	s30 =	simm.s32 $0x200  }
0x46: {  	[tilespmem:s1], [sflag:$0x6] =	stream.indirect.gather [hbm4b:s4+s24], $0x10, s30, s24, $0xb8;
	[tilespmem:$0x1D800] =	vst v63  }
0x47: {  	s28 =	simm.s32 $0x280  }
0x48: {  	[tilespmem:s7], [sflag:$0x6] =	stream.indirect.gather [hbm4b:s4+s24], $0x10, s28, s24, $0xb8;
	[tilespmem:$0x1D800] =	vst v63  }
0x49: {  	s30 =	simm.s32 $0x300  }
0x4a: {  	[tilespmem:s9], [sflag:$0x6] =	stream.indirect.gather [hbm4b:s4+s24], $0x10, s30, s24, $0xb8;
	[tilespmem:$0x1D800] =	vst v63  }
0x4b: {  	s28 =	simm.s32 $0x380  }
0x4c: {  	[tilespmem:s11], [sflag:$0x6] =	stream.indirect.gather [hbm4b:s4+s24], $0x10, s28, s24, $0xb8;
	[tilespmem:$0x1D800] =	vst v63  }
0x4d: {  	_ =	swait.ge [sflag:s12], $0x800  }
0x4e: {  	[sflag:s12] =	ssyncset.done $0x0  }
0x4f: {  	[sflag:s12] =	ssyncadd.s32 $0xFFFFF800  }
0x50: {  	_ =	swait.ge [sflag:s12], $0x800  }
0x51: {  	[sflag:s12] =	ssyncset.done $0x0  }
0x52: {  	[sflag:s12] =	ssyncadd.s32 $0xFFFFF800  }
0x53: {  	_ =	swait.ge [sflag:s12], $0x800  }
0x54: {  	[sflag:s12] =	ssyncset.done $0x0  }
0x55: {  	[sflag:s12] =	ssyncadd.s32 $0xFFFFF800  }
0x56: {  	_ =	swait.ge [sflag:s12], $0x800  }
0x57: {  	[sflag:s12] =	ssyncset.done $0x0  }
0x58: {  	s30 =	simm.s32 $0x800;
	[sflag:s12] =	ssyncadd.s32 $0xFFFFF800  }
0x59: {  	[spmem:s2] =	stream.indirect.scatter.add.f32 [tilespmem:s25], [sflag:$0x7], $0x10, s30, s24, $0xb8;
	[tilespmem:$0x1D800] =	vst v63  }
0x5a: {  	s28 =	simm.s32 $0x880  }
0x5b: {  	[spmem:s2] =	stream.indirect.scatter.add.f32 [tilespmem:s26], [sflag:$0x7], $0x10, s28, s24, $0xb8;
	[tilespmem:$0x1D800] =	vst v63  }
0x5c: {  	s30 =	simm.s32 $0x900  }
0x5d: {  	[spmem:s2] =	stream.indirect.scatter.add.f32 [tilespmem:s29], [sflag:$0x7], $0x10, s30, s24, $0xb8;
	[tilespmem:$0x1D800] =	vst v63  }
0x5e: {  	s28 =	simm.s32 $0x980  }
0x5f: {  	[spmem:s2] =	stream.indirect.scatter.add.f32 [tilespmem:s31], [sflag:$0x7], $0x10, s28, s24, $0xb8;
	[tilespmem:$0x1D800] =	vst v63  }
0x60: {  	_ =	swait.ge [sflag:s19], $0x800  }
0x61: {  	[sflag:s19] =	ssyncset.done $0x0  }
0x62: {  	[sflag:s19] =	ssyncadd.s32 $0xFFFFF800  }
0x63: {  	_ =	swait.ge [sflag:s19], $0x800  }
0x64: {  	[sflag:s19] =	ssyncset.done $0x0  }
0x65: {  	[sflag:s19] =	ssyncadd.s32 $0xFFFFF800  }
0x66: {  	_ =	swait.ge [sflag:s19], $0x800  }
0x67: {  	[sflag:s19] =	ssyncset.done $0x0  }
0x68: {  	[sflag:s19] =	ssyncadd.s32 $0xFFFFF800  }
0x69: {  	_ =	swait.ge [sflag:s19], $0x800  }
0x6a: {  	[sflag:s19] =	ssyncset.done $0x0  }
0x6b: {  	s30 =	simm.s32 $0xA00;
	[sflag:s19] =	ssyncadd.s32 $0xFFFFF800  }
0x6c: {  	[spmem:s2] =	stream.indirect.scatter.add.f32 [tilespmem:s1], [sflag:$0x8], $0x10, s30, s24, $0xb8;
	[tilespmem:$0x1D800] =	vst v63  }
0x6d: {  	s28 =	simm.s32 $0xA80  }
0x6e: {  	[spmem:s2] =	stream.indirect.scatter.add.f32 [tilespmem:s7], [sflag:$0x8], $0x10, s28, s24, $0xb8;
	[tilespmem:$0x1D800] =	vst v63  }
0x6f: {  	s30 =	simm.s32 $0xB00  }
0x70: {  	[spmem:s2] =	stream.indirect.scatter.add.f32 [tilespmem:s9], [sflag:$0x8], $0x10, s30, s24, $0xb8;
	[tilespmem:$0x1D800] =	vst v63  }
0x71: {  	s28 =	simm.s32 $0xB80  }
0x72: {  	[spmem:s2] =	stream.indirect.scatter.add.f32 [tilespmem:s11], [sflag:$0x8], $0x10, s28, s24, $0xb8;
	[tilespmem:$0x1D800] =	vst v63  }
0x73: {  	_ =	swait.ge [sflag:s8], $0x800  }
0x74: {  	[sflag:s8] =	ssyncset.done $0x0  }
0x75: {  	[sflag:s8] =	ssyncadd.s32 $0xFFFFF800  }
0x76: {  	_ =	swait.ge [sflag:s8], $0x800  }
0x77: {  	[sflag:s8] =	ssyncset.done $0x0  }
0x78: {  	[sflag:s8] =	ssyncadd.s32 $0xFFFFF800  }
0x79: {  	_ =	swait.ge [sflag:s8], $0x800  }
0x7a: {  	[sflag:s8] =	ssyncset.done $0x0  }
0x7b: {  	[sflag:s8] =	ssyncadd.s32 $0xFFFFF800  }
0x7c: {  	_ =	swait.ge [sflag:s8], $0x800  }
0x7d: {  	[sflag:s8] =	ssyncset.done $0x0  }
0x7e: {  	[sflag:s8] =	ssyncadd.s32 $0xFFFFF800  }
0x7f: {  	_ =	swait.ge [sflag:s10], $0x800  }
0x80: {  	[sflag:s10] =	ssyncset.done $0x0  }
0x81: {  	[sflag:s10] =	ssyncadd.s32 $0xFFFFF800  }
0x82: {  	_ =	swait.ge [sflag:s10], $0x800  }
0x83: {  	[sflag:s10] =	ssyncset.done $0x0  }
0x84: {  	[sflag:s10] =	ssyncadd.s32 $0xFFFFF800  }
0x85: {  	_ =	swait.ge [sflag:s10], $0x800  }
0x86: {  	[sflag:s10] =	ssyncset.done $0x0  }
0x87: {  	[sflag:s10] =	ssyncadd.s32 $0xFFFFF800  }
0x88: {  	_ =	swait.ge [sflag:s10], $0x800  }
0x89: {  	p0 =	seq.s32 s5, $0x6100;
	[sflag:s10] =	ssyncset.done $0x0  }
0x8a: {  	s18 =	sadd.s32 @!p0 s5, s15;
	s28 =	simm.s32 @!p0 $0x0;
	[sflag:s10] =	ssyncadd.s32 $0xFFFFF800  }
0x8b: {  	[tilespmem:s28], [sflag:$0x1] =	stream.linear.gather @!p0 [hbm4b:s18+s28], $0x400, $0x38;
	[tilespmem:$0x1D800] =	vst v63  }
0x8c: {  	s30 =	simm.s32 @!p0 $0x800;
	s18 =	sadd.s32 @!p0 s5, s16  }
0x8d: {  	[tilespmem:s30], [sflag:$0x3] =	stream.linear.gather @!p0 [hbm4b:s18+s28], $0x400, $0x38;
	[tilespmem:$0x1D800] =	vst v63  }
0x8e: {  	_ =	swait.ge [sflag:s6], $0x400  }
0x8f: {  	[sflag:s6] =	ssyncset.done $0x0  }
0x90: {  	[sflag:s6] =	ssyncadd.s32 $0xFFFFFC00  }
0x91: {  	_ =	swait.ge [sflag:s17], $0x400  }
0x92: {  	[sflag:s17] =	ssyncset.done $0x0  }
0x93: {  	[sflag:s17] =	ssyncadd.s32 $0xFFFFFC00  }
0x94: {  	[tilespmem:s25], [sflag:$0x5] =	stream.indirect.gather [hbm4b:s4+s24], $0x10, s20, s24, $0xb8;
	[tilespmem:$0x1D800] =	vst v63  }
0x95: {  	s30 =	simm.s32 $0x480  }
0x96: {  	[tilespmem:s26], [sflag:$0x5] =	stream.indirect.gather [hbm4b:s4+s24], $0x10, s30, s24, $0xb8;
	[tilespmem:$0x1D800] =	vst v63  }
0x97: {  	s28 =	simm.s32 $0x500  }
0x98: {  	[tilespmem:s29], [sflag:$0x5] =	stream.indirect.gather [hbm4b:s4+s24], $0x10, s28, s24, $0xb8;
	[tilespmem:$0x1D800] =	vst v63  }
0x99: {  	s30 =	simm.s32 $0x580  }
0x9a: {  	[tilespmem:s31], [sflag:$0x5] =	stream.indirect.gather [hbm4b:s4+s24], $0x10, s30, s24, $0xb8;
	[tilespmem:$0x1D800] =	vst v63  }
0x9b: {  	s28 =	simm.s32 $0x600  }
0x9c: {  	[tilespmem:s1], [sflag:$0x6] =	stream.indirect.gather [hbm4b:s4+s24], $0x10, s28, s24, $0xb8;
	[tilespmem:$0x1D800] =	vst v63  }
0x9d: {  	s30 =	simm.s32 $0x680  }
0x9e: {  	[tilespmem:s7], [sflag:$0x6] =	stream.indirect.gather [hbm4b:s4+s24], $0x10, s30, s24, $0xb8;
	[tilespmem:$0x1D800] =	vst v63  }
0x9f: {  	s28 =	simm.s32 $0x700  }
0xa0: {  	[tilespmem:s9], [sflag:$0x6] =	stream.indirect.gather [hbm4b:s4+s24], $0x10, s28, s24, $0xb8;
	[tilespmem:$0x1D800] =	vst v63  }
0xa1: {  	s30 =	simm.s32 $0x780  }
0xa2: {  	[tilespmem:s11], [sflag:$0x6] =	stream.indirect.gather [hbm4b:s4+s24], $0x10, s30, s24, $0xb8;
	[tilespmem:$0x1D800] =	vst v63  }
0xa3: {  	_ =	swait.ge [sflag:s12], $0x800  }
0xa4: {  	[sflag:s12] =	ssyncset.done $0x0  }
0xa5: {  	[sflag:s12] =	ssyncadd.s32 $0xFFFFF800  }
0xa6: {  	_ =	swait.ge [sflag:s12], $0x800  }
0xa7: {  	[sflag:s12] =	ssyncset.done $0x0  }
0xa8: {  	[sflag:s12] =	ssyncadd.s32 $0xFFFFF800  }
0xa9: {  	_ =	swait.ge [sflag:s12], $0x800  }
0xaa: {  	[sflag:s12] =	ssyncset.done $0x0  }
0xab: {  	[sflag:s12] =	ssyncadd.s32 $0xFFFFF800  }
0xac: {  	_ =	swait.ge [sflag:s12], $0x800  }
0xad: {  	[sflag:s12] =	ssyncset.done $0x0  }
0xae: {  	[sflag:s12] =	ssyncadd.s32 $0xFFFFF800  }
0xaf: {  	[spmem:s2] =	stream.indirect.scatter.add.f32 [tilespmem:s25], [sflag:$0x7], $0x10, s21, s24, $0xb8;
	[tilespmem:$0x1D800] =	vst v63  }
0xb0: {  	s28 =	simm.s32 $0xC80  }
0xb1: {  	[spmem:s2] =	stream.indirect.scatter.add.f32 [tilespmem:s26], [sflag:$0x7], $0x10, s28, s24, $0xb8;
	[tilespmem:$0x1D800] =	vst v63  }
0xb2: {  	s30 =	simm.s32 $0xD00  }
0xb3: {  	[spmem:s2] =	stream.indirect.scatter.add.f32 [tilespmem:s29], [sflag:$0x7], $0x10, s30, s24, $0xb8;
	[tilespmem:$0x1D800] =	vst v63  }
0xb4: {  	s28 =	simm.s32 $0xD80  }
0xb5: {  	[spmem:s2] =	stream.indirect.scatter.add.f32 [tilespmem:s31], [sflag:$0x7], $0x10, s28, s24, $0xb8;
	[tilespmem:$0x1D800] =	vst v63  }
0xb6: {  	_ =	swait.ge [sflag:s19], $0x800  }
0xb7: {  	[sflag:s19] =	ssyncset.done $0x0  }
0xb8: {  	[sflag:s19] =	ssyncadd.s32 $0xFFFFF800  }
0xb9: {  	_ =	swait.ge [sflag:s19], $0x800  }
0xba: {  	[sflag:s19] =	ssyncset.done $0x0  }
0xbb: {  	[sflag:s19] =	ssyncadd.s32 $0xFFFFF800  }
0xbc: {  	_ =	swait.ge [sflag:s19], $0x800  }
0xbd: {  	[sflag:s19] =	ssyncset.done $0x0  }
0xbe: {  	[sflag:s19] =	ssyncadd.s32 $0xFFFFF800  }
0xbf: {  	_ =	swait.ge [sflag:s19], $0x800  }
0xc0: {  	[sflag:s19] =	ssyncset.done $0x0  }
0xc1: {  	s30 =	simm.s32 $0xE00;
	[sflag:s19] =	ssyncadd.s32 $0xFFFFF800  }
0xc2: {  	[spmem:s2] =	stream.indirect.scatter.add.f32 [tilespmem:s1], [sflag:$0x8], $0x10, s30, s24, $0xb8;
	[tilespmem:$0x1D800] =	vst v63  }
0xc3: {  	s28 =	simm.s32 $0xE80  }
0xc4: {  	[spmem:s2] =	stream.indirect.scatter.add.f32 [tilespmem:s7], [sflag:$0x8], $0x10, s28, s24, $0xb8;
	[tilespmem:$0x1D800] =	vst v63  }
0xc5: {  	s30 =	simm.s32 $0xF00  }
0xc6: {  	[spmem:s2] =	stream.indirect.scatter.add.f32 [tilespmem:s9], [sflag:$0x8], $0x10, s30, s24, $0xb8;
	[tilespmem:$0x1D800] =	vst v63  }
0xc7: {  	_ = 	snop  }
0xc8: {  	[spmem:s2] =	stream.indirect.scatter.add.f32 [tilespmem:s11], [sflag:$0x8], $0x10, s0, s24, $0xb8;
	[tilespmem:$0x1D800] =	vst v63  }
0xc9: {  	_ =	swait.ge [sflag:s8], $0x800  }
0xca: {  	[sflag:s8] =	ssyncset.done $0x0  }
0xcb: {  	[sflag:s8] =	ssyncadd.s32 $0xFFFFF800  }
0xcc: {  	_ =	swait.ge [sflag:s8], $0x800  }
0xcd: {  	[sflag:s8] =	ssyncset.done $0x0  }
0xce: {  	[sflag:s8] =	ssyncadd.s32 $0xFFFFF800  }
0xcf: {  	_ =	swait.ge [sflag:s8], $0x800  }
0xd0: {  	[sflag:s8] =	ssyncset.done $0x0  }
0xd1: {  	[sflag:s8] =	ssyncadd.s32 $0xFFFFF800  }
0xd2: {  	_ =	swait.ge [sflag:s8], $0x800  }
0xd3: {  	[sflag:s8] =	ssyncset.done $0x0  }
0xd4: {  	[sflag:s8] =	ssyncadd.s32 $0xFFFFF800  }
0xd5: {  	_ =	swait.ge [sflag:s10], $0x800  }
0xd6: {  	[sflag:s10] =	ssyncset.done $0x0  }
0xd7: {  	[sflag:s10] =	ssyncadd.s32 $0xFFFFF800  }
0xd8: {  	_ =	swait.ge [sflag:s10], $0x800  }
0xd9: {  	[sflag:s10] =	ssyncset.done $0x0  }
0xda: {  	[sflag:s10] =	ssyncadd.s32 $0xFFFFF800  }
0xdb: {  	_ =	swait.ge [sflag:s10], $0x800  }
.Ltmp2:
0xdc: {  	[sflag:s10] =	ssyncset.done $0x0;
	(pc) =	sbr.rel @p0 .LBB2_4-.Ltmp2, $4  }
0xdd: {  	[sflag:s10] =	ssyncadd.s32 $0xFFFFF800  }
0xde: {  	_ =	swait.ge [sflag:s10], $0x800  }
0xdf: {  	[sflag:s10] =	ssyncset.done $0x0  }
0xe0: {  	[sflag:s10] =	ssyncadd.s32 $0xFFFFF800  }
.Ltmp3:
0xe1: {  	(pc) =	sbr.rel .LBB2_2-.Ltmp3, $4  }
0xe2: {  	s18 =	sadd.s32 s5, s13  }
0xe3: {  	[tilespmem:s20], [sflag:$0x2] =	stream.linear.gather [hbm4b:s18+s3], $0x400, $0x38;
	[tilespmem:$0x1D800] =	vst v63  }
0xe4: {  	s30 =	sadd.s32 s5, s14;
	s5 =	sadd.s32 $0x100, s5  }
0xe5: {  	[tilespmem:s21], [sflag:$0x4] =	stream.linear.gather [hbm4b:s30+s3], $0x400, $0x38;
	[tilespmem:$0x1D800] =	vst v63  }
.LBB2_5:
0xe6: {  	_ =	sfence.sel $0x180000  }
0xe7: {  	[bflag:$0x0] =	sbarrier.arrive $0xFFFF  }
0xe8: {  	_ =	strace $0x9000004A  }
0xe9: {  	s0 =	stileid.u32;
	[bflag:$0x2] =	sbarrier.arrive $0xFFFF  }
0xea: {  	p0 =	sne.s32 s0, $0x0;
	s0 =	rddreg [dreg:$0x2]  }
0xeb: {  	s0 =	sadd.s32 @!p0 $0x100000, s0  }
0xec: {  	[sflag:s0] =	ssyncadd.tile.s32 @!p0 $0x1;
	_ =	shalt  }
.Lfunc_end2:
_tile_overlayer_lowered:
.L_overlay_start_2:
0xed: {  	(tag) =	ssettag $0x2  }
0xee: {  	s0 =	rddreg [dreg:$0x0];
	s2 =	stileid.u32  }
0xef: {  	s1 =	rddreg [dreg:$0x1];
	p0 =	sne.s32 s2, $0x0  }
0xf0: {  	s3 =	rddreg [dreg:$0x2];
	[bflag:$0x3] =	sbarrier.arrive $0xFFFF;
	s2 =	simm.s32 @!p0 $0x1C09  }
0xf1: {  	[timem:s3], [sflag:s2] =	dma.local @!p0 [hbm:s0], s1  }
0xf2: {  	s0 =	simm.s32 @!p0 $0x9  }
0xf3: {  	_ =	swait.ge @!p0 [sflag:s0], s1  }
0xf4: {  	s1 =	ssub.s32 @!p0 $0x0, s1;
	[sflag:s0] =	ssyncset.done @!p0 $0x0  }
0xf5: {  	[sflag:s0] =	ssyncadd.s32 @!p0 s1  }
0xf6: {  	[bflag:$0x3] =	sbarrier.arrive $0xFFFF  }
0xf7: {  	_ =	shalt  }

// kernel: kernel.15.cloned.1.call-start
scs
__scs_entry_jumppad:
0x0: {  	(pc) =	sbr.rel $0x88, $3  }
0x1: {  	(tag) =	ssettag $0x0;
	lr =	simm.s32 $0x1  }
0x2: {  	[smem:$0x3F99] =	sst lr;
	_ =	strace $0xD0000000  }
0x3: {  	_ = 	snop  }
0x4: {  	_ = 	snop  }
0x5: {  	_ = 	snop  }
0x6: {  	_ = 	snop  }
0x7: {  	_ = 	snop  }
__scs_overlays_trampoline_lowered:
0x8: {  	[smem:$0x3FA8] =	sst s0  }
0x9: {  	[smem:$0x3FA9] =	sst s1  }
0xa: {  	[smem:$0x3FAA] =	sst s2  }
0xb: {  	[smem:$0x3FAB] =	sst s3  }
0xc: {  	[smem:$0x3FAC] =	sst s4  }
0xd: {  	[smem:$0x3FAD] =	sst s5  }
0xe: {  	[smem:$0x3FAE] =	sst s6  }
0xf: {  	[smem:$0x3FAF] =	sst s7  }
0x10: {  	[smem:$0x3FB0] =	sst s8  }
0x11: {  	[smem:$0x3FB1] =	sst s9;
	s0 =	simm.s32 @!p0 $0x0  }
0x12: {  	s1 =	sld [smem:$0x3F97];
	s0 =	simm.s32 @p0 $0x1  }
0x13: {  	[smem:$0x3FB2] =	sst s0;
	s0 =	simm.s32 @!p1 $0x0  }
0x14: {  	s2 =	sld [smem:$0x3F96];
	s0 =	simm.s32 @p1 $0x1  }
0x15: {  	[smem:$0x3FB3] =	sst s0;
	s0 =	simm.s32 @!p2 $0x0  }
0x16: {  	s3 =	sld [smem:$0x3FDB];
	s0 =	simm.s32 @p2 $0x1  }
0x17: {  	s4 =	simm.s32 $0x1BF5;
	[smem:$0x3FB5] =	sst s0  }
0x18: {  	s0 =	sld [smem:$0x3F98];
	_ =	swait.ge [sflag:s4], $0x0  }
0x19: {  	s7 =	sld [smem:$0x3F99]  }
0x1a: {  	s8 =	sadd.s32 $0xFFFFE003, lr  }
0x1b: {  	s9 =	sadd.s32 $0xFFFFFEF7, lr;
	s5 =	simm.s32 $0xFFFFFFFF;
	p2 =	slt.u32 s8, $0xFFFFF086  }
0x1c: {  	p1 =	slt.u32 s9, $0xF7A;
	s5 =	simm.s32 @!p2 $0x0  }
0x1d: {  	s5 =	simm.s32 @p1 $0x1;
	p0 =	seq.s32 s7, s2  }
0x1e: {  	s7 =	smul.u32 @!p0 $0xF7A, s2;
	p2 =	seq.s32 @!p0 s5, $0x0  }
0x1f: {  	s9 =	smul.u32 $0xF7A, s1;
	s8 =	simm.s32 @!p0 $0x1BF5;
	p2 =	por !p2, p0  }
0x20: {  	[sflag:s8] =	ssyncset.s32 @!p0 $0xFFFFF086;
	s6 =	sadd.s32 @!p0 s3, s7;
	s7 =	simm.s32 @!p0 $0x108  }
0x21: {  	s3 =	sadd.s32 s3, s9;
	s6 =	sadd.s32 @!p0 $0x88, s6;
	s7 =	simm.s32 @p2 $0x1082  }
0x22: {  	[simem:s7], [sflag:s8] =	dma.local @!p0 [hbm:s6], $0xF7A  }
0x23: {  	s9 =	sor.u32 $0xD0000000, s2;
	s6 =	simm.s32 $0x108;
	_ =	swait.ge @!p0 [sflag:s8], $0x0  }
0x24: {  	s3 =	sadd.s32 $0x88, s3;
	s6 =	simm.s32 @!p1 $0x1082;
	[sflag:s4] =	ssyncset.s32 $0xFFFFF086  }
0x25: {  	[simem:s6], [sflag:s4] =	dma.local [hbm:s3], $0xF7A  }
0x26: {  	[smem:$0x3F99] =	sst s1;
	(tag) =	ssettag s2;
	_ =	strace s9  }
0x27: {  	s1 =	sld [smem:$0x3FA9]  }
0x28: {  	s2 =	sld [smem:$0x3FAA]  }
0x29: {  	s4 =	sld [smem:$0x3FAC]  }
0x2a: {  	p0 =	seq.s32 s5, $0x0;
	s5 =	sld [smem:$0x3FAD]  }
0x2b: {  	s6 =	sld [smem:$0x3FAE]  }
0x2c: {  	s7 =	sld [smem:$0x3FAF]  }
0x2d: {  	s3 =	simm.s32 $0x108;
	s8 =	sld [smem:$0x3FB0]  }
0x2e: {  	s3 =	simm.s32 @!p0 $0x1082;
	s9 =	sld [smem:$0x3FB1]  }
0x2f: {  	lr =	sadd.s32 s0, s3;
	s0 =	sld [smem:$0x3FA8]  }
0x30: {  	s3 =	sld [smem:$0x3FAB]  }
0x31: {  	[smem:$0x3FB4] =	sst s10  }
0x32: {  	s10 =	sld [smem:$0x3FB2];
	_ =	sdelay $0x3  }
0x33: {  	p0 =	seq.s32 s10, $0x1;
	s10 =	sld [smem:$0x3FB4];
	_ =	sdelay $0x3  }
0x34: {  	[smem:$0x3FB4] =	sst s10  }
0x35: {  	s10 =	sld [smem:$0x3FB3];
	_ =	sdelay $0x3  }
0x36: {  	p1 =	seq.s32 s10, $0x1;
	s10 =	sld [smem:$0x3FB4];
	_ =	sdelay $0x3  }
0x37: {  	[smem:$0x3FB4] =	sst s10  }
0x38: {  	s10 =	sld [smem:$0x3FB5]  }
0x39: {  	_ = 	snop;
	(pc) =	sbr.ind lr, $3  }
0x3a: {  	_ = 	snop  }
0x3b: {  	_ = 	snop  }
0x3c: {  	p2 =	seq.s32 s10, $0x1;
	s10 =	sld [smem:$0x3FB4]  }
0x3d: {  	_ =	shalt  }
0x3e: {  	_ =	shalt  }
0x3f: {  	_ =	shalt  }
0x40: {  	_ =	shalt  }
0x41: {  	_ =	shalt  }
0x42: {  	_ =	shalt  }
0x43: {  	_ =	shalt  }
0x44: {  	_ =	shalt  }
0x45: {  	_ =	shalt  }
0x46: {  	_ =	shalt  }
0x47: {  	_ =	shalt  }
0x48: {  	_ =	shalt  }
0x49: {  	_ =	shalt  }
0x4a: {  	_ =	shalt  }
0x4b: {  	_ =	shalt  }
0x4c: {  	_ =	shalt  }
0x4d: {  	_ =	shalt  }
0x4e: {  	_ =	shalt  }
0x4f: {  	_ =	shalt  }
0x50: {  	_ =	shalt  }
0x51: {  	_ =	shalt  }
0x52: {  	_ =	shalt  }
0x53: {  	_ =	shalt  }
0x54: {  	_ =	shalt  }
0x55: {  	_ =	shalt  }
0x56: {  	_ =	shalt  }
0x57: {  	_ =	shalt  }
0x58: {  	_ =	shalt  }
0x59: {  	_ =	shalt  }
0x5a: {  	_ =	shalt  }
0x5b: {  	_ =	shalt  }
0x5c: {  	_ =	shalt  }
0x5d: {  	_ =	shalt  }
0x5e: {  	_ =	shalt  }
0x5f: {  	_ =	shalt  }
0x60: {  	_ =	shalt  }
0x61: {  	_ =	shalt  }
0x62: {  	_ =	shalt  }
0x63: {  	_ =	shalt  }
0x64: {  	_ =	shalt  }
0x65: {  	_ =	shalt  }
0x66: {  	_ =	shalt  }
0x67: {  	_ =	shalt  }
0x68: {  	_ =	shalt  }
0x69: {  	_ =	shalt  }
0x6a: {  	_ =	shalt  }
0x6b: {  	_ =	shalt  }
0x6c: {  	_ =	shalt  }
0x6d: {  	_ =	shalt  }
0x6e: {  	_ =	shalt  }
0x6f: {  	_ =	shalt  }
0x70: {  	_ =	shalt  }
0x71: {  	_ =	shalt  }
0x72: {  	_ =	shalt  }
0x73: {  	_ =	shalt  }
0x74: {  	_ =	shalt  }
0x75: {  	_ =	shalt  }
0x76: {  	_ =	shalt  }
0x77: {  	_ =	shalt  }
0x78: {  	_ =	shalt  }
0x79: {  	_ =	shalt  }
0x7a: {  	_ =	shalt  }
0x7b: {  	_ =	shalt  }
0x7c: {  	_ =	shalt  }
0x7d: {  	_ =	shalt  }
0x7e: {  	_ =	shalt  }
0x7f: {  	_ =	shalt  }
0x80: {  	_ =	shalt  }
0x81: {  	_ =	shalt  }
0x82: {  	_ =	shalt  }
0x83: {  	_ =	shalt  }
0x84: {  	_ =	shalt  }
0x85: {  	_ =	shalt  }
0x86: {  	_ =	shalt  }
0x87: {  	_ =	shalt  }
.Lfunc_end0:
.L_simem_size_0:
called_computation.2_lowered:
.L_overlay_start_0:
0x88: {  	s2 =	sld [smem:$0x3FD9]  }
0x89: {  	s3 =	sld [smem:$0x3FFE];
	_ =	sdelay $0x1  }
0x8a: {  	s1 =	srdreg.scid  }
0x8b: {  	s0 =	sand.u32 $0x1, s1  }
0x8c: {  	s16 =	sshll.u32 s0, $0xA;
	s2 =	sadd.s32 s3, s2  }
0x8d: {  	s2 =	sadd.s32 s2, s16  }
0x8e: {  	[smem:$0x3FC0] =	sst s2  }
0x8f: {  	_ = 	snop  }
0x90: {  	(tm) =	ssettm $0x1  }
0x91: {  	s17 =	sld [smem:$0x3FFB];
	_ =	sdelay $0x3  }
0x92: {  	_ =	strace s17  }
0x93: {  	s2 =	sld [smem:$0x3FFC];
	_ =	sdelay $0x3  }
0x94: {  	_ =	strace s2  }
0x95: {  	s2 =	sld [smem:$0x3FFD];
	_ =	sdelay $0x3  }
0x96: {  	_ =	strace s2  }
0x97: {  	_ =	strace $0x8FFFFFFF  }
0x98: {  	s18 =	sld [smem:$0x3FDB];
	_ =	sdelay $0x1  }
0x99: {  	s19 =	simm.s32 $_scs_section_size  }
0x9a: {  	s4 =	simm.s32 $_size__tile_overlayer_lowered;
	s5 =	simm.s32 $_tile_overlayer_lowered  }
0x9b: {  	s22 =	simm.s32 $0x1BFF;
	s21 =	sshll.u32 s5, $0x1;
	s2 =	sadd.s32 s19, s18  }
0x9c: {  	s6 =	simm.s32 $0x0;
	s20 =	sshll.u32 s4, $0x1;
	s4 =	sadd.s32 s21, s2  }
0x9d: {  	[timem:s6], [sflag:s22] =	dma.local [hbm:s4], s20  }
0x9e: {  	_ =	swait.ge [sflag:s22], s20  }
0x9f: {  	s3 =	ssub.s32 $0x0, s20;
	[sflag:s22] =	ssyncset.done $0x0  }
0xa0: {  	[sflag:s22] =	ssyncadd.s32 s3;
	_ =	sdelay $0x1  }
0xa1: {  	s23 =	simm.s32 $0x1B8B  }
0xa2: {  	_ =	swait.ge [sflag:s23], $0x1  }
0xa3: {  	[sflag:s23] =	ssyncset.done $0x0  }
0xa4: {  	s25 =	simm.s32 $0x1B8E;
	s24 =	sld [smem:$0x3FFE];
	[sflag:s23] =	ssyncadd.s32 $0xFFFFFFFF  }
0xa5: {  	s26 =	simm.s32 $execute0_lowered;
	[smem:$0x3FD2] =	sst s25  }
0xa6: {  	s4 =	sshll.u32 s26, $0x1;
	_ =	strace $0x8000004C;
	[dreg:$0x1] =	wrdreg $0xFFFFFFFF  }
0xa7: {  	s28 =	simm.s32 $_size_execute0_lowered;
	s2 =	sadd.s32 s2, s4;
	[dreg:$0x0] =	wrdreg $0x0  }
0xa8: {  	s4 =	sshll.u32 s28, $0x1;
	[dreg:$0x2] =	wrdreg s2  }
0xa9: {  	[dreg:$0x3] =	wrdreg s4  }
0xaa: {  	[dreg:$0x4] =	wrdreg $0xC0  }
0xab: {  	_ =	task [dreg:s6], $0x5FFFF  }
0xac: {  	[dreg:$0x1] =	wrdreg $0xFFFFFFFF  }
0xad: {  	[dreg:$0x0] =	wrdreg $0x60  }
0xae: {  	[dreg:$0x2] =	wrdreg s24  }
0xaf: {  	[dreg:$0x3] =	wrdreg $0x14000  }
0xb0: {  	[dreg:$0x4] =	wrdreg $0x9  }
0xb1: {  	_ =	task.clear_ibuf [dreg:s6], $0x5FFFF;
	_ =	strace $0x9000004C  }
0xb2: {  	s29 =	simm.s32 $0x9;
	_ =	strace $0x8000004E  }
0xb3: {  	_ =	swait.ge [sflag:s29], $0x1  }
0xb4: {  	[sflag:s29] =	ssyncadd.s32 $0xFFFFFFFF  }
0xb5: {  	_ =	strace $0x9000004E  }
0xb6: {  	_ =	sfence  }
0xb7: {  	s30 =	sld [smem:$0x0];
	_ =	sdelay $0x2  }
0xb8: {  	s31 =	sshll.u32 s1, $0xD;
	s1 =	sshrl.u32 s1, $0x2  }
0xb9: {  	s3 =	sand.u32 $0x4000, s31;
	s1 =	sadd.s32 s1, s30  }
0xba: {  	s0 =	sor.u32 s3, s0;
	s1 =	sshll.u32 s1, $0x11  }
0xbb: {  	s0 =	sor.u32 s1, s0  }
0xbc: {  	s0 =	sadd.s32 $0x8F2B, s0  }
0xbd: {  	[sflag:s0] =	ssyncadd.remote.s32 $0x1  }
0xbe: {  	_ =	sfence.sel $0xFFFF  }
0xbf: {  	[dreg:$0x0] =	wrdreg $0xFFFFFFFF;
	(pc) =	sbr.abs _section_cstart, $3  }
0xc0: {  	[dreg:$0x1] =	wrdreg $0xFFFFFFFF  }
0xc1: {  	_ =	task.clear_ibuf [dreg:s6], $0x2FFFF;
	_ =	strace $0x9FFFFFFF  }
0xc2: {  	(tm) =	ssettm $0x7FFFFFFF  }
0xc3: {  	_ =	shalt  }
tec
execute0_lowered:
.L_overlay_start_1:
0x0: {  	(tag) =	ssettag $0x1  }
0x1: {  	s0 =	rddreg [dreg:$0x0]  }
0x2: {  	s2 =	rddreg [dreg:$0x1];
	s3 =	simm.s32 $0x0;
	s12 =	stileid.u32  }
0x3: {  	s1 =	srdreg.scid;
	s30 =	simm.s32 $0x9;
	s29 =	simm.s32 $0x1100  }
0x4: {  	s31 =	simm.s32 $0x1180;
	s17 =	simm.s32 $0x4;
	[smem:$0x7FF] =	sst s3  }
0x5: {  	s5 =	smul.u32 $0x1880, s12;
	s1 =	sand.u32 $0x1, s1;
	s6 =	sadd.s32 $0x18A200, s0  }
0x6: {  	s8 =	sadd.s32 $0xC6200, s0;
	s4 =	sadd.s32 $0x5E00, s0;
	s10 =	sshll.u32 s12, $0x1  }
0x7: {  	s19 =	smul.u32 $0xC40, s12;
	s20 =	sshll.u32 s12, $0x6;
	s12 =	simm.s32 $0x5  }
0x8: {  	_ =	strace $0x8000004D;
	s7 =	smul.u32 $0x18800, s1;
	s11 =	ssub.s32 $0x2, s1  }
0x9: {  	s10 =	sor.u32 s1, s10;
	s1 =	smul.u32 $0x620, s1;
	s9 =	sshrl.u32 s5, $0x3  }
0xa: {  	s18 =	sshrl.u32 s11, $0x1;
	s10 =	smul.u32 $0x6200, s10;
	s9 =	sadd.s32 s9, s0  }
0xb: {  	s7 =	sadd.s32 s5, s7;
	s5 =	sadd.s32 s5, s2;
	s1 =	sadd.s32 s1, s19  }
0xc: {  	s19 =	simm.s32 $0x6;
	s7 =	sshrl.u32 s7, $0x3;
	s9 =	sadd.s32 $0x2C00, s9  }
0xd: {  	s21 =	sadd.s32 s6, s10;
	s22 =	sor.u32 $0x80, s10;
	s10 =	sadd.s32 s8, s10  }
0xe: {  	s24 =	sshll.u32 s1, $0x4;
	s28 =	sshrl.u32 s5, $0x3;
	s1 =	simm.s32 $0x1200  }
0xf: {  	s5 =	simm.s32 $0x0;
	s0 =	sadd.s32 s7, s0;
	[dreg:$0x3] =	wrdreg s9  }
0x10: {  	s7 =	ssub.s32 s11, s18;
	s18 =	sor.u32 $0x1C09, s20;
	[dreg:$0x5] =	wrdreg s21  }
0x11: {  	[dreg:$0x6] =	wrdreg s10;
	s23 =	sadd.s32 s6, s22;
	s9 =	sadd.s32 s8, s22  }
0x12: {  	s26 =	sor.u32 $0x180, s24;
	s20 =	simm.s32 $0x400;
	[dreg:$0xc] =	wrdreg s5  }
0x13: {  	s21 =	simm.s32 $0xC00;
	s22 =	simm.s32 $0x1;
	[dreg:$0xb] =	wrdreg s28  }
0x14: {  	s11 =	simm.s32 $0x1380;
	s10 =	simm.s32 $0x8;
	[dreg:$0x7] =	wrdreg s23  }
0x15: {  	[dreg:$0x8] =	wrdreg s9;
	s0 =	sadd.s32 $0x9000, s0;
	s25 =	smax.u32 s7, $0x1  }
0x16: {  	s13 =	sadd.s32 s26, s6;
	s14 =	sadd.s32 s26, s8;
	s23 =	simm.s32 $0x3  }
.Ltmp0:
0x17: {  	s26 =	simm.s32 $0x1080;
	[dreg:$0x4] =	wrdreg s18;
	(pc) =	sbr.rel .LBB2_1-.Ltmp0, $4  }
0x18: {  	s7 =	simm.s32 $0x1280;
	s9 =	simm.s32 $0x1300;
	[dreg:$0x9] =	wrdreg s0  }
0x19: {  	[dreg:$0xa] =	wrdreg s25;
	s0 =	sor.u32 $0x100, s24;
	s24 =	simm.s32 $0x80  }
0x1a: {  	s25 =	simm.s32 $0x1000;
	s15 =	sadd.s32 s0, s6;
	s16 =	sadd.s32 s0, s8  }
0x1b: {  	s8 =	simm.s32 $0x7;
	s6 =	simm.s32 $0x2;
	s0 =	simm.s32 $0xF80  }
.LBB2_4:
0x1c: {  	[bflag:$0x0] =	sbarrier.arrive $0xFFFF  }
0x1d: {  	s0 =	rddreg [dreg:$0x4]  }
0x1e: {  	s5 =	rddreg [dreg:$0x9]  }
0x1f: {  	s30 =	simm.s32 $0x9;
	s28 =	rddreg [dreg:$0xb]  }
0x20: {  	[hbm:s5], [sflag:s0] =	dma.local [spmem:s28], $0x310  }
0x21: {  	_ =	swait.ge [sflag:s30], $0x310  }
0x22: {  	s18 =	rddreg [dreg:$0xc]  }
0x23: {  	s5 =	rddreg [dreg:$0xa];
	s18 =	sadd.s32 $0x1, s18  }
0x24: {  	p0 =	sne.s32 s18, s5  }
.Ltmp1:
0x25: {  	_ = 	snop;
	(pc) =	sbr.rel @!p0 .LBB2_5-.Ltmp1, $4  }
0x26: {  	_ = 	snop  }
0x27: {  	[sflag:s30] =	ssyncset.done $0x0  }
0x28: {  	[sflag:s30] =	ssyncadd.s32 $0xFFFFFCF0  }
0x29: {  	[dreg:$0xc] =	wrdreg s18;
	s18 =	smov.u32 s0;
	s0 =	simm.s32 $0xF80  }
.LBB2_1:
0x2a: {  	s5 =	rddreg [dreg:$0x3]  }
0x2b: {  	[spmem:s28], [sflag:s18] =	dma.local [hbm:s5], $0x310  }
0x2c: {  	_ =	swait.ge [sflag:s30], $0x310  }
0x2d: {  	[sflag:s30] =	ssyncset.done $0x0  }
0x2e: {  	[sflag:s30] =	ssyncadd.s32 $0xFFFFFCF0  }
0x2f: {  	[bflag:$0x0] =	sbarrier.arrive $0xFFFF  }
0x30: {  	s18 =	rddreg [dreg:$0x5]  }
0x31: {  	[tilespmem:s3], [sflag:$0x1] =	stream.linear.gather [hbm4b:s18+s3], $0x400, $0x38;
	[tilespmem:$0x2C80] =	vst v63  }
0x32: {  	s30 =	simm.s32 $0x800;
	s28 =	rddreg [dreg:$0x6]  }
0x33: {  	[tilespmem:s30], [sflag:$0x3] =	stream.linear.gather [hbm4b:s28+s3], $0x400, $0x38;
	[tilespmem:$0x2C80] =	vst v63  }
0x34: {  	s28 =	rddreg [dreg:$0x7]  }
0x35: {  	[tilespmem:s20], [sflag:$0x2] =	stream.linear.gather [hbm4b:s28+s3], $0x400, $0x38;
	[tilespmem:$0x2C80] =	vst v63  }
0x36: {  	s5 =	simm.s32 $0x0;
	s30 =	rddreg [dreg:$0x8]  }
0x37: {  	[tilespmem:s21], [sflag:$0x4] =	stream.linear.gather [hbm4b:s30+s3], $0x400, $0x38;
	[tilespmem:$0x2C80] =	vst v63  }
.LBB2_2:
0x38: {  	_ =	swait.ge [sflag:s22], $0x400  }
0x39: {  	[sflag:s22] =	ssyncset.done $0x0  }
0x3a: {  	[sflag:s22] =	ssyncadd.s32 $0xFFFFFC00  }
0x3b: {  	_ =	swait.ge [sflag:s23], $0x400  }
0x3c: {  	[sflag:s23] =	ssyncset.done $0x0  }
0x3d: {  	[sflag:s23] =	ssyncadd.s32 $0xFFFFFC00  }
0x3e: {  	[tilespmem:s25], [sflag:$0x5] =	stream.indirect.gather [hbm4b:s4+s24], $0x1, s3, s24, $0xb8;
	[tilespmem:$0x2C80] =	vst v63  }
0x3f: {  	_ = 	snop  }
0x40: {  	[tilespmem:s26], [sflag:$0x5] =	stream.indirect.gather [hbm4b:s4+s24], $0x1, s24, s24, $0xb8;
	[tilespmem:$0x2C80] =	vst v63  }
0x41: {  	s18 =	simm.s32 $0x100  }
0x42: {  	[tilespmem:s29], [sflag:$0x5] =	stream.indirect.gather [hbm4b:s4+s24], $0x1, s18, s24, $0xb8;
	[tilespmem:$0x2C80] =	vst v63  }
0x43: {  	s28 =	simm.s32 $0x180  }
0x44: {  	[tilespmem:s31], [sflag:$0x5] =	stream.indirect.gather [hbm4b:s4+s24], $0x1, s28, s24, $0xb8;
	[tilespmem:$0x2C80] =	vst v63  }
0x45: {  	s30 =	simm.s32 $0x200  }
0x46: {  	[tilespmem:s1], [sflag:$0x6] =	stream.indirect.gather [hbm4b:s4+s24], $0x1, s30, s24, $0xb8;
	[tilespmem:$0x2C80] =	vst v63  }
0x47: {  	s28 =	simm.s32 $0x280  }
0x48: {  	[tilespmem:s7], [sflag:$0x6] =	stream.indirect.gather [hbm4b:s4+s24], $0x1, s28, s24, $0xb8;
	[tilespmem:$0x2C80] =	vst v63  }
0x49: {  	s30 =	simm.s32 $0x300  }
0x4a: {  	[tilespmem:s9], [sflag:$0x6] =	stream.indirect.gather [hbm4b:s4+s24], $0x1, s30, s24, $0xb8;
	[tilespmem:$0x2C80] =	vst v63  }
0x4b: {  	s28 =	simm.s32 $0x380  }
0x4c: {  	[tilespmem:s11], [sflag:$0x6] =	stream.indirect.gather [hbm4b:s4+s24], $0x1, s28, s24, $0xb8;
	[tilespmem:$0x2C80] =	vst v63  }
0x4d: {  	_ =	swait.ge [sflag:s12], $0x80  }
0x4e: {  	[sflag:s12] =	ssyncset.done $0x0  }
0x4f: {  	[sflag:s12] =	ssyncadd.s32 $0xFFFFFF80  }
0x50: {  	_ =	swait.ge [sflag:s12], $0x80  }
0x51: {  	[sflag:s12] =	ssyncset.done $0x0  }
0x52: {  	[sflag:s12] =	ssyncadd.s32 $0xFFFFFF80  }
0x53: {  	_ =	swait.ge [sflag:s12], $0x80  }
0x54: {  	[sflag:s12] =	ssyncset.done $0x0  }
0x55: {  	[sflag:s12] =	ssyncadd.s32 $0xFFFFFF80  }
0x56: {  	_ =	swait.ge [sflag:s12], $0x80  }
0x57: {  	[sflag:s12] =	ssyncset.done $0x0  }
0x58: {  	s30 =	simm.s32 $0x800;
	[sflag:s12] =	ssyncadd.s32 $0xFFFFFF80  }
0x59: {  	[spmem:s2] =	stream.indirect.scatter.add.f32 [tilespmem:s25], [sflag:$0x7], $0x1, s30, s24, $0xb8;
	[tilespmem:$0x2C80] =	vst v63  }
0x5a: {  	s28 =	simm.s32 $0x880  }
0x5b: {  	[spmem:s2] =	stream.indirect.scatter.add.f32 [tilespmem:s26], [sflag:$0x7], $0x1, s28, s24, $0xb8;
	[tilespmem:$0x2C80] =	vst v63  }
0x5c: {  	s30 =	simm.s32 $0x900  }
0x5d: {  	[spmem:s2] =	stream.indirect.scatter.add.f32 [tilespmem:s29], [sflag:$0x7], $0x1, s30, s24, $0xb8;
	[tilespmem:$0x2C80] =	vst v63  }
0x5e: {  	s28 =	simm.s32 $0x980  }
0x5f: {  	[spmem:s2] =	stream.indirect.scatter.add.f32 [tilespmem:s31], [sflag:$0x7], $0x1, s28, s24, $0xb8;
	[tilespmem:$0x2C80] =	vst v63  }
0x60: {  	_ =	swait.ge [sflag:s19], $0x80  }
0x61: {  	[sflag:s19] =	ssyncset.done $0x0  }
0x62: {  	[sflag:s19] =	ssyncadd.s32 $0xFFFFFF80  }
0x63: {  	_ =	swait.ge [sflag:s19], $0x80  }
0x64: {  	[sflag:s19] =	ssyncset.done $0x0  }
0x65: {  	[sflag:s19] =	ssyncadd.s32 $0xFFFFFF80  }
0x66: {  	_ =	swait.ge [sflag:s19], $0x80  }
0x67: {  	[sflag:s19] =	ssyncset.done $0x0  }
0x68: {  	[sflag:s19] =	ssyncadd.s32 $0xFFFFFF80  }
0x69: {  	_ =	swait.ge [sflag:s19], $0x80  }
0x6a: {  	[sflag:s19] =	ssyncset.done $0x0  }
0x6b: {  	s30 =	simm.s32 $0xA00;
	[sflag:s19] =	ssyncadd.s32 $0xFFFFFF80  }
0x6c: {  	[spmem:s2] =	stream.indirect.scatter.add.f32 [tilespmem:s1], [sflag:$0x8], $0x1, s30, s24, $0xb8;
	[tilespmem:$0x2C80] =	vst v63  }
0x6d: {  	s28 =	simm.s32 $0xA80  }
0x6e: {  	[spmem:s2] =	stream.indirect.scatter.add.f32 [tilespmem:s7], [sflag:$0x8], $0x1, s28, s24, $0xb8;
	[tilespmem:$0x2C80] =	vst v63  }
0x6f: {  	s30 =	simm.s32 $0xB00  }
0x70: {  	[spmem:s2] =	stream.indirect.scatter.add.f32 [tilespmem:s9], [sflag:$0x8], $0x1, s30, s24, $0xb8;
	[tilespmem:$0x2C80] =	vst v63  }
0x71: {  	s28 =	simm.s32 $0xB80  }
0x72: {  	[spmem:s2] =	stream.indirect.scatter.add.f32 [tilespmem:s11], [sflag:$0x8], $0x1, s28, s24, $0xb8;
	[tilespmem:$0x2C80] =	vst v63  }
0x73: {  	_ =	swait.ge [sflag:s8], $0x80  }
0x74: {  	[sflag:s8] =	ssyncset.done $0x0  }
0x75: {  	[sflag:s8] =	ssyncadd.s32 $0xFFFFFF80  }
0x76: {  	_ =	swait.ge [sflag:s8], $0x80  }
0x77: {  	[sflag:s8] =	ssyncset.done $0x0  }
0x78: {  	[sflag:s8] =	ssyncadd.s32 $0xFFFFFF80  }
0x79: {  	_ =	swait.ge [sflag:s8], $0x80  }
0x7a: {  	[sflag:s8] =	ssyncset.done $0x0  }
0x7b: {  	[sflag:s8] =	ssyncadd.s32 $0xFFFFFF80  }
0x7c: {  	_ =	swait.ge [sflag:s8], $0x80  }
0x7d: {  	[sflag:s8] =	ssyncset.done $0x0  }
0x7e: {  	[sflag:s8] =	ssyncadd.s32 $0xFFFFFF80  }
0x7f: {  	_ =	swait.ge [sflag:s10], $0x80  }
0x80: {  	[sflag:s10] =	ssyncset.done $0x0  }
0x81: {  	[sflag:s10] =	ssyncadd.s32 $0xFFFFFF80  }
0x82: {  	_ =	swait.ge [sflag:s10], $0x80  }
0x83: {  	[sflag:s10] =	ssyncset.done $0x0  }
0x84: {  	[sflag:s10] =	ssyncadd.s32 $0xFFFFFF80  }
0x85: {  	_ =	swait.ge [sflag:s10], $0x80  }
0x86: {  	[sflag:s10] =	ssyncset.done $0x0  }
0x87: {  	[sflag:s10] =	ssyncadd.s32 $0xFFFFFF80  }
0x88: {  	_ =	swait.ge [sflag:s10], $0x80  }
0x89: {  	p0 =	seq.s32 s5, $0x6100;
	[sflag:s10] =	ssyncset.done $0x0  }
0x8a: {  	s18 =	sadd.s32 @!p0 s5, s15;
	s28 =	simm.s32 @!p0 $0x0;
	[sflag:s10] =	ssyncadd.s32 $0xFFFFFF80  }
0x8b: {  	[tilespmem:s28], [sflag:$0x1] =	stream.linear.gather @!p0 [hbm4b:s18+s28], $0x400, $0x38;
	[tilespmem:$0x2C80] =	vst v63  }
0x8c: {  	s30 =	simm.s32 @!p0 $0x800;
	s18 =	sadd.s32 @!p0 s5, s16  }
0x8d: {  	[tilespmem:s30], [sflag:$0x3] =	stream.linear.gather @!p0 [hbm4b:s18+s28], $0x400, $0x38;
	[tilespmem:$0x2C80] =	vst v63  }
0x8e: {  	_ =	swait.ge [sflag:s6], $0x400  }
0x8f: {  	[sflag:s6] =	ssyncset.done $0x0  }
0x90: {  	[sflag:s6] =	ssyncadd.s32 $0xFFFFFC00  }
0x91: {  	_ =	swait.ge [sflag:s17], $0x400  }
0x92: {  	[sflag:s17] =	ssyncset.done $0x0  }
0x93: {  	[sflag:s17] =	ssyncadd.s32 $0xFFFFFC00  }
0x94: {  	[tilespmem:s25], [sflag:$0x5] =	stream.indirect.gather [hbm4b:s4+s24], $0x1, s20, s24, $0xb8;
	[tilespmem:$0x2C80] =	vst v63  }
0x95: {  	s30 =	simm.s32 $0x480  }
0x96: {  	[tilespmem:s26], [sflag:$0x5] =	stream.indirect.gather [hbm4b:s4+s24], $0x1, s30, s24, $0xb8;
	[tilespmem:$0x2C80] =	vst v63  }
0x97: {  	s28 =	simm.s32 $0x500  }
0x98: {  	[tilespmem:s29], [sflag:$0x5] =	stream.indirect.gather [hbm4b:s4+s24], $0x1, s28, s24, $0xb8;
	[tilespmem:$0x2C80] =	vst v63  }
0x99: {  	s30 =	simm.s32 $0x580  }
0x9a: {  	[tilespmem:s31], [sflag:$0x5] =	stream.indirect.gather [hbm4b:s4+s24], $0x1, s30, s24, $0xb8;
	[tilespmem:$0x2C80] =	vst v63  }
0x9b: {  	s28 =	simm.s32 $0x600  }
0x9c: {  	[tilespmem:s1], [sflag:$0x6] =	stream.indirect.gather [hbm4b:s4+s24], $0x1, s28, s24, $0xb8;
	[tilespmem:$0x2C80] =	vst v63  }
0x9d: {  	s30 =	simm.s32 $0x680  }
0x9e: {  	[tilespmem:s7], [sflag:$0x6] =	stream.indirect.gather [hbm4b:s4+s24], $0x1, s30, s24, $0xb8;
	[tilespmem:$0x2C80] =	vst v63  }
0x9f: {  	s28 =	simm.s32 $0x700  }
0xa0: {  	[tilespmem:s9], [sflag:$0x6] =	stream.indirect.gather [hbm4b:s4+s24], $0x1, s28, s24, $0xb8;
	[tilespmem:$0x2C80] =	vst v63  }
0xa1: {  	s30 =	simm.s32 $0x780  }
0xa2: {  	[tilespmem:s11], [sflag:$0x6] =	stream.indirect.gather [hbm4b:s4+s24], $0x1, s30, s24, $0xb8;
	[tilespmem:$0x2C80] =	vst v63  }
0xa3: {  	_ =	swait.ge [sflag:s12], $0x80  }
0xa4: {  	[sflag:s12] =	ssyncset.done $0x0  }
0xa5: {  	[sflag:s12] =	ssyncadd.s32 $0xFFFFFF80  }
0xa6: {  	_ =	swait.ge [sflag:s12], $0x80  }
0xa7: {  	[sflag:s12] =	ssyncset.done $0x0  }
0xa8: {  	[sflag:s12] =	ssyncadd.s32 $0xFFFFFF80  }
0xa9: {  	_ =	swait.ge [sflag:s12], $0x80  }
0xaa: {  	[sflag:s12] =	ssyncset.done $0x0  }
0xab: {  	[sflag:s12] =	ssyncadd.s32 $0xFFFFFF80  }
0xac: {  	_ =	swait.ge [sflag:s12], $0x80  }
0xad: {  	[sflag:s12] =	ssyncset.done $0x0  }
0xae: {  	[sflag:s12] =	ssyncadd.s32 $0xFFFFFF80  }
0xaf: {  	[spmem:s2] =	stream.indirect.scatter.add.f32 [tilespmem:s25], [sflag:$0x7], $0x1, s21, s24, $0xb8;
	[tilespmem:$0x2C80] =	vst v63  }
0xb0: {  	s28 =	simm.s32 $0xC80  }
0xb1: {  	[spmem:s2] =	stream.indirect.scatter.add.f32 [tilespmem:s26], [sflag:$0x7], $0x1, s28, s24, $0xb8;
	[tilespmem:$0x2C80] =	vst v63  }
0xb2: {  	s30 =	simm.s32 $0xD00  }
0xb3: {  	[spmem:s2] =	stream.indirect.scatter.add.f32 [tilespmem:s29], [sflag:$0x7], $0x1, s30, s24, $0xb8;
	[tilespmem:$0x2C80] =	vst v63  }
0xb4: {  	s28 =	simm.s32 $0xD80  }
0xb5: {  	[spmem:s2] =	stream.indirect.scatter.add.f32 [tilespmem:s31], [sflag:$0x7], $0x1, s28, s24, $0xb8;
	[tilespmem:$0x2C80] =	vst v63  }
0xb6: {  	_ =	swait.ge [sflag:s19], $0x80  }
0xb7: {  	[sflag:s19] =	ssyncset.done $0x0  }
0xb8: {  	[sflag:s19] =	ssyncadd.s32 $0xFFFFFF80  }
0xb9: {  	_ =	swait.ge [sflag:s19], $0x80  }
0xba: {  	[sflag:s19] =	ssyncset.done $0x0  }
0xbb: {  	[sflag:s19] =	ssyncadd.s32 $0xFFFFFF80  }
0xbc: {  	_ =	swait.ge [sflag:s19], $0x80  }
0xbd: {  	[sflag:s19] =	ssyncset.done $0x0  }
0xbe: {  	[sflag:s19] =	ssyncadd.s32 $0xFFFFFF80  }
0xbf: {  	_ =	swait.ge [sflag:s19], $0x80  }
0xc0: {  	[sflag:s19] =	ssyncset.done $0x0  }
0xc1: {  	s30 =	simm.s32 $0xE00;
	[sflag:s19] =	ssyncadd.s32 $0xFFFFFF80  }
0xc2: {  	[spmem:s2] =	stream.indirect.scatter.add.f32 [tilespmem:s1], [sflag:$0x8], $0x1, s30, s24, $0xb8;
	[tilespmem:$0x2C80] =	vst v63  }
0xc3: {  	s28 =	simm.s32 $0xE80  }
0xc4: {  	[spmem:s2] =	stream.indirect.scatter.add.f32 [tilespmem:s7], [sflag:$0x8], $0x1, s28, s24, $0xb8;
	[tilespmem:$0x2C80] =	vst v63  }
0xc5: {  	s30 =	simm.s32 $0xF00  }
0xc6: {  	[spmem:s2] =	stream.indirect.scatter.add.f32 [tilespmem:s9], [sflag:$0x8], $0x1, s30, s24, $0xb8;
	[tilespmem:$0x2C80] =	vst v63  }
0xc7: {  	_ = 	snop  }
0xc8: {  	[spmem:s2] =	stream.indirect.scatter.add.f32 [tilespmem:s11], [sflag:$0x8], $0x1, s0, s24, $0xb8;
	[tilespmem:$0x2C80] =	vst v63  }
0xc9: {  	_ =	swait.ge [sflag:s8], $0x80  }
0xca: {  	[sflag:s8] =	ssyncset.done $0x0  }
0xcb: {  	[sflag:s8] =	ssyncadd.s32 $0xFFFFFF80  }
0xcc: {  	_ =	swait.ge [sflag:s8], $0x80  }
0xcd: {  	[sflag:s8] =	ssyncset.done $0x0  }
0xce: {  	[sflag:s8] =	ssyncadd.s32 $0xFFFFFF80  }
0xcf: {  	_ =	swait.ge [sflag:s8], $0x80  }
0xd0: {  	[sflag:s8] =	ssyncset.done $0x0  }
0xd1: {  	[sflag:s8] =	ssyncadd.s32 $0xFFFFFF80  }
0xd2: {  	_ =	swait.ge [sflag:s8], $0x80  }
0xd3: {  	[sflag:s8] =	ssyncset.done $0x0  }
0xd4: {  	[sflag:s8] =	ssyncadd.s32 $0xFFFFFF80  }
0xd5: {  	_ =	swait.ge [sflag:s10], $0x80  }
0xd6: {  	[sflag:s10] =	ssyncset.done $0x0  }
0xd7: {  	[sflag:s10] =	ssyncadd.s32 $0xFFFFFF80  }
0xd8: {  	_ =	swait.ge [sflag:s10], $0x80  }
0xd9: {  	[sflag:s10] =	ssyncset.done $0x0  }
0xda: {  	[sflag:s10] =	ssyncadd.s32 $0xFFFFFF80  }
0xdb: {  	_ =	swait.ge [sflag:s10], $0x80  }
.Ltmp2:
0xdc: {  	[sflag:s10] =	ssyncset.done $0x0;
	(pc) =	sbr.rel @p0 .LBB2_4-.Ltmp2, $4  }
0xdd: {  	[sflag:s10] =	ssyncadd.s32 $0xFFFFFF80  }
0xde: {  	_ =	swait.ge [sflag:s10], $0x80  }
0xdf: {  	[sflag:s10] =	ssyncset.done $0x0  }
0xe0: {  	[sflag:s10] =	ssyncadd.s32 $0xFFFFFF80  }
.Ltmp3:
0xe1: {  	(pc) =	sbr.rel .LBB2_2-.Ltmp3, $4  }
0xe2: {  	s18 =	sadd.s32 s5, s13  }
0xe3: {  	[tilespmem:s20], [sflag:$0x2] =	stream.linear.gather [hbm4b:s18+s3], $0x400, $0x38;
	[tilespmem:$0x2C80] =	vst v63  }
0xe4: {  	s30 =	sadd.s32 s5, s14;
	s5 =	sadd.s32 $0x100, s5  }
0xe5: {  	[tilespmem:s21], [sflag:$0x4] =	stream.linear.gather [hbm4b:s30+s3], $0x400, $0x38;
	[tilespmem:$0x2C80] =	vst v63  }
.LBB2_5:
0xe6: {  	_ =	sfence.sel $0x180000  }
0xe7: {  	[bflag:$0x0] =	sbarrier.arrive $0xFFFF  }
0xe8: {  	_ =	strace $0x9000004D  }
0xe9: {  	s0 =	stileid.u32;
	[bflag:$0x2] =	sbarrier.arrive $0xFFFF  }
0xea: {  	p0 =	sne.s32 s0, $0x0;
	s0 =	rddreg [dreg:$0x2]  }
0xeb: {  	s0 =	sadd.s32 @!p0 $0x100000, s0  }
0xec: {  	[sflag:s0] =	ssyncadd.tile.s32 @!p0 $0x1;
	_ =	shalt  }
.Lfunc_end2:
_tile_overlayer_lowered:
.L_overlay_start_2:
0xed: {  	(tag) =	ssettag $0x2  }
0xee: {  	s0 =	rddreg [dreg:$0x0];
	s2 =	stileid.u32  }
0xef: {  	s1 =	rddreg [dreg:$0x1];
	p0 =	sne.s32 s2, $0x0  }
0xf0: {  	s3 =	rddreg [dreg:$0x2];
	[bflag:$0x3] =	sbarrier.arrive $0xFFFF;
	s2 =	simm.s32 @!p0 $0x1C09  }
0xf1: {  	[timem:s3], [sflag:s2] =	dma.local @!p0 [hbm:s0], s1  }
0xf2: {  	s0 =	simm.s32 @!p0 $0x9  }
0xf3: {  	_ =	swait.ge @!p0 [sflag:s0], s1  }
0xf4: {  	s1 =	ssub.s32 @!p0 $0x0, s1;
	[sflag:s0] =	ssyncset.done @!p0 $0x0  }
0xf5: {  	[sflag:s0] =	ssyncadd.s32 @!p0 s1  }
0xf6: {  	[bflag:$0x3] =	sbarrier.arrive $0xFFFF  }
0xf7: {  	_ =	shalt  }

// kernel: kernel.9.cloned.1.call-start
scs
__scs_entry_jumppad:
0x0: {  	(pc) =	sbr.rel $0x88, $3  }
0x1: {  	(tag) =	ssettag $0x0;
	lr =	simm.s32 $0x1  }
0x2: {  	[smem:$0x3F99] =	sst lr;
	_ =	strace $0xD0000000  }
0x3: {  	_ = 	snop  }
0x4: {  	_ = 	snop  }
0x5: {  	_ = 	snop  }
0x6: {  	_ = 	snop  }
0x7: {  	_ = 	snop  }
__scs_overlays_trampoline_lowered:
0x8: {  	[smem:$0x3FA8] =	sst s0  }
0x9: {  	[smem:$0x3FA9] =	sst s1  }
0xa: {  	[smem:$0x3FAA] =	sst s2  }
0xb: {  	[smem:$0x3FAB] =	sst s3  }
0xc: {  	[smem:$0x3FAC] =	sst s4  }
0xd: {  	[smem:$0x3FAD] =	sst s5  }
0xe: {  	[smem:$0x3FAE] =	sst s6  }
0xf: {  	[smem:$0x3FAF] =	sst s7  }
0x10: {  	[smem:$0x3FB0] =	sst s8  }
0x11: {  	[smem:$0x3FB1] =	sst s9;
	s0 =	simm.s32 @!p0 $0x0  }
0x12: {  	s1 =	sld [smem:$0x3F97];
	s0 =	simm.s32 @p0 $0x1  }
0x13: {  	[smem:$0x3FB2] =	sst s0;
	s0 =	simm.s32 @!p1 $0x0  }
0x14: {  	s2 =	sld [smem:$0x3F96];
	s0 =	simm.s32 @p1 $0x1  }
0x15: {  	[smem:$0x3FB3] =	sst s0;
	s0 =	simm.s32 @!p2 $0x0  }
0x16: {  	s3 =	sld [smem:$0x3FDB];
	s0 =	simm.s32 @p2 $0x1  }
0x17: {  	s4 =	simm.s32 $0x1BF5;
	[smem:$0x3FB5] =	sst s0  }
0x18: {  	s0 =	sld [smem:$0x3F98];
	_ =	swait.ge [sflag:s4], $0x0  }
0x19: {  	s7 =	sld [smem:$0x3F99]  }
0x1a: {  	s8 =	sadd.s32 $0xFFFFE003, lr  }
0x1b: {  	s9 =	sadd.s32 $0xFFFFFEF7, lr;
	s5 =	simm.s32 $0xFFFFFFFF;
	p2 =	slt.u32 s8, $0xFFFFF086  }
0x1c: {  	p1 =	slt.u32 s9, $0xF7A;
	s5 =	simm.s32 @!p2 $0x0  }
0x1d: {  	s5 =	simm.s32 @p1 $0x1;
	p0 =	seq.s32 s7, s2  }
0x1e: {  	s7 =	smul.u32 @!p0 $0xF7A, s2;
	p2 =	seq.s32 @!p0 s5, $0x0  }
0x1f: {  	s9 =	smul.u32 $0xF7A, s1;
	s8 =	simm.s32 @!p0 $0x1BF5;
	p2 =	por !p2, p0  }
0x20: {  	[sflag:s8] =	ssyncset.s32 @!p0 $0xFFFFF086;
	s6 =	sadd.s32 @!p0 s3, s7;
	s7 =	simm.s32 @!p0 $0x108  }
0x21: {  	s3 =	sadd.s32 s3, s9;
	s6 =	sadd.s32 @!p0 $0x88, s6;
	s7 =	simm.s32 @p2 $0x1082  }
0x22: {  	[simem:s7], [sflag:s8] =	dma.local @!p0 [hbm:s6], $0xF7A  }
0x23: {  	s9 =	sor.u32 $0xD0000000, s2;
	s6 =	simm.s32 $0x108;
	_ =	swait.ge @!p0 [sflag:s8], $0x0  }
0x24: {  	s3 =	sadd.s32 $0x88, s3;
	s6 =	simm.s32 @!p1 $0x1082;
	[sflag:s4] =	ssyncset.s32 $0xFFFFF086  }
0x25: {  	[simem:s6], [sflag:s4] =	dma.local [hbm:s3], $0xF7A  }
0x26: {  	[smem:$0x3F99] =	sst s1;
	(tag) =	ssettag s2;
	_ =	strace s9  }
0x27: {  	s1 =	sld [smem:$0x3FA9]  }
0x28: {  	s2 =	sld [smem:$0x3FAA]  }
0x29: {  	s4 =	sld [smem:$0x3FAC]  }
0x2a: {  	p0 =	seq.s32 s5, $0x0;
	s5 =	sld [smem:$0x3FAD]  }
0x2b: {  	s6 =	sld [smem:$0x3FAE]  }
0x2c: {  	s7 =	sld [smem:$0x3FAF]  }
0x2d: {  	s3 =	simm.s32 $0x108;
	s8 =	sld [smem:$0x3FB0]  }
0x2e: {  	s3 =	simm.s32 @!p0 $0x1082;
	s9 =	sld [smem:$0x3FB1]  }
0x2f: {  	lr =	sadd.s32 s0, s3;
	s0 =	sld [smem:$0x3FA8]  }
0x30: {  	s3 =	sld [smem:$0x3FAB]  }
0x31: {  	[smem:$0x3FB4] =	sst s10  }
0x32: {  	s10 =	sld [smem:$0x3FB2];
	_ =	sdelay $0x3  }
0x33: {  	p0 =	seq.s32 s10, $0x1;
	s10 =	sld [smem:$0x3FB4];
	_ =	sdelay $0x3  }
0x34: {  	[smem:$0x3FB4] =	sst s10  }
0x35: {  	s10 =	sld [smem:$0x3FB3];
	_ =	sdelay $0x3  }
0x36: {  	p1 =	seq.s32 s10, $0x1;
	s10 =	sld [smem:$0x3FB4];
	_ =	sdelay $0x3  }
0x37: {  	[smem:$0x3FB4] =	sst s10  }
0x38: {  	s10 =	sld [smem:$0x3FB5]  }
0x39: {  	_ = 	snop;
	(pc) =	sbr.ind lr, $3  }
0x3a: {  	_ = 	snop  }
0x3b: {  	_ = 	snop  }
0x3c: {  	p2 =	seq.s32 s10, $0x1;
	s10 =	sld [smem:$0x3FB4]  }
0x3d: {  	_ =	shalt  }
0x3e: {  	_ =	shalt  }
0x3f: {  	_ =	shalt  }
0x40: {  	_ =	shalt  }
0x41: {  	_ =	shalt  }
0x42: {  	_ =	shalt  }
0x43: {  	_ =	shalt  }
0x44: {  	_ =	shalt  }
0x45: {  	_ =	shalt  }
0x46: {  	_ =	shalt  }
0x47: {  	_ =	shalt  }
0x48: {  	_ =	shalt  }
0x49: {  	_ =	shalt  }
0x4a: {  	_ =	shalt  }
0x4b: {  	_ =	shalt  }
0x4c: {  	_ =	shalt  }
0x4d: {  	_ =	shalt  }
0x4e: {  	_ =	shalt  }
0x4f: {  	_ =	shalt  }
0x50: {  	_ =	shalt  }
0x51: {  	_ =	shalt  }
0x52: {  	_ =	shalt  }
0x53: {  	_ =	shalt  }
0x54: {  	_ =	shalt  }
0x55: {  	_ =	shalt  }
0x56: {  	_ =	shalt  }
0x57: {  	_ =	shalt  }
0x58: {  	_ =	shalt  }
0x59: {  	_ =	shalt  }
0x5a: {  	_ =	shalt  }
0x5b: {  	_ =	shalt  }
0x5c: {  	_ =	shalt  }
0x5d: {  	_ =	shalt  }
0x5e: {  	_ =	shalt  }
0x5f: {  	_ =	shalt  }
0x60: {  	_ =	shalt  }
0x61: {  	_ =	shalt  }
0x62: {  	_ =	shalt  }
0x63: {  	_ =	shalt  }
0x64: {  	_ =	shalt  }
0x65: {  	_ =	shalt  }
0x66: {  	_ =	shalt  }
0x67: {  	_ =	shalt  }
0x68: {  	_ =	shalt  }
0x69: {  	_ =	shalt  }
0x6a: {  	_ =	shalt  }
0x6b: {  	_ =	shalt  }
0x6c: {  	_ =	shalt  }
0x6d: {  	_ =	shalt  }
0x6e: {  	_ =	shalt  }
0x6f: {  	_ =	shalt  }
0x70: {  	_ =	shalt  }
0x71: {  	_ =	shalt  }
0x72: {  	_ =	shalt  }
0x73: {  	_ =	shalt  }
0x74: {  	_ =	shalt  }
0x75: {  	_ =	shalt  }
0x76: {  	_ =	shalt  }
0x77: {  	_ =	shalt  }
0x78: {  	_ =	shalt  }
0x79: {  	_ =	shalt  }
0x7a: {  	_ =	shalt  }
0x7b: {  	_ =	shalt  }
0x7c: {  	_ =	shalt  }
0x7d: {  	_ =	shalt  }
0x7e: {  	_ =	shalt  }
0x7f: {  	_ =	shalt  }
0x80: {  	_ =	shalt  }
0x81: {  	_ =	shalt  }
0x82: {  	_ =	shalt  }
0x83: {  	_ =	shalt  }
0x84: {  	_ =	shalt  }
0x85: {  	_ =	shalt  }
0x86: {  	_ =	shalt  }
0x87: {  	_ =	shalt  }
.Lfunc_end0:
.L_simem_size_0:
called_computation_lowered:
.L_overlay_start_0:
0x88: {  	s2 =	sld [smem:$0x3FD9]  }
0x89: {  	s3 =	sld [smem:$0x3FFE];
	_ =	sdelay $0x1  }
0x8a: {  	s1 =	srdreg.scid  }
0x8b: {  	s0 =	sand.u32 $0x1, s1  }
0x8c: {  	s16 =	sshll.u32 s0, $0xA;
	s2 =	sadd.s32 s3, s2  }
0x8d: {  	s2 =	sadd.s32 s2, s16  }
0x8e: {  	[smem:$0x3FC0] =	sst s2  }
0x8f: {  	_ = 	snop  }
0x90: {  	(tm) =	ssettm $0x1  }
0x91: {  	s17 =	sld [smem:$0x3FFB];
	_ =	sdelay $0x3  }
0x92: {  	_ =	strace s17  }
0x93: {  	s2 =	sld [smem:$0x3FFC];
	_ =	sdelay $0x3  }
0x94: {  	_ =	strace s2  }
0x95: {  	s2 =	sld [smem:$0x3FFD];
	_ =	sdelay $0x3  }
0x96: {  	_ =	strace s2  }
0x97: {  	_ =	strace $0x8FFFFFFF  }
0x98: {  	s18 =	sld [smem:$0x3FDB];
	_ =	sdelay $0x1  }
0x99: {  	s19 =	simm.s32 $_scs_section_size  }
0x9a: {  	s4 =	simm.s32 $_size__tile_overlayer_lowered;
	s5 =	simm.s32 $_tile_overlayer_lowered  }
0x9b: {  	s22 =	simm.s32 $0x1BFF;
	s21 =	sshll.u32 s5, $0x1;
	s2 =	sadd.s32 s19, s18  }
0x9c: {  	s6 =	simm.s32 $0x0;
	s20 =	sshll.u32 s4, $0x1;
	s4 =	sadd.s32 s21, s2  }
0x9d: {  	[timem:s6], [sflag:s22] =	dma.local [hbm:s4], s20  }
0x9e: {  	_ =	swait.ge [sflag:s22], s20  }
0x9f: {  	s3 =	ssub.s32 $0x0, s20;
	[sflag:s22] =	ssyncset.done $0x0  }
0xa0: {  	[sflag:s22] =	ssyncadd.s32 s3;
	_ =	sdelay $0x1  }
0xa1: {  	s23 =	simm.s32 $0x1B8B  }
0xa2: {  	_ =	swait.ge [sflag:s23], $0x1  }
0xa3: {  	[sflag:s23] =	ssyncset.done $0x0  }
0xa4: {  	s25 =	simm.s32 $0x1B8E;
	s24 =	sld [smem:$0x3FFE];
	[sflag:s23] =	ssyncadd.s32 $0xFFFFFFFF  }
0xa5: {  	s26 =	simm.s32 $execute0_lowered;
	[smem:$0x3FD2] =	sst s25  }
0xa6: {  	s4 =	sshll.u32 s26, $0x1;
	_ =	strace $0x80000046;
	[dreg:$0x1] =	wrdreg $0xFFFFFFFF  }
0xa7: {  	s28 =	simm.s32 $_size_execute0_lowered;
	s2 =	sadd.s32 s2, s4;
	[dreg:$0x0] =	wrdreg $0x0  }
0xa8: {  	s4 =	sshll.u32 s28, $0x1;
	[dreg:$0x2] =	wrdreg s2  }
0xa9: {  	[dreg:$0x3] =	wrdreg s4  }
0xaa: {  	[dreg:$0x4] =	wrdreg $0xC0  }
0xab: {  	_ =	task [dreg:s6], $0x5FFFF  }
0xac: {  	[dreg:$0x1] =	wrdreg $0xFFFFFFFF  }
0xad: {  	[dreg:$0x0] =	wrdreg $0x60  }
0xae: {  	[dreg:$0x2] =	wrdreg s24  }
0xaf: {  	[dreg:$0x3] =	wrdreg $0x8800  }
0xb0: {  	[dreg:$0x4] =	wrdreg $0x9  }
0xb1: {  	_ =	task.clear_ibuf [dreg:s6], $0x5FFFF;
	_ =	strace $0x90000046  }
0xb2: {  	s29 =	simm.s32 $0x9;
	_ =	strace $0x80000048  }
0xb3: {  	_ =	swait.ge [sflag:s29], $0x1  }
0xb4: {  	[sflag:s29] =	ssyncadd.s32 $0xFFFFFFFF  }
0xb5: {  	_ =	strace $0x90000048  }
0xb6: {  	_ =	sfence  }
0xb7: {  	s30 =	sld [smem:$0x0];
	_ =	sdelay $0x2  }
0xb8: {  	s31 =	sshll.u32 s1, $0xD;
	s1 =	sshrl.u32 s1, $0x2  }
0xb9: {  	s3 =	sand.u32 $0x4000, s31;
	s1 =	sadd.s32 s1, s30  }
0xba: {  	s0 =	sor.u32 s3, s0;
	s1 =	sshll.u32 s1, $0x11  }
0xbb: {  	s0 =	sor.u32 s1, s0  }
0xbc: {  	s0 =	sadd.s32 $0x8F2B, s0  }
0xbd: {  	[sflag:s0] =	ssyncadd.remote.s32 $0x1  }
0xbe: {  	_ =	sfence.sel $0xFFFF  }
0xbf: {  	[dreg:$0x0] =	wrdreg $0xFFFFFFFF;
	(pc) =	sbr.abs _section_cstart, $3  }
0xc0: {  	[dreg:$0x1] =	wrdreg $0xFFFFFFFF  }
0xc1: {  	_ =	task.clear_ibuf [dreg:s6], $0x2FFFF;
	_ =	strace $0x9FFFFFFF  }
0xc2: {  	(tm) =	ssettm $0x7FFFFFFF  }
0xc3: {  	_ =	shalt  }
tec
execute0_lowered:
.L_overlay_start_1:
0x0: {  	(tag) =	ssettag $0x1  }
0x1: {  	s0 =	rddreg [dreg:$0x0]  }
0x2: {  	s12 =	stileid.u32;
	s1 =	srdreg.scid  }
0x3: {  	s2 =	rddreg [dreg:$0x1];
	s3 =	simm.s32 $0x0;
	s13 =	simm.s32 $0x5  }
0x4: {  	s14 =	simm.s32 $0x400;
	s15 =	simm.s32 $0x1;
	s16 =	simm.s32 $0x80  }
0x5: {  	s17 =	simm.s32 $0x800;
	s18 =	simm.s32 $0x100;
	s19 =	simm.s32 $0x180  }
0x6: {  	s20 =	simm.s32 $0x200;
	s21 =	simm.s32 $0x280;
	s22 =	simm.s32 $0x300  }
0x7: {  	s28 =	simm.s32 $0x480;
	s29 =	simm.s32 $0x500;
	s30 =	simm.s32 $0x580  }
0x8: {  	s31 =	simm.s32 $0x600;
	s4 =	smul.u32 $0x1880, s12;
	s1 =	sand.u32 $0x1, s1  }
0x9: {  	[smem:$0x7FF] =	sst s3;
	s7 =	sadd.s32 $0xC6200, s0;
	s10 =	smul.u32 $0xC40, s12  }
0xa: {  	s9 =	sshll.u32 s12, $0x1;
	s25 =	sshll.u32 s12, $0x6;
	s5 =	smul.u32 $0x18800, s1  }
0xb: {  	_ =	strace $0x80000047;
	s8 =	ssub.s32 $0x2, s1;
	s9 =	sor.u32 s1, s9  }
0xc: {  	s1 =	smul.u32 $0x620, s1;
	s6 =	sshrl.u32 s4, $0x3;
	s11 =	sshrl.u32 s8, $0x1  }
0xd: {  	s24 =	smul.u32 $0x6200, s9;
	s5 =	sadd.s32 s4, s5;
	s6 =	sadd.s32 s6, s0  }
0xe: {  	s23 =	ssub.s32 s8, s11;
	s4 =	sadd.s32 s4, s2;
	s1 =	sadd.s32 s1, s10  }
0xf: {  	s5 =	sshrl.u32 s5, $0x3;
	s6 =	sadd.s32 $0x2C00, s6;
	s8 =	sadd.s32 s7, s24  }
0x10: {  	s1 =	sshll.u32 s1, $0x4;
	s26 =	smax.u32 s23, $0x1;
	s12 =	sshrl.u32 s4, $0x3  }
0x11: {  	s23 =	simm.s32 $0x380;
	s24 =	simm.s32 $0x3;
	s4 =	simm.s32 $0x780  }
0x12: {  	s0 =	sadd.s32 s5, s0;
	[dreg:$0x3] =	wrdreg s6;
	s6 =	sor.u32 $0x1C05, s25  }
.Ltmp0:
0x13: {  	[dreg:$0x4] =	wrdreg s8;
	s8 =	sadd.s32 $0x80, s8;
	(pc) =	sbr.rel .LBB2_1-.Ltmp0, $4  }
0x14: {  	s1 =	sadd.s32 s1, s7;
	[dreg:$0x7] =	wrdreg s26;
	s25 =	simm.s32 $0x4  }
0x15: {  	s26 =	simm.s32 $0x2;
	s7 =	simm.s32 $0x0;
	[dreg:$0x5] =	wrdreg s8  }
0x16: {  	s0 =	sadd.s32 $0x5E00, s0;
	s10 =	sadd.s32 $0x180, s1;
	s11 =	sadd.s32 $0x100, s1  }
0x17: {  	v0 =	vimm.f32 $1.000000000e+00;
	s1 =	simm.s32 $0x680;
	[dreg:$0x6] =	wrdreg s0;
	s0 =	simm.s32 $0x700  }
.LBB2_4:
0x18: {  	[bflag:$0x0] =	sbarrier.arrive $0xFFFF  }
0x19: {  	s5 =	rddreg [dreg:$0x6]  }
0x1a: {  	[hbm:s5], [sflag:s6] =	dma.local [spmem:s12], $0x310  }
0x1b: {  	_ =	swait.ge [sflag:s13], $0x310  }
0x1c: {  	s7 =	sadd.s32 $0x1, s7;
	s9 =	rddreg [dreg:$0x7]  }
0x1d: {  	p0 =	sne.s32 s7, s9  }
.Ltmp1:
0x1e: {  	_ = 	snop;
	(pc) =	sbr.rel @!p0 .LBB2_5-.Ltmp1, $3  }
0x1f: {  	_ =	sdelay $0x1  }
0x20: {  	[sflag:s13] =	ssyncset.done $0x0  }
0x21: {  	[sflag:s13] =	ssyncadd.s32 $0xFFFFFCF0  }
.LBB2_1:
0x22: {  	s5 =	rddreg [dreg:$0x3]  }
0x23: {  	[spmem:s12], [sflag:s6] =	dma.local [hbm:s5], $0x310  }
0x24: {  	_ =	swait.ge [sflag:s13], $0x310  }
0x25: {  	[sflag:s13] =	ssyncset.done $0x0  }
0x26: {  	[sflag:s13] =	ssyncadd.s32 $0xFFFFFCF0  }
0x27: {  	[tilespmem:$0x800] =	vst v0  }
0x28: {  	[tilespmem:$0x810] =	vst v0  }
0x29: {  	[tilespmem:$0x820] =	vst v0  }
0x2a: {  	[tilespmem:$0x830] =	vst v0  }
0x2b: {  	[tilespmem:$0x840] =	vst v0  }
0x2c: {  	[tilespmem:$0x850] =	vst v0  }
0x2d: {  	[tilespmem:$0x860] =	vst v0  }
0x2e: {  	[tilespmem:$0x870] =	vst v0  }
0x2f: {  	[bflag:$0x0] =	sbarrier.arrive $0xFFFF  }
0x30: {  	s8 =	rddreg [dreg:$0x4]  }
0x31: {  	[tilespmem:s3], [sflag:$0x1] =	stream.linear.gather [hbm4b:s8+s3], $0x400, $0x38;
	[tilespmem:$0x2100] =	vst v63  }
0x32: {  	s5 =	simm.s32 $0x0;
	s9 =	rddreg [dreg:$0x5]  }
0x33: {  	[tilespmem:s14], [sflag:$0x2] =	stream.linear.gather [hbm4b:s9+s3], $0x400, $0x38;
	[tilespmem:$0x2100] =	vst v63  }
.LBB2_2:
0x34: {  	_ =	swait.ge [sflag:s15], $0x400  }
0x35: {  	[sflag:s15] =	ssyncset.done $0x0  }
0x36: {  	[sflag:s15] =	ssyncadd.s32 $0xFFFFFC00  }
0x37: {  	[spmem:s2] =	stream.indirect.scatter.add.f32 [tilespmem:s17], [sflag:$0x3], $0x1, s3, s16, $0xb8;
	[tilespmem:$0x2100] =	vst v63  }
0x38: {  	_ = 	snop  }
0x39: {  	[spmem:s2] =	stream.indirect.scatter.add.f32 [tilespmem:s17], [sflag:$0x3], $0x1, s16, s16, $0xb8;
	[tilespmem:$0x2100] =	vst v63  }
0x3a: {  	_ = 	snop  }
0x3b: {  	[spmem:s2] =	stream.indirect.scatter.add.f32 [tilespmem:s17], [sflag:$0x3], $0x1, s18, s16, $0xb8;
	[tilespmem:$0x2100] =	vst v63  }
0x3c: {  	_ = 	snop  }
0x3d: {  	[spmem:s2] =	stream.indirect.scatter.add.f32 [tilespmem:s17], [sflag:$0x3], $0x1, s19, s16, $0xb8;
	[tilespmem:$0x2100] =	vst v63  }
0x3e: {  	_ = 	snop  }
0x3f: {  	[spmem:s2] =	stream.indirect.scatter.add.f32 [tilespmem:s17], [sflag:$0x4], $0x1, s20, s16, $0xb8;
	[tilespmem:$0x2100] =	vst v63  }
0x40: {  	_ = 	snop  }
0x41: {  	[spmem:s2] =	stream.indirect.scatter.add.f32 [tilespmem:s17], [sflag:$0x4], $0x1, s21, s16, $0xb8;
	[tilespmem:$0x2100] =	vst v63  }
0x42: {  	_ = 	snop  }
0x43: {  	[spmem:s2] =	stream.indirect.scatter.add.f32 [tilespmem:s17], [sflag:$0x4], $0x1, s22, s16, $0xb8;
	[tilespmem:$0x2100] =	vst v63  }
0x44: {  	_ = 	snop  }
0x45: {  	[spmem:s2] =	stream.indirect.scatter.add.f32 [tilespmem:s17], [sflag:$0x4], $0x1, s23, s16, $0xb8;
	[tilespmem:$0x2100] =	vst v63  }
0x46: {  	_ =	swait.ge [sflag:s24], $0x80  }
0x47: {  	[sflag:s24] =	ssyncset.done $0x0  }
0x48: {  	[sflag:s24] =	ssyncadd.s32 $0xFFFFFF80  }
0x49: {  	_ =	swait.ge [sflag:s24], $0x80  }
0x4a: {  	[sflag:s24] =	ssyncset.done $0x0  }
0x4b: {  	[sflag:s24] =	ssyncadd.s32 $0xFFFFFF80  }
0x4c: {  	_ =	swait.ge [sflag:s24], $0x80  }
0x4d: {  	[sflag:s24] =	ssyncset.done $0x0  }
0x4e: {  	[sflag:s24] =	ssyncadd.s32 $0xFFFFFF80  }
0x4f: {  	_ =	swait.ge [sflag:s24], $0x80  }
0x50: {  	[sflag:s24] =	ssyncset.done $0x0  }
0x51: {  	[sflag:s24] =	ssyncadd.s32 $0xFFFFFF80  }
0x52: {  	_ =	swait.ge [sflag:s25], $0x80  }
0x53: {  	[sflag:s25] =	ssyncset.done $0x0  }
0x54: {  	[sflag:s25] =	ssyncadd.s32 $0xFFFFFF80  }
0x55: {  	_ =	swait.ge [sflag:s25], $0x80  }
0x56: {  	[sflag:s25] =	ssyncset.done $0x0  }
0x57: {  	[sflag:s25] =	ssyncadd.s32 $0xFFFFFF80  }
0x58: {  	_ =	swait.ge [sflag:s25], $0x80  }
0x59: {  	[sflag:s25] =	ssyncset.done $0x0  }
0x5a: {  	[sflag:s25] =	ssyncadd.s32 $0xFFFFFF80  }
0x5b: {  	_ =	swait.ge [sflag:s25], $0x80  }
0x5c: {  	p0 =	seq.s32 s5, $0x6100;
	[sflag:s25] =	ssyncset.done $0x0  }
0x5d: {  	s8 =	sadd.s32 @!p0 s5, s11;
	s9 =	simm.s32 @!p0 $0x0;
	[sflag:s25] =	ssyncadd.s32 $0xFFFFFF80  }
0x5e: {  	[tilespmem:s9], [sflag:$0x1] =	stream.linear.gather @!p0 [hbm4b:s8+s9], $0x400, $0x38;
	[tilespmem:$0x2100] =	vst v63  }
0x5f: {  	_ =	swait.ge [sflag:s26], $0x400  }
0x60: {  	[sflag:s26] =	ssyncset.done $0x0  }
0x61: {  	[sflag:s26] =	ssyncadd.s32 $0xFFFFFC00  }
0x62: {  	[spmem:s2] =	stream.indirect.scatter.add.f32 [tilespmem:s17], [sflag:$0x3], $0x1, s14, s16, $0xb8;
	[tilespmem:$0x2100] =	vst v63  }
0x63: {  	_ = 	snop  }
0x64: {  	[spmem:s2] =	stream.indirect.scatter.add.f32 [tilespmem:s17], [sflag:$0x3], $0x1, s28, s16, $0xb8;
	[tilespmem:$0x2100] =	vst v63  }
0x65: {  	_ = 	snop  }
0x66: {  	[spmem:s2] =	stream.indirect.scatter.add.f32 [tilespmem:s17], [sflag:$0x3], $0x1, s29, s16, $0xb8;
	[tilespmem:$0x2100] =	vst v63  }
0x67: {  	_ = 	snop  }
0x68: {  	[spmem:s2] =	stream.indirect.scatter.add.f32 [tilespmem:s17], [sflag:$0x3], $0x1, s30, s16, $0xb8;
	[tilespmem:$0x2100] =	vst v63  }
0x69: {  	_ = 	snop  }
0x6a: {  	[spmem:s2] =	stream.indirect.scatter.add.f32 [tilespmem:s17], [sflag:$0x4], $0x1, s31, s16, $0xb8;
	[tilespmem:$0x2100] =	vst v63  }
0x6b: {  	_ = 	snop  }
0x6c: {  	[spmem:s2] =	stream.indirect.scatter.add.f32 [tilespmem:s17], [sflag:$0x4], $0x1, s1, s16, $0xb8;
	[tilespmem:$0x2100] =	vst v63  }
0x6d: {  	_ = 	snop  }
0x6e: {  	[spmem:s2] =	stream.indirect.scatter.add.f32 [tilespmem:s17], [sflag:$0x4], $0x1, s0, s16, $0xb8;
	[tilespmem:$0x2100] =	vst v63  }
0x6f: {  	_ = 	snop  }
0x70: {  	[spmem:s2] =	stream.indirect.scatter.add.f32 [tilespmem:s17], [sflag:$0x4], $0x1, s4, s16, $0xb8;
	[tilespmem:$0x2100] =	vst v63  }
0x71: {  	_ =	swait.ge [sflag:s24], $0x80  }
0x72: {  	[sflag:s24] =	ssyncset.done $0x0  }
0x73: {  	[sflag:s24] =	ssyncadd.s32 $0xFFFFFF80  }
0x74: {  	_ =	swait.ge [sflag:s24], $0x80  }
0x75: {  	[sflag:s24] =	ssyncset.done $0x0  }
0x76: {  	[sflag:s24] =	ssyncadd.s32 $0xFFFFFF80  }
0x77: {  	_ =	swait.ge [sflag:s24], $0x80  }
0x78: {  	[sflag:s24] =	ssyncset.done $0x0  }
0x79: {  	[sflag:s24] =	ssyncadd.s32 $0xFFFFFF80  }
0x7a: {  	_ =	swait.ge [sflag:s24], $0x80  }
0x7b: {  	[sflag:s24] =	ssyncset.done $0x0  }
0x7c: {  	[sflag:s24] =	ssyncadd.s32 $0xFFFFFF80  }
0x7d: {  	_ =	swait.ge [sflag:s25], $0x80  }
0x7e: {  	[sflag:s25] =	ssyncset.done $0x0  }
0x7f: {  	[sflag:s25] =	ssyncadd.s32 $0xFFFFFF80  }
0x80: {  	_ =	swait.ge [sflag:s25], $0x80  }
0x81: {  	[sflag:s25] =	ssyncset.done $0x0  }
0x82: {  	[sflag:s25] =	ssyncadd.s32 $0xFFFFFF80  }
0x83: {  	_ =	swait.ge [sflag:s25], $0x80  }
.Ltmp2:
0x84: {  	[sflag:s25] =	ssyncset.done $0x0;
	(pc) =	sbr.rel @p0 .LBB2_4-.Ltmp2, $4  }
0x85: {  	[sflag:s25] =	ssyncadd.s32 $0xFFFFFF80  }
0x86: {  	_ =	swait.ge [sflag:s25], $0x80  }
0x87: {  	[sflag:s25] =	ssyncset.done $0x0  }
0x88: {  	[sflag:s25] =	ssyncadd.s32 $0xFFFFFF80  }
.Ltmp3:
0x89: {  	(pc) =	sbr.rel .LBB2_2-.Ltmp3, $3  }
0x8a: {  	_ =	sdelay $0x1  }
0x8b: {  	s8 =	sadd.s32 s5, s10;
	s5 =	sadd.s32 $0x100, s5  }
0x8c: {  	[tilespmem:s14], [sflag:$0x2] =	stream.linear.gather [hbm4b:s8+s3], $0x400, $0x38;
	[tilespmem:$0x2100] =	vst v63  }
.LBB2_5:
0x8d: {  	_ =	sfence.sel $0x180000  }
0x8e: {  	[bflag:$0x0] =	sbarrier.arrive $0xFFFF  }
0x8f: {  	_ =	strace $0x90000047  }
0x90: {  	s0 =	stileid.u32;
	[bflag:$0x2] =	sbarrier.arrive $0xFFFF  }
0x91: {  	p0 =	sne.s32 s0, $0x0;
	s0 =	rddreg [dreg:$0x2]  }
0x92: {  	s0 =	sadd.s32 @!p0 $0x100000, s0  }
0x93: {  	[sflag:s0] =	ssyncadd.tile.s32 @!p0 $0x1;
	_ =	shalt  }
.Lfunc_end2:
_tile_overlayer_lowered:
.L_overlay_start_2:
0x94: {  	(tag) =	ssettag $0x2  }
0x95: {  	s0 =	rddreg [dreg:$0x0];
	s2 =	stileid.u32  }
0x96: {  	s1 =	rddreg [dreg:$0x1];
	p0 =	sne.s32 s2, $0x0  }
0x97: {  	s3 =	rddreg [dreg:$0x2];
	[bflag:$0x3] =	sbarrier.arrive $0xFFFF;
	s2 =	simm.s32 @!p0 $0x1C05  }
0x98: {  	[timem:s3], [sflag:s2] =	dma.local @!p0 [hbm:s0], s1  }
0x99: {  	s0 =	simm.s32 @!p0 $0x5  }
0x9a: {  	_ =	swait.ge @!p0 [sflag:s0], s1  }
0x9b: {  	s1 =	ssub.s32 @!p0 $0x0, s1;
	[sflag:s0] =	ssyncset.done @!p0 $0x0  }
0x9c: {  	[sflag:s0] =	ssyncadd.s32 @!p0 s1  }
0x9d: {  	[bflag:$0x3] =	sbarrier.arrive $0xFFFF  }
0x9e: {  	_ =	shalt  }

</sc_bundles>
